<compile_context>
chip_gen: v7x
topology: tpu7x:2x2x1
jax: 0.10.2.dev20260603
libtpu: 0.0.44.dev20260713+nightly
codegen_flags: <defaults>
</compile_context>

<pallas_src>
import functools

import jax
import jax.numpy as jnp
from jax.experimental import pallas as pl
from jax.experimental.pallas import tpu as pltpu
from jax.experimental.pallas import tpu_sc as plsc

_S = 576
_T = 32768
_TOPK = 1
_TGT = 577
_NPAD = 640
_D = 1280
_SENTINEL = 2_000_000

_NW = 32
_RPW = 8
_SC_ROWS = _NW * _RPW
_TC_ROWS = _S - _SC_ROWS
_TC_BLK = 64
_NV = _T // 16
_UNROLL = 8


def _tc_stage1_body(x_ref, vals_ref, idx_ref):
    x = x_ref[...]
    m = jnp.max(x, axis=1, keepdims=True)
    col = jax.lax.broadcasted_iota(jnp.int32, x.shape, 1)
    am = jnp.min(jnp.where(x == m, col, _T), axis=1, keepdims=True)
    vals_ref[...] = m
    idx_ref[...] = am


def _sc_stage1_body(attn_ref, vals_ref, idx_ref, buf, vvals, vidx, sem0, sem1):
    wid = jax.lax.axis_index("s") * 2 + jax.lax.axis_index("c")
    row0 = _TC_ROWS + wid * _RPW
    lane = jax.lax.broadcasted_iota(jnp.int32, (16,), 0)
    sems = (sem0, sem1)
    copies = [pltpu.async_copy(attn_ref.at[row0], buf.at[0], sem0), None]
    for k in range(_RPW):
        cur = k % 2
        if k + 1 < _RPW:
            nxt = (k + 1) % 2
            copies[nxt] = pltpu.async_copy(
                attn_ref.at[row0 + k + 1], buf.at[nxt], sems[nxt])
        copies[cur].wait()
        bk = buf.at[cur]

        def body(i, carry):
            bvs, bcs = carry
            new_bvs, new_bcs = [], []
            for u in range(_UNROLL):
                v = bk[pl.ds((i * _UNROLL + u) * 16, 16)]
                gt = v > bvs[u]
                new_bvs.append(jnp.where(gt, v, bvs[u]))
                new_bcs.append(jnp.where(gt, i, bcs[u]))
            return tuple(new_bvs), tuple(new_bcs)

        init = (tuple(jnp.full((16,), -jnp.inf, jnp.float32)
                      for _ in range(_UNROLL)),
                tuple(jnp.zeros((16,), jnp.int32) for _ in range(_UNROLL)))
        bvs, bcs = jax.lax.fori_loop(0, _NV // _UNROLL, body, init)

        acc_v = bvs[0]
        acc_i = bcs[0] * (_UNROLL * 16) + lane
        for u in range(1, _UNROLL):
            ai = bcs[u] * (_UNROLL * 16) + u * 16 + lane
            better = (bvs[u] > acc_v) | ((bvs[u] == acc_v) & (ai < acc_i))
            acc_v = jnp.where(better, bvs[u], acc_v)
            acc_i = jnp.where(better, ai, acc_i)
        vvals[k] = acc_v
        vidx[k] = acc_i
    pltpu.sync_copy(vvals, vals_ref.at[pl.ds(wid * _RPW, _RPW)])
    pltpu.sync_copy(vidx, idx_ref.at[pl.ds(wid * _RPW, _RPW)])


@functools.lru_cache(maxsize=1)
def _sc_stage1():
    return pl.kernel(
        _sc_stage1_body,
        out_type=[jax.ShapeDtypeStruct((_SC_ROWS, 16), jnp.float32),
                  jax.ShapeDtypeStruct((_SC_ROWS, 16), jnp.int32)],
        mesh=plsc.VectorSubcoreMesh(core_axis_name="c",
                                    subcore_axis_name="s"),
        scratch_types=[pltpu.VMEM((2, _T), jnp.float32),
                       pltpu.VMEM((_RPW, 16), jnp.float32),
                       pltpu.VMEM((_RPW, 16), jnp.int32),
                       pltpu.SemaphoreType.DMA,
                       pltpu.SemaphoreType.DMA],
    )


def _stage2_body(vals_tc_ref, idx_tc_ref, scv_ref, sci_ref, topk_ref,
                 tgt_ref, out_ref, vals_ref):
    scv = scv_ref[...]
    sci = sci_ref[...]
    scm = jnp.max(scv, axis=1, keepdims=True)
    scam = jnp.min(jnp.where(scv == scm, sci, _T), axis=1, keepdims=True)
    vals_ref[...] = jnp.concatenate([vals_tc_ref[...], scm], axis=0)

    shift = 1 + (topk_ref[0, 0] - _TOPK)
    tail = jax.lax.broadcasted_iota(jnp.int32, (_NPAD - _S, 1), 0)
    tail = jnp.where(tail == 0, 0, _SENTINEL)
    q_col = jnp.concatenate(
        [idx_tc_ref[...] + shift, scam + shift, tail], axis=0)
    s_col = jax.lax.broadcasted_iota(jnp.int32, (_NPAD, 1), 0)
    s_row = jax.lax.broadcasted_iota(jnp.int32, (1, _NPAD), 1)
    eye = (s_col == s_row).astype(jnp.float32)
    q_row = jax.lax.dot_general(
        q_col.astype(jnp.float32), eye, (((0,), (0,)), ((), ())),
        precision=jax.lax.Precision.HIGHEST,
        preferred_element_type=jnp.float32).astype(jnp.int32)
    valid_col = s_col < _TGT
    valid_row = s_row < _TGT

    eq = (q_col == q_row).astype(jnp.int32)
    lt_ct = (s_col < s_row).astype(jnp.int32)
    lt_tc = (s_row < s_col).astype(jnp.int32)
    u_row = ((jnp.sum(eq * lt_ct, axis=0, keepdims=True) == 0)
             & valid_row).astype(jnp.int32)
    u_col = ((jnp.sum(eq * lt_tc, axis=1, keepdims=True) == 0)
             & valid_col).astype(jnp.int32)

    p_cnt = jnp.sum(u_row)
    k_pad = _TGT - p_cnt

    i_col = jax.lax.broadcasted_iota(jnp.int32, (_D, 1), 0)
    le = (q_row <= i_col).astype(jnp.int32)
    oc = jnp.sum(le * u_row, axis=1, keepdims=True)
    cs = oc + jnp.minimum(k_pad, (i_col + 1) - oc)
    cs_d = jnp.sum(u_row * (q_row < _D)) + k_pad

    j_row = s_row
    out_small = jnp.sum((cs <= j_row).astype(jnp.int32), axis=0,
                        keepdims=True)

    b_row = u_row * (q_row >= _D).astype(jnp.int32)
    b_col = u_col * (q_col >= _D).astype(jnp.int32)
    r_col = cs_d + jnp.sum((q_row < q_col).astype(jnp.int32) * b_row,
                           axis=1, keepdims=True)
    hit = (r_col == j_row).astype(jnp.int32) * b_col
    out_big = jnp.sum(hit * q_col, axis=0, keepdims=True)

    out_ref[...] = jnp.where(j_row < cs_d, out_small, out_big)


def _run(attn2d, target_num, top_k):
    n_blk = _TC_ROWS // _TC_BLK
    vals_tc, idx_tc = pl.pallas_call(
        _tc_stage1_body,
        grid=(n_blk,),
        in_specs=[pl.BlockSpec((_TC_BLK, _T), lambda i: (i, 0))],
        out_specs=[pl.BlockSpec((_TC_BLK, 1), lambda i: (i, 0)),
                   pl.BlockSpec((_TC_BLK, 1), lambda i: (i, 0))],
        out_shape=[jax.ShapeDtypeStruct((_TC_ROWS, 1), jnp.float32),
                   jax.ShapeDtypeStruct((_TC_ROWS, 1), jnp.int32)],
    )(attn2d)
    vals_sc16, idx_sc16 = _sc_stage1()(attn2d)

    topk_arr = jnp.asarray(top_k, jnp.int32).reshape(1, 1)
    tgt_arr = jnp.asarray(target_num, jnp.int32).reshape(1, 1)
    picked_pad, vals = pl.pallas_call(
        _stage2_body,
        out_shape=[jax.ShapeDtypeStruct((1, _NPAD), jnp.int32),
                   jax.ShapeDtypeStruct((_S, 1), jnp.float32)],
    )(vals_tc, idx_tc, vals_sc16, idx_sc16, topk_arr, tgt_arr)
    picked = picked_pad.reshape(_NPAD)[:_TGT]
    return vals.reshape(1, _S, _TOPK), picked


def kernel(attn_qk, target_num, top_k):
    if attn_qk.ndim == 2:
        attn_qk = attn_qk[None]
    return _run(attn_qk.reshape(_S, _T), target_num, top_k)

# --- scband reference (transcript-rebuilt; emitter-appended) ---
"""Pipeline reference for scband-oc-lla-va-37821482008795 (READ-ONLY COPY).

The authoritative reference and input builder live on the scoring server;
editing this copy changes nothing except your own understanding.
"""

import jax, jax.numpy as jnp
import numpy as np

TARGET_NUM = 577  # target_num + 1 (CLS) per __init__ with mode='pruning', has_cls=True
TOP_K = 1
S = 576
T = 32768

def setup_inputs(seed: int = 0) -> dict:
    key = jax.random.key(seed)
    attn_qk = jax.random.normal(key, (1, S, T), dtype=jnp.float32)
    return {"attn_qk": attn_qk, "target_num": TARGET_NUM, "top_k": TOP_K}

def reference(attn_qk, target_num, top_k):
    # Faithful jax translation of OC_LLaVA.compress_tokens_by_slots:
    # attn_qk: [1, S, T]; top-k over token (last) dim per slot, shift by +1 into
    # the with-CLS index space, always keep index 0 (CLS), deduplicate, and pad
    # deterministically with the lowest-index unpicked tokens up to target_num.
    if attn_qk.ndim == 2:
        attn_qk = attn_qk[None]
    Tdim = attn_qk.shape[-1]
    top_vals, top_idx = jax.lax.top_k(attn_qk, TOP_K)  # [1, S, top_k]
    idx_flat = top_idx.reshape(-1) + 1 + (top_k - TOP_K)  # with-CLS space (0 is CLS)
    mask = jnp.zeros((Tdim + 1,), dtype=bool).at[idx_flat].set(True)
    mask = mask.at[0].set(True)  # always keep CLS
    # picked indices first (ascending), then lowest-index unpicked as padding
    rank = mask.astype(jnp.int64) * (Tdim + 2) - jnp.arange(Tdim + 1, dtype=jnp.int64)
    order = jnp.argsort(-rank)
    picked = jnp.sort(order[:TARGET_NUM]) + (target_num - TARGET_NUM)  # sorted list of kept token ids, len=target_num
    return top_vals, picked

if __name__ == "__main__":
    import jax
    _d = setup_inputs()
    print(jax.jit(kernel)(*tuple(_d.values())))

</pallas_src>

<mosaic_0001>
#map = affine_map<(d0, d1) -> (0, 0)>
module attributes {stable_mosaic.version = 14 : i64} {
  func.func @_sc_stage1_body(%arg0: i32, %arg1: i32, %arg2: memref<576x32768xf32, #tpu.memory_space<hbm>>, %arg3: memref<256x16xf32, #tpu.memory_space<hbm>>, %arg4: memref<256x16xi32, #tpu.memory_space<hbm>>, %arg5: memref<2x32768xf32, #tpu.memory_space<vmem>>, %arg6: memref<8x16xf32, #tpu.memory_space<vmem>>, %arg7: memref<8x16xi32, #tpu.memory_space<vmem>>, %arg8: memref<!tpu.dma_semaphore, #tpu.memory_space<semaphore_mem>>, %arg9: memref<!tpu.dma_semaphore, #tpu.memory_space<semaphore_mem>>) attributes {dimension_semantics = [#tpu.dimension_semantics<core_parallel>, #tpu.dimension_semantics<subcore_parallel>], iteration_bounds = array<i64: 2, 16>, scalar_prefetch = 0 : i64, scratch_operands = 5 : i64, tpu.core_type = #tpu.core_type<sc_vector_subcore>, window_params = [{transform_indices = #map}, {transform_indices = #map}, {transform_indices = #map}]} {
    %mul3A = arith.constant 2 : i32
    %mul3A_0 = arith.muli %arg1, %mul3A : i32
    %add3A = arith.addi %mul3A_0, %arg0 : i32
    %mul3A_1 = arith.constant 8 : i32
    %mul3A_2 = arith.muli %add3A, %mul3A_1 : i32
    %add3A_3 = arith.constant 320 : i32
    %add3A_4 = arith.addi %add3A_3, %mul3A_2 : i32
    %iota3A = tpu.iota {dimensions = array<i32: 0>} : vector<16xi32>
    %dma_start3A = arith.constant 0 : i32
    %dma_start3A_5 = arith.constant 0 : i32
    %dma_start3A_6 = tpu.memref_slice %arg5[%dma_start3A, %dma_start3A_5] : memref<2x32768xf32, #tpu.memory_space<vmem>> -> memref<1x32768xf32, #tpu.memory_space<vmem>>
    %dma_start3A_7 = tpu.memref_squeeze %dma_start3A_6 : memref<1x32768xf32, #tpu.memory_space<vmem>> -> memref<32768xf32, #tpu.memory_space<vmem>>
    %dma_start3A_8 = arith.constant 0 : i32
    %dma_start3A_9 = tpu.memref_slice %arg2[%add3A_4, %dma_start3A_8] : memref<576x32768xf32, #tpu.memory_space<hbm>> -> memref<1x32768xf32, #tpu.memory_space<hbm>>
    %dma_start3A_10 = tpu.memref_squeeze %dma_start3A_9 : memref<1x32768xf32, #tpu.memory_space<hbm>> -> memref<32768xf32, #tpu.memory_space<hbm>>
    %dma_start3A_11 = arith.constant 0 : i32
    %dma_start3A_12 = tpu.memref_slice %arg5[%dma_start3A, %dma_start3A_11] : memref<2x32768xf32, #tpu.memory_space<vmem>> -> memref<1x32768xf32, #tpu.memory_space<vmem>>
    %dma_start3A_13 = tpu.memref_squeeze %dma_start3A_12 : memref<1x32768xf32, #tpu.memory_space<vmem>> -> memref<32768xf32, #tpu.memory_space<vmem>>
    %dma_start3A_14 = arith.constant 0 : i32
    %dma_start3A_15 = tpu.memref_slice %arg2[%add3A_4, %dma_start3A_14] : memref<576x32768xf32, #tpu.memory_space<hbm>> -> memref<1x32768xf32, #tpu.memory_space<hbm>>
    %dma_start3A_16 = tpu.memref_squeeze %dma_start3A_15 : memref<1x32768xf32, #tpu.memory_space<hbm>> -> memref<32768xf32, #tpu.memory_space<hbm>>
    tpu.enqueue_dma source(%dma_start3A_16 : memref<32768xf32, #tpu.memory_space<hbm>>) target(%dma_start3A_13 : memref<32768xf32, #tpu.memory_space<vmem>>) target_semaphore(%arg8 : memref<!tpu.dma_semaphore, #tpu.memory_space<semaphore_mem>>)
    %add3A_17 = arith.constant 0 : i32
    %add3A_18 = arith.addi %add3A_4, %add3A_17 : i32
    %add3A_19 = arith.constant 1 : i32
    %add3A_20 = arith.addi %add3A_18, %add3A_19 : i32
    %dma_start3A_21 = arith.constant 1 : i32
    %dma_start3A_22 = arith.constant 0 : i32
    %dma_start3A_23 = tpu.memref_slice %arg5[%dma_start3A_21, %dma_start3A_22] : memref<2x32768xf32, #tpu.memory_space<vmem>> -> memref<1x32768xf32, #tpu.memory_space<vmem>>
    %dma_start3A_24 = tpu.memref_squeeze %dma_start3A_23 : memref<1x32768xf32, #tpu.memory_space<vmem>> -> memref<32768xf32, #tpu.memory_space<vmem>>
    %dma_start3A_25 = arith.constant 0 : i32
    %dma_start3A_26 = tpu.memref_slice %arg2[%add3A_20, %dma_start3A_25] : memref<576x32768xf32, #tpu.memory_space<hbm>> -> memref<1x32768xf32, #tpu.memory_space<hbm>>
    %dma_start3A_27 = tpu.memref_squeeze %dma_start3A_26 : memref<1x32768xf32, #tpu.memory_space<hbm>> -> memref<32768xf32, #tpu.memory_space<hbm>>
    %dma_start3A_28 = arith.constant 0 : i32
    %dma_start3A_29 = tpu.memref_slice %arg5[%dma_start3A_21, %dma_start3A_28] : memref<2x32768xf32, #tpu.memory_space<vmem>> -> memref<1x32768xf32, #tpu.memory_space<vmem>>
    %dma_start3A_30 = tpu.memref_squeeze %dma_start3A_29 : memref<1x32768xf32, #tpu.memory_space<vmem>> -> memref<32768xf32, #tpu.memory_space<vmem>>
    %dma_start3A_31 = arith.constant 0 : i32
    %dma_start3A_32 = tpu.memref_slice %arg2[%add3A_20, %dma_start3A_31] : memref<576x32768xf32, #tpu.memory_space<hbm>> -> memref<1x32768xf32, #tpu.memory_space<hbm>>
    %dma_start3A_33 = tpu.memref_squeeze %dma_start3A_32 : memref<1x32768xf32, #tpu.memory_space<hbm>> -> memref<32768xf32, #tpu.memory_space<hbm>>
    tpu.enqueue_dma source(%dma_start3A_33 : memref<32768xf32, #tpu.memory_space<hbm>>) target(%dma_start3A_30 : memref<32768xf32, #tpu.memory_space<vmem>>) target_semaphore(%arg9 : memref<!tpu.dma_semaphore, #tpu.memory_space<semaphore_mem>>)
    %dma_wait3A = arith.constant 0 : i32
    %dma_wait3A_34 = arith.constant 0 : i32
    %dma_wait3A_35 = tpu.memref_slice %arg5[%dma_wait3A, %dma_wait3A_34] : memref<2x32768xf32, #tpu.memory_space<vmem>> -> memref<1x32768xf32, #tpu.memory_space<vmem>>
    %dma_wait3A_36 = tpu.memref_squeeze %dma_wait3A_35 : memref<1x32768xf32, #tpu.memory_space<vmem>> -> memref<32768xf32, #tpu.memory_space<vmem>>
    %dma_wait3A_37 = arith.constant 0 : i32
    %dma_wait3A_38 = tpu.memref_slice %arg2[%add3A_4, %dma_wait3A_37] : memref<576x32768xf32, #tpu.memory_space<hbm>> -> memref<1x32768xf32, #tpu.memory_space<hbm>>
    %dma_wait3A_39 = tpu.memref_squeeze %dma_wait3A_38 : memref<1x32768xf32, #tpu.memory_space<hbm>> -> memref<32768xf32, #tpu.memory_space<hbm>>
    %dma_wait3A_40 = arith.constant 0 : i32
    %dma_wait3A_41 = tpu.memref_slice %arg5[%dma_wait3A, %dma_wait3A_40] : memref<2x32768xf32, #tpu.memory_space<vmem>> -> memref<1x32768xf32, #tpu.memory_space<vmem>>
    %dma_wait3A_42 = tpu.memref_squeeze %dma_wait3A_41 : memref<1x32768xf32, #tpu.memory_space<vmem>> -> memref<32768xf32, #tpu.memory_space<vmem>>
    %dma_wait3A_43 = arith.constant 0 : i32
    %dma_wait3A_44 = tpu.memref_slice %arg2[%add3A_4, %dma_wait3A_43] : memref<576x32768xf32, #tpu.memory_space<hbm>> -> memref<1x32768xf32, #tpu.memory_space<hbm>>
    %dma_wait3A_45 = tpu.memref_squeeze %dma_wait3A_44 : memref<1x32768xf32, #tpu.memory_space<hbm>> -> memref<32768xf32, #tpu.memory_space<hbm>>
    tpu.wait_dma2 semaphore(%arg8 : memref<!tpu.dma_semaphore, #tpu.memory_space<semaphore_mem>>) src(%dma_wait3A_45 : memref<32768xf32, #tpu.memory_space<hbm>>) dst(%dma_wait3A_42 : memref<32768xf32, #tpu.memory_space<vmem>>)
    %broadcast_in_dim3A = arith.constant 0xFF800000 : f32
    %broadcast_in_dim3A_46 = vector.broadcast %broadcast_in_dim3A : f32 to vector<16xf32>
    %broadcast_in_dim3A_47 = arith.constant 0xFF800000 : f32
    %broadcast_in_dim3A_48 = vector.broadcast %broadcast_in_dim3A_47 : f32 to vector<16xf32>
    %broadcast_in_dim3A_49 = arith.constant 0xFF800000 : f32
    %broadcast_in_dim3A_50 = vector.broadcast %broadcast_in_dim3A_49 : f32 to vector<16xf32>
    %broadcast_in_dim3A_51 = arith.constant 0xFF800000 : f32
    %broadcast_in_dim3A_52 = vector.broadcast %broadcast_in_dim3A_51 : f32 to vector<16xf32>
    %broadcast_in_dim3A_53 = arith.constant 0xFF800000 : f32
    %broadcast_in_dim3A_54 = vector.broadcast %broadcast_in_dim3A_53 : f32 to vector<16xf32>
    %broadcast_in_dim3A_55 = arith.constant 0xFF800000 : f32
    %broadcast_in_dim3A_56 = vector.broadcast %broadcast_in_dim3A_55 : f32 to vector<16xf32>
    %broadcast_in_dim3A_57 = arith.constant 0xFF800000 : f32
    %broadcast_in_dim3A_58 = vector.broadcast %broadcast_in_dim3A_57 : f32 to vector<16xf32>
    %broadcast_in_dim3A_59 = arith.constant 0xFF800000 : f32
    %broadcast_in_dim3A_60 = vector.broadcast %broadcast_in_dim3A_59 : f32 to vector<16xf32>
    %broadcast_in_dim3A_61 = arith.constant 0 : i32
    %broadcast_in_dim3A_62 = vector.broadcast %broadcast_in_dim3A_61 : i32 to vector<16xi32>
    %broadcast_in_dim3A_63 = arith.constant 0 : i32
    %broadcast_in_dim3A_64 = vector.broadcast %broadcast_in_dim3A_63 : i32 to vector<16xi32>
    %broadcast_in_dim3A_65 = arith.constant 0 : i32
    %broadcast_in_dim3A_66 = vector.broadcast %broadcast_in_dim3A_65 : i32 to vector<16xi32>
    %broadcast_in_dim3A_67 = arith.constant 0 : i32
    %broadcast_in_dim3A_68 = vector.broadcast %broadcast_in_dim3A_67 : i32 to vector<16xi32>
    %broadcast_in_dim3A_69 = arith.constant 0 : i32
    %broadcast_in_dim3A_70 = vector.broadcast %broadcast_in_dim3A_69 : i32 to vector<16xi32>
    %broadcast_in_dim3A_71 = arith.constant 0 : i32
    %broadcast_in_dim3A_72 = vector.broadcast %broadcast_in_dim3A_71 : i32 to vector<16xi32>
    %broadcast_in_dim3A_73 = arith.constant 0 : i32
    %broadcast_in_dim3A_74 = vector.broadcast %broadcast_in_dim3A_73 : i32 to vector<16xi32>
    %broadcast_in_dim3A_75 = arith.constant 0 : i32
    %broadcast_in_dim3A_76 = vector.broadcast %broadcast_in_dim3A_75 : i32 to vector<16xi32>
    %scan3A = arith.constant 0 : i32
    %scan3A_77 = arith.constant 0 : i32
    %scan3A_78 = arith.constant 256 : i32
    %scan3A_79 = arith.addi %scan3A_77, %scan3A_78 : i32
    %scan3A_80 = arith.constant 1 : i32
    %scan3A_81:16 = scf.for %scan3A_1458 = %scan3A_77 to %scan3A_79 step %scan3A_80 iter_args(%scan3A_1459 = %broadcast_in_dim3A_46, %scan3A_1460 = %broadcast_in_dim3A_48, %scan3A_1461 = %broadcast_in_dim3A_50, %scan3A_1462 = %broadcast_in_dim3A_52, %scan3A_1463 = %broadcast_in_dim3A_54, %scan3A_1464 = %broadcast_in_dim3A_56, %scan3A_1465 = %broadcast_in_dim3A_58, %scan3A_1466 = %broadcast_in_dim3A_60, %scan3A_1467 = %broadcast_in_dim3A_62, %scan3A_1468 = %broadcast_in_dim3A_64, %scan3A_1469 = %broadcast_in_dim3A_66, %scan3A_1470 = %broadcast_in_dim3A_68, %scan3A_1471 = %broadcast_in_dim3A_70, %scan3A_1472 = %broadcast_in_dim3A_72, %scan3A_1473 = %broadcast_in_dim3A_74, %scan3A_1474 = %broadcast_in_dim3A_76) -> (vector<16xf32>, vector<16xf32>, vector<16xf32>, vector<16xf32>, vector<16xf32>, vector<16xf32>, vector<16xf32>, vector<16xf32>, vector<16xi32>, vector<16xi32>, vector<16xi32>, vector<16xi32>, vector<16xi32>, vector<16xi32>, vector<16xi32>, vector<16xi32>)  : i32 {
      %mul3A_1475 = arith.constant 8 : i32
      %mul3A_1476 = arith.muli %scan3A_1458, %mul3A_1475 : i32
      %add3A_1477 = arith.constant 0 : i32
      %add3A_1478 = arith.addi %mul3A_1476, %add3A_1477 : i32
      %mul3A_1479 = arith.constant 16 : i32
      %mul3A_1480 = arith.muli %add3A_1478, %mul3A_1479 : i32
      %get3A = arith.constant 0 : i32
      %get3A_1481 = tpu.memref_slice %arg5[%scan3A, %get3A] : memref<2x32768xf32, #tpu.memory_space<vmem>> -> memref<1x32768xf32, #tpu.memory_space<vmem>>
      %get3A_1482 = tpu.memref_squeeze %get3A_1481 : memref<1x32768xf32, #tpu.memory_space<vmem>> -> memref<32768xf32, #tpu.memory_space<vmem>>
      %get3A_1483 = arith.index_cast %mul3A_1480 : i32 to index
      %get3A_1484 = tpu.vector_load %get3A_1482[%get3A_1483] {strides = array<i32>} : memref<32768xf32, #tpu.memory_space<vmem>>, vector<16xf32>,
      %get3A_1485 = vector.shape_cast %get3A_1484 : vector<16xf32> to vector<16xf32>
      %gt3A_1486 = arith.cmpf ogt, %get3A_1485, %scan3A_1459 : vector<16xf32>
      %select_n3A_1487 = arith.select %gt3A_1486, %get3A_1485, %scan3A_1459 : vector<16xi1>, vector<16xf32>
      %broadcast_in_dim3A_1488 = vector.broadcast %scan3A_1458 : i32 to vector<16xi32>
      %select_n3A_1489 = arith.select %gt3A_1486, %broadcast_in_dim3A_1488, %scan3A_1467 : vector<16xi1>, vector<16xi32>
      %mul3A_1490 = arith.constant 8 : i32
      %mul3A_1491 = arith.muli %scan3A_1458, %mul3A_1490 : i32
      %add3A_1492 = arith.constant 1 : i32
      %add3A_1493 = arith.addi %mul3A_1491, %add3A_1492 : i32
      %mul3A_1494 = arith.constant 16 : i32
      %mul3A_1495 = arith.muli %add3A_1493, %mul3A_1494 : i32
      %get3A_1496 = arith.constant 0 : i32
      %get3A_1497 = tpu.memref_slice %arg5[%scan3A, %get3A_1496] : memref<2x32768xf32, #tpu.memory_space<vmem>> -> memref<1x32768xf32, #tpu.memory_space<vmem>>
      %get3A_1498 = tpu.memref_squeeze %get3A_1497 : memref<1x32768xf32, #tpu.memory_space<vmem>> -> memref<32768xf32, #tpu.memory_space<vmem>>
      %get3A_1499 = arith.index_cast %mul3A_1495 : i32 to index
      %get3A_1500 = tpu.vector_load %get3A_1498[%get3A_1499] {strides = array<i32>} : memref<32768xf32, #tpu.memory_space<vmem>>, vector<16xf32>,
      %get3A_1501 = vector.shape_cast %get3A_1500 : vector<16xf32> to vector<16xf32>
      %gt3A_1502 = arith.cmpf ogt, %get3A_1501, %scan3A_1460 : vector<16xf32>
      %select_n3A_1503 = arith.select %gt3A_1502, %get3A_1501, %scan3A_1460 : vector<16xi1>, vector<16xf32>
      %broadcast_in_dim3A_1504 = vector.broadcast %scan3A_1458 : i32 to vector<16xi32>
      %select_n3A_1505 = arith.select %gt3A_1502, %broadcast_in_dim3A_1504, %scan3A_1468 : vector<16xi1>, vector<16xi32>
      %mul3A_1506 = arith.constant 8 : i32
      %mul3A_1507 = arith.muli %scan3A_1458, %mul3A_1506 : i32
      %add3A_1508 = arith.constant 2 : i32
      %add3A_1509 = arith.addi %mul3A_1507, %add3A_1508 : i32
      %mul3A_1510 = arith.constant 16 : i32
      %mul3A_1511 = arith.muli %add3A_1509, %mul3A_1510 : i32
      %get3A_1512 = arith.constant 0 : i32
      %get3A_1513 = tpu.memref_slice %arg5[%scan3A, %get3A_1512] : memref<2x32768xf32, #tpu.memory_space<vmem>> -> memref<1x32768xf32, #tpu.memory_space<vmem>>
      %get3A_1514 = tpu.memref_squeeze %get3A_1513 : memref<1x32768xf32, #tpu.memory_space<vmem>> -> memref<32768xf32, #tpu.memory_space<vmem>>
      %get3A_1515 = arith.index_cast %mul3A_1511 : i32 to index
      %get3A_1516 = tpu.vector_load %get3A_1514[%get3A_1515] {strides = array<i32>} : memref<32768xf32, #tpu.memory_space<vmem>>, vector<16xf32>,
      %get3A_1517 = vector.shape_cast %get3A_1516 : vector<16xf32> to vector<16xf32>
      %gt3A_1518 = arith.cmpf ogt, %get3A_1517, %scan3A_1461 : vector<16xf32>
      %select_n3A_1519 = arith.select %gt3A_1518, %get3A_1517, %scan3A_1461 : vector<16xi1>, vector<16xf32>
      %broadcast_in_dim3A_1520 = vector.broadcast %scan3A_1458 : i32 to vector<16xi32>
      %select_n3A_1521 = arith.select %gt3A_1518, %broadcast_in_dim3A_1520, %scan3A_1469 : vector<16xi1>, vector<16xi32>
      %mul3A_1522 = arith.constant 8 : i32
      %mul3A_1523 = arith.muli %scan3A_1458, %mul3A_1522 : i32
      %add3A_1524 = arith.constant 3 : i32
      %add3A_1525 = arith.addi %mul3A_1523, %add3A_1524 : i32
      %mul3A_1526 = arith.constant 16 : i32
      %mul3A_1527 = arith.muli %add3A_1525, %mul3A_1526 : i32
      %get3A_1528 = arith.constant 0 : i32
      %get3A_1529 = tpu.memref_slice %arg5[%scan3A, %get3A_1528] : memref<2x32768xf32, #tpu.memory_space<vmem>> -> memref<1x32768xf32, #tpu.memory_space<vmem>>
      %get3A_1530 = tpu.memref_squeeze %get3A_1529 : memref<1x32768xf32, #tpu.memory_space<vmem>> -> memref<32768xf32, #tpu.memory_space<vmem>>
      %get3A_1531 = arith.index_cast %mul3A_1527 : i32 to index
      %get3A_1532 = tpu.vector_load %get3A_1530[%get3A_1531] {strides = array<i32>} : memref<32768xf32, #tpu.memory_space<vmem>>, vector<16xf32>,
      %get3A_1533 = vector.shape_cast %get3A_1532 : vector<16xf32> to vector<16xf32>
      %gt3A_1534 = arith.cmpf ogt, %get3A_1533, %scan3A_1462 : vector<16xf32>
      %select_n3A_1535 = arith.select %gt3A_1534, %get3A_1533, %scan3A_1462 : vector<16xi1>, vector<16xf32>
      %broadcast_in_dim3A_1536 = vector.broadcast %scan3A_1458 : i32 to vector<16xi32>
      %select_n3A_1537 = arith.select %gt3A_1534, %broadcast_in_dim3A_1536, %scan3A_1470 : vector<16xi1>, vector<16xi32>
      %mul3A_1538 = arith.constant 8 : i32
      %mul3A_1539 = arith.muli %scan3A_1458, %mul3A_1538 : i32
      %add3A_1540 = arith.constant 4 : i32
      %add3A_1541 = arith.addi %mul3A_1539, %add3A_1540 : i32
      %mul3A_1542 = arith.constant 16 : i32
      %mul3A_1543 = arith.muli %add3A_1541, %mul3A_1542 : i32
      %get3A_1544 = arith.constant 0 : i32
      %get3A_1545 = tpu.memref_slice %arg5[%scan3A, %get3A_1544] : memref<2x32768xf32, #tpu.memory_space<vmem>> -> memref<1x32768xf32, #tpu.memory_space<vmem>>
      %get3A_1546 = tpu.memref_squeeze %get3A_1545 : memref<1x32768xf32, #tpu.memory_space<vmem>> -> memref<32768xf32, #tpu.memory_space<vmem>>
      %get3A_1547 = arith.index_cast %mul3A_1543 : i32 to index
      %get3A_1548 = tpu.vector_load %get3A_1546[%get3A_1547] {strides = array<i32>} : memref<32768xf32, #tpu.memory_space<vmem>>, vector<16xf32>,
      %get3A_1549 = vector.shape_cast %get3A_1548 : vector<16xf32> to vector<16xf32>
      %gt3A_1550 = arith.cmpf ogt, %get3A_1549, %scan3A_1463 : vector<16xf32>
      %select_n3A_1551 = arith.select %gt3A_1550, %get3A_1549, %scan3A_1463 : vector<16xi1>, vector<16xf32>
      %broadcast_in_dim3A_1552 = vector.broadcast %scan3A_1458 : i32 to vector<16xi32>
      %select_n3A_1553 = arith.select %gt3A_1550, %broadcast_in_dim3A_1552, %scan3A_1471 : vector<16xi1>, vector<16xi32>
      %mul3A_1554 = arith.constant 8 : i32
      %mul3A_1555 = arith.muli %scan3A_1458, %mul3A_1554 : i32
      %add3A_1556 = arith.constant 5 : i32
      %add3A_1557 = arith.addi %mul3A_1555, %add3A_1556 : i32
      %mul3A_1558 = arith.constant 16 : i32
      %mul3A_1559 = arith.muli %add3A_1557, %mul3A_1558 : i32
      %get3A_1560 = arith.constant 0 : i32
      %get3A_1561 = tpu.memref_slice %arg5[%scan3A, %get3A_1560] : memref<2x32768xf32, #tpu.memory_space<vmem>> -> memref<1x32768xf32, #tpu.memory_space<vmem>>
      %get3A_1562 = tpu.memref_squeeze %get3A_1561 : memref<1x32768xf32, #tpu.memory_space<vmem>> -> memref<32768xf32, #tpu.memory_space<vmem>>
      %get3A_1563 = arith.index_cast %mul3A_1559 : i32 to index
      %get3A_1564 = tpu.vector_load %get3A_1562[%get3A_1563] {strides = array<i32>} : memref<32768xf32, #tpu.memory_space<vmem>>, vector<16xf32>,
      %get3A_1565 = vector.shape_cast %get3A_1564 : vector<16xf32> to vector<16xf32>
      %gt3A_1566 = arith.cmpf ogt, %get3A_1565, %scan3A_1464 : vector<16xf32>
      %select_n3A_1567 = arith.select %gt3A_1566, %get3A_1565, %scan3A_1464 : vector<16xi1>, vector<16xf32>
      %broadcast_in_dim3A_1568 = vector.broadcast %scan3A_1458 : i32 to vector<16xi32>
      %select_n3A_1569 = arith.select %gt3A_1566, %broadcast_in_dim3A_1568, %scan3A_1472 : vector<16xi1>, vector<16xi32>
      %mul3A_1570 = arith.constant 8 : i32
      %mul3A_1571 = arith.muli %scan3A_1458, %mul3A_1570 : i32
      %add3A_1572 = arith.constant 6 : i32
      %add3A_1573 = arith.addi %mul3A_1571, %add3A_1572 : i32
      %mul3A_1574 = arith.constant 16 : i32
      %mul3A_1575 = arith.muli %add3A_1573, %mul3A_1574 : i32
      %get3A_1576 = arith.constant 0 : i32
      %get3A_1577 = tpu.memref_slice %arg5[%scan3A, %get3A_1576] : memref<2x32768xf32, #tpu.memory_space<vmem>> -> memref<1x32768xf32, #tpu.memory_space<vmem>>
      %get3A_1578 = tpu.memref_squeeze %get3A_1577 : memref<1x32768xf32, #tpu.memory_space<vmem>> -> memref<32768xf32, #tpu.memory_space<vmem>>
      %get3A_1579 = arith.index_cast %mul3A_1575 : i32 to index
      %get3A_1580 = tpu.vector_load %get3A_1578[%get3A_1579] {strides = array<i32>} : memref<32768xf32, #tpu.memory_space<vmem>>, vector<16xf32>,
      %get3A_1581 = vector.shape_cast %get3A_1580 : vector<16xf32> to vector<16xf32>
      %gt3A_1582 = arith.cmpf ogt, %get3A_1581, %scan3A_1465 : vector<16xf32>
      %select_n3A_1583 = arith.select %gt3A_1582, %get3A_1581, %scan3A_1465 : vector<16xi1>, vector<16xf32>
      %broadcast_in_dim3A_1584 = vector.broadcast %scan3A_1458 : i32 to vector<16xi32>
      %select_n3A_1585 = arith.select %gt3A_1582, %broadcast_in_dim3A_1584, %scan3A_1473 : vector<16xi1>, vector<16xi32>
      %mul3A_1586 = arith.constant 8 : i32
      %mul3A_1587 = arith.muli %scan3A_1458, %mul3A_1586 : i32
      %add3A_1588 = arith.constant 7 : i32
      %add3A_1589 = arith.addi %mul3A_1587, %add3A_1588 : i32
      %mul3A_1590 = arith.constant 16 : i32
      %mul3A_1591 = arith.muli %add3A_1589, %mul3A_1590 : i32
      %get3A_1592 = arith.constant 0 : i32
      %get3A_1593 = tpu.memref_slice %arg5[%scan3A, %get3A_1592] : memref<2x32768xf32, #tpu.memory_space<vmem>> -> memref<1x32768xf32, #tpu.memory_space<vmem>>
      %get3A_1594 = tpu.memref_squeeze %get3A_1593 : memref<1x32768xf32, #tpu.memory_space<vmem>> -> memref<32768xf32, #tpu.memory_space<vmem>>
      %get3A_1595 = arith.index_cast %mul3A_1591 : i32 to index
      %get3A_1596 = tpu.vector_load %get3A_1594[%get3A_1595] {strides = array<i32>} : memref<32768xf32, #tpu.memory_space<vmem>>, vector<16xf32>,
      %get3A_1597 = vector.shape_cast %get3A_1596 : vector<16xf32> to vector<16xf32>
      %gt3A_1598 = arith.cmpf ogt, %get3A_1597, %scan3A_1466 : vector<16xf32>
      %select_n3A_1599 = arith.select %gt3A_1598, %get3A_1597, %scan3A_1466 : vector<16xi1>, vector<16xf32>
      %broadcast_in_dim3A_1600 = vector.broadcast %scan3A_1458 : i32 to vector<16xi32>
      %select_n3A_1601 = arith.select %gt3A_1598, %broadcast_in_dim3A_1600, %scan3A_1474 : vector<16xi1>, vector<16xi32>
      scf.yield %select_n3A_1487, %select_n3A_1503, %select_n3A_1519, %select_n3A_1535, %select_n3A_1551, %select_n3A_1567, %select_n3A_1583, %select_n3A_1599, %select_n3A_1489, %select_n3A_1505, %select_n3A_1521, %select_n3A_1537, %select_n3A_1553, %select_n3A_1569, %select_n3A_1585, %select_n3A_1601 : vector<16xf32>, vector<16xf32>, vector<16xf32>, vector<16xf32>, vector<16xf32>, vector<16xf32>, vector<16xf32>, vector<16xf32>, vector<16xi32>, vector<16xi32>, vector<16xi32>, vector<16xi32>, vector<16xi32>, vector<16xi32>, vector<16xi32>, vector<16xi32>
    }
    %scan3A_82 = arith.constant 256 : i32
    %mul3A_83 = arith.constant 128 : i32
    %mul3A_84 = vector.broadcast %mul3A_83 : i32 to vector<16xi32>
    %mul3A_85 = arith.muli %scan3A_81#8, %mul3A_84 : vector<16xi32>
    %add3A_86 = arith.addi %mul3A_85, %iota3A : vector<16xi32>
    %mul3A_87 = arith.constant 128 : i32
    %mul3A_88 = vector.broadcast %mul3A_87 : i32 to vector<16xi32>
    %mul3A_89 = arith.muli %scan3A_81#9, %mul3A_88 : vector<16xi32>
    %add3A_90 = arith.constant 16 : i32
    %add3A_91 = vector.broadcast %add3A_90 : i32 to vector<16xi32>
    %add3A_92 = arith.addi %mul3A_89, %add3A_91 : vector<16xi32>
    %add3A_93 = arith.addi %add3A_92, %iota3A : vector<16xi32>
    %gt3A = arith.cmpf ogt, %scan3A_81#1, %scan3A_81#0 : vector<16xf32>
    %eq3A = arith.cmpf oeq, %scan3A_81#1, %scan3A_81#0 : vector<16xf32>
    %lt3A = arith.cmpi slt, %add3A_93, %add3A_86 : vector<16xi32>
    %and3A = arith.andi %eq3A, %lt3A : vector<16xi1>
    %or3A = arith.ori %gt3A, %and3A : vector<16xi1>
    %select_n3A = arith.select %or3A, %scan3A_81#1, %scan3A_81#0 : vector<16xi1>, vector<16xf32>
    %select_n3A_94 = arith.select %or3A, %add3A_93, %add3A_86 : vector<16xi1>, vector<16xi32>
    %mul3A_95 = arith.constant 128 : i32
    %mul3A_96 = vector.broadcast %mul3A_95 : i32 to vector<16xi32>
    %mul3A_97 = arith.muli %scan3A_81#10, %mul3A_96 : vector<16xi32>
    %add3A_98 = arith.constant 32 : i32
    %add3A_99 = vector.broadcast %add3A_98 : i32 to vector<16xi32>
    %add3A_100 = arith.addi %mul3A_97, %add3A_99 : vector<16xi32>
    %add3A_101 = arith.addi %add3A_100, %iota3A : vector<16xi32>
    %gt3A_102 = arith.cmpf ogt, %scan3A_81#2, %select_n3A : vector<16xf32>
    %eq3A_103 = arith.cmpf oeq, %scan3A_81#2, %select_n3A : vector<16xf32>
    %lt3A_104 = arith.cmpi slt, %add3A_101, %select_n3A_94 : vector<16xi32>
    %and3A_105 = arith.andi %eq3A_103, %lt3A_104 : vector<16xi1>
    %or3A_106 = arith.ori %gt3A_102, %and3A_105 : vector<16xi1>
    %select_n3A_107 = arith.select %or3A_106, %scan3A_81#2, %select_n3A : vector<16xi1>, vector<16xf32>
    %select_n3A_108 = arith.select %or3A_106, %add3A_101, %select_n3A_94 : vector<16xi1>, vector<16xi32>
    %mul3A_109 = arith.constant 128 : i32
    %mul3A_110 = vector.broadcast %mul3A_109 : i32 to vector<16xi32>
    %mul3A_111 = arith.muli %scan3A_81#11, %mul3A_110 : vector<16xi32>
    %add3A_112 = arith.constant 48 : i32
    %add3A_113 = vector.broadcast %add3A_112 : i32 to vector<16xi32>
    %add3A_114 = arith.addi %mul3A_111, %add3A_113 : vector<16xi32>
    %add3A_115 = arith.addi %add3A_114, %iota3A : vector<16xi32>
    %gt3A_116 = arith.cmpf ogt, %scan3A_81#3, %select_n3A_107 : vector<16xf32>
    %eq3A_117 = arith.cmpf oeq, %scan3A_81#3, %select_n3A_107 : vector<16xf32>
    %lt3A_118 = arith.cmpi slt, %add3A_115, %select_n3A_108 : vector<16xi32>
    %and3A_119 = arith.andi %eq3A_117, %lt3A_118 : vector<16xi1>
    %or3A_120 = arith.ori %gt3A_116, %and3A_119 : vector<16xi1>
    %select_n3A_121 = arith.select %or3A_120, %scan3A_81#3, %select_n3A_107 : vector<16xi1>, vector<16xf32>
    %select_n3A_122 = arith.select %or3A_120, %add3A_115, %select_n3A_108 : vector<16xi1>, vector<16xi32>
    %mul3A_123 = arith.constant 128 : i32
    %mul3A_124 = vector.broadcast %mul3A_123 : i32 to vector<16xi32>
    %mul3A_125 = arith.muli %scan3A_81#12, %mul3A_124 : vector<16xi32>
    %add3A_126 = arith.constant 64 : i32
    %add3A_127 = vector.broadcast %add3A_126 : i32 to vector<16xi32>
    %add3A_128 = arith.addi %mul3A_125, %add3A_127 : vector<16xi32>
    %add3A_129 = arith.addi %add3A_128, %iota3A : vector<16xi32>
    %gt3A_130 = arith.cmpf ogt, %scan3A_81#4, %select_n3A_121 : vector<16xf32>
    %eq3A_131 = arith.cmpf oeq, %scan3A_81#4, %select_n3A_121 : vector<16xf32>
    %lt3A_132 = arith.cmpi slt, %add3A_129, %select_n3A_122 : vector<16xi32>
    %and3A_133 = arith.andi %eq3A_131, %lt3A_132 : vector<16xi1>
    %or3A_134 = arith.ori %gt3A_130, %and3A_133 : vector<16xi1>
    %select_n3A_135 = arith.select %or3A_134, %scan3A_81#4, %select_n3A_121 : vector<16xi1>, vector<16xf32>
    %select_n3A_136 = arith.select %or3A_134, %add3A_129, %select_n3A_122 : vector<16xi1>, vector<16xi32>
    %mul3A_137 = arith.constant 128 : i32
    %mul3A_138 = vector.broadcast %mul3A_137 : i32 to vector<16xi32>
    %mul3A_139 = arith.muli %scan3A_81#13, %mul3A_138 : vector<16xi32>
    %add3A_140 = arith.constant 80 : i32
    %add3A_141 = vector.broadcast %add3A_140 : i32 to vector<16xi32>
    %add3A_142 = arith.addi %mul3A_139, %add3A_141 : vector<16xi32>
    %add3A_143 = arith.addi %add3A_142, %iota3A : vector<16xi32>
    %gt3A_144 = arith.cmpf ogt, %scan3A_81#5, %select_n3A_135 : vector<16xf32>
    %eq3A_145 = arith.cmpf oeq, %scan3A_81#5, %select_n3A_135 : vector<16xf32>
    %lt3A_146 = arith.cmpi slt, %add3A_143, %select_n3A_136 : vector<16xi32>
    %and3A_147 = arith.andi %eq3A_145, %lt3A_146 : vector<16xi1>
    %or3A_148 = arith.ori %gt3A_144, %and3A_147 : vector<16xi1>
    %select_n3A_149 = arith.select %or3A_148, %scan3A_81#5, %select_n3A_135 : vector<16xi1>, vector<16xf32>
    %select_n3A_150 = arith.select %or3A_148, %add3A_143, %select_n3A_136 : vector<16xi1>, vector<16xi32>
    %mul3A_151 = arith.constant 128 : i32
    %mul3A_152 = vector.broadcast %mul3A_151 : i32 to vector<16xi32>
    %mul3A_153 = arith.muli %scan3A_81#14, %mul3A_152 : vector<16xi32>
    %add3A_154 = arith.constant 96 : i32
    %add3A_155 = vector.broadcast %add3A_154 : i32 to vector<16xi32>
    %add3A_156 = arith.addi %mul3A_153, %add3A_155 : vector<16xi32>
    %add3A_157 = arith.addi %add3A_156, %iota3A : vector<16xi32>
    %gt3A_158 = arith.cmpf ogt, %scan3A_81#6, %select_n3A_149 : vector<16xf32>
    %eq3A_159 = arith.cmpf oeq, %scan3A_81#6, %select_n3A_149 : vector<16xf32>
    %lt3A_160 = arith.cmpi slt, %add3A_157, %select_n3A_150 : vector<16xi32>
    %and3A_161 = arith.andi %eq3A_159, %lt3A_160 : vector<16xi1>
    %or3A_162 = arith.ori %gt3A_158, %and3A_161 : vector<16xi1>
    %select_n3A_163 = arith.select %or3A_162, %scan3A_81#6, %select_n3A_149 : vector<16xi1>, vector<16xf32>
    %select_n3A_164 = arith.select %or3A_162, %add3A_157, %select_n3A_150 : vector<16xi1>, vector<16xi32>
    %mul3A_165 = arith.constant 128 : i32
    %mul3A_166 = vector.broadcast %mul3A_165 : i32 to vector<16xi32>
    %mul3A_167 = arith.muli %scan3A_81#15, %mul3A_166 : vector<16xi32>
    %add3A_168 = arith.constant 112 : i32
    %add3A_169 = vector.broadcast %add3A_168 : i32 to vector<16xi32>
    %add3A_170 = arith.addi %mul3A_167, %add3A_169 : vector<16xi32>
    %add3A_171 = arith.addi %add3A_170, %iota3A : vector<16xi32>
    %gt3A_172 = arith.cmpf ogt, %scan3A_81#7, %select_n3A_163 : vector<16xf32>
    %eq3A_173 = arith.cmpf oeq, %scan3A_81#7, %select_n3A_163 : vector<16xf32>
    %lt3A_174 = arith.cmpi slt, %add3A_171, %select_n3A_164 : vector<16xi32>
    %and3A_175 = arith.andi %eq3A_173, %lt3A_174 : vector<16xi1>
    %or3A_176 = arith.ori %gt3A_172, %and3A_175 : vector<16xi1>
    %select_n3A_177 = arith.select %or3A_176, %scan3A_81#7, %select_n3A_163 : vector<16xi1>, vector<16xf32>
    %select_n3A_178 = arith.select %or3A_176, %add3A_171, %select_n3A_164 : vector<16xi1>, vector<16xi32>
    %swap3A = arith.constant 0 : i32
    %swap3A_179 = arith.index_cast %swap3A : i32 to index
    %swap3A_180 = arith.constant 0 : index
    %swap3A_181 = tpu.vector_load %arg6[%swap3A_179, %swap3A_180] {strides = array<i32>} : memref<8x16xf32, #tpu.memory_space<vmem>>, vector<1x16xf32>,
    %swap3A_182 = vector.shape_cast %swap3A_181 : vector<1x16xf32> to vector<16xf32>
    %swap3A_183 = vector.shape_cast %select_n3A_177 : vector<16xf32> to vector<1x16xf32>
    tpu.vector_store %arg6[%swap3A_179, %swap3A_180], %swap3A_183 {strides = array<i32>} : memref<8x16xf32, #tpu.memory_space<vmem>>, vector<1x16xf32>,
    %swap3A_184 = arith.constant 0 : i32
    %swap3A_185 = arith.index_cast %swap3A_184 : i32 to index
    %swap3A_186 = arith.constant 0 : index
    %swap3A_187 = tpu.vector_load %arg7[%swap3A_185, %swap3A_186] {strides = array<i32>} : memref<8x16xi32, #tpu.memory_space<vmem>>, vector<1x16xi32>,
    %swap3A_188 = vector.shape_cast %swap3A_187 : vector<1x16xi32> to vector<16xi32>
    %swap3A_189 = vector.shape_cast %select_n3A_178 : vector<16xi32> to vector<1x16xi32>
    tpu.vector_store %arg7[%swap3A_185, %swap3A_186], %swap3A_189 {strides = array<i32>} : memref<8x16xi32, #tpu.memory_space<vmem>>, vector<1x16xi32>,
    %add3A_190 = arith.constant 1 : i32
    %add3A_191 = arith.addi %add3A_4, %add3A_190 : i32
    %add3A_192 = arith.constant 1 : i32
    %add3A_193 = arith.addi %add3A_191, %add3A_192 : i32
    %dma_start3A_194 = arith.constant 0 : i32
    %dma_start3A_195 = arith.constant 0 : i32
    %dma_start3A_196 = tpu.memref_slice %arg5[%dma_start3A_194, %dma_start3A_195] : memref<2x32768xf32, #tpu.memory_space<vmem>> -> memref<1x32768xf32, #tpu.memory_space<vmem>>
    %dma_start3A_197 = tpu.memref_squeeze %dma_start3A_196 : memref<1x32768xf32, #tpu.memory_space<vmem>> -> memref<32768xf32, #tpu.memory_space<vmem>>
    %dma_start3A_198 = arith.constant 0 : i32
    %dma_start3A_199 = tpu.memref_slice %arg2[%add3A_193, %dma_start3A_198] : memref<576x32768xf32, #tpu.memory_space<hbm>> -> memref<1x32768xf32, #tpu.memory_space<hbm>>
    %dma_start3A_200 = tpu.memref_squeeze %dma_start3A_199 : memref<1x32768xf32, #tpu.memory_space<hbm>> -> memref<32768xf32, #tpu.memory_space<hbm>>
    %dma_start3A_201 = arith.constant 0 : i32
    %dma_start3A_202 = tpu.memref_slice %arg5[%dma_start3A_194, %dma_start3A_201] : memref<2x32768xf32, #tpu.memory_space<vmem>> -> memref<1x32768xf32, #tpu.memory_space<vmem>>
    %dma_start3A_203 = tpu.memref_squeeze %dma_start3A_202 : memref<1x32768xf32, #tpu.memory_space<vmem>> -> memref<32768xf32, #tpu.memory_space<vmem>>
    %dma_start3A_204 = arith.constant 0 : i32
    %dma_start3A_205 = tpu.memref_slice %arg2[%add3A_193, %dma_start3A_204] : memref<576x32768xf32, #tpu.memory_space<hbm>> -> memref<1x32768xf32, #tpu.memory_space<hbm>>
    %dma_start3A_206 = tpu.memref_squeeze %dma_start3A_205 : memref<1x32768xf32, #tpu.memory_space<hbm>> -> memref<32768xf32, #tpu.memory_space<hbm>>
    tpu.enqueue_dma source(%dma_start3A_206 : memref<32768xf32, #tpu.memory_space<hbm>>) target(%dma_start3A_203 : memref<32768xf32, #tpu.memory_space<vmem>>) target_semaphore(%arg8 : memref<!tpu.dma_semaphore, #tpu.memory_space<semaphore_mem>>)
    %dma_wait3A_207 = arith.constant 1 : i32
    %dma_wait3A_208 = arith.constant 0 : i32
    %dma_wait3A_209 = tpu.memref_slice %arg5[%dma_wait3A_207, %dma_wait3A_208] : memref<2x32768xf32, #tpu.memory_space<vmem>> -> memref<1x32768xf32, #tpu.memory_space<vmem>>
    %dma_wait3A_210 = tpu.memref_squeeze %dma_wait3A_209 : memref<1x32768xf32, #tpu.memory_space<vmem>> -> memref<32768xf32, #tpu.memory_space<vmem>>
    %dma_wait3A_211 = arith.constant 0 : i32
    %dma_wait3A_212 = tpu.memref_slice %arg2[%add3A_20, %dma_wait3A_211] : memref<576x32768xf32, #tpu.memory_space<hbm>> -> memref<1x32768xf32, #tpu.memory_space<hbm>>
    %dma_wait3A_213 = tpu.memref_squeeze %dma_wait3A_212 : memref<1x32768xf32, #tpu.memory_space<hbm>> -> memref<32768xf32, #tpu.memory_space<hbm>>
    %dma_wait3A_214 = arith.constant 0 : i32
    %dma_wait3A_215 = tpu.memref_slice %arg5[%dma_wait3A_207, %dma_wait3A_214] : memref<2x32768xf32, #tpu.memory_space<vmem>> -> memref<1x32768xf32, #tpu.memory_space<vmem>>
    %dma_wait3A_216 = tpu.memref_squeeze %dma_wait3A_215 : memref<1x32768xf32, #tpu.memory_space<vmem>> -> memref<32768xf32, #tpu.memory_space<vmem>>
    %dma_wait3A_217 = arith.constant 0 : i32
    %dma_wait3A_218 = tpu.memref_slice %arg2[%add3A_20, %dma_wait3A_217] : memref<576x32768xf32, #tpu.memory_space<hbm>> -> memref<1x32768xf32, #tpu.memory_space<hbm>>
    %dma_wait3A_219 = tpu.memref_squeeze %dma_wait3A_218 : memref<1x32768xf32, #tpu.memory_space<hbm>> -> memref<32768xf32, #tpu.memory_space<hbm>>
    tpu.wait_dma2 semaphore(%arg9 : memref<!tpu.dma_semaphore, #tpu.memory_space<semaphore_mem>>) src(%dma_wait3A_219 : memref<32768xf32, #tpu.memory_space<hbm>>) dst(%dma_wait3A_216 : memref<32768xf32, #tpu.memory_space<vmem>>)
    %broadcast_in_dim3A_220 = arith.constant 0xFF800000 : f32
    %broadcast_in_dim3A_221 = vector.broadcast %broadcast_in_dim3A_220 : f32 to vector<16xf32>
    %broadcast_in_dim3A_222 = arith.constant 0xFF800000 : f32
    %broadcast_in_dim3A_223 = vector.broadcast %broadcast_in_dim3A_222 : f32 to vector<16xf32>
    %broadcast_in_dim3A_224 = arith.constant 0xFF800000 : f32
    %broadcast_in_dim3A_225 = vector.broadcast %broadcast_in_dim3A_224 : f32 to vector<16xf32>
    %broadcast_in_dim3A_226 = arith.constant 0xFF800000 : f32
    %broadcast_in_dim3A_227 = vector.broadcast %broadcast_in_dim3A_226 : f32 to vector<16xf32>
    %broadcast_in_dim3A_228 = arith.constant 0xFF800000 : f32
    %broadcast_in_dim3A_229 = vector.broadcast %broadcast_in_dim3A_228 : f32 to vector<16xf32>
    %broadcast_in_dim3A_230 = arith.constant 0xFF800000 : f32
    %broadcast_in_dim3A_231 = vector.broadcast %broadcast_in_dim3A_230 : f32 to vector<16xf32>
    %broadcast_in_dim3A_232 = arith.constant 0xFF800000 : f32
    %broadcast_in_dim3A_233 = vector.broadcast %broadcast_in_dim3A_232 : f32 to vector<16xf32>
    %broadcast_in_dim3A_234 = arith.constant 0xFF800000 : f32
    %broadcast_in_dim3A_235 = vector.broadcast %broadcast_in_dim3A_234 : f32 to vector<16xf32>
    %broadcast_in_dim3A_236 = arith.constant 0 : i32
    %broadcast_in_dim3A_237 = vector.broadcast %broadcast_in_dim3A_236 : i32 to vector<16xi32>
    %broadcast_in_dim3A_238 = arith.constant 0 : i32
    %broadcast_in_dim3A_239 = vector.broadcast %broadcast_in_dim3A_238 : i32 to vector<16xi32>
    %broadcast_in_dim3A_240 = arith.constant 0 : i32
    %broadcast_in_dim3A_241 = vector.broadcast %broadcast_in_dim3A_240 : i32 to vector<16xi32>
    %broadcast_in_dim3A_242 = arith.constant 0 : i32
    %broadcast_in_dim3A_243 = vector.broadcast %broadcast_in_dim3A_242 : i32 to vector<16xi32>
    %broadcast_in_dim3A_244 = arith.constant 0 : i32
    %broadcast_in_dim3A_245 = vector.broadcast %broadcast_in_dim3A_244 : i32 to vector<16xi32>
    %broadcast_in_dim3A_246 = arith.constant 0 : i32
    %broadcast_in_dim3A_247 = vector.broadcast %broadcast_in_dim3A_246 : i32 to vector<16xi32>
    %broadcast_in_dim3A_248 = arith.constant 0 : i32
    %broadcast_in_dim3A_249 = vector.broadcast %broadcast_in_dim3A_248 : i32 to vector<16xi32>
    %broadcast_in_dim3A_250 = arith.constant 0 : i32
    %broadcast_in_dim3A_251 = vector.broadcast %broadcast_in_dim3A_250 : i32 to vector<16xi32>
    %scan3A_252 = arith.constant 1 : i32
    %scan3A_253 = arith.constant 0 : i32
    %scan3A_254 = arith.constant 256 : i32
    %scan3A_255 = arith.addi %scan3A_253, %scan3A_254 : i32
    %scan3A_256 = arith.constant 1 : i32
    %scan3A_257:16 = scf.for %scan3A_1458 = %scan3A_253 to %scan3A_255 step %scan3A_256 iter_args(%scan3A_1459 = %broadcast_in_dim3A_221, %scan3A_1460 = %broadcast_in_dim3A_223, %scan3A_1461 = %broadcast_in_dim3A_225, %scan3A_1462 = %broadcast_in_dim3A_227, %scan3A_1463 = %broadcast_in_dim3A_229, %scan3A_1464 = %broadcast_in_dim3A_231, %scan3A_1465 = %broadcast_in_dim3A_233, %scan3A_1466 = %broadcast_in_dim3A_235, %scan3A_1467 = %broadcast_in_dim3A_237, %scan3A_1468 = %broadcast_in_dim3A_239, %scan3A_1469 = %broadcast_in_dim3A_241, %scan3A_1470 = %broadcast_in_dim3A_243, %scan3A_1471 = %broadcast_in_dim3A_245, %scan3A_1472 = %broadcast_in_dim3A_247, %scan3A_1473 = %broadcast_in_dim3A_249, %scan3A_1474 = %broadcast_in_dim3A_251) -> (vector<16xf32>, vector<16xf32>, vector<16xf32>, vector<16xf32>, vector<16xf32>, vector<16xf32>, vector<16xf32>, vector<16xf32>, vector<16xi32>, vector<16xi32>, vector<16xi32>, vector<16xi32>, vector<16xi32>, vector<16xi32>, vector<16xi32>, vector<16xi32>)  : i32 {
      %mul3A_1475 = arith.constant 8 : i32
      %mul3A_1476 = arith.muli %scan3A_1458, %mul3A_1475 : i32
      %add3A_1477 = arith.constant 0 : i32
      %add3A_1478 = arith.addi %mul3A_1476, %add3A_1477 : i32
      %mul3A_1479 = arith.constant 16 : i32
      %mul3A_1480 = arith.muli %add3A_1478, %mul3A_1479 : i32
      %get3A = arith.constant 0 : i32
      %get3A_1481 = tpu.memref_slice %arg5[%scan3A_252, %get3A] : memref<2x32768xf32, #tpu.memory_space<vmem>> -> memref<1x32768xf32, #tpu.memory_space<vmem>>
      %get3A_1482 = tpu.memref_squeeze %get3A_1481 : memref<1x32768xf32, #tpu.memory_space<vmem>> -> memref<32768xf32, #tpu.memory_space<vmem>>
      %get3A_1483 = arith.index_cast %mul3A_1480 : i32 to index
      %get3A_1484 = tpu.vector_load %get3A_1482[%get3A_1483] {strides = array<i32>} : memref<32768xf32, #tpu.memory_space<vmem>>, vector<16xf32>,
      %get3A_1485 = vector.shape_cast %get3A_1484 : vector<16xf32> to vector<16xf32>
      %gt3A_1486 = arith.cmpf ogt, %get3A_1485, %scan3A_1459 : vector<16xf32>
      %select_n3A_1487 = arith.select %gt3A_1486, %get3A_1485, %scan3A_1459 : vector<16xi1>, vector<16xf32>
      %broadcast_in_dim3A_1488 = vector.broadcast %scan3A_1458 : i32 to vector<16xi32>
      %select_n3A_1489 = arith.select %gt3A_1486, %broadcast_in_dim3A_1488, %scan3A_1467 : vector<16xi1>, vector<16xi32>
      %mul3A_1490 = arith.constant 8 : i32
      %mul3A_1491 = arith.muli %scan3A_1458, %mul3A_1490 : i32
      %add3A_1492 = arith.constant 1 : i32
      %add3A_1493 = arith.addi %mul3A_1491, %add3A_1492 : i32
      %mul3A_1494 = arith.constant 16 : i32
      %mul3A_1495 = arith.muli %add3A_1493, %mul3A_1494 : i32
      %get3A_1496 = arith.constant 0 : i32
      %get3A_1497 = tpu.memref_slice %arg5[%scan3A_252, %get3A_1496] : memref<2x32768xf32, #tpu.memory_space<vmem>> -> memref<1x32768xf32, #tpu.memory_space<vmem>>
      %get3A_1498 = tpu.memref_squeeze %get3A_1497 : memref<1x32768xf32, #tpu.memory_space<vmem>> -> memref<32768xf32, #tpu.memory_space<vmem>>
      %get3A_1499 = arith.index_cast %mul3A_1495 : i32 to index
      %get3A_1500 = tpu.vector_load %get3A_1498[%get3A_1499] {strides = array<i32>} : memref<32768xf32, #tpu.memory_space<vmem>>, vector<16xf32>,
      %get3A_1501 = vector.shape_cast %get3A_1500 : vector<16xf32> to vector<16xf32>
      %gt3A_1502 = arith.cmpf ogt, %get3A_1501, %scan3A_1460 : vector<16xf32>
      %select_n3A_1503 = arith.select %gt3A_1502, %get3A_1501, %scan3A_1460 : vector<16xi1>, vector<16xf32>
      %broadcast_in_dim3A_1504 = vector.broadcast %scan3A_1458 : i32 to vector<16xi32>
      %select_n3A_1505 = arith.select %gt3A_1502, %broadcast_in_dim3A_1504, %scan3A_1468 : vector<16xi1>, vector<16xi32>
      %mul3A_1506 = arith.constant 8 : i32
      %mul3A_1507 = arith.muli %scan3A_1458, %mul3A_1506 : i32
      %add3A_1508 = arith.constant 2 : i32
      %add3A_1509 = arith.addi %mul3A_1507, %add3A_1508 : i32
      %mul3A_1510 = arith.constant 16 : i32
      %mul3A_1511 = arith.muli %add3A_1509, %mul3A_1510 : i32
      %get3A_1512 = arith.constant 0 : i32
      %get3A_1513 = tpu.memref_slice %arg5[%scan3A_252, %get3A_1512] : memref<2x32768xf32, #tpu.memory_space<vmem>> -> memref<1x32768xf32, #tpu.memory_space<vmem>>
      %get3A_1514 = tpu.memref_squeeze %get3A_1513 : memref<1x32768xf32, #tpu.memory_space<vmem>> -> memref<32768xf32, #tpu.memory_space<vmem>>
      %get3A_1515 = arith.index_cast %mul3A_1511 : i32 to index
      %get3A_1516 = tpu.vector_load %get3A_1514[%get3A_1515] {strides = array<i32>} : memref<32768xf32, #tpu.memory_space<vmem>>, vector<16xf32>,
      %get3A_1517 = vector.shape_cast %get3A_1516 : vector<16xf32> to vector<16xf32>
      %gt3A_1518 = arith.cmpf ogt, %get3A_1517, %scan3A_1461 : vector<16xf32>
      %select_n3A_1519 = arith.select %gt3A_1518, %get3A_1517, %scan3A_1461 : vector<16xi1>, vector<16xf32>
      %broadcast_in_dim3A_1520 = vector.broadcast %scan3A_1458 : i32 to vector<16xi32>
      %select_n3A_1521 = arith.select %gt3A_1518, %broadcast_in_dim3A_1520, %scan3A_1469 : vector<16xi1>, vector<16xi32>
      %mul3A_1522 = arith.constant 8 : i32
      %mul3A_1523 = arith.muli %scan3A_1458, %mul3A_1522 : i32
      %add3A_1524 = arith.constant 3 : i32
      %add3A_1525 = arith.addi %mul3A_1523, %add3A_1524 : i32
      %mul3A_1526 = arith.constant 16 : i32
      %mul3A_1527 = arith.muli %add3A_1525, %mul3A_1526 : i32
      %get3A_1528 = arith.constant 0 : i32
      %get3A_1529 = tpu.memref_slice %arg5[%scan3A_252, %get3A_1528] : memref<2x32768xf32, #tpu.memory_space<vmem>> -> memref<1x32768xf32, #tpu.memory_space<vmem>>
      %get3A_1530 = tpu.memref_squeeze %get3A_1529 : memref<1x32768xf32, #tpu.memory_space<vmem>> -> memref<32768xf32, #tpu.memory_space<vmem>>
      %get3A_1531 = arith.index_cast %mul3A_1527 : i32 to index
      %get3A_1532 = tpu.vector_load %get3A_1530[%get3A_1531] {strides = array<i32>} : memref<32768xf32, #tpu.memory_space<vmem>>, vector<16xf32>,
      %get3A_1533 = vector.shape_cast %get3A_1532 : vector<16xf32> to vector<16xf32>
      %gt3A_1534 = arith.cmpf ogt, %get3A_1533, %scan3A_1462 : vector<16xf32>
      %select_n3A_1535 = arith.select %gt3A_1534, %get3A_1533, %scan3A_1462 : vector<16xi1>, vector<16xf32>
      %broadcast_in_dim3A_1536 = vector.broadcast %scan3A_1458 : i32 to vector<16xi32>
      %select_n3A_1537 = arith.select %gt3A_1534, %broadcast_in_dim3A_1536, %scan3A_1470 : vector<16xi1>, vector<16xi32>
      %mul3A_1538 = arith.constant 8 : i32
      %mul3A_1539 = arith.muli %scan3A_1458, %mul3A_1538 : i32
      %add3A_1540 = arith.constant 4 : i32
      %add3A_1541 = arith.addi %mul3A_1539, %add3A_1540 : i32
      %mul3A_1542 = arith.constant 16 : i32
      %mul3A_1543 = arith.muli %add3A_1541, %mul3A_1542 : i32
      %get3A_1544 = arith.constant 0 : i32
      %get3A_1545 = tpu.memref_slice %arg5[%scan3A_252, %get3A_1544] : memref<2x32768xf32, #tpu.memory_space<vmem>> -> memref<1x32768xf32, #tpu.memory_space<vmem>>
      %get3A_1546 = tpu.memref_squeeze %get3A_1545 : memref<1x32768xf32, #tpu.memory_space<vmem>> -> memref<32768xf32, #tpu.memory_space<vmem>>
      %get3A_1547 = arith.index_cast %mul3A_1543 : i32 to index
      %get3A_1548 = tpu.vector_load %get3A_1546[%get3A_1547] {strides = array<i32>} : memref<32768xf32, #tpu.memory_space<vmem>>, vector<16xf32>,
      %get3A_1549 = vector.shape_cast %get3A_1548 : vector<16xf32> to vector<16xf32>
      %gt3A_1550 = arith.cmpf ogt, %get3A_1549, %scan3A_1463 : vector<16xf32>
      %select_n3A_1551 = arith.select %gt3A_1550, %get3A_1549, %scan3A_1463 : vector<16xi1>, vector<16xf32>
      %broadcast_in_dim3A_1552 = vector.broadcast %scan3A_1458 : i32 to vector<16xi32>
      %select_n3A_1553 = arith.select %gt3A_1550, %broadcast_in_dim3A_1552, %scan3A_1471 : vector<16xi1>, vector<16xi32>
      %mul3A_1554 = arith.constant 8 : i32
      %mul3A_1555 = arith.muli %scan3A_1458, %mul3A_1554 : i32
      %add3A_1556 = arith.constant 5 : i32
      %add3A_1557 = arith.addi %mul3A_1555, %add3A_1556 : i32
      %mul3A_1558 = arith.constant 16 : i32
      %mul3A_1559 = arith.muli %add3A_1557, %mul3A_1558 : i32
      %get3A_1560 = arith.constant 0 : i32
      %get3A_1561 = tpu.memref_slice %arg5[%scan3A_252, %get3A_1560] : memref<2x32768xf32, #tpu.memory_space<vmem>> -> memref<1x32768xf32, #tpu.memory_space<vmem>>
      %get3A_1562 = tpu.memref_squeeze %get3A_1561 : memref<1x32768xf32, #tpu.memory_space<vmem>> -> memref<32768xf32, #tpu.memory_space<vmem>>
      %get3A_1563 = arith.index_cast %mul3A_1559 : i32 to index
      %get3A_1564 = tpu.vector_load %get3A_1562[%get3A_1563] {strides = array<i32>} : memref<32768xf32, #tpu.memory_space<vmem>>, vector<16xf32>,
      %get3A_1565 = vector.shape_cast %get3A_1564 : vector<16xf32> to vector<16xf32>
      %gt3A_1566 = arith.cmpf ogt, %get3A_1565, %scan3A_1464 : vector<16xf32>
      %select_n3A_1567 = arith.select %gt3A_1566, %get3A_1565, %scan3A_1464 : vector<16xi1>, vector<16xf32>
      %broadcast_in_dim3A_1568 = vector.broadcast %scan3A_1458 : i32 to vector<16xi32>
      %select_n3A_1569 = arith.select %gt3A_1566, %broadcast_in_dim3A_1568, %scan3A_1472 : vector<16xi1>, vector<16xi32>
      %mul3A_1570 = arith.constant 8 : i32
      %mul3A_1571 = arith.muli %scan3A_1458, %mul3A_1570 : i32
      %add3A_1572 = arith.constant 6 : i32
      %add3A_1573 = arith.addi %mul3A_1571, %add3A_1572 : i32
      %mul3A_1574 = arith.constant 16 : i32
      %mul3A_1575 = arith.muli %add3A_1573, %mul3A_1574 : i32
      %get3A_1576 = arith.constant 0 : i32
      %get3A_1577 = tpu.memref_slice %arg5[%scan3A_252, %get3A_1576] : memref<2x32768xf32, #tpu.memory_space<vmem>> -> memref<1x32768xf32, #tpu.memory_space<vmem>>
      %get3A_1578 = tpu.memref_squeeze %get3A_1577 : memref<1x32768xf32, #tpu.memory_space<vmem>> -> memref<32768xf32, #tpu.memory_space<vmem>>
      %get3A_1579 = arith.index_cast %mul3A_1575 : i32 to index
      %get3A_1580 = tpu.vector_load %get3A_1578[%get3A_1579] {strides = array<i32>} : memref<32768xf32, #tpu.memory_space<vmem>>, vector<16xf32>,
      %get3A_1581 = vector.shape_cast %get3A_1580 : vector<16xf32> to vector<16xf32>
      %gt3A_1582 = arith.cmpf ogt, %get3A_1581, %scan3A_1465 : vector<16xf32>
      %select_n3A_1583 = arith.select %gt3A_1582, %get3A_1581, %scan3A_1465 : vector<16xi1>, vector<16xf32>
      %broadcast_in_dim3A_1584 = vector.broadcast %scan3A_1458 : i32 to vector<16xi32>
      %select_n3A_1585 = arith.select %gt3A_1582, %broadcast_in_dim3A_1584, %scan3A_1473 : vector<16xi1>, vector<16xi32>
      %mul3A_1586 = arith.constant 8 : i32
      %mul3A_1587 = arith.muli %scan3A_1458, %mul3A_1586 : i32
      %add3A_1588 = arith.constant 7 : i32
      %add3A_1589 = arith.addi %mul3A_1587, %add3A_1588 : i32
      %mul3A_1590 = arith.constant 16 : i32
      %mul3A_1591 = arith.muli %add3A_1589, %mul3A_1590 : i32
      %get3A_1592 = arith.constant 0 : i32
      %get3A_1593 = tpu.memref_slice %arg5[%scan3A_252, %get3A_1592] : memref<2x32768xf32, #tpu.memory_space<vmem>> -> memref<1x32768xf32, #tpu.memory_space<vmem>>
      %get3A_1594 = tpu.memref_squeeze %get3A_1593 : memref<1x32768xf32, #tpu.memory_space<vmem>> -> memref<32768xf32, #tpu.memory_space<vmem>>
      %get3A_1595 = arith.index_cast %mul3A_1591 : i32 to index
      %get3A_1596 = tpu.vector_load %get3A_1594[%get3A_1595] {strides = array<i32>} : memref<32768xf32, #tpu.memory_space<vmem>>, vector<16xf32>,
      %get3A_1597 = vector.shape_cast %get3A_1596 : vector<16xf32> to vector<16xf32>
      %gt3A_1598 = arith.cmpf ogt, %get3A_1597, %scan3A_1466 : vector<16xf32>
      %select_n3A_1599 = arith.select %gt3A_1598, %get3A_1597, %scan3A_1466 : vector<16xi1>, vector<16xf32>
      %broadcast_in_dim3A_1600 = vector.broadcast %scan3A_1458 : i32 to vector<16xi32>
      %select_n3A_1601 = arith.select %gt3A_1598, %broadcast_in_dim3A_1600, %scan3A_1474 : vector<16xi1>, vector<16xi32>
      scf.yield %select_n3A_1487, %select_n3A_1503, %select_n3A_1519, %select_n3A_1535, %select_n3A_1551, %select_n3A_1567, %select_n3A_1583, %select_n3A_1599, %select_n3A_1489, %select_n3A_1505, %select_n3A_1521, %select_n3A_1537, %select_n3A_1553, %select_n3A_1569, %select_n3A_1585, %select_n3A_1601 : vector<16xf32>, vector<16xf32>, vector<16xf32>, vector<16xf32>, vector<16xf32>, vector<16xf32>, vector<16xf32>, vector<16xf32>, vector<16xi32>, vector<16xi32>, vector<16xi32>, vector<16xi32>, vector<16xi32>, vector<16xi32>, vector<16xi32>, vector<16xi32>
    }
    %scan3A_258 = arith.constant 256 : i32
    %mul3A_259 = arith.constant 128 : i32
    %mul3A_260 = vector.broadcast %mul3A_259 : i32 to vector<16xi32>
    %mul3A_261 = arith.muli %scan3A_257#8, %mul3A_260 : vector<16xi32>
    %add3A_262 = arith.addi %mul3A_261, %iota3A : vector<16xi32>
    %mul3A_263 = arith.constant 128 : i32
    %mul3A_264 = vector.broadcast %mul3A_263 : i32 to vector<16xi32>
    %mul3A_265 = arith.muli %scan3A_257#9, %mul3A_264 : vector<16xi32>
    %add3A_266 = arith.constant 16 : i32
    %add3A_267 = vector.broadcast %add3A_266 : i32 to vector<16xi32>
    %add3A_268 = arith.addi %mul3A_265, %add3A_267 : vector<16xi32>
    %add3A_269 = arith.addi %add3A_268, %iota3A : vector<16xi32>
    %gt3A_270 = arith.cmpf ogt, %scan3A_257#1, %scan3A_257#0 : vector<16xf32>
    %eq3A_271 = arith.cmpf oeq, %scan3A_257#1, %scan3A_257#0 : vector<16xf32>
    %lt3A_272 = arith.cmpi slt, %add3A_269, %add3A_262 : vector<16xi32>
    %and3A_273 = arith.andi %eq3A_271, %lt3A_272 : vector<16xi1>
    %or3A_274 = arith.ori %gt3A_270, %and3A_273 : vector<16xi1>
    %select_n3A_275 = arith.select %or3A_274, %scan3A_257#1, %scan3A_257#0 : vector<16xi1>, vector<16xf32>
    %select_n3A_276 = arith.select %or3A_274, %add3A_269, %add3A_262 : vector<16xi1>, vector<16xi32>
    %mul3A_277 = arith.constant 128 : i32
    %mul3A_278 = vector.broadcast %mul3A_277 : i32 to vector<16xi32>
    %mul3A_279 = arith.muli %scan3A_257#10, %mul3A_278 : vector<16xi32>
    %add3A_280 = arith.constant 32 : i32
    %add3A_281 = vector.broadcast %add3A_280 : i32 to vector<16xi32>
    %add3A_282 = arith.addi %mul3A_279, %add3A_281 : vector<16xi32>
    %add3A_283 = arith.addi %add3A_282, %iota3A : vector<16xi32>
    %gt3A_284 = arith.cmpf ogt, %scan3A_257#2, %select_n3A_275 : vector<16xf32>
    %eq3A_285 = arith.cmpf oeq, %scan3A_257#2, %select_n3A_275 : vector<16xf32>
    %lt3A_286 = arith.cmpi slt, %add3A_283, %select_n3A_276 : vector<16xi32>
    %and3A_287 = arith.andi %eq3A_285, %lt3A_286 : vector<16xi1>
    %or3A_288 = arith.ori %gt3A_284, %and3A_287 : vector<16xi1>
    %select_n3A_289 = arith.select %or3A_288, %scan3A_257#2, %select_n3A_275 : vector<16xi1>, vector<16xf32>
    %select_n3A_290 = arith.select %or3A_288, %add3A_283, %select_n3A_276 : vector<16xi1>, vector<16xi32>
    %mul3A_291 = arith.constant 128 : i32
    %mul3A_292 = vector.broadcast %mul3A_291 : i32 to vector<16xi32>
    %mul3A_293 = arith.muli %scan3A_257#11, %mul3A_292 : vector<16xi32>
    %add3A_294 = arith.constant 48 : i32
    %add3A_295 = vector.broadcast %add3A_294 : i32 to vector<16xi32>
    %add3A_296 = arith.addi %mul3A_293, %add3A_295 : vector<16xi32>
    %add3A_297 = arith.addi %add3A_296, %iota3A : vector<16xi32>
    %gt3A_298 = arith.cmpf ogt, %scan3A_257#3, %select_n3A_289 : vector<16xf32>
    %eq3A_299 = arith.cmpf oeq, %scan3A_257#3, %select_n3A_289 : vector<16xf32>
    %lt3A_300 = arith.cmpi slt, %add3A_297, %select_n3A_290 : vector<16xi32>
    %and3A_301 = arith.andi %eq3A_299, %lt3A_300 : vector<16xi1>
    %or3A_302 = arith.ori %gt3A_298, %and3A_301 : vector<16xi1>
    %select_n3A_303 = arith.select %or3A_302, %scan3A_257#3, %select_n3A_289 : vector<16xi1>, vector<16xf32>
    %select_n3A_304 = arith.select %or3A_302, %add3A_297, %select_n3A_290 : vector<16xi1>, vector<16xi32>
    %mul3A_305 = arith.constant 128 : i32
    %mul3A_306 = vector.broadcast %mul3A_305 : i32 to vector<16xi32>
    %mul3A_307 = arith.muli %scan3A_257#12, %mul3A_306 : vector<16xi32>
    %add3A_308 = arith.constant 64 : i32
    %add3A_309 = vector.broadcast %add3A_308 : i32 to vector<16xi32>
    %add3A_310 = arith.addi %mul3A_307, %add3A_309 : vector<16xi32>
    %add3A_311 = arith.addi %add3A_310, %iota3A : vector<16xi32>
    %gt3A_312 = arith.cmpf ogt, %scan3A_257#4, %select_n3A_303 : vector<16xf32>
    %eq3A_313 = arith.cmpf oeq, %scan3A_257#4, %select_n3A_303 : vector<16xf32>
    %lt3A_314 = arith.cmpi slt, %add3A_311, %select_n3A_304 : vector<16xi32>
    %and3A_315 = arith.andi %eq3A_313, %lt3A_314 : vector<16xi1>
    %or3A_316 = arith.ori %gt3A_312, %and3A_315 : vector<16xi1>
    %select_n3A_317 = arith.select %or3A_316, %scan3A_257#4, %select_n3A_303 : vector<16xi1>, vector<16xf32>
    %select_n3A_318 = arith.select %or3A_316, %add3A_311, %select_n3A_304 : vector<16xi1>, vector<16xi32>
    %mul3A_319 = arith.constant 128 : i32
    %mul3A_320 = vector.broadcast %mul3A_319 : i32 to vector<16xi32>
    %mul3A_321 = arith.muli %scan3A_257#13, %mul3A_320 : vector<16xi32>
    %add3A_322 = arith.constant 80 : i32
    %add3A_323 = vector.broadcast %add3A_322 : i32 to vector<16xi32>
    %add3A_324 = arith.addi %mul3A_321, %add3A_323 : vector<16xi32>
    %add3A_325 = arith.addi %add3A_324, %iota3A : vector<16xi32>
    %gt3A_326 = arith.cmpf ogt, %scan3A_257#5, %select_n3A_317 : vector<16xf32>
    %eq3A_327 = arith.cmpf oeq, %scan3A_257#5, %select_n3A_317 : vector<16xf32>
    %lt3A_328 = arith.cmpi slt, %add3A_325, %select_n3A_318 : vector<16xi32>
    %and3A_329 = arith.andi %eq3A_327, %lt3A_328 : vector<16xi1>
    %or3A_330 = arith.ori %gt3A_326, %and3A_329 : vector<16xi1>
    %select_n3A_331 = arith.select %or3A_330, %scan3A_257#5, %select_n3A_317 : vector<16xi1>, vector<16xf32>
    %select_n3A_332 = arith.select %or3A_330, %add3A_325, %select_n3A_318 : vector<16xi1>, vector<16xi32>
    %mul3A_333 = arith.constant 128 : i32
    %mul3A_334 = vector.broadcast %mul3A_333 : i32 to vector<16xi32>
    %mul3A_335 = arith.muli %scan3A_257#14, %mul3A_334 : vector<16xi32>
    %add3A_336 = arith.constant 96 : i32
    %add3A_337 = vector.broadcast %add3A_336 : i32 to vector<16xi32>
    %add3A_338 = arith.addi %mul3A_335, %add3A_337 : vector<16xi32>
    %add3A_339 = arith.addi %add3A_338, %iota3A : vector<16xi32>
    %gt3A_340 = arith.cmpf ogt, %scan3A_257#6, %select_n3A_331 : vector<16xf32>
    %eq3A_341 = arith.cmpf oeq, %scan3A_257#6, %select_n3A_331 : vector<16xf32>
    %lt3A_342 = arith.cmpi slt, %add3A_339, %select_n3A_332 : vector<16xi32>
    %and3A_343 = arith.andi %eq3A_341, %lt3A_342 : vector<16xi1>
    %or3A_344 = arith.ori %gt3A_340, %and3A_343 : vector<16xi1>
    %select_n3A_345 = arith.select %or3A_344, %scan3A_257#6, %select_n3A_331 : vector<16xi1>, vector<16xf32>
    %select_n3A_346 = arith.select %or3A_344, %add3A_339, %select_n3A_332 : vector<16xi1>, vector<16xi32>
    %mul3A_347 = arith.constant 128 : i32
    %mul3A_348 = vector.broadcast %mul3A_347 : i32 to vector<16xi32>
    %mul3A_349 = arith.muli %scan3A_257#15, %mul3A_348 : vector<16xi32>
    %add3A_350 = arith.constant 112 : i32
    %add3A_351 = vector.broadcast %add3A_350 : i32 to vector<16xi32>
    %add3A_352 = arith.addi %mul3A_349, %add3A_351 : vector<16xi32>
    %add3A_353 = arith.addi %add3A_352, %iota3A : vector<16xi32>
    %gt3A_354 = arith.cmpf ogt, %scan3A_257#7, %select_n3A_345 : vector<16xf32>
    %eq3A_355 = arith.cmpf oeq, %scan3A_257#7, %select_n3A_345 : vector<16xf32>
    %lt3A_356 = arith.cmpi slt, %add3A_353, %select_n3A_346 : vector<16xi32>
    %and3A_357 = arith.andi %eq3A_355, %lt3A_356 : vector<16xi1>
    %or3A_358 = arith.ori %gt3A_354, %and3A_357 : vector<16xi1>
    %select_n3A_359 = arith.select %or3A_358, %scan3A_257#7, %select_n3A_345 : vector<16xi1>, vector<16xf32>
    %select_n3A_360 = arith.select %or3A_358, %add3A_353, %select_n3A_346 : vector<16xi1>, vector<16xi32>
    %swap3A_361 = arith.constant 1 : i32
    %swap3A_362 = arith.index_cast %swap3A_361 : i32 to index
    %swap3A_363 = arith.constant 0 : index
    %swap3A_364 = tpu.vector_load %arg6[%swap3A_362, %swap3A_363] {strides = array<i32>} : memref<8x16xf32, #tpu.memory_space<vmem>>, vector<1x16xf32>,
    %swap3A_365 = vector.shape_cast %swap3A_364 : vector<1x16xf32> to vector<16xf32>
    %swap3A_366 = vector.shape_cast %select_n3A_359 : vector<16xf32> to vector<1x16xf32>
    tpu.vector_store %arg6[%swap3A_362, %swap3A_363], %swap3A_366 {strides = array<i32>} : memref<8x16xf32, #tpu.memory_space<vmem>>, vector<1x16xf32>,
    %swap3A_367 = arith.constant 1 : i32
    %swap3A_368 = arith.index_cast %swap3A_367 : i32 to index
    %swap3A_369 = arith.constant 0 : index
    %swap3A_370 = tpu.vector_load %arg7[%swap3A_368, %swap3A_369] {strides = array<i32>} : memref<8x16xi32, #tpu.memory_space<vmem>>, vector<1x16xi32>,
    %swap3A_371 = vector.shape_cast %swap3A_370 : vector<1x16xi32> to vector<16xi32>
    %swap3A_372 = vector.shape_cast %select_n3A_360 : vector<16xi32> to vector<1x16xi32>
    tpu.vector_store %arg7[%swap3A_368, %swap3A_369], %swap3A_372 {strides = array<i32>} : memref<8x16xi32, #tpu.memory_space<vmem>>, vector<1x16xi32>,
    %add3A_373 = arith.constant 2 : i32
    %add3A_374 = arith.addi %add3A_4, %add3A_373 : i32
    %add3A_375 = arith.constant 1 : i32
    %add3A_376 = arith.addi %add3A_374, %add3A_375 : i32
    %dma_start3A_377 = arith.constant 1 : i32
    %dma_start3A_378 = arith.constant 0 : i32
    %dma_start3A_379 = tpu.memref_slice %arg5[%dma_start3A_377, %dma_start3A_378] : memref<2x32768xf32, #tpu.memory_space<vmem>> -> memref<1x32768xf32, #tpu.memory_space<vmem>>
    %dma_start3A_380 = tpu.memref_squeeze %dma_start3A_379 : memref<1x32768xf32, #tpu.memory_space<vmem>> -> memref<32768xf32, #tpu.memory_space<vmem>>
    %dma_start3A_381 = arith.constant 0 : i32
    %dma_start3A_382 = tpu.memref_slice %arg2[%add3A_376, %dma_start3A_381] : memref<576x32768xf32, #tpu.memory_space<hbm>> -> memref<1x32768xf32, #tpu.memory_space<hbm>>
    %dma_start3A_383 = tpu.memref_squeeze %dma_start3A_382 : memref<1x32768xf32, #tpu.memory_space<hbm>> -> memref<32768xf32, #tpu.memory_space<hbm>>
    %dma_start3A_384 = arith.constant 0 : i32
    %dma_start3A_385 = tpu.memref_slice %arg5[%dma_start3A_377, %dma_start3A_384] : memref<2x32768xf32, #tpu.memory_space<vmem>> -> memref<1x32768xf32, #tpu.memory_space<vmem>>
    %dma_start3A_386 = tpu.memref_squeeze %dma_start3A_385 : memref<1x32768xf32, #tpu.memory_space<vmem>> -> memref<32768xf32, #tpu.memory_space<vmem>>
    %dma_start3A_387 = arith.constant 0 : i32
    %dma_start3A_388 = tpu.memref_slice %arg2[%add3A_376, %dma_start3A_387] : memref<576x32768xf32, #tpu.memory_space<hbm>> -> memref<1x32768xf32, #tpu.memory_space<hbm>>
    %dma_start3A_389 = tpu.memref_squeeze %dma_start3A_388 : memref<1x32768xf32, #tpu.memory_space<hbm>> -> memref<32768xf32, #tpu.memory_space<hbm>>
    tpu.enqueue_dma source(%dma_start3A_389 : memref<32768xf32, #tpu.memory_space<hbm>>) target(%dma_start3A_386 : memref<32768xf32, #tpu.memory_space<vmem>>) target_semaphore(%arg9 : memref<!tpu.dma_semaphore, #tpu.memory_space<semaphore_mem>>)
    %dma_wait3A_390 = arith.constant 0 : i32
    %dma_wait3A_391 = arith.constant 0 : i32
    %dma_wait3A_392 = tpu.memref_slice %arg5[%dma_wait3A_390, %dma_wait3A_391] : memref<2x32768xf32, #tpu.memory_space<vmem>> -> memref<1x32768xf32, #tpu.memory_space<vmem>>
    %dma_wait3A_393 = tpu.memref_squeeze %dma_wait3A_392 : memref<1x32768xf32, #tpu.memory_space<vmem>> -> memref<32768xf32, #tpu.memory_space<vmem>>
    %dma_wait3A_394 = arith.constant 0 : i32
    %dma_wait3A_395 = tpu.memref_slice %arg2[%add3A_193, %dma_wait3A_394] : memref<576x32768xf32, #tpu.memory_space<hbm>> -> memref<1x32768xf32, #tpu.memory_space<hbm>>
    %dma_wait3A_396 = tpu.memref_squeeze %dma_wait3A_395 : memref<1x32768xf32, #tpu.memory_space<hbm>> -> memref<32768xf32, #tpu.memory_space<hbm>>
    %dma_wait3A_397 = arith.constant 0 : i32
    %dma_wait3A_398 = tpu.memref_slice %arg5[%dma_wait3A_390, %dma_wait3A_397] : memref<2x32768xf32, #tpu.memory_space<vmem>> -> memref<1x32768xf32, #tpu.memory_space<vmem>>
    %dma_wait3A_399 = tpu.memref_squeeze %dma_wait3A_398 : memref<1x32768xf32, #tpu.memory_space<vmem>> -> memref<32768xf32, #tpu.memory_space<vmem>>
    %dma_wait3A_400 = arith.constant 0 : i32
    %dma_wait3A_401 = tpu.memref_slice %arg2[%add3A_193, %dma_wait3A_400] : memref<576x32768xf32, #tpu.memory_space<hbm>> -> memref<1x32768xf32, #tpu.memory_space<hbm>>
    %dma_wait3A_402 = tpu.memref_squeeze %dma_wait3A_401 : memref<1x32768xf32, #tpu.memory_space<hbm>> -> memref<32768xf32, #tpu.memory_space<hbm>>
    tpu.wait_dma2 semaphore(%arg8 : memref<!tpu.dma_semaphore, #tpu.memory_space<semaphore_mem>>) src(%dma_wait3A_402 : memref<32768xf32, #tpu.memory_space<hbm>>) dst(%dma_wait3A_399 : memref<32768xf32, #tpu.memory_space<vmem>>)
    %broadcast_in_dim3A_403 = arith.constant 0xFF800000 : f32
    %broadcast_in_dim3A_404 = vector.broadcast %broadcast_in_dim3A_403 : f32 to vector<16xf32>
    %broadcast_in_dim3A_405 = arith.constant 0xFF800000 : f32
    %broadcast_in_dim3A_406 = vector.broadcast %broadcast_in_dim3A_405 : f32 to vector<16xf32>
    %broadcast_in_dim3A_407 = arith.constant 0xFF800000 : f32
    %broadcast_in_dim3A_408 = vector.broadcast %broadcast_in_dim3A_407 : f32 to vector<16xf32>
    %broadcast_in_dim3A_409 = arith.constant 0xFF800000 : f32
    %broadcast_in_dim3A_410 = vector.broadcast %broadcast_in_dim3A_409 : f32 to vector<16xf32>
    %broadcast_in_dim3A_411 = arith.constant 0xFF800000 : f32
    %broadcast_in_dim3A_412 = vector.broadcast %broadcast_in_dim3A_411 : f32 to vector<16xf32>
    %broadcast_in_dim3A_413 = arith.constant 0xFF800000 : f32
    %broadcast_in_dim3A_414 = vector.broadcast %broadcast_in_dim3A_413 : f32 to vector<16xf32>
    %broadcast_in_dim3A_415 = arith.constant 0xFF800000 : f32
    %broadcast_in_dim3A_416 = vector.broadcast %broadcast_in_dim3A_415 : f32 to vector<16xf32>
    %broadcast_in_dim3A_417 = arith.constant 0xFF800000 : f32
    %broadcast_in_dim3A_418 = vector.broadcast %broadcast_in_dim3A_417 : f32 to vector<16xf32>
    %broadcast_in_dim3A_419 = arith.constant 0 : i32
    %broadcast_in_dim3A_420 = vector.broadcast %broadcast_in_dim3A_419 : i32 to vector<16xi32>
    %broadcast_in_dim3A_421 = arith.constant 0 : i32
    %broadcast_in_dim3A_422 = vector.broadcast %broadcast_in_dim3A_421 : i32 to vector<16xi32>
    %broadcast_in_dim3A_423 = arith.constant 0 : i32
    %broadcast_in_dim3A_424 = vector.broadcast %broadcast_in_dim3A_423 : i32 to vector<16xi32>
    %broadcast_in_dim3A_425 = arith.constant 0 : i32
    %broadcast_in_dim3A_426 = vector.broadcast %broadcast_in_dim3A_425 : i32 to vector<16xi32>
    %broadcast_in_dim3A_427 = arith.constant 0 : i32
    %broadcast_in_dim3A_428 = vector.broadcast %broadcast_in_dim3A_427 : i32 to vector<16xi32>
    %broadcast_in_dim3A_429 = arith.constant 0 : i32
    %broadcast_in_dim3A_430 = vector.broadcast %broadcast_in_dim3A_429 : i32 to vector<16xi32>
    %broadcast_in_dim3A_431 = arith.constant 0 : i32
    %broadcast_in_dim3A_432 = vector.broadcast %broadcast_in_dim3A_431 : i32 to vector<16xi32>
    %broadcast_in_dim3A_433 = arith.constant 0 : i32
    %broadcast_in_dim3A_434 = vector.broadcast %broadcast_in_dim3A_433 : i32 to vector<16xi32>
    %scan3A_435 = arith.constant 0 : i32
    %scan3A_436 = arith.constant 0 : i32
    %scan3A_437 = arith.constant 256 : i32
    %scan3A_438 = arith.addi %scan3A_436, %scan3A_437 : i32
    %scan3A_439 = arith.constant 1 : i32
    %scan3A_440:16 = scf.for %scan3A_1458 = %scan3A_436 to %scan3A_438 step %scan3A_439 iter_args(%scan3A_1459 = %broadcast_in_dim3A_404, %scan3A_1460 = %broadcast_in_dim3A_406, %scan3A_1461 = %broadcast_in_dim3A_408, %scan3A_1462 = %broadcast_in_dim3A_410, %scan3A_1463 = %broadcast_in_dim3A_412, %scan3A_1464 = %broadcast_in_dim3A_414, %scan3A_1465 = %broadcast_in_dim3A_416, %scan3A_1466 = %broadcast_in_dim3A_418, %scan3A_1467 = %broadcast_in_dim3A_420, %scan3A_1468 = %broadcast_in_dim3A_422, %scan3A_1469 = %broadcast_in_dim3A_424, %scan3A_1470 = %broadcast_in_dim3A_426, %scan3A_1471 = %broadcast_in_dim3A_428, %scan3A_1472 = %broadcast_in_dim3A_430, %scan3A_1473 = %broadcast_in_dim3A_432, %scan3A_1474 = %broadcast_in_dim3A_434) -> (vector<16xf32>, vector<16xf32>, vector<16xf32>, vector<16xf32>, vector<16xf32>, vector<16xf32>, vector<16xf32>, vector<16xf32>, vector<16xi32>, vector<16xi32>, vector<16xi32>, vector<16xi32>, vector<16xi32>, vector<16xi32>, vector<16xi32>, vector<16xi32>)  : i32 {
      %mul3A_1475 = arith.constant 8 : i32
      %mul3A_1476 = arith.muli %scan3A_1458, %mul3A_1475 : i32
      %add3A_1477 = arith.constant 0 : i32
      %add3A_1478 = arith.addi %mul3A_1476, %add3A_1477 : i32
      %mul3A_1479 = arith.constant 16 : i32
      %mul3A_1480 = arith.muli %add3A_1478, %mul3A_1479 : i32
      %get3A = arith.constant 0 : i32
      %get3A_1481 = tpu.memref_slice %arg5[%scan3A_435, %get3A] : memref<2x32768xf32, #tpu.memory_space<vmem>> -> memref<1x32768xf32, #tpu.memory_space<vmem>>
      %get3A_1482 = tpu.memref_squeeze %get3A_1481 : memref<1x32768xf32, #tpu.memory_space<vmem>> -> memref<32768xf32, #tpu.memory_space<vmem>>
      %get3A_1483 = arith.index_cast %mul3A_1480 : i32 to index
      %get3A_1484 = tpu.vector_load %get3A_1482[%get3A_1483] {strides = array<i32>} : memref<32768xf32, #tpu.memory_space<vmem>>, vector<16xf32>,
      %get3A_1485 = vector.shape_cast %get3A_1484 : vector<16xf32> to vector<16xf32>
      %gt3A_1486 = arith.cmpf ogt, %get3A_1485, %scan3A_1459 : vector<16xf32>
      %select_n3A_1487 = arith.select %gt3A_1486, %get3A_1485, %scan3A_1459 : vector<16xi1>, vector<16xf32>
      %broadcast_in_dim3A_1488 = vector.broadcast %scan3A_1458 : i32 to vector<16xi32>
      %select_n3A_1489 = arith.select %gt3A_1486, %broadcast_in_dim3A_1488, %scan3A_1467 : vector<16xi1>, vector<16xi32>
      %mul3A_1490 = arith.constant 8 : i32
      %mul3A_1491 = arith.muli %scan3A_1458, %mul3A_1490 : i32
      %add3A_1492 = arith.constant 1 : i32
      %add3A_1493 = arith.addi %mul3A_1491, %add3A_1492 : i32
      %mul3A_1494 = arith.constant 16 : i32
      %mul3A_1495 = arith.muli %add3A_1493, %mul3A_1494 : i32
      %get3A_1496 = arith.constant 0 : i32
      %get3A_1497 = tpu.memref_slice %arg5[%scan3A_435, %get3A_1496] : memref<2x32768xf32, #tpu.memory_space<vmem>> -> memref<1x32768xf32, #tpu.memory_space<vmem>>
      %get3A_1498 = tpu.memref_squeeze %get3A_1497 : memref<1x32768xf32, #tpu.memory_space<vmem>> -> memref<32768xf32, #tpu.memory_space<vmem>>
      %get3A_1499 = arith.index_cast %mul3A_1495 : i32 to index
      %get3A_1500 = tpu.vector_load %get3A_1498[%get3A_1499] {strides = array<i32>} : memref<32768xf32, #tpu.memory_space<vmem>>, vector<16xf32>,
      %get3A_1501 = vector.shape_cast %get3A_1500 : vector<16xf32> to vector<16xf32>
      %gt3A_1502 = arith.cmpf ogt, %get3A_1501, %scan3A_1460 : vector<16xf32>
      %select_n3A_1503 = arith.select %gt3A_1502, %get3A_1501, %scan3A_1460 : vector<16xi1>, vector<16xf32>
      %broadcast_in_dim3A_1504 = vector.broadcast %scan3A_1458 : i32 to vector<16xi32>
      %select_n3A_1505 = arith.select %gt3A_1502, %broadcast_in_dim3A_1504, %scan3A_1468 : vector<16xi1>, vector<16xi32>
      %mul3A_1506 = arith.constant 8 : i32
      %mul3A_1507 = arith.muli %scan3A_1458, %mul3A_1506 : i32
      %add3A_1508 = arith.constant 2 : i32
      %add3A_1509 = arith.addi %mul3A_1507, %add3A_1508 : i32
      %mul3A_1510 = arith.constant 16 : i32
      %mul3A_1511 = arith.muli %add3A_1509, %mul3A_1510 : i32
      %get3A_1512 = arith.constant 0 : i32
      %get3A_1513 = tpu.memref_slice %arg5[%scan3A_435, %get3A_1512] : memref<2x32768xf32, #tpu.memory_space<vmem>> -> memref<1x32768xf32, #tpu.memory_space<vmem>>
      %get3A_1514 = tpu.memref_squeeze %get3A_1513 : memref<1x32768xf32, #tpu.memory_space<vmem>> -> memref<32768xf32, #tpu.memory_space<vmem>>
      %get3A_1515 = arith.index_cast %mul3A_1511 : i32 to index
      %get3A_1516 = tpu.vector_load %get3A_1514[%get3A_1515] {strides = array<i32>} : memref<32768xf32, #tpu.memory_space<vmem>>, vector<16xf32>,
      %get3A_1517 = vector.shape_cast %get3A_1516 : vector<16xf32> to vector<16xf32>
      %gt3A_1518 = arith.cmpf ogt, %get3A_1517, %scan3A_1461 : vector<16xf32>
      %select_n3A_1519 = arith.select %gt3A_1518, %get3A_1517, %scan3A_1461 : vector<16xi1>, vector<16xf32>
      %broadcast_in_dim3A_1520 = vector.broadcast %scan3A_1458 : i32 to vector<16xi32>
      %select_n3A_1521 = arith.select %gt3A_1518, %broadcast_in_dim3A_1520, %scan3A_1469 : vector<16xi1>, vector<16xi32>
      %mul3A_1522 = arith.constant 8 : i32
      %mul3A_1523 = arith.muli %scan3A_1458, %mul3A_1522 : i32
      %add3A_1524 = arith.constant 3 : i32
      %add3A_1525 = arith.addi %mul3A_1523, %add3A_1524 : i32
      %mul3A_1526 = arith.constant 16 : i32
      %mul3A_1527 = arith.muli %add3A_1525, %mul3A_1526 : i32
      %get3A_1528 = arith.constant 0 : i32
      %get3A_1529 = tpu.memref_slice %arg5[%scan3A_435, %get3A_1528] : memref<2x32768xf32, #tpu.memory_space<vmem>> -> memref<1x32768xf32, #tpu.memory_space<vmem>>
      %get3A_1530 = tpu.memref_squeeze %get3A_1529 : memref<1x32768xf32, #tpu.memory_space<vmem>> -> memref<32768xf32, #tpu.memory_space<vmem>>
      %get3A_1531 = arith.index_cast %mul3A_1527 : i32 to index
      %get3A_1532 = tpu.vector_load %get3A_1530[%get3A_1531] {strides = array<i32>} : memref<32768xf32, #tpu.memory_space<vmem>>, vector<16xf32>,
      %get3A_1533 = vector.shape_cast %get3A_1532 : vector<16xf32> to vector<16xf32>
      %gt3A_1534 = arith.cmpf ogt, %get3A_1533, %scan3A_1462 : vector<16xf32>
      %select_n3A_1535 = arith.select %gt3A_1534, %get3A_1533, %scan3A_1462 : vector<16xi1>, vector<16xf32>
      %broadcast_in_dim3A_1536 = vector.broadcast %scan3A_1458 : i32 to vector<16xi32>
      %select_n3A_1537 = arith.select %gt3A_1534, %broadcast_in_dim3A_1536, %scan3A_1470 : vector<16xi1>, vector<16xi32>
      %mul3A_1538 = arith.constant 8 : i32
      %mul3A_1539 = arith.muli %scan3A_1458, %mul3A_1538 : i32
      %add3A_1540 = arith.constant 4 : i32
      %add3A_1541 = arith.addi %mul3A_1539, %add3A_1540 : i32
      %mul3A_1542 = arith.constant 16 : i32
      %mul3A_1543 = arith.muli %add3A_1541, %mul3A_1542 : i32
      %get3A_1544 = arith.constant 0 : i32
      %get3A_1545 = tpu.memref_slice %arg5[%scan3A_435, %get3A_1544] : memref<2x32768xf32, #tpu.memory_space<vmem>> -> memref<1x32768xf32, #tpu.memory_space<vmem>>
      %get3A_1546 = tpu.memref_squeeze %get3A_1545 : memref<1x32768xf32, #tpu.memory_space<vmem>> -> memref<32768xf32, #tpu.memory_space<vmem>>
      %get3A_1547 = arith.index_cast %mul3A_1543 : i32 to index
      %get3A_1548 = tpu.vector_load %get3A_1546[%get3A_1547] {strides = array<i32>} : memref<32768xf32, #tpu.memory_space<vmem>>, vector<16xf32>,
      %get3A_1549 = vector.shape_cast %get3A_1548 : vector<16xf32> to vector<16xf32>
      %gt3A_1550 = arith.cmpf ogt, %get3A_1549, %scan3A_1463 : vector<16xf32>
      %select_n3A_1551 = arith.select %gt3A_1550, %get3A_1549, %scan3A_1463 : vector<16xi1>, vector<16xf32>
      %broadcast_in_dim3A_1552 = vector.broadcast %scan3A_1458 : i32 to vector<16xi32>
      %select_n3A_1553 = arith.select %gt3A_1550, %broadcast_in_dim3A_1552, %scan3A_1471 : vector<16xi1>, vector<16xi32>
      %mul3A_1554 = arith.constant 8 : i32
      %mul3A_1555 = arith.muli %scan3A_1458, %mul3A_1554 : i32
      %add3A_1556 = arith.constant 5 : i32
      %add3A_1557 = arith.addi %mul3A_1555, %add3A_1556 : i32
      %mul3A_1558 = arith.constant 16 : i32
      %mul3A_1559 = arith.muli %add3A_1557, %mul3A_1558 : i32
      %get3A_1560 = arith.constant 0 : i32
      %get3A_1561 = tpu.memref_slice %arg5[%scan3A_435, %get3A_1560] : memref<2x32768xf32, #tpu.memory_space<vmem>> -> memref<1x32768xf32, #tpu.memory_space<vmem>>
      %get3A_1562 = tpu.memref_squeeze %get3A_1561 : memref<1x32768xf32, #tpu.memory_space<vmem>> -> memref<32768xf32, #tpu.memory_space<vmem>>
      %get3A_1563 = arith.index_cast %mul3A_1559 : i32 to index
      %get3A_1564 = tpu.vector_load %get3A_1562[%get3A_1563] {strides = array<i32>} : memref<32768xf32, #tpu.memory_space<vmem>>, vector<16xf32>,
      %get3A_1565 = vector.shape_cast %get3A_1564 : vector<16xf32> to vector<16xf32>
      %gt3A_1566 = arith.cmpf ogt, %get3A_1565, %scan3A_1464 : vector<16xf32>
      %select_n3A_1567 = arith.select %gt3A_1566, %get3A_1565, %scan3A_1464 : vector<16xi1>, vector<16xf32>
      %broadcast_in_dim3A_1568 = vector.broadcast %scan3A_1458 : i32 to vector<16xi32>
      %select_n3A_1569 = arith.select %gt3A_1566, %broadcast_in_dim3A_1568, %scan3A_1472 : vector<16xi1>, vector<16xi32>
      %mul3A_1570 = arith.constant 8 : i32
      %mul3A_1571 = arith.muli %scan3A_1458, %mul3A_1570 : i32
      %add3A_1572 = arith.constant 6 : i32
      %add3A_1573 = arith.addi %mul3A_1571, %add3A_1572 : i32
      %mul3A_1574 = arith.constant 16 : i32
      %mul3A_1575 = arith.muli %add3A_1573, %mul3A_1574 : i32
      %get3A_1576 = arith.constant 0 : i32
      %get3A_1577 = tpu.memref_slice %arg5[%scan3A_435, %get3A_1576] : memref<2x32768xf32, #tpu.memory_space<vmem>> -> memref<1x32768xf32, #tpu.memory_space<vmem>>
      %get3A_1578 = tpu.memref_squeeze %get3A_1577 : memref<1x32768xf32, #tpu.memory_space<vmem>> -> memref<32768xf32, #tpu.memory_space<vmem>>
      %get3A_1579 = arith.index_cast %mul3A_1575 : i32 to index
      %get3A_1580 = tpu.vector_load %get3A_1578[%get3A_1579] {strides = array<i32>} : memref<32768xf32, #tpu.memory_space<vmem>>, vector<16xf32>,
      %get3A_1581 = vector.shape_cast %get3A_1580 : vector<16xf32> to vector<16xf32>
      %gt3A_1582 = arith.cmpf ogt, %get3A_1581, %scan3A_1465 : vector<16xf32>
      %select_n3A_1583 = arith.select %gt3A_1582, %get3A_1581, %scan3A_1465 : vector<16xi1>, vector<16xf32>
      %broadcast_in_dim3A_1584 = vector.broadcast %scan3A_1458 : i32 to vector<16xi32>
      %select_n3A_1585 = arith.select %gt3A_1582, %broadcast_in_dim3A_1584, %scan3A_1473 : vector<16xi1>, vector<16xi32>
      %mul3A_1586 = arith.constant 8 : i32
      %mul3A_1587 = arith.muli %scan3A_1458, %mul3A_1586 : i32
      %add3A_1588 = arith.constant 7 : i32
      %add3A_1589 = arith.addi %mul3A_1587, %add3A_1588 : i32
      %mul3A_1590 = arith.constant 16 : i32
      %mul3A_1591 = arith.muli %add3A_1589, %mul3A_1590 : i32
      %get3A_1592 = arith.constant 0 : i32
      %get3A_1593 = tpu.memref_slice %arg5[%scan3A_435, %get3A_1592] : memref<2x32768xf32, #tpu.memory_space<vmem>> -> memref<1x32768xf32, #tpu.memory_space<vmem>>
      %get3A_1594 = tpu.memref_squeeze %get3A_1593 : memref<1x32768xf32, #tpu.memory_space<vmem>> -> memref<32768xf32, #tpu.memory_space<vmem>>
      %get3A_1595 = arith.index_cast %mul3A_1591 : i32 to index
      %get3A_1596 = tpu.vector_load %get3A_1594[%get3A_1595] {strides = array<i32>} : memref<32768xf32, #tpu.memory_space<vmem>>, vector<16xf32>,
      %get3A_1597 = vector.shape_cast %get3A_1596 : vector<16xf32> to vector<16xf32>
      %gt3A_1598 = arith.cmpf ogt, %get3A_1597, %scan3A_1466 : vector<16xf32>
      %select_n3A_1599 = arith.select %gt3A_1598, %get3A_1597, %scan3A_1466 : vector<16xi1>, vector<16xf32>
      %broadcast_in_dim3A_1600 = vector.broadcast %scan3A_1458 : i32 to vector<16xi32>
      %select_n3A_1601 = arith.select %gt3A_1598, %broadcast_in_dim3A_1600, %scan3A_1474 : vector<16xi1>, vector<16xi32>
      scf.yield %select_n3A_1487, %select_n3A_1503, %select_n3A_1519, %select_n3A_1535, %select_n3A_1551, %select_n3A_1567, %select_n3A_1583, %select_n3A_1599, %select_n3A_1489, %select_n3A_1505, %select_n3A_1521, %select_n3A_1537, %select_n3A_1553, %select_n3A_1569, %select_n3A_1585, %select_n3A_1601 : vector<16xf32>, vector<16xf32>, vector<16xf32>, vector<16xf32>, vector<16xf32>, vector<16xf32>, vector<16xf32>, vector<16xf32>, vector<16xi32>, vector<16xi32>, vector<16xi32>, vector<16xi32>, vector<16xi32>, vector<16xi32>, vector<16xi32>, vector<16xi32>
    }
    %scan3A_441 = arith.constant 256 : i32
    %mul3A_442 = arith.constant 128 : i32
    %mul3A_443 = vector.broadcast %mul3A_442 : i32 to vector<16xi32>
    %mul3A_444 = arith.muli %scan3A_440#8, %mul3A_443 : vector<16xi32>
    %add3A_445 = arith.addi %mul3A_444, %iota3A : vector<16xi32>
    %mul3A_446 = arith.constant 128 : i32
    %mul3A_447 = vector.broadcast %mul3A_446 : i32 to vector<16xi32>
    %mul3A_448 = arith.muli %scan3A_440#9, %mul3A_447 : vector<16xi32>
    %add3A_449 = arith.constant 16 : i32
    %add3A_450 = vector.broadcast %add3A_449 : i32 to vector<16xi32>
    %add3A_451 = arith.addi %mul3A_448, %add3A_450 : vector<16xi32>
    %add3A_452 = arith.addi %add3A_451, %iota3A : vector<16xi32>
    %gt3A_453 = arith.cmpf ogt, %scan3A_440#1, %scan3A_440#0 : vector<16xf32>
    %eq3A_454 = arith.cmpf oeq, %scan3A_440#1, %scan3A_440#0 : vector<16xf32>
    %lt3A_455 = arith.cmpi slt, %add3A_452, %add3A_445 : vector<16xi32>
    %and3A_456 = arith.andi %eq3A_454, %lt3A_455 : vector<16xi1>
    %or3A_457 = arith.ori %gt3A_453, %and3A_456 : vector<16xi1>
    %select_n3A_458 = arith.select %or3A_457, %scan3A_440#1, %scan3A_440#0 : vector<16xi1>, vector<16xf32>
    %select_n3A_459 = arith.select %or3A_457, %add3A_452, %add3A_445 : vector<16xi1>, vector<16xi32>
    %mul3A_460 = arith.constant 128 : i32
    %mul3A_461 = vector.broadcast %mul3A_460 : i32 to vector<16xi32>
    %mul3A_462 = arith.muli %scan3A_440#10, %mul3A_461 : vector<16xi32>
    %add3A_463 = arith.constant 32 : i32
    %add3A_464 = vector.broadcast %add3A_463 : i32 to vector<16xi32>
    %add3A_465 = arith.addi %mul3A_462, %add3A_464 : vector<16xi32>
    %add3A_466 = arith.addi %add3A_465, %iota3A : vector<16xi32>
    %gt3A_467 = arith.cmpf ogt, %scan3A_440#2, %select_n3A_458 : vector<16xf32>
    %eq3A_468 = arith.cmpf oeq, %scan3A_440#2, %select_n3A_458 : vector<16xf32>
    %lt3A_469 = arith.cmpi slt, %add3A_466, %select_n3A_459 : vector<16xi32>
    %and3A_470 = arith.andi %eq3A_468, %lt3A_469 : vector<16xi1>
    %or3A_471 = arith.ori %gt3A_467, %and3A_470 : vector<16xi1>
    %select_n3A_472 = arith.select %or3A_471, %scan3A_440#2, %select_n3A_458 : vector<16xi1>, vector<16xf32>
    %select_n3A_473 = arith.select %or3A_471, %add3A_466, %select_n3A_459 : vector<16xi1>, vector<16xi32>
    %mul3A_474 = arith.constant 128 : i32
    %mul3A_475 = vector.broadcast %mul3A_474 : i32 to vector<16xi32>
    %mul3A_476 = arith.muli %scan3A_440#11, %mul3A_475 : vector<16xi32>
    %add3A_477 = arith.constant 48 : i32
    %add3A_478 = vector.broadcast %add3A_477 : i32 to vector<16xi32>
    %add3A_479 = arith.addi %mul3A_476, %add3A_478 : vector<16xi32>
    %add3A_480 = arith.addi %add3A_479, %iota3A : vector<16xi32>
    %gt3A_481 = arith.cmpf ogt, %scan3A_440#3, %select_n3A_472 : vector<16xf32>
    %eq3A_482 = arith.cmpf oeq, %scan3A_440#3, %select_n3A_472 : vector<16xf32>
    %lt3A_483 = arith.cmpi slt, %add3A_480, %select_n3A_473 : vector<16xi32>
    %and3A_484 = arith.andi %eq3A_482, %lt3A_483 : vector<16xi1>
    %or3A_485 = arith.ori %gt3A_481, %and3A_484 : vector<16xi1>
    %select_n3A_486 = arith.select %or3A_485, %scan3A_440#3, %select_n3A_472 : vector<16xi1>, vector<16xf32>
    %select_n3A_487 = arith.select %or3A_485, %add3A_480, %select_n3A_473 : vector<16xi1>, vector<16xi32>
    %mul3A_488 = arith.constant 128 : i32
    %mul3A_489 = vector.broadcast %mul3A_488 : i32 to vector<16xi32>
    %mul3A_490 = arith.muli %scan3A_440#12, %mul3A_489 : vector<16xi32>
    %add3A_491 = arith.constant 64 : i32
    %add3A_492 = vector.broadcast %add3A_491 : i32 to vector<16xi32>
    %add3A_493 = arith.addi %mul3A_490, %add3A_492 : vector<16xi32>
    %add3A_494 = arith.addi %add3A_493, %iota3A : vector<16xi32>
    %gt3A_495 = arith.cmpf ogt, %scan3A_440#4, %select_n3A_486 : vector<16xf32>
    %eq3A_496 = arith.cmpf oeq, %scan3A_440#4, %select_n3A_486 : vector<16xf32>
    %lt3A_497 = arith.cmpi slt, %add3A_494, %select_n3A_487 : vector<16xi32>
    %and3A_498 = arith.andi %eq3A_496, %lt3A_497 : vector<16xi1>
    %or3A_499 = arith.ori %gt3A_495, %and3A_498 : vector<16xi1>
    %select_n3A_500 = arith.select %or3A_499, %scan3A_440#4, %select_n3A_486 : vector<16xi1>, vector<16xf32>
    %select_n3A_501 = arith.select %or3A_499, %add3A_494, %select_n3A_487 : vector<16xi1>, vector<16xi32>
    %mul3A_502 = arith.constant 128 : i32
    %mul3A_503 = vector.broadcast %mul3A_502 : i32 to vector<16xi32>
    %mul3A_504 = arith.muli %scan3A_440#13, %mul3A_503 : vector<16xi32>
    %add3A_505 = arith.constant 80 : i32
    %add3A_506 = vector.broadcast %add3A_505 : i32 to vector<16xi32>
    %add3A_507 = arith.addi %mul3A_504, %add3A_506 : vector<16xi32>
    %add3A_508 = arith.addi %add3A_507, %iota3A : vector<16xi32>
    %gt3A_509 = arith.cmpf ogt, %scan3A_440#5, %select_n3A_500 : vector<16xf32>
    %eq3A_510 = arith.cmpf oeq, %scan3A_440#5, %select_n3A_500 : vector<16xf32>
    %lt3A_511 = arith.cmpi slt, %add3A_508, %select_n3A_501 : vector<16xi32>
    %and3A_512 = arith.andi %eq3A_510, %lt3A_511 : vector<16xi1>
    %or3A_513 = arith.ori %gt3A_509, %and3A_512 : vector<16xi1>
    %select_n3A_514 = arith.select %or3A_513, %scan3A_440#5, %select_n3A_500 : vector<16xi1>, vector<16xf32>
    %select_n3A_515 = arith.select %or3A_513, %add3A_508, %select_n3A_501 : vector<16xi1>, vector<16xi32>
    %mul3A_516 = arith.constant 128 : i32
    %mul3A_517 = vector.broadcast %mul3A_516 : i32 to vector<16xi32>
    %mul3A_518 = arith.muli %scan3A_440#14, %mul3A_517 : vector<16xi32>
    %add3A_519 = arith.constant 96 : i32
    %add3A_520 = vector.broadcast %add3A_519 : i32 to vector<16xi32>
    %add3A_521 = arith.addi %mul3A_518, %add3A_520 : vector<16xi32>
    %add3A_522 = arith.addi %add3A_521, %iota3A : vector<16xi32>
    %gt3A_523 = arith.cmpf ogt, %scan3A_440#6, %select_n3A_514 : vector<16xf32>
    %eq3A_524 = arith.cmpf oeq, %scan3A_440#6, %select_n3A_514 : vector<16xf32>
    %lt3A_525 = arith.cmpi slt, %add3A_522, %select_n3A_515 : vector<16xi32>
    %and3A_526 = arith.andi %eq3A_524, %lt3A_525 : vector<16xi1>
    %or3A_527 = arith.ori %gt3A_523, %and3A_526 : vector<16xi1>
    %select_n3A_528 = arith.select %or3A_527, %scan3A_440#6, %select_n3A_514 : vector<16xi1>, vector<16xf32>
    %select_n3A_529 = arith.select %or3A_527, %add3A_522, %select_n3A_515 : vector<16xi1>, vector<16xi32>
    %mul3A_530 = arith.constant 128 : i32
    %mul3A_531 = vector.broadcast %mul3A_530 : i32 to vector<16xi32>
    %mul3A_532 = arith.muli %scan3A_440#15, %mul3A_531 : vector<16xi32>
    %add3A_533 = arith.constant 112 : i32
    %add3A_534 = vector.broadcast %add3A_533 : i32 to vector<16xi32>
    %add3A_535 = arith.addi %mul3A_532, %add3A_534 : vector<16xi32>
    %add3A_536 = arith.addi %add3A_535, %iota3A : vector<16xi32>
    %gt3A_537 = arith.cmpf ogt, %scan3A_440#7, %select_n3A_528 : vector<16xf32>
    %eq3A_538 = arith.cmpf oeq, %scan3A_440#7, %select_n3A_528 : vector<16xf32>
    %lt3A_539 = arith.cmpi slt, %add3A_536, %select_n3A_529 : vector<16xi32>
    %and3A_540 = arith.andi %eq3A_538, %lt3A_539 : vector<16xi1>
    %or3A_541 = arith.ori %gt3A_537, %and3A_540 : vector<16xi1>
    %select_n3A_542 = arith.select %or3A_541, %scan3A_440#7, %select_n3A_528 : vector<16xi1>, vector<16xf32>
    %select_n3A_543 = arith.select %or3A_541, %add3A_536, %select_n3A_529 : vector<16xi1>, vector<16xi32>
    %swap3A_544 = arith.constant 2 : i32
    %swap3A_545 = arith.index_cast %swap3A_544 : i32 to index
    %swap3A_546 = arith.constant 0 : index
    %swap3A_547 = tpu.vector_load %arg6[%swap3A_545, %swap3A_546] {strides = array<i32>} : memref<8x16xf32, #tpu.memory_space<vmem>>, vector<1x16xf32>,
    %swap3A_548 = vector.shape_cast %swap3A_547 : vector<1x16xf32> to vector<16xf32>
    %swap3A_549 = vector.shape_cast %select_n3A_542 : vector<16xf32> to vector<1x16xf32>
    tpu.vector_store %arg6[%swap3A_545, %swap3A_546], %swap3A_549 {strides = array<i32>} : memref<8x16xf32, #tpu.memory_space<vmem>>, vector<1x16xf32>,
    %swap3A_550 = arith.constant 2 : i32
    %swap3A_551 = arith.index_cast %swap3A_550 : i32 to index
    %swap3A_552 = arith.constant 0 : index
    %swap3A_553 = tpu.vector_load %arg7[%swap3A_551, %swap3A_552] {strides = array<i32>} : memref<8x16xi32, #tpu.memory_space<vmem>>, vector<1x16xi32>,
    %swap3A_554 = vector.shape_cast %swap3A_553 : vector<1x16xi32> to vector<16xi32>
    %swap3A_555 = vector.shape_cast %select_n3A_543 : vector<16xi32> to vector<1x16xi32>
    tpu.vector_store %arg7[%swap3A_551, %swap3A_552], %swap3A_555 {strides = array<i32>} : memref<8x16xi32, #tpu.memory_space<vmem>>, vector<1x16xi32>,
    %add3A_556 = arith.constant 3 : i32
    %add3A_557 = arith.addi %add3A_4, %add3A_556 : i32
    %add3A_558 = arith.constant 1 : i32
    %add3A_559 = arith.addi %add3A_557, %add3A_558 : i32
    %dma_start3A_560 = arith.constant 0 : i32
    %dma_start3A_561 = arith.constant 0 : i32
    %dma_start3A_562 = tpu.memref_slice %arg5[%dma_start3A_560, %dma_start3A_561] : memref<2x32768xf32, #tpu.memory_space<vmem>> -> memref<1x32768xf32, #tpu.memory_space<vmem>>
    %dma_start3A_563 = tpu.memref_squeeze %dma_start3A_562 : memref<1x32768xf32, #tpu.memory_space<vmem>> -> memref<32768xf32, #tpu.memory_space<vmem>>
    %dma_start3A_564 = arith.constant 0 : i32
    %dma_start3A_565 = tpu.memref_slice %arg2[%add3A_559, %dma_start3A_564] : memref<576x32768xf32, #tpu.memory_space<hbm>> -> memref<1x32768xf32, #tpu.memory_space<hbm>>
    %dma_start3A_566 = tpu.memref_squeeze %dma_start3A_565 : memref<1x32768xf32, #tpu.memory_space<hbm>> -> memref<32768xf32, #tpu.memory_space<hbm>>
    %dma_start3A_567 = arith.constant 0 : i32
    %dma_start3A_568 = tpu.memref_slice %arg5[%dma_start3A_560, %dma_start3A_567] : memref<2x32768xf32, #tpu.memory_space<vmem>> -> memref<1x32768xf32, #tpu.memory_space<vmem>>
    %dma_start3A_569 = tpu.memref_squeeze %dma_start3A_568 : memref<1x32768xf32, #tpu.memory_space<vmem>> -> memref<32768xf32, #tpu.memory_space<vmem>>
    %dma_start3A_570 = arith.constant 0 : i32
    %dma_start3A_571 = tpu.memref_slice %arg2[%add3A_559, %dma_start3A_570] : memref<576x32768xf32, #tpu.memory_space<hbm>> -> memref<1x32768xf32, #tpu.memory_space<hbm>>
    %dma_start3A_572 = tpu.memref_squeeze %dma_start3A_571 : memref<1x32768xf32, #tpu.memory_space<hbm>> -> memref<32768xf32, #tpu.memory_space<hbm>>
    tpu.enqueue_dma source(%dma_start3A_572 : memref<32768xf32, #tpu.memory_space<hbm>>) target(%dma_start3A_569 : memref<32768xf32, #tpu.memory_space<vmem>>) target_semaphore(%arg8 : memref<!tpu.dma_semaphore, #tpu.memory_space<semaphore_mem>>)
    %dma_wait3A_573 = arith.constant 1 : i32
    %dma_wait3A_574 = arith.constant 0 : i32
    %dma_wait3A_575 = tpu.memref_slice %arg5[%dma_wait3A_573, %dma_wait3A_574] : memref<2x32768xf32, #tpu.memory_space<vmem>> -> memref<1x32768xf32, #tpu.memory_space<vmem>>
    %dma_wait3A_576 = tpu.memref_squeeze %dma_wait3A_575 : memref<1x32768xf32, #tpu.memory_space<vmem>> -> memref<32768xf32, #tpu.memory_space<vmem>>
    %dma_wait3A_577 = arith.constant 0 : i32
    %dma_wait3A_578 = tpu.memref_slice %arg2[%add3A_376, %dma_wait3A_577] : memref<576x32768xf32, #tpu.memory_space<hbm>> -> memref<1x32768xf32, #tpu.memory_space<hbm>>
    %dma_wait3A_579 = tpu.memref_squeeze %dma_wait3A_578 : memref<1x32768xf32, #tpu.memory_space<hbm>> -> memref<32768xf32, #tpu.memory_space<hbm>>
    %dma_wait3A_580 = arith.constant 0 : i32
    %dma_wait3A_581 = tpu.memref_slice %arg5[%dma_wait3A_573, %dma_wait3A_580] : memref<2x32768xf32, #tpu.memory_space<vmem>> -> memref<1x32768xf32, #tpu.memory_space<vmem>>
    %dma_wait3A_582 = tpu.memref_squeeze %dma_wait3A_581 : memref<1x32768xf32, #tpu.memory_space<vmem>> -> memref<32768xf32, #tpu.memory_space<vmem>>
    %dma_wait3A_583 = arith.constant 0 : i32
    %dma_wait3A_584 = tpu.memref_slice %arg2[%add3A_376, %dma_wait3A_583] : memref<576x32768xf32, #tpu.memory_space<hbm>> -> memref<1x32768xf32, #tpu.memory_space<hbm>>
    %dma_wait3A_585 = tpu.memref_squeeze %dma_wait3A_584 : memref<1x32768xf32, #tpu.memory_space<hbm>> -> memref<32768xf32, #tpu.memory_space<hbm>>
    tpu.wait_dma2 semaphore(%arg9 : memref<!tpu.dma_semaphore, #tpu.memory_space<semaphore_mem>>) src(%dma_wait3A_585 : memref<32768xf32, #tpu.memory_space<hbm>>) dst(%dma_wait3A_582 : memref<32768xf32, #tpu.memory_space<vmem>>)
    %broadcast_in_dim3A_586 = arith.constant 0xFF800000 : f32
    %broadcast_in_dim3A_587 = vector.broadcast %broadcast_in_dim3A_586 : f32 to vector<16xf32>
    %broadcast_in_dim3A_588 = arith.constant 0xFF800000 : f32
    %broadcast_in_dim3A_589 = vector.broadcast %broadcast_in_dim3A_588 : f32 to vector<16xf32>
    %broadcast_in_dim3A_590 = arith.constant 0xFF800000 : f32
    %broadcast_in_dim3A_591 = vector.broadcast %broadcast_in_dim3A_590 : f32 to vector<16xf32>
    %broadcast_in_dim3A_592 = arith.constant 0xFF800000 : f32
    %broadcast_in_dim3A_593 = vector.broadcast %broadcast_in_dim3A_592 : f32 to vector<16xf32>
    %broadcast_in_dim3A_594 = arith.constant 0xFF800000 : f32
    %broadcast_in_dim3A_595 = vector.broadcast %broadcast_in_dim3A_594 : f32 to vector<16xf32>
    %broadcast_in_dim3A_596 = arith.constant 0xFF800000 : f32
    %broadcast_in_dim3A_597 = vector.broadcast %broadcast_in_dim3A_596 : f32 to vector<16xf32>
    %broadcast_in_dim3A_598 = arith.constant 0xFF800000 : f32
    %broadcast_in_dim3A_599 = vector.broadcast %broadcast_in_dim3A_598 : f32 to vector<16xf32>
    %broadcast_in_dim3A_600 = arith.constant 0xFF800000 : f32
    %broadcast_in_dim3A_601 = vector.broadcast %broadcast_in_dim3A_600 : f32 to vector<16xf32>
    %broadcast_in_dim3A_602 = arith.constant 0 : i32
    %broadcast_in_dim3A_603 = vector.broadcast %broadcast_in_dim3A_602 : i32 to vector<16xi32>
    %broadcast_in_dim3A_604 = arith.constant 0 : i32
    %broadcast_in_dim3A_605 = vector.broadcast %broadcast_in_dim3A_604 : i32 to vector<16xi32>
    %broadcast_in_dim3A_606 = arith.constant 0 : i32
    %broadcast_in_dim3A_607 = vector.broadcast %broadcast_in_dim3A_606 : i32 to vector<16xi32>
    %broadcast_in_dim3A_608 = arith.constant 0 : i32
    %broadcast_in_dim3A_609 = vector.broadcast %broadcast_in_dim3A_608 : i32 to vector<16xi32>
    %broadcast_in_dim3A_610 = arith.constant 0 : i32
    %broadcast_in_dim3A_611 = vector.broadcast %broadcast_in_dim3A_610 : i32 to vector<16xi32>
    %broadcast_in_dim3A_612 = arith.constant 0 : i32
    %broadcast_in_dim3A_613 = vector.broadcast %broadcast_in_dim3A_612 : i32 to vector<16xi32>
    %broadcast_in_dim3A_614 = arith.constant 0 : i32
    %broadcast_in_dim3A_615 = vector.broadcast %broadcast_in_dim3A_614 : i32 to vector<16xi32>
    %broadcast_in_dim3A_616 = arith.constant 0 : i32
    %broadcast_in_dim3A_617 = vector.broadcast %broadcast_in_dim3A_616 : i32 to vector<16xi32>
    %scan3A_618 = arith.constant 1 : i32
    %scan3A_619 = arith.constant 0 : i32
    %scan3A_620 = arith.constant 256 : i32
    %scan3A_621 = arith.addi %scan3A_619, %scan3A_620 : i32
    %scan3A_622 = arith.constant 1 : i32
    %scan3A_623:16 = scf.for %scan3A_1458 = %scan3A_619 to %scan3A_621 step %scan3A_622 iter_args(%scan3A_1459 = %broadcast_in_dim3A_587, %scan3A_1460 = %broadcast_in_dim3A_589, %scan3A_1461 = %broadcast_in_dim3A_591, %scan3A_1462 = %broadcast_in_dim3A_593, %scan3A_1463 = %broadcast_in_dim3A_595, %scan3A_1464 = %broadcast_in_dim3A_597, %scan3A_1465 = %broadcast_in_dim3A_599, %scan3A_1466 = %broadcast_in_dim3A_601, %scan3A_1467 = %broadcast_in_dim3A_603, %scan3A_1468 = %broadcast_in_dim3A_605, %scan3A_1469 = %broadcast_in_dim3A_607, %scan3A_1470 = %broadcast_in_dim3A_609, %scan3A_1471 = %broadcast_in_dim3A_611, %scan3A_1472 = %broadcast_in_dim3A_613, %scan3A_1473 = %broadcast_in_dim3A_615, %scan3A_1474 = %broadcast_in_dim3A_617) -> (vector<16xf32>, vector<16xf32>, vector<16xf32>, vector<16xf32>, vector<16xf32>, vector<16xf32>, vector<16xf32>, vector<16xf32>, vector<16xi32>, vector<16xi32>, vector<16xi32>, vector<16xi32>, vector<16xi32>, vector<16xi32>, vector<16xi32>, vector<16xi32>)  : i32 {
      %mul3A_1475 = arith.constant 8 : i32
      %mul3A_1476 = arith.muli %scan3A_1458, %mul3A_1475 : i32
      %add3A_1477 = arith.constant 0 : i32
      %add3A_1478 = arith.addi %mul3A_1476, %add3A_1477 : i32
      %mul3A_1479 = arith.constant 16 : i32
      %mul3A_1480 = arith.muli %add3A_1478, %mul3A_1479 : i32
      %get3A = arith.constant 0 : i32
      %get3A_1481 = tpu.memref_slice %arg5[%scan3A_618, %get3A] : memref<2x32768xf32, #tpu.memory_space<vmem>> -> memref<1x32768xf32, #tpu.memory_space<vmem>>
      %get3A_1482 = tpu.memref_squeeze %get3A_1481 : memref<1x32768xf32, #tpu.memory_space<vmem>> -> memref<32768xf32, #tpu.memory_space<vmem>>
      %get3A_1483 = arith.index_cast %mul3A_1480 : i32 to index
      %get3A_1484 = tpu.vector_load %get3A_1482[%get3A_1483] {strides = array<i32>} : memref<32768xf32, #tpu.memory_space<vmem>>, vector<16xf32>,
      %get3A_1485 = vector.shape_cast %get3A_1484 : vector<16xf32> to vector<16xf32>
      %gt3A_1486 = arith.cmpf ogt, %get3A_1485, %scan3A_1459 : vector<16xf32>
      %select_n3A_1487 = arith.select %gt3A_1486, %get3A_1485, %scan3A_1459 : vector<16xi1>, vector<16xf32>
      %broadcast_in_dim3A_1488 = vector.broadcast %scan3A_1458 : i32 to vector<16xi32>
      %select_n3A_1489 = arith.select %gt3A_1486, %broadcast_in_dim3A_1488, %scan3A_1467 : vector<16xi1>, vector<16xi32>
      %mul3A_1490 = arith.constant 8 : i32
      %mul3A_1491 = arith.muli %scan3A_1458, %mul3A_1490 : i32
      %add3A_1492 = arith.constant 1 : i32
      %add3A_1493 = arith.addi %mul3A_1491, %add3A_1492 : i32
      %mul3A_1494 = arith.constant 16 : i32
      %mul3A_1495 = arith.muli %add3A_1493, %mul3A_1494 : i32
      %get3A_1496 = arith.constant 0 : i32
      %get3A_1497 = tpu.memref_slice %arg5[%scan3A_618, %get3A_1496] : memref<2x32768xf32, #tpu.memory_space<vmem>> -> memref<1x32768xf32, #tpu.memory_space<vmem>>
      %get3A_1498 = tpu.memref_squeeze %get3A_1497 : memref<1x32768xf32, #tpu.memory_space<vmem>> -> memref<32768xf32, #tpu.memory_space<vmem>>
      %get3A_1499 = arith.index_cast %mul3A_1495 : i32 to index
      %get3A_1500 = tpu.vector_load %get3A_1498[%get3A_1499] {strides = array<i32>} : memref<32768xf32, #tpu.memory_space<vmem>>, vector<16xf32>,
      %get3A_1501 = vector.shape_cast %get3A_1500 : vector<16xf32> to vector<16xf32>
      %gt3A_1502 = arith.cmpf ogt, %get3A_1501, %scan3A_1460 : vector<16xf32>
      %select_n3A_1503 = arith.select %gt3A_1502, %get3A_1501, %scan3A_1460 : vector<16xi1>, vector<16xf32>
      %broadcast_in_dim3A_1504 = vector.broadcast %scan3A_1458 : i32 to vector<16xi32>
      %select_n3A_1505 = arith.select %gt3A_1502, %broadcast_in_dim3A_1504, %scan3A_1468 : vector<16xi1>, vector<16xi32>
      %mul3A_1506 = arith.constant 8 : i32
      %mul3A_1507 = arith.muli %scan3A_1458, %mul3A_1506 : i32
      %add3A_1508 = arith.constant 2 : i32
      %add3A_1509 = arith.addi %mul3A_1507, %add3A_1508 : i32
      %mul3A_1510 = arith.constant 16 : i32
      %mul3A_1511 = arith.muli %add3A_1509, %mul3A_1510 : i32
      %get3A_1512 = arith.constant 0 : i32
      %get3A_1513 = tpu.memref_slice %arg5[%scan3A_618, %get3A_1512] : memref<2x32768xf32, #tpu.memory_space<vmem>> -> memref<1x32768xf32, #tpu.memory_space<vmem>>
      %get3A_1514 = tpu.memref_squeeze %get3A_1513 : memref<1x32768xf32, #tpu.memory_space<vmem>> -> memref<32768xf32, #tpu.memory_space<vmem>>
      %get3A_1515 = arith.index_cast %mul3A_1511 : i32 to index
      %get3A_1516 = tpu.vector_load %get3A_1514[%get3A_1515] {strides = array<i32>} : memref<32768xf32, #tpu.memory_space<vmem>>, vector<16xf32>,
      %get3A_1517 = vector.shape_cast %get3A_1516 : vector<16xf32> to vector<16xf32>
      %gt3A_1518 = arith.cmpf ogt, %get3A_1517, %scan3A_1461 : vector<16xf32>
      %select_n3A_1519 = arith.select %gt3A_1518, %get3A_1517, %scan3A_1461 : vector<16xi1>, vector<16xf32>
      %broadcast_in_dim3A_1520 = vector.broadcast %scan3A_1458 : i32 to vector<16xi32>
      %select_n3A_1521 = arith.select %gt3A_1518, %broadcast_in_dim3A_1520, %scan3A_1469 : vector<16xi1>, vector<16xi32>
      %mul3A_1522 = arith.constant 8 : i32
      %mul3A_1523 = arith.muli %scan3A_1458, %mul3A_1522 : i32
      %add3A_1524 = arith.constant 3 : i32
      %add3A_1525 = arith.addi %mul3A_1523, %add3A_1524 : i32
      %mul3A_1526 = arith.constant 16 : i32
      %mul3A_1527 = arith.muli %add3A_1525, %mul3A_1526 : i32
      %get3A_1528 = arith.constant 0 : i32
      %get3A_1529 = tpu.memref_slice %arg5[%scan3A_618, %get3A_1528] : memref<2x32768xf32, #tpu.memory_space<vmem>> -> memref<1x32768xf32, #tpu.memory_space<vmem>>
      %get3A_1530 = tpu.memref_squeeze %get3A_1529 : memref<1x32768xf32, #tpu.memory_space<vmem>> -> memref<32768xf32, #tpu.memory_space<vmem>>
      %get3A_1531 = arith.index_cast %mul3A_1527 : i32 to index
      %get3A_1532 = tpu.vector_load %get3A_1530[%get3A_1531] {strides = array<i32>} : memref<32768xf32, #tpu.memory_space<vmem>>, vector<16xf32>,
      %get3A_1533 = vector.shape_cast %get3A_1532 : vector<16xf32> to vector<16xf32>
      %gt3A_1534 = arith.cmpf ogt, %get3A_1533, %scan3A_1462 : vector<16xf32>
      %select_n3A_1535 = arith.select %gt3A_1534, %get3A_1533, %scan3A_1462 : vector<16xi1>, vector<16xf32>
      %broadcast_in_dim3A_1536 = vector.broadcast %scan3A_1458 : i32 to vector<16xi32>
      %select_n3A_1537 = arith.select %gt3A_1534, %broadcast_in_dim3A_1536, %scan3A_1470 : vector<16xi1>, vector<16xi32>
      %mul3A_1538 = arith.constant 8 : i32
      %mul3A_1539 = arith.muli %scan3A_1458, %mul3A_1538 : i32
      %add3A_1540 = arith.constant 4 : i32
      %add3A_1541 = arith.addi %mul3A_1539, %add3A_1540 : i32
      %mul3A_1542 = arith.constant 16 : i32
      %mul3A_1543 = arith.muli %add3A_1541, %mul3A_1542 : i32
      %get3A_1544 = arith.constant 0 : i32
      %get3A_1545 = tpu.memref_slice %arg5[%scan3A_618, %get3A_1544] : memref<2x32768xf32, #tpu.memory_space<vmem>> -> memref<1x32768xf32, #tpu.memory_space<vmem>>
      %get3A_1546 = tpu.memref_squeeze %get3A_1545 : memref<1x32768xf32, #tpu.memory_space<vmem>> -> memref<32768xf32, #tpu.memory_space<vmem>>
      %get3A_1547 = arith.index_cast %mul3A_1543 : i32 to index
      %get3A_1548 = tpu.vector_load %get3A_1546[%get3A_1547] {strides = array<i32>} : memref<32768xf32, #tpu.memory_space<vmem>>, vector<16xf32>,
      %get3A_1549 = vector.shape_cast %get3A_1548 : vector<16xf32> to vector<16xf32>
      %gt3A_1550 = arith.cmpf ogt, %get3A_1549, %scan3A_1463 : vector<16xf32>
      %select_n3A_1551 = arith.select %gt3A_1550, %get3A_1549, %scan3A_1463 : vector<16xi1>, vector<16xf32>
      %broadcast_in_dim3A_1552 = vector.broadcast %scan3A_1458 : i32 to vector<16xi32>
      %select_n3A_1553 = arith.select %gt3A_1550, %broadcast_in_dim3A_1552, %scan3A_1471 : vector<16xi1>, vector<16xi32>
      %mul3A_1554 = arith.constant 8 : i32
      %mul3A_1555 = arith.muli %scan3A_1458, %mul3A_1554 : i32
      %add3A_1556 = arith.constant 5 : i32
      %add3A_1557 = arith.addi %mul3A_1555, %add3A_1556 : i32
      %mul3A_1558 = arith.constant 16 : i32
      %mul3A_1559 = arith.muli %add3A_1557, %mul3A_1558 : i32
      %get3A_1560 = arith.constant 0 : i32
      %get3A_1561 = tpu.memref_slice %arg5[%scan3A_618, %get3A_1560] : memref<2x32768xf32, #tpu.memory_space<vmem>> -> memref<1x32768xf32, #tpu.memory_space<vmem>>
      %get3A_1562 = tpu.memref_squeeze %get3A_1561 : memref<1x32768xf32, #tpu.memory_space<vmem>> -> memref<32768xf32, #tpu.memory_space<vmem>>
      %get3A_1563 = arith.index_cast %mul3A_1559 : i32 to index
      %get3A_1564 = tpu.vector_load %get3A_1562[%get3A_1563] {strides = array<i32>} : memref<32768xf32, #tpu.memory_space<vmem>>, vector<16xf32>,
      %get3A_1565 = vector.shape_cast %get3A_1564 : vector<16xf32> to vector<16xf32>
      %gt3A_1566 = arith.cmpf ogt, %get3A_1565, %scan3A_1464 : vector<16xf32>
      %select_n3A_1567 = arith.select %gt3A_1566, %get3A_1565, %scan3A_1464 : vector<16xi1>, vector<16xf32>
      %broadcast_in_dim3A_1568 = vector.broadcast %scan3A_1458 : i32 to vector<16xi32>
      %select_n3A_1569 = arith.select %gt3A_1566, %broadcast_in_dim3A_1568, %scan3A_1472 : vector<16xi1>, vector<16xi32>
      %mul3A_1570 = arith.constant 8 : i32
      %mul3A_1571 = arith.muli %scan3A_1458, %mul3A_1570 : i32
      %add3A_1572 = arith.constant 6 : i32
      %add3A_1573 = arith.addi %mul3A_1571, %add3A_1572 : i32
      %mul3A_1574 = arith.constant 16 : i32
      %mul3A_1575 = arith.muli %add3A_1573, %mul3A_1574 : i32
      %get3A_1576 = arith.constant 0 : i32
      %get3A_1577 = tpu.memref_slice %arg5[%scan3A_618, %get3A_1576] : memref<2x32768xf32, #tpu.memory_space<vmem>> -> memref<1x32768xf32, #tpu.memory_space<vmem>>
      %get3A_1578 = tpu.memref_squeeze %get3A_1577 : memref<1x32768xf32, #tpu.memory_space<vmem>> -> memref<32768xf32, #tpu.memory_space<vmem>>
      %get3A_1579 = arith.index_cast %mul3A_1575 : i32 to index
      %get3A_1580 = tpu.vector_load %get3A_1578[%get3A_1579] {strides = array<i32>} : memref<32768xf32, #tpu.memory_space<vmem>>, vector<16xf32>,
      %get3A_1581 = vector.shape_cast %get3A_1580 : vector<16xf32> to vector<16xf32>
      %gt3A_1582 = arith.cmpf ogt, %get3A_1581, %scan3A_1465 : vector<16xf32>
      %select_n3A_1583 = arith.select %gt3A_1582, %get3A_1581, %scan3A_1465 : vector<16xi1>, vector<16xf32>
      %broadcast_in_dim3A_1584 = vector.broadcast %scan3A_1458 : i32 to vector<16xi32>
      %select_n3A_1585 = arith.select %gt3A_1582, %broadcast_in_dim3A_1584, %scan3A_1473 : vector<16xi1>, vector<16xi32>
      %mul3A_1586 = arith.constant 8 : i32
      %mul3A_1587 = arith.muli %scan3A_1458, %mul3A_1586 : i32
      %add3A_1588 = arith.constant 7 : i32
      %add3A_1589 = arith.addi %mul3A_1587, %add3A_1588 : i32
      %mul3A_1590 = arith.constant 16 : i32
      %mul3A_1591 = arith.muli %add3A_1589, %mul3A_1590 : i32
      %get3A_1592 = arith.constant 0 : i32
      %get3A_1593 = tpu.memref_slice %arg5[%scan3A_618, %get3A_1592] : memref<2x32768xf32, #tpu.memory_space<vmem>> -> memref<1x32768xf32, #tpu.memory_space<vmem>>
      %get3A_1594 = tpu.memref_squeeze %get3A_1593 : memref<1x32768xf32, #tpu.memory_space<vmem>> -> memref<32768xf32, #tpu.memory_space<vmem>>
      %get3A_1595 = arith.index_cast %mul3A_1591 : i32 to index
      %get3A_1596 = tpu.vector_load %get3A_1594[%get3A_1595] {strides = array<i32>} : memref<32768xf32, #tpu.memory_space<vmem>>, vector<16xf32>,
      %get3A_1597 = vector.shape_cast %get3A_1596 : vector<16xf32> to vector<16xf32>
      %gt3A_1598 = arith.cmpf ogt, %get3A_1597, %scan3A_1466 : vector<16xf32>
      %select_n3A_1599 = arith.select %gt3A_1598, %get3A_1597, %scan3A_1466 : vector<16xi1>, vector<16xf32>
      %broadcast_in_dim3A_1600 = vector.broadcast %scan3A_1458 : i32 to vector<16xi32>
      %select_n3A_1601 = arith.select %gt3A_1598, %broadcast_in_dim3A_1600, %scan3A_1474 : vector<16xi1>, vector<16xi32>
      scf.yield %select_n3A_1487, %select_n3A_1503, %select_n3A_1519, %select_n3A_1535, %select_n3A_1551, %select_n3A_1567, %select_n3A_1583, %select_n3A_1599, %select_n3A_1489, %select_n3A_1505, %select_n3A_1521, %select_n3A_1537, %select_n3A_1553, %select_n3A_1569, %select_n3A_1585, %select_n3A_1601 : vector<16xf32>, vector<16xf32>, vector<16xf32>, vector<16xf32>, vector<16xf32>, vector<16xf32>, vector<16xf32>, vector<16xf32>, vector<16xi32>, vector<16xi32>, vector<16xi32>, vector<16xi32>, vector<16xi32>, vector<16xi32>, vector<16xi32>, vector<16xi32>
    }
    %scan3A_624 = arith.constant 256 : i32
    %mul3A_625 = arith.constant 128 : i32
    %mul3A_626 = vector.broadcast %mul3A_625 : i32 to vector<16xi32>
    %mul3A_627 = arith.muli %scan3A_623#8, %mul3A_626 : vector<16xi32>
    %add3A_628 = arith.addi %mul3A_627, %iota3A : vector<16xi32>
    %mul3A_629 = arith.constant 128 : i32
    %mul3A_630 = vector.broadcast %mul3A_629 : i32 to vector<16xi32>
    %mul3A_631 = arith.muli %scan3A_623#9, %mul3A_630 : vector<16xi32>
    %add3A_632 = arith.constant 16 : i32
    %add3A_633 = vector.broadcast %add3A_632 : i32 to vector<16xi32>
    %add3A_634 = arith.addi %mul3A_631, %add3A_633 : vector<16xi32>
    %add3A_635 = arith.addi %add3A_634, %iota3A : vector<16xi32>
    %gt3A_636 = arith.cmpf ogt, %scan3A_623#1, %scan3A_623#0 : vector<16xf32>
    %eq3A_637 = arith.cmpf oeq, %scan3A_623#1, %scan3A_623#0 : vector<16xf32>
    %lt3A_638 = arith.cmpi slt, %add3A_635, %add3A_628 : vector<16xi32>
    %and3A_639 = arith.andi %eq3A_637, %lt3A_638 : vector<16xi1>
    %or3A_640 = arith.ori %gt3A_636, %and3A_639 : vector<16xi1>
    %select_n3A_641 = arith.select %or3A_640, %scan3A_623#1, %scan3A_623#0 : vector<16xi1>, vector<16xf32>
    %select_n3A_642 = arith.select %or3A_640, %add3A_635, %add3A_628 : vector<16xi1>, vector<16xi32>
    %mul3A_643 = arith.constant 128 : i32
    %mul3A_644 = vector.broadcast %mul3A_643 : i32 to vector<16xi32>
    %mul3A_645 = arith.muli %scan3A_623#10, %mul3A_644 : vector<16xi32>
    %add3A_646 = arith.constant 32 : i32
    %add3A_647 = vector.broadcast %add3A_646 : i32 to vector<16xi32>
    %add3A_648 = arith.addi %mul3A_645, %add3A_647 : vector<16xi32>
    %add3A_649 = arith.addi %add3A_648, %iota3A : vector<16xi32>
    %gt3A_650 = arith.cmpf ogt, %scan3A_623#2, %select_n3A_641 : vector<16xf32>
    %eq3A_651 = arith.cmpf oeq, %scan3A_623#2, %select_n3A_641 : vector<16xf32>
    %lt3A_652 = arith.cmpi slt, %add3A_649, %select_n3A_642 : vector<16xi32>
    %and3A_653 = arith.andi %eq3A_651, %lt3A_652 : vector<16xi1>
    %or3A_654 = arith.ori %gt3A_650, %and3A_653 : vector<16xi1>
    %select_n3A_655 = arith.select %or3A_654, %scan3A_623#2, %select_n3A_641 : vector<16xi1>, vector<16xf32>
    %select_n3A_656 = arith.select %or3A_654, %add3A_649, %select_n3A_642 : vector<16xi1>, vector<16xi32>
    %mul3A_657 = arith.constant 128 : i32
    %mul3A_658 = vector.broadcast %mul3A_657 : i32 to vector<16xi32>
    %mul3A_659 = arith.muli %scan3A_623#11, %mul3A_658 : vector<16xi32>
    %add3A_660 = arith.constant 48 : i32
    %add3A_661 = vector.broadcast %add3A_660 : i32 to vector<16xi32>
    %add3A_662 = arith.addi %mul3A_659, %add3A_661 : vector<16xi32>
    %add3A_663 = arith.addi %add3A_662, %iota3A : vector<16xi32>
    %gt3A_664 = arith.cmpf ogt, %scan3A_623#3, %select_n3A_655 : vector<16xf32>
    %eq3A_665 = arith.cmpf oeq, %scan3A_623#3, %select_n3A_655 : vector<16xf32>
    %lt3A_666 = arith.cmpi slt, %add3A_663, %select_n3A_656 : vector<16xi32>
    %and3A_667 = arith.andi %eq3A_665, %lt3A_666 : vector<16xi1>
    %or3A_668 = arith.ori %gt3A_664, %and3A_667 : vector<16xi1>
    %select_n3A_669 = arith.select %or3A_668, %scan3A_623#3, %select_n3A_655 : vector<16xi1>, vector<16xf32>
    %select_n3A_670 = arith.select %or3A_668, %add3A_663, %select_n3A_656 : vector<16xi1>, vector<16xi32>
    %mul3A_671 = arith.constant 128 : i32
    %mul3A_672 = vector.broadcast %mul3A_671 : i32 to vector<16xi32>
    %mul3A_673 = arith.muli %scan3A_623#12, %mul3A_672 : vector<16xi32>
    %add3A_674 = arith.constant 64 : i32
    %add3A_675 = vector.broadcast %add3A_674 : i32 to vector<16xi32>
    %add3A_676 = arith.addi %mul3A_673, %add3A_675 : vector<16xi32>
    %add3A_677 = arith.addi %add3A_676, %iota3A : vector<16xi32>
    %gt3A_678 = arith.cmpf ogt, %scan3A_623#4, %select_n3A_669 : vector<16xf32>
    %eq3A_679 = arith.cmpf oeq, %scan3A_623#4, %select_n3A_669 : vector<16xf32>
    %lt3A_680 = arith.cmpi slt, %add3A_677, %select_n3A_670 : vector<16xi32>
    %and3A_681 = arith.andi %eq3A_679, %lt3A_680 : vector<16xi1>
    %or3A_682 = arith.ori %gt3A_678, %and3A_681 : vector<16xi1>
    %select_n3A_683 = arith.select %or3A_682, %scan3A_623#4, %select_n3A_669 : vector<16xi1>, vector<16xf32>
    %select_n3A_684 = arith.select %or3A_682, %add3A_677, %select_n3A_670 : vector<16xi1>, vector<16xi32>
    %mul3A_685 = arith.constant 128 : i32
    %mul3A_686 = vector.broadcast %mul3A_685 : i32 to vector<16xi32>
    %mul3A_687 = arith.muli %scan3A_623#13, %mul3A_686 : vector<16xi32>
    %add3A_688 = arith.constant 80 : i32
    %add3A_689 = vector.broadcast %add3A_688 : i32 to vector<16xi32>
    %add3A_690 = arith.addi %mul3A_687, %add3A_689 : vector<16xi32>
    %add3A_691 = arith.addi %add3A_690, %iota3A : vector<16xi32>
    %gt3A_692 = arith.cmpf ogt, %scan3A_623#5, %select_n3A_683 : vector<16xf32>
    %eq3A_693 = arith.cmpf oeq, %scan3A_623#5, %select_n3A_683 : vector<16xf32>
    %lt3A_694 = arith.cmpi slt, %add3A_691, %select_n3A_684 : vector<16xi32>
    %and3A_695 = arith.andi %eq3A_693, %lt3A_694 : vector<16xi1>
    %or3A_696 = arith.ori %gt3A_692, %and3A_695 : vector<16xi1>
    %select_n3A_697 = arith.select %or3A_696, %scan3A_623#5, %select_n3A_683 : vector<16xi1>, vector<16xf32>
    %select_n3A_698 = arith.select %or3A_696, %add3A_691, %select_n3A_684 : vector<16xi1>, vector<16xi32>
    %mul3A_699 = arith.constant 128 : i32
    %mul3A_700 = vector.broadcast %mul3A_699 : i32 to vector<16xi32>
    %mul3A_701 = arith.muli %scan3A_623#14, %mul3A_700 : vector<16xi32>
    %add3A_702 = arith.constant 96 : i32
    %add3A_703 = vector.broadcast %add3A_702 : i32 to vector<16xi32>
    %add3A_704 = arith.addi %mul3A_701, %add3A_703 : vector<16xi32>
    %add3A_705 = arith.addi %add3A_704, %iota3A : vector<16xi32>
    %gt3A_706 = arith.cmpf ogt, %scan3A_623#6, %select_n3A_697 : vector<16xf32>
    %eq3A_707 = arith.cmpf oeq, %scan3A_623#6, %select_n3A_697 : vector<16xf32>
    %lt3A_708 = arith.cmpi slt, %add3A_705, %select_n3A_698 : vector<16xi32>
    %and3A_709 = arith.andi %eq3A_707, %lt3A_708 : vector<16xi1>
    %or3A_710 = arith.ori %gt3A_706, %and3A_709 : vector<16xi1>
    %select_n3A_711 = arith.select %or3A_710, %scan3A_623#6, %select_n3A_697 : vector<16xi1>, vector<16xf32>
    %select_n3A_712 = arith.select %or3A_710, %add3A_705, %select_n3A_698 : vector<16xi1>, vector<16xi32>
    %mul3A_713 = arith.constant 128 : i32
    %mul3A_714 = vector.broadcast %mul3A_713 : i32 to vector<16xi32>
    %mul3A_715 = arith.muli %scan3A_623#15, %mul3A_714 : vector<16xi32>
    %add3A_716 = arith.constant 112 : i32
    %add3A_717 = vector.broadcast %add3A_716 : i32 to vector<16xi32>
    %add3A_718 = arith.addi %mul3A_715, %add3A_717 : vector<16xi32>
    %add3A_719 = arith.addi %add3A_718, %iota3A : vector<16xi32>
    %gt3A_720 = arith.cmpf ogt, %scan3A_623#7, %select_n3A_711 : vector<16xf32>
    %eq3A_721 = arith.cmpf oeq, %scan3A_623#7, %select_n3A_711 : vector<16xf32>
    %lt3A_722 = arith.cmpi slt, %add3A_719, %select_n3A_712 : vector<16xi32>
    %and3A_723 = arith.andi %eq3A_721, %lt3A_722 : vector<16xi1>
    %or3A_724 = arith.ori %gt3A_720, %and3A_723 : vector<16xi1>
    %select_n3A_725 = arith.select %or3A_724, %scan3A_623#7, %select_n3A_711 : vector<16xi1>, vector<16xf32>
    %select_n3A_726 = arith.select %or3A_724, %add3A_719, %select_n3A_712 : vector<16xi1>, vector<16xi32>
    %swap3A_727 = arith.constant 3 : i32
    %swap3A_728 = arith.index_cast %swap3A_727 : i32 to index
    %swap3A_729 = arith.constant 0 : index
    %swap3A_730 = tpu.vector_load %arg6[%swap3A_728, %swap3A_729] {strides = array<i32>} : memref<8x16xf32, #tpu.memory_space<vmem>>, vector<1x16xf32>,
    %swap3A_731 = vector.shape_cast %swap3A_730 : vector<1x16xf32> to vector<16xf32>
    %swap3A_732 = vector.shape_cast %select_n3A_725 : vector<16xf32> to vector<1x16xf32>
    tpu.vector_store %arg6[%swap3A_728, %swap3A_729], %swap3A_732 {strides = array<i32>} : memref<8x16xf32, #tpu.memory_space<vmem>>, vector<1x16xf32>,
    %swap3A_733 = arith.constant 3 : i32
    %swap3A_734 = arith.index_cast %swap3A_733 : i32 to index
    %swap3A_735 = arith.constant 0 : index
    %swap3A_736 = tpu.vector_load %arg7[%swap3A_734, %swap3A_735] {strides = array<i32>} : memref<8x16xi32, #tpu.memory_space<vmem>>, vector<1x16xi32>,
    %swap3A_737 = vector.shape_cast %swap3A_736 : vector<1x16xi32> to vector<16xi32>
    %swap3A_738 = vector.shape_cast %select_n3A_726 : vector<16xi32> to vector<1x16xi32>
    tpu.vector_store %arg7[%swap3A_734, %swap3A_735], %swap3A_738 {strides = array<i32>} : memref<8x16xi32, #tpu.memory_space<vmem>>, vector<1x16xi32>,
    %add3A_739 = arith.constant 4 : i32
    %add3A_740 = arith.addi %add3A_4, %add3A_739 : i32
    %add3A_741 = arith.constant 1 : i32
    %add3A_742 = arith.addi %add3A_740, %add3A_741 : i32
    %dma_start3A_743 = arith.constant 1 : i32
    %dma_start3A_744 = arith.constant 0 : i32
    %dma_start3A_745 = tpu.memref_slice %arg5[%dma_start3A_743, %dma_start3A_744] : memref<2x32768xf32, #tpu.memory_space<vmem>> -> memref<1x32768xf32, #tpu.memory_space<vmem>>
    %dma_start3A_746 = tpu.memref_squeeze %dma_start3A_745 : memref<1x32768xf32, #tpu.memory_space<vmem>> -> memref<32768xf32, #tpu.memory_space<vmem>>
    %dma_start3A_747 = arith.constant 0 : i32
    %dma_start3A_748 = tpu.memref_slice %arg2[%add3A_742, %dma_start3A_747] : memref<576x32768xf32, #tpu.memory_space<hbm>> -> memref<1x32768xf32, #tpu.memory_space<hbm>>
    %dma_start3A_749 = tpu.memref_squeeze %dma_start3A_748 : memref<1x32768xf32, #tpu.memory_space<hbm>> -> memref<32768xf32, #tpu.memory_space<hbm>>
    %dma_start3A_750 = arith.constant 0 : i32
    %dma_start3A_751 = tpu.memref_slice %arg5[%dma_start3A_743, %dma_start3A_750] : memref<2x32768xf32, #tpu.memory_space<vmem>> -> memref<1x32768xf32, #tpu.memory_space<vmem>>
    %dma_start3A_752 = tpu.memref_squeeze %dma_start3A_751 : memref<1x32768xf32, #tpu.memory_space<vmem>> -> memref<32768xf32, #tpu.memory_space<vmem>>
    %dma_start3A_753 = arith.constant 0 : i32
    %dma_start3A_754 = tpu.memref_slice %arg2[%add3A_742, %dma_start3A_753] : memref<576x32768xf32, #tpu.memory_space<hbm>> -> memref<1x32768xf32, #tpu.memory_space<hbm>>
    %dma_start3A_755 = tpu.memref_squeeze %dma_start3A_754 : memref<1x32768xf32, #tpu.memory_space<hbm>> -> memref<32768xf32, #tpu.memory_space<hbm>>
    tpu.enqueue_dma source(%dma_start3A_755 : memref<32768xf32, #tpu.memory_space<hbm>>) target(%dma_start3A_752 : memref<32768xf32, #tpu.memory_space<vmem>>) target_semaphore(%arg9 : memref<!tpu.dma_semaphore, #tpu.memory_space<semaphore_mem>>)
    %dma_wait3A_756 = arith.constant 0 : i32
    %dma_wait3A_757 = arith.constant 0 : i32
    %dma_wait3A_758 = tpu.memref_slice %arg5[%dma_wait3A_756, %dma_wait3A_757] : memref<2x32768xf32, #tpu.memory_space<vmem>> -> memref<1x32768xf32, #tpu.memory_space<vmem>>
    %dma_wait3A_759 = tpu.memref_squeeze %dma_wait3A_758 : memref<1x32768xf32, #tpu.memory_space<vmem>> -> memref<32768xf32, #tpu.memory_space<vmem>>
    %dma_wait3A_760 = arith.constant 0 : i32
    %dma_wait3A_761 = tpu.memref_slice %arg2[%add3A_559, %dma_wait3A_760] : memref<576x32768xf32, #tpu.memory_space<hbm>> -> memref<1x32768xf32, #tpu.memory_space<hbm>>
    %dma_wait3A_762 = tpu.memref_squeeze %dma_wait3A_761 : memref<1x32768xf32, #tpu.memory_space<hbm>> -> memref<32768xf32, #tpu.memory_space<hbm>>
    %dma_wait3A_763 = arith.constant 0 : i32
    %dma_wait3A_764 = tpu.memref_slice %arg5[%dma_wait3A_756, %dma_wait3A_763] : memref<2x32768xf32, #tpu.memory_space<vmem>> -> memref<1x32768xf32, #tpu.memory_space<vmem>>
    %dma_wait3A_765 = tpu.memref_squeeze %dma_wait3A_764 : memref<1x32768xf32, #tpu.memory_space<vmem>> -> memref<32768xf32, #tpu.memory_space<vmem>>
    %dma_wait3A_766 = arith.constant 0 : i32
    %dma_wait3A_767 = tpu.memref_slice %arg2[%add3A_559, %dma_wait3A_766] : memref<576x32768xf32, #tpu.memory_space<hbm>> -> memref<1x32768xf32, #tpu.memory_space<hbm>>
    %dma_wait3A_768 = tpu.memref_squeeze %dma_wait3A_767 : memref<1x32768xf32, #tpu.memory_space<hbm>> -> memref<32768xf32, #tpu.memory_space<hbm>>
    tpu.wait_dma2 semaphore(%arg8 : memref<!tpu.dma_semaphore, #tpu.memory_space<semaphore_mem>>) src(%dma_wait3A_768 : memref<32768xf32, #tpu.memory_space<hbm>>) dst(%dma_wait3A_765 : memref<32768xf32, #tpu.memory_space<vmem>>)
    %broadcast_in_dim3A_769 = arith.constant 0xFF800000 : f32
    %broadcast_in_dim3A_770 = vector.broadcast %broadcast_in_dim3A_769 : f32 to vector<16xf32>
    %broadcast_in_dim3A_771 = arith.constant 0xFF800000 : f32
    %broadcast_in_dim3A_772 = vector.broadcast %broadcast_in_dim3A_771 : f32 to vector<16xf32>
    %broadcast_in_dim3A_773 = arith.constant 0xFF800000 : f32
    %broadcast_in_dim3A_774 = vector.broadcast %broadcast_in_dim3A_773 : f32 to vector<16xf32>
    %broadcast_in_dim3A_775 = arith.constant 0xFF800000 : f32
    %broadcast_in_dim3A_776 = vector.broadcast %broadcast_in_dim3A_775 : f32 to vector<16xf32>
    %broadcast_in_dim3A_777 = arith.constant 0xFF800000 : f32
    %broadcast_in_dim3A_778 = vector.broadcast %broadcast_in_dim3A_777 : f32 to vector<16xf32>
    %broadcast_in_dim3A_779 = arith.constant 0xFF800000 : f32
    %broadcast_in_dim3A_780 = vector.broadcast %broadcast_in_dim3A_779 : f32 to vector<16xf32>
    %broadcast_in_dim3A_781 = arith.constant 0xFF800000 : f32
    %broadcast_in_dim3A_782 = vector.broadcast %broadcast_in_dim3A_781 : f32 to vector<16xf32>
    %broadcast_in_dim3A_783 = arith.constant 0xFF800000 : f32
    %broadcast_in_dim3A_784 = vector.broadcast %broadcast_in_dim3A_783 : f32 to vector<16xf32>
    %broadcast_in_dim3A_785 = arith.constant 0 : i32
    %broadcast_in_dim3A_786 = vector.broadcast %broadcast_in_dim3A_785 : i32 to vector<16xi32>
    %broadcast_in_dim3A_787 = arith.constant 0 : i32
    %broadcast_in_dim3A_788 = vector.broadcast %broadcast_in_dim3A_787 : i32 to vector<16xi32>
    %broadcast_in_dim3A_789 = arith.constant 0 : i32
    %broadcast_in_dim3A_790 = vector.broadcast %broadcast_in_dim3A_789 : i32 to vector<16xi32>
    %broadcast_in_dim3A_791 = arith.constant 0 : i32
    %broadcast_in_dim3A_792 = vector.broadcast %broadcast_in_dim3A_791 : i32 to vector<16xi32>
    %broadcast_in_dim3A_793 = arith.constant 0 : i32
    %broadcast_in_dim3A_794 = vector.broadcast %broadcast_in_dim3A_793 : i32 to vector<16xi32>
    %broadcast_in_dim3A_795 = arith.constant 0 : i32
    %broadcast_in_dim3A_796 = vector.broadcast %broadcast_in_dim3A_795 : i32 to vector<16xi32>
    %broadcast_in_dim3A_797 = arith.constant 0 : i32
    %broadcast_in_dim3A_798 = vector.broadcast %broadcast_in_dim3A_797 : i32 to vector<16xi32>
    %broadcast_in_dim3A_799 = arith.constant 0 : i32
    %broadcast_in_dim3A_800 = vector.broadcast %broadcast_in_dim3A_799 : i32 to vector<16xi32>
    %scan3A_801 = arith.constant 0 : i32
    %scan3A_802 = arith.constant 0 : i32
    %scan3A_803 = arith.constant 256 : i32
    %scan3A_804 = arith.addi %scan3A_802, %scan3A_803 : i32
    %scan3A_805 = arith.constant 1 : i32
    %scan3A_806:16 = scf.for %scan3A_1458 = %scan3A_802 to %scan3A_804 step %scan3A_805 iter_args(%scan3A_1459 = %broadcast_in_dim3A_770, %scan3A_1460 = %broadcast_in_dim3A_772, %scan3A_1461 = %broadcast_in_dim3A_774, %scan3A_1462 = %broadcast_in_dim3A_776, %scan3A_1463 = %broadcast_in_dim3A_778, %scan3A_1464 = %broadcast_in_dim3A_780, %scan3A_1465 = %broadcast_in_dim3A_782, %scan3A_1466 = %broadcast_in_dim3A_784, %scan3A_1467 = %broadcast_in_dim3A_786, %scan3A_1468 = %broadcast_in_dim3A_788, %scan3A_1469 = %broadcast_in_dim3A_790, %scan3A_1470 = %broadcast_in_dim3A_792, %scan3A_1471 = %broadcast_in_dim3A_794, %scan3A_1472 = %broadcast_in_dim3A_796, %scan3A_1473 = %broadcast_in_dim3A_798, %scan3A_1474 = %broadcast_in_dim3A_800) -> (vector<16xf32>, vector<16xf32>, vector<16xf32>, vector<16xf32>, vector<16xf32>, vector<16xf32>, vector<16xf32>, vector<16xf32>, vector<16xi32>, vector<16xi32>, vector<16xi32>, vector<16xi32>, vector<16xi32>, vector<16xi32>, vector<16xi32>, vector<16xi32>)  : i32 {
      %mul3A_1475 = arith.constant 8 : i32
      %mul3A_1476 = arith.muli %scan3A_1458, %mul3A_1475 : i32
      %add3A_1477 = arith.constant 0 : i32
      %add3A_1478 = arith.addi %mul3A_1476, %add3A_1477 : i32
      %mul3A_1479 = arith.constant 16 : i32
      %mul3A_1480 = arith.muli %add3A_1478, %mul3A_1479 : i32
      %get3A = arith.constant 0 : i32
      %get3A_1481 = tpu.memref_slice %arg5[%scan3A_801, %get3A] : memref<2x32768xf32, #tpu.memory_space<vmem>> -> memref<1x32768xf32, #tpu.memory_space<vmem>>
      %get3A_1482 = tpu.memref_squeeze %get3A_1481 : memref<1x32768xf32, #tpu.memory_space<vmem>> -> memref<32768xf32, #tpu.memory_space<vmem>>
      %get3A_1483 = arith.index_cast %mul3A_1480 : i32 to index
      %get3A_1484 = tpu.vector_load %get3A_1482[%get3A_1483] {strides = array<i32>} : memref<32768xf32, #tpu.memory_space<vmem>>, vector<16xf32>,
      %get3A_1485 = vector.shape_cast %get3A_1484 : vector<16xf32> to vector<16xf32>
      %gt3A_1486 = arith.cmpf ogt, %get3A_1485, %scan3A_1459 : vector<16xf32>
      %select_n3A_1487 = arith.select %gt3A_1486, %get3A_1485, %scan3A_1459 : vector<16xi1>, vector<16xf32>
      %broadcast_in_dim3A_1488 = vector.broadcast %scan3A_1458 : i32 to vector<16xi32>
      %select_n3A_1489 = arith.select %gt3A_1486, %broadcast_in_dim3A_1488, %scan3A_1467 : vector<16xi1>, vector<16xi32>
      %mul3A_1490 = arith.constant 8 : i32
      %mul3A_1491 = arith.muli %scan3A_1458, %mul3A_1490 : i32
      %add3A_1492 = arith.constant 1 : i32
      %add3A_1493 = arith.addi %mul3A_1491, %add3A_1492 : i32
      %mul3A_1494 = arith.constant 16 : i32
      %mul3A_1495 = arith.muli %add3A_1493, %mul3A_1494 : i32
      %get3A_1496 = arith.constant 0 : i32
      %get3A_1497 = tpu.memref_slice %arg5[%scan3A_801, %get3A_1496] : memref<2x32768xf32, #tpu.memory_space<vmem>> -> memref<1x32768xf32, #tpu.memory_space<vmem>>
      %get3A_1498 = tpu.memref_squeeze %get3A_1497 : memref<1x32768xf32, #tpu.memory_space<vmem>> -> memref<32768xf32, #tpu.memory_space<vmem>>
      %get3A_1499 = arith.index_cast %mul3A_1495 : i32 to index
      %get3A_1500 = tpu.vector_load %get3A_1498[%get3A_1499] {strides = array<i32>} : memref<32768xf32, #tpu.memory_space<vmem>>, vector<16xf32>,
      %get3A_1501 = vector.shape_cast %get3A_1500 : vector<16xf32> to vector<16xf32>
      %gt3A_1502 = arith.cmpf ogt, %get3A_1501, %scan3A_1460 : vector<16xf32>
      %select_n3A_1503 = arith.select %gt3A_1502, %get3A_1501, %scan3A_1460 : vector<16xi1>, vector<16xf32>
      %broadcast_in_dim3A_1504 = vector.broadcast %scan3A_1458 : i32 to vector<16xi32>
      %select_n3A_1505 = arith.select %gt3A_1502, %broadcast_in_dim3A_1504, %scan3A_1468 : vector<16xi1>, vector<16xi32>
      %mul3A_1506 = arith.constant 8 : i32
      %mul3A_1507 = arith.muli %scan3A_1458, %mul3A_1506 : i32
      %add3A_1508 = arith.constant 2 : i32
      %add3A_1509 = arith.addi %mul3A_1507, %add3A_1508 : i32
      %mul3A_1510 = arith.constant 16 : i32
      %mul3A_1511 = arith.muli %add3A_1509, %mul3A_1510 : i32
      %get3A_1512 = arith.constant 0 : i32
      %get3A_1513 = tpu.memref_slice %arg5[%scan3A_801, %get3A_1512] : memref<2x32768xf32, #tpu.memory_space<vmem>> -> memref<1x32768xf32, #tpu.memory_space<vmem>>
      %get3A_1514 = tpu.memref_squeeze %get3A_1513 : memref<1x32768xf32, #tpu.memory_space<vmem>> -> memref<32768xf32, #tpu.memory_space<vmem>>
      %get3A_1515 = arith.index_cast %mul3A_1511 : i32 to index
      %get3A_1516 = tpu.vector_load %get3A_1514[%get3A_1515] {strides = array<i32>} : memref<32768xf32, #tpu.memory_space<vmem>>, vector<16xf32>,
      %get3A_1517 = vector.shape_cast %get3A_1516 : vector<16xf32> to vector<16xf32>
      %gt3A_1518 = arith.cmpf ogt, %get3A_1517, %scan3A_1461 : vector<16xf32>
      %select_n3A_1519 = arith.select %gt3A_1518, %get3A_1517, %scan3A_1461 : vector<16xi1>, vector<16xf32>
      %broadcast_in_dim3A_1520 = vector.broadcast %scan3A_1458 : i32 to vector<16xi32>
      %select_n3A_1521 = arith.select %gt3A_1518, %broadcast_in_dim3A_1520, %scan3A_1469 : vector<16xi1>, vector<16xi32>
      %mul3A_1522 = arith.constant 8 : i32
      %mul3A_1523 = arith.muli %scan3A_1458, %mul3A_1522 : i32
      %add3A_1524 = arith.constant 3 : i32
      %add3A_1525 = arith.addi %mul3A_1523, %add3A_1524 : i32
      %mul3A_1526 = arith.constant 16 : i32
      %mul3A_1527 = arith.muli %add3A_1525, %mul3A_1526 : i32
      %get3A_1528 = arith.constant 0 : i32
      %get3A_1529 = tpu.memref_slice %arg5[%scan3A_801, %get3A_1528] : memref<2x32768xf32, #tpu.memory_space<vmem>> -> memref<1x32768xf32, #tpu.memory_space<vmem>>
      %get3A_1530 = tpu.memref_squeeze %get3A_1529 : memref<1x32768xf32, #tpu.memory_space<vmem>> -> memref<32768xf32, #tpu.memory_space<vmem>>
      %get3A_1531 = arith.index_cast %mul3A_1527 : i32 to index
      %get3A_1532 = tpu.vector_load %get3A_1530[%get3A_1531] {strides = array<i32>} : memref<32768xf32, #tpu.memory_space<vmem>>, vector<16xf32>,
      %get3A_1533 = vector.shape_cast %get3A_1532 : vector<16xf32> to vector<16xf32>
      %gt3A_1534 = arith.cmpf ogt, %get3A_1533, %scan3A_1462 : vector<16xf32>
      %select_n3A_1535 = arith.select %gt3A_1534, %get3A_1533, %scan3A_1462 : vector<16xi1>, vector<16xf32>
      %broadcast_in_dim3A_1536 = vector.broadcast %scan3A_1458 : i32 to vector<16xi32>
      %select_n3A_1537 = arith.select %gt3A_1534, %broadcast_in_dim3A_1536, %scan3A_1470 : vector<16xi1>, vector<16xi32>
      %mul3A_1538 = arith.constant 8 : i32
      %mul3A_1539 = arith.muli %scan3A_1458, %mul3A_1538 : i32
      %add3A_1540 = arith.constant 4 : i32
      %add3A_1541 = arith.addi %mul3A_1539, %add3A_1540 : i32
      %mul3A_1542 = arith.constant 16 : i32
      %mul3A_1543 = arith.muli %add3A_1541, %mul3A_1542 : i32
      %get3A_1544 = arith.constant 0 : i32
      %get3A_1545 = tpu.memref_slice %arg5[%scan3A_801, %get3A_1544] : memref<2x32768xf32, #tpu.memory_space<vmem>> -> memref<1x32768xf32, #tpu.memory_space<vmem>>
      %get3A_1546 = tpu.memref_squeeze %get3A_1545 : memref<1x32768xf32, #tpu.memory_space<vmem>> -> memref<32768xf32, #tpu.memory_space<vmem>>
      %get3A_1547 = arith.index_cast %mul3A_1543 : i32 to index
      %get3A_1548 = tpu.vector_load %get3A_1546[%get3A_1547] {strides = array<i32>} : memref<32768xf32, #tpu.memory_space<vmem>>, vector<16xf32>,
      %get3A_1549 = vector.shape_cast %get3A_1548 : vector<16xf32> to vector<16xf32>
      %gt3A_1550 = arith.cmpf ogt, %get3A_1549, %scan3A_1463 : vector<16xf32>
      %select_n3A_1551 = arith.select %gt3A_1550, %get3A_1549, %scan3A_1463 : vector<16xi1>, vector<16xf32>
      %broadcast_in_dim3A_1552 = vector.broadcast %scan3A_1458 : i32 to vector<16xi32>
      %select_n3A_1553 = arith.select %gt3A_1550, %broadcast_in_dim3A_1552, %scan3A_1471 : vector<16xi1>, vector<16xi32>
      %mul3A_1554 = arith.constant 8 : i32
      %mul3A_1555 = arith.muli %scan3A_1458, %mul3A_1554 : i32
      %add3A_1556 = arith.constant 5 : i32
      %add3A_1557 = arith.addi %mul3A_1555, %add3A_1556 : i32
      %mul3A_1558 = arith.constant 16 : i32
      %mul3A_1559 = arith.muli %add3A_1557, %mul3A_1558 : i32
      %get3A_1560 = arith.constant 0 : i32
      %get3A_1561 = tpu.memref_slice %arg5[%scan3A_801, %get3A_1560] : memref<2x32768xf32, #tpu.memory_space<vmem>> -> memref<1x32768xf32, #tpu.memory_space<vmem>>
      %get3A_1562 = tpu.memref_squeeze %get3A_1561 : memref<1x32768xf32, #tpu.memory_space<vmem>> -> memref<32768xf32, #tpu.memory_space<vmem>>
      %get3A_1563 = arith.index_cast %mul3A_1559 : i32 to index
      %get3A_1564 = tpu.vector_load %get3A_1562[%get3A_1563] {strides = array<i32>} : memref<32768xf32, #tpu.memory_space<vmem>>, vector<16xf32>,
      %get3A_1565 = vector.shape_cast %get3A_1564 : vector<16xf32> to vector<16xf32>
      %gt3A_1566 = arith.cmpf ogt, %get3A_1565, %scan3A_1464 : vector<16xf32>
      %select_n3A_1567 = arith.select %gt3A_1566, %get3A_1565, %scan3A_1464 : vector<16xi1>, vector<16xf32>
      %broadcast_in_dim3A_1568 = vector.broadcast %scan3A_1458 : i32 to vector<16xi32>
      %select_n3A_1569 = arith.select %gt3A_1566, %broadcast_in_dim3A_1568, %scan3A_1472 : vector<16xi1>, vector<16xi32>
      %mul3A_1570 = arith.constant 8 : i32
      %mul3A_1571 = arith.muli %scan3A_1458, %mul3A_1570 : i32
      %add3A_1572 = arith.constant 6 : i32
      %add3A_1573 = arith.addi %mul3A_1571, %add3A_1572 : i32
      %mul3A_1574 = arith.constant 16 : i32
      %mul3A_1575 = arith.muli %add3A_1573, %mul3A_1574 : i32
      %get3A_1576 = arith.constant 0 : i32
      %get3A_1577 = tpu.memref_slice %arg5[%scan3A_801, %get3A_1576] : memref<2x32768xf32, #tpu.memory_space<vmem>> -> memref<1x32768xf32, #tpu.memory_space<vmem>>
      %get3A_1578 = tpu.memref_squeeze %get3A_1577 : memref<1x32768xf32, #tpu.memory_space<vmem>> -> memref<32768xf32, #tpu.memory_space<vmem>>
      %get3A_1579 = arith.index_cast %mul3A_1575 : i32 to index
      %get3A_1580 = tpu.vector_load %get3A_1578[%get3A_1579] {strides = array<i32>} : memref<32768xf32, #tpu.memory_space<vmem>>, vector<16xf32>,
      %get3A_1581 = vector.shape_cast %get3A_1580 : vector<16xf32> to vector<16xf32>
      %gt3A_1582 = arith.cmpf ogt, %get3A_1581, %scan3A_1465 : vector<16xf32>
      %select_n3A_1583 = arith.select %gt3A_1582, %get3A_1581, %scan3A_1465 : vector<16xi1>, vector<16xf32>
      %broadcast_in_dim3A_1584 = vector.broadcast %scan3A_1458 : i32 to vector<16xi32>
      %select_n3A_1585 = arith.select %gt3A_1582, %broadcast_in_dim3A_1584, %scan3A_1473 : vector<16xi1>, vector<16xi32>
      %mul3A_1586 = arith.constant 8 : i32
      %mul3A_1587 = arith.muli %scan3A_1458, %mul3A_1586 : i32
      %add3A_1588 = arith.constant 7 : i32
      %add3A_1589 = arith.addi %mul3A_1587, %add3A_1588 : i32
      %mul3A_1590 = arith.constant 16 : i32
      %mul3A_1591 = arith.muli %add3A_1589, %mul3A_1590 : i32
      %get3A_1592 = arith.constant 0 : i32
      %get3A_1593 = tpu.memref_slice %arg5[%scan3A_801, %get3A_1592] : memref<2x32768xf32, #tpu.memory_space<vmem>> -> memref<1x32768xf32, #tpu.memory_space<vmem>>
      %get3A_1594 = tpu.memref_squeeze %get3A_1593 : memref<1x32768xf32, #tpu.memory_space<vmem>> -> memref<32768xf32, #tpu.memory_space<vmem>>
      %get3A_1595 = arith.index_cast %mul3A_1591 : i32 to index
      %get3A_1596 = tpu.vector_load %get3A_1594[%get3A_1595] {strides = array<i32>} : memref<32768xf32, #tpu.memory_space<vmem>>, vector<16xf32>,
      %get3A_1597 = vector.shape_cast %get3A_1596 : vector<16xf32> to vector<16xf32>
      %gt3A_1598 = arith.cmpf ogt, %get3A_1597, %scan3A_1466 : vector<16xf32>
      %select_n3A_1599 = arith.select %gt3A_1598, %get3A_1597, %scan3A_1466 : vector<16xi1>, vector<16xf32>
      %broadcast_in_dim3A_1600 = vector.broadcast %scan3A_1458 : i32 to vector<16xi32>
      %select_n3A_1601 = arith.select %gt3A_1598, %broadcast_in_dim3A_1600, %scan3A_1474 : vector<16xi1>, vector<16xi32>
      scf.yield %select_n3A_1487, %select_n3A_1503, %select_n3A_1519, %select_n3A_1535, %select_n3A_1551, %select_n3A_1567, %select_n3A_1583, %select_n3A_1599, %select_n3A_1489, %select_n3A_1505, %select_n3A_1521, %select_n3A_1537, %select_n3A_1553, %select_n3A_1569, %select_n3A_1585, %select_n3A_1601 : vector<16xf32>, vector<16xf32>, vector<16xf32>, vector<16xf32>, vector<16xf32>, vector<16xf32>, vector<16xf32>, vector<16xf32>, vector<16xi32>, vector<16xi32>, vector<16xi32>, vector<16xi32>, vector<16xi32>, vector<16xi32>, vector<16xi32>, vector<16xi32>
    }
    %scan3A_807 = arith.constant 256 : i32
    %mul3A_808 = arith.constant 128 : i32
    %mul3A_809 = vector.broadcast %mul3A_808 : i32 to vector<16xi32>
    %mul3A_810 = arith.muli %scan3A_806#8, %mul3A_809 : vector<16xi32>
    %add3A_811 = arith.addi %mul3A_810, %iota3A : vector<16xi32>
    %mul3A_812 = arith.constant 128 : i32
    %mul3A_813 = vector.broadcast %mul3A_812 : i32 to vector<16xi32>
    %mul3A_814 = arith.muli %scan3A_806#9, %mul3A_813 : vector<16xi32>
    %add3A_815 = arith.constant 16 : i32
    %add3A_816 = vector.broadcast %add3A_815 : i32 to vector<16xi32>
    %add3A_817 = arith.addi %mul3A_814, %add3A_816 : vector<16xi32>
    %add3A_818 = arith.addi %add3A_817, %iota3A : vector<16xi32>
    %gt3A_819 = arith.cmpf ogt, %scan3A_806#1, %scan3A_806#0 : vector<16xf32>
    %eq3A_820 = arith.cmpf oeq, %scan3A_806#1, %scan3A_806#0 : vector<16xf32>
    %lt3A_821 = arith.cmpi slt, %add3A_818, %add3A_811 : vector<16xi32>
    %and3A_822 = arith.andi %eq3A_820, %lt3A_821 : vector<16xi1>
    %or3A_823 = arith.ori %gt3A_819, %and3A_822 : vector<16xi1>
    %select_n3A_824 = arith.select %or3A_823, %scan3A_806#1, %scan3A_806#0 : vector<16xi1>, vector<16xf32>
    %select_n3A_825 = arith.select %or3A_823, %add3A_818, %add3A_811 : vector<16xi1>, vector<16xi32>
    %mul3A_826 = arith.constant 128 : i32
    %mul3A_827 = vector.broadcast %mul3A_826 : i32 to vector<16xi32>
    %mul3A_828 = arith.muli %scan3A_806#10, %mul3A_827 : vector<16xi32>
    %add3A_829 = arith.constant 32 : i32
    %add3A_830 = vector.broadcast %add3A_829 : i32 to vector<16xi32>
    %add3A_831 = arith.addi %mul3A_828, %add3A_830 : vector<16xi32>
    %add3A_832 = arith.addi %add3A_831, %iota3A : vector<16xi32>
    %gt3A_833 = arith.cmpf ogt, %scan3A_806#2, %select_n3A_824 : vector<16xf32>
    %eq3A_834 = arith.cmpf oeq, %scan3A_806#2, %select_n3A_824 : vector<16xf32>
    %lt3A_835 = arith.cmpi slt, %add3A_832, %select_n3A_825 : vector<16xi32>
    %and3A_836 = arith.andi %eq3A_834, %lt3A_835 : vector<16xi1>
    %or3A_837 = arith.ori %gt3A_833, %and3A_836 : vector<16xi1>
    %select_n3A_838 = arith.select %or3A_837, %scan3A_806#2, %select_n3A_824 : vector<16xi1>, vector<16xf32>
    %select_n3A_839 = arith.select %or3A_837, %add3A_832, %select_n3A_825 : vector<16xi1>, vector<16xi32>
    %mul3A_840 = arith.constant 128 : i32
    %mul3A_841 = vector.broadcast %mul3A_840 : i32 to vector<16xi32>
    %mul3A_842 = arith.muli %scan3A_806#11, %mul3A_841 : vector<16xi32>
    %add3A_843 = arith.constant 48 : i32
    %add3A_844 = vector.broadcast %add3A_843 : i32 to vector<16xi32>
    %add3A_845 = arith.addi %mul3A_842, %add3A_844 : vector<16xi32>
    %add3A_846 = arith.addi %add3A_845, %iota3A : vector<16xi32>
    %gt3A_847 = arith.cmpf ogt, %scan3A_806#3, %select_n3A_838 : vector<16xf32>
    %eq3A_848 = arith.cmpf oeq, %scan3A_806#3, %select_n3A_838 : vector<16xf32>
    %lt3A_849 = arith.cmpi slt, %add3A_846, %select_n3A_839 : vector<16xi32>
    %and3A_850 = arith.andi %eq3A_848, %lt3A_849 : vector<16xi1>
    %or3A_851 = arith.ori %gt3A_847, %and3A_850 : vector<16xi1>
    %select_n3A_852 = arith.select %or3A_851, %scan3A_806#3, %select_n3A_838 : vector<16xi1>, vector<16xf32>
    %select_n3A_853 = arith.select %or3A_851, %add3A_846, %select_n3A_839 : vector<16xi1>, vector<16xi32>
    %mul3A_854 = arith.constant 128 : i32
    %mul3A_855 = vector.broadcast %mul3A_854 : i32 to vector<16xi32>
    %mul3A_856 = arith.muli %scan3A_806#12, %mul3A_855 : vector<16xi32>
    %add3A_857 = arith.constant 64 : i32
    %add3A_858 = vector.broadcast %add3A_857 : i32 to vector<16xi32>
    %add3A_859 = arith.addi %mul3A_856, %add3A_858 : vector<16xi32>
    %add3A_860 = arith.addi %add3A_859, %iota3A : vector<16xi32>
    %gt3A_861 = arith.cmpf ogt, %scan3A_806#4, %select_n3A_852 : vector<16xf32>
    %eq3A_862 = arith.cmpf oeq, %scan3A_806#4, %select_n3A_852 : vector<16xf32>
    %lt3A_863 = arith.cmpi slt, %add3A_860, %select_n3A_853 : vector<16xi32>
    %and3A_864 = arith.andi %eq3A_862, %lt3A_863 : vector<16xi1>
    %or3A_865 = arith.ori %gt3A_861, %and3A_864 : vector<16xi1>
    %select_n3A_866 = arith.select %or3A_865, %scan3A_806#4, %select_n3A_852 : vector<16xi1>, vector<16xf32>
    %select_n3A_867 = arith.select %or3A_865, %add3A_860, %select_n3A_853 : vector<16xi1>, vector<16xi32>
    %mul3A_868 = arith.constant 128 : i32
    %mul3A_869 = vector.broadcast %mul3A_868 : i32 to vector<16xi32>
    %mul3A_870 = arith.muli %scan3A_806#13, %mul3A_869 : vector<16xi32>
    %add3A_871 = arith.constant 80 : i32
    %add3A_872 = vector.broadcast %add3A_871 : i32 to vector<16xi32>
    %add3A_873 = arith.addi %mul3A_870, %add3A_872 : vector<16xi32>
    %add3A_874 = arith.addi %add3A_873, %iota3A : vector<16xi32>
    %gt3A_875 = arith.cmpf ogt, %scan3A_806#5, %select_n3A_866 : vector<16xf32>
    %eq3A_876 = arith.cmpf oeq, %scan3A_806#5, %select_n3A_866 : vector<16xf32>
    %lt3A_877 = arith.cmpi slt, %add3A_874, %select_n3A_867 : vector<16xi32>
    %and3A_878 = arith.andi %eq3A_876, %lt3A_877 : vector<16xi1>
    %or3A_879 = arith.ori %gt3A_875, %and3A_878 : vector<16xi1>
    %select_n3A_880 = arith.select %or3A_879, %scan3A_806#5, %select_n3A_866 : vector<16xi1>, vector<16xf32>
    %select_n3A_881 = arith.select %or3A_879, %add3A_874, %select_n3A_867 : vector<16xi1>, vector<16xi32>
    %mul3A_882 = arith.constant 128 : i32
    %mul3A_883 = vector.broadcast %mul3A_882 : i32 to vector<16xi32>
    %mul3A_884 = arith.muli %scan3A_806#14, %mul3A_883 : vector<16xi32>
    %add3A_885 = arith.constant 96 : i32
    %add3A_886 = vector.broadcast %add3A_885 : i32 to vector<16xi32>
    %add3A_887 = arith.addi %mul3A_884, %add3A_886 : vector<16xi32>
    %add3A_888 = arith.addi %add3A_887, %iota3A : vector<16xi32>
    %gt3A_889 = arith.cmpf ogt, %scan3A_806#6, %select_n3A_880 : vector<16xf32>
    %eq3A_890 = arith.cmpf oeq, %scan3A_806#6, %select_n3A_880 : vector<16xf32>
    %lt3A_891 = arith.cmpi slt, %add3A_888, %select_n3A_881 : vector<16xi32>
    %and3A_892 = arith.andi %eq3A_890, %lt3A_891 : vector<16xi1>
    %or3A_893 = arith.ori %gt3A_889, %and3A_892 : vector<16xi1>
    %select_n3A_894 = arith.select %or3A_893, %scan3A_806#6, %select_n3A_880 : vector<16xi1>, vector<16xf32>
    %select_n3A_895 = arith.select %or3A_893, %add3A_888, %select_n3A_881 : vector<16xi1>, vector<16xi32>
    %mul3A_896 = arith.constant 128 : i32
    %mul3A_897 = vector.broadcast %mul3A_896 : i32 to vector<16xi32>
    %mul3A_898 = arith.muli %scan3A_806#15, %mul3A_897 : vector<16xi32>
    %add3A_899 = arith.constant 112 : i32
    %add3A_900 = vector.broadcast %add3A_899 : i32 to vector<16xi32>
    %add3A_901 = arith.addi %mul3A_898, %add3A_900 : vector<16xi32>
    %add3A_902 = arith.addi %add3A_901, %iota3A : vector<16xi32>
    %gt3A_903 = arith.cmpf ogt, %scan3A_806#7, %select_n3A_894 : vector<16xf32>
    %eq3A_904 = arith.cmpf oeq, %scan3A_806#7, %select_n3A_894 : vector<16xf32>
    %lt3A_905 = arith.cmpi slt, %add3A_902, %select_n3A_895 : vector<16xi32>
    %and3A_906 = arith.andi %eq3A_904, %lt3A_905 : vector<16xi1>
    %or3A_907 = arith.ori %gt3A_903, %and3A_906 : vector<16xi1>
    %select_n3A_908 = arith.select %or3A_907, %scan3A_806#7, %select_n3A_894 : vector<16xi1>, vector<16xf32>
    %select_n3A_909 = arith.select %or3A_907, %add3A_902, %select_n3A_895 : vector<16xi1>, vector<16xi32>
    %swap3A_910 = arith.constant 4 : i32
    %swap3A_911 = arith.index_cast %swap3A_910 : i32 to index
    %swap3A_912 = arith.constant 0 : index
    %swap3A_913 = tpu.vector_load %arg6[%swap3A_911, %swap3A_912] {strides = array<i32>} : memref<8x16xf32, #tpu.memory_space<vmem>>, vector<1x16xf32>,
    %swap3A_914 = vector.shape_cast %swap3A_913 : vector<1x16xf32> to vector<16xf32>
    %swap3A_915 = vector.shape_cast %select_n3A_908 : vector<16xf32> to vector<1x16xf32>
    tpu.vector_store %arg6[%swap3A_911, %swap3A_912], %swap3A_915 {strides = array<i32>} : memref<8x16xf32, #tpu.memory_space<vmem>>, vector<1x16xf32>,
    %swap3A_916 = arith.constant 4 : i32
    %swap3A_917 = arith.index_cast %swap3A_916 : i32 to index
    %swap3A_918 = arith.constant 0 : index
    %swap3A_919 = tpu.vector_load %arg7[%swap3A_917, %swap3A_918] {strides = array<i32>} : memref<8x16xi32, #tpu.memory_space<vmem>>, vector<1x16xi32>,
    %swap3A_920 = vector.shape_cast %swap3A_919 : vector<1x16xi32> to vector<16xi32>
    %swap3A_921 = vector.shape_cast %select_n3A_909 : vector<16xi32> to vector<1x16xi32>
    tpu.vector_store %arg7[%swap3A_917, %swap3A_918], %swap3A_921 {strides = array<i32>} : memref<8x16xi32, #tpu.memory_space<vmem>>, vector<1x16xi32>,
    %add3A_922 = arith.constant 5 : i32
    %add3A_923 = arith.addi %add3A_4, %add3A_922 : i32
    %add3A_924 = arith.constant 1 : i32
    %add3A_925 = arith.addi %add3A_923, %add3A_924 : i32
    %dma_start3A_926 = arith.constant 0 : i32
    %dma_start3A_927 = arith.constant 0 : i32
    %dma_start3A_928 = tpu.memref_slice %arg5[%dma_start3A_926, %dma_start3A_927] : memref<2x32768xf32, #tpu.memory_space<vmem>> -> memref<1x32768xf32, #tpu.memory_space<vmem>>
    %dma_start3A_929 = tpu.memref_squeeze %dma_start3A_928 : memref<1x32768xf32, #tpu.memory_space<vmem>> -> memref<32768xf32, #tpu.memory_space<vmem>>
    %dma_start3A_930 = arith.constant 0 : i32
    %dma_start3A_931 = tpu.memref_slice %arg2[%add3A_925, %dma_start3A_930] : memref<576x32768xf32, #tpu.memory_space<hbm>> -> memref<1x32768xf32, #tpu.memory_space<hbm>>
    %dma_start3A_932 = tpu.memref_squeeze %dma_start3A_931 : memref<1x32768xf32, #tpu.memory_space<hbm>> -> memref<32768xf32, #tpu.memory_space<hbm>>
    %dma_start3A_933 = arith.constant 0 : i32
    %dma_start3A_934 = tpu.memref_slice %arg5[%dma_start3A_926, %dma_start3A_933] : memref<2x32768xf32, #tpu.memory_space<vmem>> -> memref<1x32768xf32, #tpu.memory_space<vmem>>
    %dma_start3A_935 = tpu.memref_squeeze %dma_start3A_934 : memref<1x32768xf32, #tpu.memory_space<vmem>> -> memref<32768xf32, #tpu.memory_space<vmem>>
    %dma_start3A_936 = arith.constant 0 : i32
    %dma_start3A_937 = tpu.memref_slice %arg2[%add3A_925, %dma_start3A_936] : memref<576x32768xf32, #tpu.memory_space<hbm>> -> memref<1x32768xf32, #tpu.memory_space<hbm>>
    %dma_start3A_938 = tpu.memref_squeeze %dma_start3A_937 : memref<1x32768xf32, #tpu.memory_space<hbm>> -> memref<32768xf32, #tpu.memory_space<hbm>>
    tpu.enqueue_dma source(%dma_start3A_938 : memref<32768xf32, #tpu.memory_space<hbm>>) target(%dma_start3A_935 : memref<32768xf32, #tpu.memory_space<vmem>>) target_semaphore(%arg8 : memref<!tpu.dma_semaphore, #tpu.memory_space<semaphore_mem>>)
    %dma_wait3A_939 = arith.constant 1 : i32
    %dma_wait3A_940 = arith.constant 0 : i32
    %dma_wait3A_941 = tpu.memref_slice %arg5[%dma_wait3A_939, %dma_wait3A_940] : memref<2x32768xf32, #tpu.memory_space<vmem>> -> memref<1x32768xf32, #tpu.memory_space<vmem>>
    %dma_wait3A_942 = tpu.memref_squeeze %dma_wait3A_941 : memref<1x32768xf32, #tpu.memory_space<vmem>> -> memref<32768xf32, #tpu.memory_space<vmem>>
    %dma_wait3A_943 = arith.constant 0 : i32
    %dma_wait3A_944 = tpu.memref_slice %arg2[%add3A_742, %dma_wait3A_943] : memref<576x32768xf32, #tpu.memory_space<hbm>> -> memref<1x32768xf32, #tpu.memory_space<hbm>>
    %dma_wait3A_945 = tpu.memref_squeeze %dma_wait3A_944 : memref<1x32768xf32, #tpu.memory_space<hbm>> -> memref<32768xf32, #tpu.memory_space<hbm>>
    %dma_wait3A_946 = arith.constant 0 : i32
    %dma_wait3A_947 = tpu.memref_slice %arg5[%dma_wait3A_939, %dma_wait3A_946] : memref<2x32768xf32, #tpu.memory_space<vmem>> -> memref<1x32768xf32, #tpu.memory_space<vmem>>
    %dma_wait3A_948 = tpu.memref_squeeze %dma_wait3A_947 : memref<1x32768xf32, #tpu.memory_space<vmem>> -> memref<32768xf32, #tpu.memory_space<vmem>>
    %dma_wait3A_949 = arith.constant 0 : i32
    %dma_wait3A_950 = tpu.memref_slice %arg2[%add3A_742, %dma_wait3A_949] : memref<576x32768xf32, #tpu.memory_space<hbm>> -> memref<1x32768xf32, #tpu.memory_space<hbm>>
    %dma_wait3A_951 = tpu.memref_squeeze %dma_wait3A_950 : memref<1x32768xf32, #tpu.memory_space<hbm>> -> memref<32768xf32, #tpu.memory_space<hbm>>
    tpu.wait_dma2 semaphore(%arg9 : memref<!tpu.dma_semaphore, #tpu.memory_space<semaphore_mem>>) src(%dma_wait3A_951 : memref<32768xf32, #tpu.memory_space<hbm>>) dst(%dma_wait3A_948 : memref<32768xf32, #tpu.memory_space<vmem>>)
    %broadcast_in_dim3A_952 = arith.constant 0xFF800000 : f32
    %broadcast_in_dim3A_953 = vector.broadcast %broadcast_in_dim3A_952 : f32 to vector<16xf32>
    %broadcast_in_dim3A_954 = arith.constant 0xFF800000 : f32
    %broadcast_in_dim3A_955 = vector.broadcast %broadcast_in_dim3A_954 : f32 to vector<16xf32>
    %broadcast_in_dim3A_956 = arith.constant 0xFF800000 : f32
    %broadcast_in_dim3A_957 = vector.broadcast %broadcast_in_dim3A_956 : f32 to vector<16xf32>
    %broadcast_in_dim3A_958 = arith.constant 0xFF800000 : f32
    %broadcast_in_dim3A_959 = vector.broadcast %broadcast_in_dim3A_958 : f32 to vector<16xf32>
    %broadcast_in_dim3A_960 = arith.constant 0xFF800000 : f32
    %broadcast_in_dim3A_961 = vector.broadcast %broadcast_in_dim3A_960 : f32 to vector<16xf32>
    %broadcast_in_dim3A_962 = arith.constant 0xFF800000 : f32
    %broadcast_in_dim3A_963 = vector.broadcast %broadcast_in_dim3A_962 : f32 to vector<16xf32>
    %broadcast_in_dim3A_964 = arith.constant 0xFF800000 : f32
    %broadcast_in_dim3A_965 = vector.broadcast %broadcast_in_dim3A_964 : f32 to vector<16xf32>
    %broadcast_in_dim3A_966 = arith.constant 0xFF800000 : f32
    %broadcast_in_dim3A_967 = vector.broadcast %broadcast_in_dim3A_966 : f32 to vector<16xf32>
    %broadcast_in_dim3A_968 = arith.constant 0 : i32
    %broadcast_in_dim3A_969 = vector.broadcast %broadcast_in_dim3A_968 : i32 to vector<16xi32>
    %broadcast_in_dim3A_970 = arith.constant 0 : i32
    %broadcast_in_dim3A_971 = vector.broadcast %broadcast_in_dim3A_970 : i32 to vector<16xi32>
    %broadcast_in_dim3A_972 = arith.constant 0 : i32
    %broadcast_in_dim3A_973 = vector.broadcast %broadcast_in_dim3A_972 : i32 to vector<16xi32>
    %broadcast_in_dim3A_974 = arith.constant 0 : i32
    %broadcast_in_dim3A_975 = vector.broadcast %broadcast_in_dim3A_974 : i32 to vector<16xi32>
    %broadcast_in_dim3A_976 = arith.constant 0 : i32
    %broadcast_in_dim3A_977 = vector.broadcast %broadcast_in_dim3A_976 : i32 to vector<16xi32>
    %broadcast_in_dim3A_978 = arith.constant 0 : i32
    %broadcast_in_dim3A_979 = vector.broadcast %broadcast_in_dim3A_978 : i32 to vector<16xi32>
    %broadcast_in_dim3A_980 = arith.constant 0 : i32
    %broadcast_in_dim3A_981 = vector.broadcast %broadcast_in_dim3A_980 : i32 to vector<16xi32>
    %broadcast_in_dim3A_982 = arith.constant 0 : i32
    %broadcast_in_dim3A_983 = vector.broadcast %broadcast_in_dim3A_982 : i32 to vector<16xi32>
    %scan3A_984 = arith.constant 1 : i32
    %scan3A_985 = arith.constant 0 : i32
    %scan3A_986 = arith.constant 256 : i32
    %scan3A_987 = arith.addi %scan3A_985, %scan3A_986 : i32
    %scan3A_988 = arith.constant 1 : i32
    %scan3A_989:16 = scf.for %scan3A_1458 = %scan3A_985 to %scan3A_987 step %scan3A_988 iter_args(%scan3A_1459 = %broadcast_in_dim3A_953, %scan3A_1460 = %broadcast_in_dim3A_955, %scan3A_1461 = %broadcast_in_dim3A_957, %scan3A_1462 = %broadcast_in_dim3A_959, %scan3A_1463 = %broadcast_in_dim3A_961, %scan3A_1464 = %broadcast_in_dim3A_963, %scan3A_1465 = %broadcast_in_dim3A_965, %scan3A_1466 = %broadcast_in_dim3A_967, %scan3A_1467 = %broadcast_in_dim3A_969, %scan3A_1468 = %broadcast_in_dim3A_971, %scan3A_1469 = %broadcast_in_dim3A_973, %scan3A_1470 = %broadcast_in_dim3A_975, %scan3A_1471 = %broadcast_in_dim3A_977, %scan3A_1472 = %broadcast_in_dim3A_979, %scan3A_1473 = %broadcast_in_dim3A_981, %scan3A_1474 = %broadcast_in_dim3A_983) -> (vector<16xf32>, vector<16xf32>, vector<16xf32>, vector<16xf32>, vector<16xf32>, vector<16xf32>, vector<16xf32>, vector<16xf32>, vector<16xi32>, vector<16xi32>, vector<16xi32>, vector<16xi32>, vector<16xi32>, vector<16xi32>, vector<16xi32>, vector<16xi32>)  : i32 {
      %mul3A_1475 = arith.constant 8 : i32
      %mul3A_1476 = arith.muli %scan3A_1458, %mul3A_1475 : i32
      %add3A_1477 = arith.constant 0 : i32
      %add3A_1478 = arith.addi %mul3A_1476, %add3A_1477 : i32
      %mul3A_1479 = arith.constant 16 : i32
      %mul3A_1480 = arith.muli %add3A_1478, %mul3A_1479 : i32
      %get3A = arith.constant 0 : i32
      %get3A_1481 = tpu.memref_slice %arg5[%scan3A_984, %get3A] : memref<2x32768xf32, #tpu.memory_space<vmem>> -> memref<1x32768xf32, #tpu.memory_space<vmem>>
      %get3A_1482 = tpu.memref_squeeze %get3A_1481 : memref<1x32768xf32, #tpu.memory_space<vmem>> -> memref<32768xf32, #tpu.memory_space<vmem>>
      %get3A_1483 = arith.index_cast %mul3A_1480 : i32 to index
      %get3A_1484 = tpu.vector_load %get3A_1482[%get3A_1483] {strides = array<i32>} : memref<32768xf32, #tpu.memory_space<vmem>>, vector<16xf32>,
      %get3A_1485 = vector.shape_cast %get3A_1484 : vector<16xf32> to vector<16xf32>
      %gt3A_1486 = arith.cmpf ogt, %get3A_1485, %scan3A_1459 : vector<16xf32>
      %select_n3A_1487 = arith.select %gt3A_1486, %get3A_1485, %scan3A_1459 : vector<16xi1>, vector<16xf32>
      %broadcast_in_dim3A_1488 = vector.broadcast %scan3A_1458 : i32 to vector<16xi32>
      %select_n3A_1489 = arith.select %gt3A_1486, %broadcast_in_dim3A_1488, %scan3A_1467 : vector<16xi1>, vector<16xi32>
      %mul3A_1490 = arith.constant 8 : i32
      %mul3A_1491 = arith.muli %scan3A_1458, %mul3A_1490 : i32
      %add3A_1492 = arith.constant 1 : i32
      %add3A_1493 = arith.addi %mul3A_1491, %add3A_1492 : i32
      %mul3A_1494 = arith.constant 16 : i32
      %mul3A_1495 = arith.muli %add3A_1493, %mul3A_1494 : i32
      %get3A_1496 = arith.constant 0 : i32
      %get3A_1497 = tpu.memref_slice %arg5[%scan3A_984, %get3A_1496] : memref<2x32768xf32, #tpu.memory_space<vmem>> -> memref<1x32768xf32, #tpu.memory_space<vmem>>
      %get3A_1498 = tpu.memref_squeeze %get3A_1497 : memref<1x32768xf32, #tpu.memory_space<vmem>> -> memref<32768xf32, #tpu.memory_space<vmem>>
      %get3A_1499 = arith.index_cast %mul3A_1495 : i32 to index
      %get3A_1500 = tpu.vector_load %get3A_1498[%get3A_1499] {strides = array<i32>} : memref<32768xf32, #tpu.memory_space<vmem>>, vector<16xf32>,
      %get3A_1501 = vector.shape_cast %get3A_1500 : vector<16xf32> to vector<16xf32>
      %gt3A_1502 = arith.cmpf ogt, %get3A_1501, %scan3A_1460 : vector<16xf32>
      %select_n3A_1503 = arith.select %gt3A_1502, %get3A_1501, %scan3A_1460 : vector<16xi1>, vector<16xf32>
      %broadcast_in_dim3A_1504 = vector.broadcast %scan3A_1458 : i32 to vector<16xi32>
      %select_n3A_1505 = arith.select %gt3A_1502, %broadcast_in_dim3A_1504, %scan3A_1468 : vector<16xi1>, vector<16xi32>
      %mul3A_1506 = arith.constant 8 : i32
      %mul3A_1507 = arith.muli %scan3A_1458, %mul3A_1506 : i32
      %add3A_1508 = arith.constant 2 : i32
      %add3A_1509 = arith.addi %mul3A_1507, %add3A_1508 : i32
      %mul3A_1510 = arith.constant 16 : i32
      %mul3A_1511 = arith.muli %add3A_1509, %mul3A_1510 : i32
      %get3A_1512 = arith.constant 0 : i32
      %get3A_1513 = tpu.memref_slice %arg5[%scan3A_984, %get3A_1512] : memref<2x32768xf32, #tpu.memory_space<vmem>> -> memref<1x32768xf32, #tpu.memory_space<vmem>>
      %get3A_1514 = tpu.memref_squeeze %get3A_1513 : memref<1x32768xf32, #tpu.memory_space<vmem>> -> memref<32768xf32, #tpu.memory_space<vmem>>
      %get3A_1515 = arith.index_cast %mul3A_1511 : i32 to index
      %get3A_1516 = tpu.vector_load %get3A_1514[%get3A_1515] {strides = array<i32>} : memref<32768xf32, #tpu.memory_space<vmem>>, vector<16xf32>,
      %get3A_1517 = vector.shape_cast %get3A_1516 : vector<16xf32> to vector<16xf32>
      %gt3A_1518 = arith.cmpf ogt, %get3A_1517, %scan3A_1461 : vector<16xf32>
      %select_n3A_1519 = arith.select %gt3A_1518, %get3A_1517, %scan3A_1461 : vector<16xi1>, vector<16xf32>
      %broadcast_in_dim3A_1520 = vector.broadcast %scan3A_1458 : i32 to vector<16xi32>
      %select_n3A_1521 = arith.select %gt3A_1518, %broadcast_in_dim3A_1520, %scan3A_1469 : vector<16xi1>, vector<16xi32>
      %mul3A_1522 = arith.constant 8 : i32
      %mul3A_1523 = arith.muli %scan3A_1458, %mul3A_1522 : i32
      %add3A_1524 = arith.constant 3 : i32
      %add3A_1525 = arith.addi %mul3A_1523, %add3A_1524 : i32
      %mul3A_1526 = arith.constant 16 : i32
      %mul3A_1527 = arith.muli %add3A_1525, %mul3A_1526 : i32
      %get3A_1528 = arith.constant 0 : i32
      %get3A_1529 = tpu.memref_slice %arg5[%scan3A_984, %get3A_1528] : memref<2x32768xf32, #tpu.memory_space<vmem>> -> memref<1x32768xf32, #tpu.memory_space<vmem>>
      %get3A_1530 = tpu.memref_squeeze %get3A_1529 : memref<1x32768xf32, #tpu.memory_space<vmem>> -> memref<32768xf32, #tpu.memory_space<vmem>>
      %get3A_1531 = arith.index_cast %mul3A_1527 : i32 to index
      %get3A_1532 = tpu.vector_load %get3A_1530[%get3A_1531] {strides = array<i32>} : memref<32768xf32, #tpu.memory_space<vmem>>, vector<16xf32>,
      %get3A_1533 = vector.shape_cast %get3A_1532 : vector<16xf32> to vector<16xf32>
      %gt3A_1534 = arith.cmpf ogt, %get3A_1533, %scan3A_1462 : vector<16xf32>
      %select_n3A_1535 = arith.select %gt3A_1534, %get3A_1533, %scan3A_1462 : vector<16xi1>, vector<16xf32>
      %broadcast_in_dim3A_1536 = vector.broadcast %scan3A_1458 : i32 to vector<16xi32>
      %select_n3A_1537 = arith.select %gt3A_1534, %broadcast_in_dim3A_1536, %scan3A_1470 : vector<16xi1>, vector<16xi32>
      %mul3A_1538 = arith.constant 8 : i32
      %mul3A_1539 = arith.muli %scan3A_1458, %mul3A_1538 : i32
      %add3A_1540 = arith.constant 4 : i32
      %add3A_1541 = arith.addi %mul3A_1539, %add3A_1540 : i32
      %mul3A_1542 = arith.constant 16 : i32
      %mul3A_1543 = arith.muli %add3A_1541, %mul3A_1542 : i32
      %get3A_1544 = arith.constant 0 : i32
      %get3A_1545 = tpu.memref_slice %arg5[%scan3A_984, %get3A_1544] : memref<2x32768xf32, #tpu.memory_space<vmem>> -> memref<1x32768xf32, #tpu.memory_space<vmem>>
      %get3A_1546 = tpu.memref_squeeze %get3A_1545 : memref<1x32768xf32, #tpu.memory_space<vmem>> -> memref<32768xf32, #tpu.memory_space<vmem>>
      %get3A_1547 = arith.index_cast %mul3A_1543 : i32 to index
      %get3A_1548 = tpu.vector_load %get3A_1546[%get3A_1547] {strides = array<i32>} : memref<32768xf32, #tpu.memory_space<vmem>>, vector<16xf32>,
      %get3A_1549 = vector.shape_cast %get3A_1548 : vector<16xf32> to vector<16xf32>
      %gt3A_1550 = arith.cmpf ogt, %get3A_1549, %scan3A_1463 : vector<16xf32>
      %select_n3A_1551 = arith.select %gt3A_1550, %get3A_1549, %scan3A_1463 : vector<16xi1>, vector<16xf32>
      %broadcast_in_dim3A_1552 = vector.broadcast %scan3A_1458 : i32 to vector<16xi32>
      %select_n3A_1553 = arith.select %gt3A_1550, %broadcast_in_dim3A_1552, %scan3A_1471 : vector<16xi1>, vector<16xi32>
      %mul3A_1554 = arith.constant 8 : i32
      %mul3A_1555 = arith.muli %scan3A_1458, %mul3A_1554 : i32
      %add3A_1556 = arith.constant 5 : i32
      %add3A_1557 = arith.addi %mul3A_1555, %add3A_1556 : i32
      %mul3A_1558 = arith.constant 16 : i32
      %mul3A_1559 = arith.muli %add3A_1557, %mul3A_1558 : i32
      %get3A_1560 = arith.constant 0 : i32
      %get3A_1561 = tpu.memref_slice %arg5[%scan3A_984, %get3A_1560] : memref<2x32768xf32, #tpu.memory_space<vmem>> -> memref<1x32768xf32, #tpu.memory_space<vmem>>
      %get3A_1562 = tpu.memref_squeeze %get3A_1561 : memref<1x32768xf32, #tpu.memory_space<vmem>> -> memref<32768xf32, #tpu.memory_space<vmem>>
      %get3A_1563 = arith.index_cast %mul3A_1559 : i32 to index
      %get3A_1564 = tpu.vector_load %get3A_1562[%get3A_1563] {strides = array<i32>} : memref<32768xf32, #tpu.memory_space<vmem>>, vector<16xf32>,
      %get3A_1565 = vector.shape_cast %get3A_1564 : vector<16xf32> to vector<16xf32>
      %gt3A_1566 = arith.cmpf ogt, %get3A_1565, %scan3A_1464 : vector<16xf32>
      %select_n3A_1567 = arith.select %gt3A_1566, %get3A_1565, %scan3A_1464 : vector<16xi1>, vector<16xf32>
      %broadcast_in_dim3A_1568 = vector.broadcast %scan3A_1458 : i32 to vector<16xi32>
      %select_n3A_1569 = arith.select %gt3A_1566, %broadcast_in_dim3A_1568, %scan3A_1472 : vector<16xi1>, vector<16xi32>
      %mul3A_1570 = arith.constant 8 : i32
      %mul3A_1571 = arith.muli %scan3A_1458, %mul3A_1570 : i32
      %add3A_1572 = arith.constant 6 : i32
      %add3A_1573 = arith.addi %mul3A_1571, %add3A_1572 : i32
      %mul3A_1574 = arith.constant 16 : i32
      %mul3A_1575 = arith.muli %add3A_1573, %mul3A_1574 : i32
      %get3A_1576 = arith.constant 0 : i32
      %get3A_1577 = tpu.memref_slice %arg5[%scan3A_984, %get3A_1576] : memref<2x32768xf32, #tpu.memory_space<vmem>> -> memref<1x32768xf32, #tpu.memory_space<vmem>>
      %get3A_1578 = tpu.memref_squeeze %get3A_1577 : memref<1x32768xf32, #tpu.memory_space<vmem>> -> memref<32768xf32, #tpu.memory_space<vmem>>
      %get3A_1579 = arith.index_cast %mul3A_1575 : i32 to index
      %get3A_1580 = tpu.vector_load %get3A_1578[%get3A_1579] {strides = array<i32>} : memref<32768xf32, #tpu.memory_space<vmem>>, vector<16xf32>,
      %get3A_1581 = vector.shape_cast %get3A_1580 : vector<16xf32> to vector<16xf32>
      %gt3A_1582 = arith.cmpf ogt, %get3A_1581, %scan3A_1465 : vector<16xf32>
      %select_n3A_1583 = arith.select %gt3A_1582, %get3A_1581, %scan3A_1465 : vector<16xi1>, vector<16xf32>
      %broadcast_in_dim3A_1584 = vector.broadcast %scan3A_1458 : i32 to vector<16xi32>
      %select_n3A_1585 = arith.select %gt3A_1582, %broadcast_in_dim3A_1584, %scan3A_1473 : vector<16xi1>, vector<16xi32>
      %mul3A_1586 = arith.constant 8 : i32
      %mul3A_1587 = arith.muli %scan3A_1458, %mul3A_1586 : i32
      %add3A_1588 = arith.constant 7 : i32
      %add3A_1589 = arith.addi %mul3A_1587, %add3A_1588 : i32
      %mul3A_1590 = arith.constant 16 : i32
      %mul3A_1591 = arith.muli %add3A_1589, %mul3A_1590 : i32
      %get3A_1592 = arith.constant 0 : i32
      %get3A_1593 = tpu.memref_slice %arg5[%scan3A_984, %get3A_1592] : memref<2x32768xf32, #tpu.memory_space<vmem>> -> memref<1x32768xf32, #tpu.memory_space<vmem>>
      %get3A_1594 = tpu.memref_squeeze %get3A_1593 : memref<1x32768xf32, #tpu.memory_space<vmem>> -> memref<32768xf32, #tpu.memory_space<vmem>>
      %get3A_1595 = arith.index_cast %mul3A_1591 : i32 to index
      %get3A_1596 = tpu.vector_load %get3A_1594[%get3A_1595] {strides = array<i32>} : memref<32768xf32, #tpu.memory_space<vmem>>, vector<16xf32>,
      %get3A_1597 = vector.shape_cast %get3A_1596 : vector<16xf32> to vector<16xf32>
      %gt3A_1598 = arith.cmpf ogt, %get3A_1597, %scan3A_1466 : vector<16xf32>
      %select_n3A_1599 = arith.select %gt3A_1598, %get3A_1597, %scan3A_1466 : vector<16xi1>, vector<16xf32>
      %broadcast_in_dim3A_1600 = vector.broadcast %scan3A_1458 : i32 to vector<16xi32>
      %select_n3A_1601 = arith.select %gt3A_1598, %broadcast_in_dim3A_1600, %scan3A_1474 : vector<16xi1>, vector<16xi32>
      scf.yield %select_n3A_1487, %select_n3A_1503, %select_n3A_1519, %select_n3A_1535, %select_n3A_1551, %select_n3A_1567, %select_n3A_1583, %select_n3A_1599, %select_n3A_1489, %select_n3A_1505, %select_n3A_1521, %select_n3A_1537, %select_n3A_1553, %select_n3A_1569, %select_n3A_1585, %select_n3A_1601 : vector<16xf32>, vector<16xf32>, vector<16xf32>, vector<16xf32>, vector<16xf32>, vector<16xf32>, vector<16xf32>, vector<16xf32>, vector<16xi32>, vector<16xi32>, vector<16xi32>, vector<16xi32>, vector<16xi32>, vector<16xi32>, vector<16xi32>, vector<16xi32>
    }
    %scan3A_990 = arith.constant 256 : i32
    %mul3A_991 = arith.constant 128 : i32
    %mul3A_992 = vector.broadcast %mul3A_991 : i32 to vector<16xi32>
    %mul3A_993 = arith.muli %scan3A_989#8, %mul3A_992 : vector<16xi32>
    %add3A_994 = arith.addi %mul3A_993, %iota3A : vector<16xi32>
    %mul3A_995 = arith.constant 128 : i32
    %mul3A_996 = vector.broadcast %mul3A_995 : i32 to vector<16xi32>
    %mul3A_997 = arith.muli %scan3A_989#9, %mul3A_996 : vector<16xi32>
    %add3A_998 = arith.constant 16 : i32
    %add3A_999 = vector.broadcast %add3A_998 : i32 to vector<16xi32>
    %add3A_1000 = arith.addi %mul3A_997, %add3A_999 : vector<16xi32>
    %add3A_1001 = arith.addi %add3A_1000, %iota3A : vector<16xi32>
    %gt3A_1002 = arith.cmpf ogt, %scan3A_989#1, %scan3A_989#0 : vector<16xf32>
    %eq3A_1003 = arith.cmpf oeq, %scan3A_989#1, %scan3A_989#0 : vector<16xf32>
    %lt3A_1004 = arith.cmpi slt, %add3A_1001, %add3A_994 : vector<16xi32>
    %and3A_1005 = arith.andi %eq3A_1003, %lt3A_1004 : vector<16xi1>
    %or3A_1006 = arith.ori %gt3A_1002, %and3A_1005 : vector<16xi1>
    %select_n3A_1007 = arith.select %or3A_1006, %scan3A_989#1, %scan3A_989#0 : vector<16xi1>, vector<16xf32>
    %select_n3A_1008 = arith.select %or3A_1006, %add3A_1001, %add3A_994 : vector<16xi1>, vector<16xi32>
    %mul3A_1009 = arith.constant 128 : i32
    %mul3A_1010 = vector.broadcast %mul3A_1009 : i32 to vector<16xi32>
    %mul3A_1011 = arith.muli %scan3A_989#10, %mul3A_1010 : vector<16xi32>
    %add3A_1012 = arith.constant 32 : i32
    %add3A_1013 = vector.broadcast %add3A_1012 : i32 to vector<16xi32>
    %add3A_1014 = arith.addi %mul3A_1011, %add3A_1013 : vector<16xi32>
    %add3A_1015 = arith.addi %add3A_1014, %iota3A : vector<16xi32>
    %gt3A_1016 = arith.cmpf ogt, %scan3A_989#2, %select_n3A_1007 : vector<16xf32>
    %eq3A_1017 = arith.cmpf oeq, %scan3A_989#2, %select_n3A_1007 : vector<16xf32>
    %lt3A_1018 = arith.cmpi slt, %add3A_1015, %select_n3A_1008 : vector<16xi32>
    %and3A_1019 = arith.andi %eq3A_1017, %lt3A_1018 : vector<16xi1>
    %or3A_1020 = arith.ori %gt3A_1016, %and3A_1019 : vector<16xi1>
    %select_n3A_1021 = arith.select %or3A_1020, %scan3A_989#2, %select_n3A_1007 : vector<16xi1>, vector<16xf32>
    %select_n3A_1022 = arith.select %or3A_1020, %add3A_1015, %select_n3A_1008 : vector<16xi1>, vector<16xi32>
    %mul3A_1023 = arith.constant 128 : i32
    %mul3A_1024 = vector.broadcast %mul3A_1023 : i32 to vector<16xi32>
    %mul3A_1025 = arith.muli %scan3A_989#11, %mul3A_1024 : vector<16xi32>
    %add3A_1026 = arith.constant 48 : i32
    %add3A_1027 = vector.broadcast %add3A_1026 : i32 to vector<16xi32>
    %add3A_1028 = arith.addi %mul3A_1025, %add3A_1027 : vector<16xi32>
    %add3A_1029 = arith.addi %add3A_1028, %iota3A : vector<16xi32>
    %gt3A_1030 = arith.cmpf ogt, %scan3A_989#3, %select_n3A_1021 : vector<16xf32>
    %eq3A_1031 = arith.cmpf oeq, %scan3A_989#3, %select_n3A_1021 : vector<16xf32>
    %lt3A_1032 = arith.cmpi slt, %add3A_1029, %select_n3A_1022 : vector<16xi32>
    %and3A_1033 = arith.andi %eq3A_1031, %lt3A_1032 : vector<16xi1>
    %or3A_1034 = arith.ori %gt3A_1030, %and3A_1033 : vector<16xi1>
    %select_n3A_1035 = arith.select %or3A_1034, %scan3A_989#3, %select_n3A_1021 : vector<16xi1>, vector<16xf32>
    %select_n3A_1036 = arith.select %or3A_1034, %add3A_1029, %select_n3A_1022 : vector<16xi1>, vector<16xi32>
    %mul3A_1037 = arith.constant 128 : i32
    %mul3A_1038 = vector.broadcast %mul3A_1037 : i32 to vector<16xi32>
    %mul3A_1039 = arith.muli %scan3A_989#12, %mul3A_1038 : vector<16xi32>
    %add3A_1040 = arith.constant 64 : i32
    %add3A_1041 = vector.broadcast %add3A_1040 : i32 to vector<16xi32>
    %add3A_1042 = arith.addi %mul3A_1039, %add3A_1041 : vector<16xi32>
    %add3A_1043 = arith.addi %add3A_1042, %iota3A : vector<16xi32>
    %gt3A_1044 = arith.cmpf ogt, %scan3A_989#4, %select_n3A_1035 : vector<16xf32>
    %eq3A_1045 = arith.cmpf oeq, %scan3A_989#4, %select_n3A_1035 : vector<16xf32>
    %lt3A_1046 = arith.cmpi slt, %add3A_1043, %select_n3A_1036 : vector<16xi32>
    %and3A_1047 = arith.andi %eq3A_1045, %lt3A_1046 : vector<16xi1>
    %or3A_1048 = arith.ori %gt3A_1044, %and3A_1047 : vector<16xi1>
    %select_n3A_1049 = arith.select %or3A_1048, %scan3A_989#4, %select_n3A_1035 : vector<16xi1>, vector<16xf32>
    %select_n3A_1050 = arith.select %or3A_1048, %add3A_1043, %select_n3A_1036 : vector<16xi1>, vector<16xi32>
    %mul3A_1051 = arith.constant 128 : i32
    %mul3A_1052 = vector.broadcast %mul3A_1051 : i32 to vector<16xi32>
    %mul3A_1053 = arith.muli %scan3A_989#13, %mul3A_1052 : vector<16xi32>
    %add3A_1054 = arith.constant 80 : i32
    %add3A_1055 = vector.broadcast %add3A_1054 : i32 to vector<16xi32>
    %add3A_1056 = arith.addi %mul3A_1053, %add3A_1055 : vector<16xi32>
    %add3A_1057 = arith.addi %add3A_1056, %iota3A : vector<16xi32>
    %gt3A_1058 = arith.cmpf ogt, %scan3A_989#5, %select_n3A_1049 : vector<16xf32>
    %eq3A_1059 = arith.cmpf oeq, %scan3A_989#5, %select_n3A_1049 : vector<16xf32>
    %lt3A_1060 = arith.cmpi slt, %add3A_1057, %select_n3A_1050 : vector<16xi32>
    %and3A_1061 = arith.andi %eq3A_1059, %lt3A_1060 : vector<16xi1>
    %or3A_1062 = arith.ori %gt3A_1058, %and3A_1061 : vector<16xi1>
    %select_n3A_1063 = arith.select %or3A_1062, %scan3A_989#5, %select_n3A_1049 : vector<16xi1>, vector<16xf32>
    %select_n3A_1064 = arith.select %or3A_1062, %add3A_1057, %select_n3A_1050 : vector<16xi1>, vector<16xi32>
    %mul3A_1065 = arith.constant 128 : i32
    %mul3A_1066 = vector.broadcast %mul3A_1065 : i32 to vector<16xi32>
    %mul3A_1067 = arith.muli %scan3A_989#14, %mul3A_1066 : vector<16xi32>
    %add3A_1068 = arith.constant 96 : i32
    %add3A_1069 = vector.broadcast %add3A_1068 : i32 to vector<16xi32>
    %add3A_1070 = arith.addi %mul3A_1067, %add3A_1069 : vector<16xi32>
    %add3A_1071 = arith.addi %add3A_1070, %iota3A : vector<16xi32>
    %gt3A_1072 = arith.cmpf ogt, %scan3A_989#6, %select_n3A_1063 : vector<16xf32>
    %eq3A_1073 = arith.cmpf oeq, %scan3A_989#6, %select_n3A_1063 : vector<16xf32>
    %lt3A_1074 = arith.cmpi slt, %add3A_1071, %select_n3A_1064 : vector<16xi32>
    %and3A_1075 = arith.andi %eq3A_1073, %lt3A_1074 : vector<16xi1>
    %or3A_1076 = arith.ori %gt3A_1072, %and3A_1075 : vector<16xi1>
    %select_n3A_1077 = arith.select %or3A_1076, %scan3A_989#6, %select_n3A_1063 : vector<16xi1>, vector<16xf32>
    %select_n3A_1078 = arith.select %or3A_1076, %add3A_1071, %select_n3A_1064 : vector<16xi1>, vector<16xi32>
    %mul3A_1079 = arith.constant 128 : i32
    %mul3A_1080 = vector.broadcast %mul3A_1079 : i32 to vector<16xi32>
    %mul3A_1081 = arith.muli %scan3A_989#15, %mul3A_1080 : vector<16xi32>
    %add3A_1082 = arith.constant 112 : i32
    %add3A_1083 = vector.broadcast %add3A_1082 : i32 to vector<16xi32>
    %add3A_1084 = arith.addi %mul3A_1081, %add3A_1083 : vector<16xi32>
    %add3A_1085 = arith.addi %add3A_1084, %iota3A : vector<16xi32>
    %gt3A_1086 = arith.cmpf ogt, %scan3A_989#7, %select_n3A_1077 : vector<16xf32>
    %eq3A_1087 = arith.cmpf oeq, %scan3A_989#7, %select_n3A_1077 : vector<16xf32>
    %lt3A_1088 = arith.cmpi slt, %add3A_1085, %select_n3A_1078 : vector<16xi32>
    %and3A_1089 = arith.andi %eq3A_1087, %lt3A_1088 : vector<16xi1>
    %or3A_1090 = arith.ori %gt3A_1086, %and3A_1089 : vector<16xi1>
    %select_n3A_1091 = arith.select %or3A_1090, %scan3A_989#7, %select_n3A_1077 : vector<16xi1>, vector<16xf32>
    %select_n3A_1092 = arith.select %or3A_1090, %add3A_1085, %select_n3A_1078 : vector<16xi1>, vector<16xi32>
    %swap3A_1093 = arith.constant 5 : i32
    %swap3A_1094 = arith.index_cast %swap3A_1093 : i32 to index
    %swap3A_1095 = arith.constant 0 : index
    %swap3A_1096 = tpu.vector_load %arg6[%swap3A_1094, %swap3A_1095] {strides = array<i32>} : memref<8x16xf32, #tpu.memory_space<vmem>>, vector<1x16xf32>,
    %swap3A_1097 = vector.shape_cast %swap3A_1096 : vector<1x16xf32> to vector<16xf32>
    %swap3A_1098 = vector.shape_cast %select_n3A_1091 : vector<16xf32> to vector<1x16xf32>
    tpu.vector_store %arg6[%swap3A_1094, %swap3A_1095], %swap3A_1098 {strides = array<i32>} : memref<8x16xf32, #tpu.memory_space<vmem>>, vector<1x16xf32>,
    %swap3A_1099 = arith.constant 5 : i32
    %swap3A_1100 = arith.index_cast %swap3A_1099 : i32 to index
    %swap3A_1101 = arith.constant 0 : index
    %swap3A_1102 = tpu.vector_load %arg7[%swap3A_1100, %swap3A_1101] {strides = array<i32>} : memref<8x16xi32, #tpu.memory_space<vmem>>, vector<1x16xi32>,
    %swap3A_1103 = vector.shape_cast %swap3A_1102 : vector<1x16xi32> to vector<16xi32>
    %swap3A_1104 = vector.shape_cast %select_n3A_1092 : vector<16xi32> to vector<1x16xi32>
    tpu.vector_store %arg7[%swap3A_1100, %swap3A_1101], %swap3A_1104 {strides = array<i32>} : memref<8x16xi32, #tpu.memory_space<vmem>>, vector<1x16xi32>,
    %add3A_1105 = arith.constant 6 : i32
    %add3A_1106 = arith.addi %add3A_4, %add3A_1105 : i32
    %add3A_1107 = arith.constant 1 : i32
    %add3A_1108 = arith.addi %add3A_1106, %add3A_1107 : i32
    %dma_start3A_1109 = arith.constant 1 : i32
    %dma_start3A_1110 = arith.constant 0 : i32
    %dma_start3A_1111 = tpu.memref_slice %arg5[%dma_start3A_1109, %dma_start3A_1110] : memref<2x32768xf32, #tpu.memory_space<vmem>> -> memref<1x32768xf32, #tpu.memory_space<vmem>>
    %dma_start3A_1112 = tpu.memref_squeeze %dma_start3A_1111 : memref<1x32768xf32, #tpu.memory_space<vmem>> -> memref<32768xf32, #tpu.memory_space<vmem>>
    %dma_start3A_1113 = arith.constant 0 : i32
    %dma_start3A_1114 = tpu.memref_slice %arg2[%add3A_1108, %dma_start3A_1113] : memref<576x32768xf32, #tpu.memory_space<hbm>> -> memref<1x32768xf32, #tpu.memory_space<hbm>>
    %dma_start3A_1115 = tpu.memref_squeeze %dma_start3A_1114 : memref<1x32768xf32, #tpu.memory_space<hbm>> -> memref<32768xf32, #tpu.memory_space<hbm>>
    %dma_start3A_1116 = arith.constant 0 : i32
    %dma_start3A_1117 = tpu.memref_slice %arg5[%dma_start3A_1109, %dma_start3A_1116] : memref<2x32768xf32, #tpu.memory_space<vmem>> -> memref<1x32768xf32, #tpu.memory_space<vmem>>
    %dma_start3A_1118 = tpu.memref_squeeze %dma_start3A_1117 : memref<1x32768xf32, #tpu.memory_space<vmem>> -> memref<32768xf32, #tpu.memory_space<vmem>>
    %dma_start3A_1119 = arith.constant 0 : i32
    %dma_start3A_1120 = tpu.memref_slice %arg2[%add3A_1108, %dma_start3A_1119] : memref<576x32768xf32, #tpu.memory_space<hbm>> -> memref<1x32768xf32, #tpu.memory_space<hbm>>
    %dma_start3A_1121 = tpu.memref_squeeze %dma_start3A_1120 : memref<1x32768xf32, #tpu.memory_space<hbm>> -> memref<32768xf32, #tpu.memory_space<hbm>>
    tpu.enqueue_dma source(%dma_start3A_1121 : memref<32768xf32, #tpu.memory_space<hbm>>) target(%dma_start3A_1118 : memref<32768xf32, #tpu.memory_space<vmem>>) target_semaphore(%arg9 : memref<!tpu.dma_semaphore, #tpu.memory_space<semaphore_mem>>)
    %dma_wait3A_1122 = arith.constant 0 : i32
    %dma_wait3A_1123 = arith.constant 0 : i32
    %dma_wait3A_1124 = tpu.memref_slice %arg5[%dma_wait3A_1122, %dma_wait3A_1123] : memref<2x32768xf32, #tpu.memory_space<vmem>> -> memref<1x32768xf32, #tpu.memory_space<vmem>>
    %dma_wait3A_1125 = tpu.memref_squeeze %dma_wait3A_1124 : memref<1x32768xf32, #tpu.memory_space<vmem>> -> memref<32768xf32, #tpu.memory_space<vmem>>
    %dma_wait3A_1126 = arith.constant 0 : i32
    %dma_wait3A_1127 = tpu.memref_slice %arg2[%add3A_925, %dma_wait3A_1126] : memref<576x32768xf32, #tpu.memory_space<hbm>> -> memref<1x32768xf32, #tpu.memory_space<hbm>>
    %dma_wait3A_1128 = tpu.memref_squeeze %dma_wait3A_1127 : memref<1x32768xf32, #tpu.memory_space<hbm>> -> memref<32768xf32, #tpu.memory_space<hbm>>
    %dma_wait3A_1129 = arith.constant 0 : i32
    %dma_wait3A_1130 = tpu.memref_slice %arg5[%dma_wait3A_1122, %dma_wait3A_1129] : memref<2x32768xf32, #tpu.memory_space<vmem>> -> memref<1x32768xf32, #tpu.memory_space<vmem>>
    %dma_wait3A_1131 = tpu.memref_squeeze %dma_wait3A_1130 : memref<1x32768xf32, #tpu.memory_space<vmem>> -> memref<32768xf32, #tpu.memory_space<vmem>>
    %dma_wait3A_1132 = arith.constant 0 : i32
    %dma_wait3A_1133 = tpu.memref_slice %arg2[%add3A_925, %dma_wait3A_1132] : memref<576x32768xf32, #tpu.memory_space<hbm>> -> memref<1x32768xf32, #tpu.memory_space<hbm>>
    %dma_wait3A_1134 = tpu.memref_squeeze %dma_wait3A_1133 : memref<1x32768xf32, #tpu.memory_space<hbm>> -> memref<32768xf32, #tpu.memory_space<hbm>>
    tpu.wait_dma2 semaphore(%arg8 : memref<!tpu.dma_semaphore, #tpu.memory_space<semaphore_mem>>) src(%dma_wait3A_1134 : memref<32768xf32, #tpu.memory_space<hbm>>) dst(%dma_wait3A_1131 : memref<32768xf32, #tpu.memory_space<vmem>>)
    %broadcast_in_dim3A_1135 = arith.constant 0xFF800000 : f32
    %broadcast_in_dim3A_1136 = vector.broadcast %broadcast_in_dim3A_1135 : f32 to vector<16xf32>
    %broadcast_in_dim3A_1137 = arith.constant 0xFF800000 : f32
    %broadcast_in_dim3A_1138 = vector.broadcast %broadcast_in_dim3A_1137 : f32 to vector<16xf32>
    %broadcast_in_dim3A_1139 = arith.constant 0xFF800000 : f32
    %broadcast_in_dim3A_1140 = vector.broadcast %broadcast_in_dim3A_1139 : f32 to vector<16xf32>
    %broadcast_in_dim3A_1141 = arith.constant 0xFF800000 : f32
    %broadcast_in_dim3A_1142 = vector.broadcast %broadcast_in_dim3A_1141 : f32 to vector<16xf32>
    %broadcast_in_dim3A_1143 = arith.constant 0xFF800000 : f32
    %broadcast_in_dim3A_1144 = vector.broadcast %broadcast_in_dim3A_1143 : f32 to vector<16xf32>
    %broadcast_in_dim3A_1145 = arith.constant 0xFF800000 : f32
    %broadcast_in_dim3A_1146 = vector.broadcast %broadcast_in_dim3A_1145 : f32 to vector<16xf32>
    %broadcast_in_dim3A_1147 = arith.constant 0xFF800000 : f32
    %broadcast_in_dim3A_1148 = vector.broadcast %broadcast_in_dim3A_1147 : f32 to vector<16xf32>
    %broadcast_in_dim3A_1149 = arith.constant 0xFF800000 : f32
    %broadcast_in_dim3A_1150 = vector.broadcast %broadcast_in_dim3A_1149 : f32 to vector<16xf32>
    %broadcast_in_dim3A_1151 = arith.constant 0 : i32
    %broadcast_in_dim3A_1152 = vector.broadcast %broadcast_in_dim3A_1151 : i32 to vector<16xi32>
    %broadcast_in_dim3A_1153 = arith.constant 0 : i32
    %broadcast_in_dim3A_1154 = vector.broadcast %broadcast_in_dim3A_1153 : i32 to vector<16xi32>
    %broadcast_in_dim3A_1155 = arith.constant 0 : i32
    %broadcast_in_dim3A_1156 = vector.broadcast %broadcast_in_dim3A_1155 : i32 to vector<16xi32>
    %broadcast_in_dim3A_1157 = arith.constant 0 : i32
    %broadcast_in_dim3A_1158 = vector.broadcast %broadcast_in_dim3A_1157 : i32 to vector<16xi32>
    %broadcast_in_dim3A_1159 = arith.constant 0 : i32
    %broadcast_in_dim3A_1160 = vector.broadcast %broadcast_in_dim3A_1159 : i32 to vector<16xi32>
    %broadcast_in_dim3A_1161 = arith.constant 0 : i32
    %broadcast_in_dim3A_1162 = vector.broadcast %broadcast_in_dim3A_1161 : i32 to vector<16xi32>
    %broadcast_in_dim3A_1163 = arith.constant 0 : i32
    %broadcast_in_dim3A_1164 = vector.broadcast %broadcast_in_dim3A_1163 : i32 to vector<16xi32>
    %broadcast_in_dim3A_1165 = arith.constant 0 : i32
    %broadcast_in_dim3A_1166 = vector.broadcast %broadcast_in_dim3A_1165 : i32 to vector<16xi32>
    %scan3A_1167 = arith.constant 0 : i32
    %scan3A_1168 = arith.constant 0 : i32
    %scan3A_1169 = arith.constant 256 : i32
    %scan3A_1170 = arith.addi %scan3A_1168, %scan3A_1169 : i32
    %scan3A_1171 = arith.constant 1 : i32
    %scan3A_1172:16 = scf.for %scan3A_1458 = %scan3A_1168 to %scan3A_1170 step %scan3A_1171 iter_args(%scan3A_1459 = %broadcast_in_dim3A_1136, %scan3A_1460 = %broadcast_in_dim3A_1138, %scan3A_1461 = %broadcast_in_dim3A_1140, %scan3A_1462 = %broadcast_in_dim3A_1142, %scan3A_1463 = %broadcast_in_dim3A_1144, %scan3A_1464 = %broadcast_in_dim3A_1146, %scan3A_1465 = %broadcast_in_dim3A_1148, %scan3A_1466 = %broadcast_in_dim3A_1150, %scan3A_1467 = %broadcast_in_dim3A_1152, %scan3A_1468 = %broadcast_in_dim3A_1154, %scan3A_1469 = %broadcast_in_dim3A_1156, %scan3A_1470 = %broadcast_in_dim3A_1158, %scan3A_1471 = %broadcast_in_dim3A_1160, %scan3A_1472 = %broadcast_in_dim3A_1162, %scan3A_1473 = %broadcast_in_dim3A_1164, %scan3A_1474 = %broadcast_in_dim3A_1166) -> (vector<16xf32>, vector<16xf32>, vector<16xf32>, vector<16xf32>, vector<16xf32>, vector<16xf32>, vector<16xf32>, vector<16xf32>, vector<16xi32>, vector<16xi32>, vector<16xi32>, vector<16xi32>, vector<16xi32>, vector<16xi32>, vector<16xi32>, vector<16xi32>)  : i32 {
      %mul3A_1475 = arith.constant 8 : i32
      %mul3A_1476 = arith.muli %scan3A_1458, %mul3A_1475 : i32
      %add3A_1477 = arith.constant 0 : i32
      %add3A_1478 = arith.addi %mul3A_1476, %add3A_1477 : i32
      %mul3A_1479 = arith.constant 16 : i32
      %mul3A_1480 = arith.muli %add3A_1478, %mul3A_1479 : i32
      %get3A = arith.constant 0 : i32
      %get3A_1481 = tpu.memref_slice %arg5[%scan3A_1167, %get3A] : memref<2x32768xf32, #tpu.memory_space<vmem>> -> memref<1x32768xf32, #tpu.memory_space<vmem>>
      %get3A_1482 = tpu.memref_squeeze %get3A_1481 : memref<1x32768xf32, #tpu.memory_space<vmem>> -> memref<32768xf32, #tpu.memory_space<vmem>>
      %get3A_1483 = arith.index_cast %mul3A_1480 : i32 to index
      %get3A_1484 = tpu.vector_load %get3A_1482[%get3A_1483] {strides = array<i32>} : memref<32768xf32, #tpu.memory_space<vmem>>, vector<16xf32>,
      %get3A_1485 = vector.shape_cast %get3A_1484 : vector<16xf32> to vector<16xf32>
      %gt3A_1486 = arith.cmpf ogt, %get3A_1485, %scan3A_1459 : vector<16xf32>
      %select_n3A_1487 = arith.select %gt3A_1486, %get3A_1485, %scan3A_1459 : vector<16xi1>, vector<16xf32>
      %broadcast_in_dim3A_1488 = vector.broadcast %scan3A_1458 : i32 to vector<16xi32>
      %select_n3A_1489 = arith.select %gt3A_1486, %broadcast_in_dim3A_1488, %scan3A_1467 : vector<16xi1>, vector<16xi32>
      %mul3A_1490 = arith.constant 8 : i32
      %mul3A_1491 = arith.muli %scan3A_1458, %mul3A_1490 : i32
      %add3A_1492 = arith.constant 1 : i32
      %add3A_1493 = arith.addi %mul3A_1491, %add3A_1492 : i32
      %mul3A_1494 = arith.constant 16 : i32
      %mul3A_1495 = arith.muli %add3A_1493, %mul3A_1494 : i32
      %get3A_1496 = arith.constant 0 : i32
      %get3A_1497 = tpu.memref_slice %arg5[%scan3A_1167, %get3A_1496] : memref<2x32768xf32, #tpu.memory_space<vmem>> -> memref<1x32768xf32, #tpu.memory_space<vmem>>
      %get3A_1498 = tpu.memref_squeeze %get3A_1497 : memref<1x32768xf32, #tpu.memory_space<vmem>> -> memref<32768xf32, #tpu.memory_space<vmem>>
      %get3A_1499 = arith.index_cast %mul3A_1495 : i32 to index
      %get3A_1500 = tpu.vector_load %get3A_1498[%get3A_1499] {strides = array<i32>} : memref<32768xf32, #tpu.memory_space<vmem>>, vector<16xf32>,
      %get3A_1501 = vector.shape_cast %get3A_1500 : vector<16xf32> to vector<16xf32>
      %gt3A_1502 = arith.cmpf ogt, %get3A_1501, %scan3A_1460 : vector<16xf32>
      %select_n3A_1503 = arith.select %gt3A_1502, %get3A_1501, %scan3A_1460 : vector<16xi1>, vector<16xf32>
      %broadcast_in_dim3A_1504 = vector.broadcast %scan3A_1458 : i32 to vector<16xi32>
      %select_n3A_1505 = arith.select %gt3A_1502, %broadcast_in_dim3A_1504, %scan3A_1468 : vector<16xi1>, vector<16xi32>
      %mul3A_1506 = arith.constant 8 : i32
      %mul3A_1507 = arith.muli %scan3A_1458, %mul3A_1506 : i32
      %add3A_1508 = arith.constant 2 : i32
      %add3A_1509 = arith.addi %mul3A_1507, %add3A_1508 : i32
      %mul3A_1510 = arith.constant 16 : i32
      %mul3A_1511 = arith.muli %add3A_1509, %mul3A_1510 : i32
      %get3A_1512 = arith.constant 0 : i32
      %get3A_1513 = tpu.memref_slice %arg5[%scan3A_1167, %get3A_1512] : memref<2x32768xf32, #tpu.memory_space<vmem>> -> memref<1x32768xf32, #tpu.memory_space<vmem>>
      %get3A_1514 = tpu.memref_squeeze %get3A_1513 : memref<1x32768xf32, #tpu.memory_space<vmem>> -> memref<32768xf32, #tpu.memory_space<vmem>>
      %get3A_1515 = arith.index_cast %mul3A_1511 : i32 to index
      %get3A_1516 = tpu.vector_load %get3A_1514[%get3A_1515] {strides = array<i32>} : memref<32768xf32, #tpu.memory_space<vmem>>, vector<16xf32>,
      %get3A_1517 = vector.shape_cast %get3A_1516 : vector<16xf32> to vector<16xf32>
      %gt3A_1518 = arith.cmpf ogt, %get3A_1517, %scan3A_1461 : vector<16xf32>
      %select_n3A_1519 = arith.select %gt3A_1518, %get3A_1517, %scan3A_1461 : vector<16xi1>, vector<16xf32>
      %broadcast_in_dim3A_1520 = vector.broadcast %scan3A_1458 : i32 to vector<16xi32>
      %select_n3A_1521 = arith.select %gt3A_1518, %broadcast_in_dim3A_1520, %scan3A_1469 : vector<16xi1>, vector<16xi32>
      %mul3A_1522 = arith.constant 8 : i32
      %mul3A_1523 = arith.muli %scan3A_1458, %mul3A_1522 : i32
      %add3A_1524 = arith.constant 3 : i32
      %add3A_1525 = arith.addi %mul3A_1523, %add3A_1524 : i32
      %mul3A_1526 = arith.constant 16 : i32
      %mul3A_1527 = arith.muli %add3A_1525, %mul3A_1526 : i32
      %get3A_1528 = arith.constant 0 : i32
      %get3A_1529 = tpu.memref_slice %arg5[%scan3A_1167, %get3A_1528] : memref<2x32768xf32, #tpu.memory_space<vmem>> -> memref<1x32768xf32, #tpu.memory_space<vmem>>
      %get3A_1530 = tpu.memref_squeeze %get3A_1529 : memref<1x32768xf32, #tpu.memory_space<vmem>> -> memref<32768xf32, #tpu.memory_space<vmem>>
      %get3A_1531 = arith.index_cast %mul3A_1527 : i32 to index
      %get3A_1532 = tpu.vector_load %get3A_1530[%get3A_1531] {strides = array<i32>} : memref<32768xf32, #tpu.memory_space<vmem>>, vector<16xf32>,
      %get3A_1533 = vector.shape_cast %get3A_1532 : vector<16xf32> to vector<16xf32>
      %gt3A_1534 = arith.cmpf ogt, %get3A_1533, %scan3A_1462 : vector<16xf32>
      %select_n3A_1535 = arith.select %gt3A_1534, %get3A_1533, %scan3A_1462 : vector<16xi1>, vector<16xf32>
      %broadcast_in_dim3A_1536 = vector.broadcast %scan3A_1458 : i32 to vector<16xi32>
      %select_n3A_1537 = arith.select %gt3A_1534, %broadcast_in_dim3A_1536, %scan3A_1470 : vector<16xi1>, vector<16xi32>
      %mul3A_1538 = arith.constant 8 : i32
      %mul3A_1539 = arith.muli %scan3A_1458, %mul3A_1538 : i32
      %add3A_1540 = arith.constant 4 : i32
      %add3A_1541 = arith.addi %mul3A_1539, %add3A_1540 : i32
      %mul3A_1542 = arith.constant 16 : i32
      %mul3A_1543 = arith.muli %add3A_1541, %mul3A_1542 : i32
      %get3A_1544 = arith.constant 0 : i32
      %get3A_1545 = tpu.memref_slice %arg5[%scan3A_1167, %get3A_1544] : memref<2x32768xf32, #tpu.memory_space<vmem>> -> memref<1x32768xf32, #tpu.memory_space<vmem>>
      %get3A_1546 = tpu.memref_squeeze %get3A_1545 : memref<1x32768xf32, #tpu.memory_space<vmem>> -> memref<32768xf32, #tpu.memory_space<vmem>>
      %get3A_1547 = arith.index_cast %mul3A_1543 : i32 to index
      %get3A_1548 = tpu.vector_load %get3A_1546[%get3A_1547] {strides = array<i32>} : memref<32768xf32, #tpu.memory_space<vmem>>, vector<16xf32>,
      %get3A_1549 = vector.shape_cast %get3A_1548 : vector<16xf32> to vector<16xf32>
      %gt3A_1550 = arith.cmpf ogt, %get3A_1549, %scan3A_1463 : vector<16xf32>
      %select_n3A_1551 = arith.select %gt3A_1550, %get3A_1549, %scan3A_1463 : vector<16xi1>, vector<16xf32>
      %broadcast_in_dim3A_1552 = vector.broadcast %scan3A_1458 : i32 to vector<16xi32>
      %select_n3A_1553 = arith.select %gt3A_1550, %broadcast_in_dim3A_1552, %scan3A_1471 : vector<16xi1>, vector<16xi32>
      %mul3A_1554 = arith.constant 8 : i32
      %mul3A_1555 = arith.muli %scan3A_1458, %mul3A_1554 : i32
      %add3A_1556 = arith.constant 5 : i32
      %add3A_1557 = arith.addi %mul3A_1555, %add3A_1556 : i32
      %mul3A_1558 = arith.constant 16 : i32
      %mul3A_1559 = arith.muli %add3A_1557, %mul3A_1558 : i32
      %get3A_1560 = arith.constant 0 : i32
      %get3A_1561 = tpu.memref_slice %arg5[%scan3A_1167, %get3A_1560] : memref<2x32768xf32, #tpu.memory_space<vmem>> -> memref<1x32768xf32, #tpu.memory_space<vmem>>
      %get3A_1562 = tpu.memref_squeeze %get3A_1561 : memref<1x32768xf32, #tpu.memory_space<vmem>> -> memref<32768xf32, #tpu.memory_space<vmem>>
      %get3A_1563 = arith.index_cast %mul3A_1559 : i32 to index
      %get3A_1564 = tpu.vector_load %get3A_1562[%get3A_1563] {strides = array<i32>} : memref<32768xf32, #tpu.memory_space<vmem>>, vector<16xf32>,
      %get3A_1565 = vector.shape_cast %get3A_1564 : vector<16xf32> to vector<16xf32>
      %gt3A_1566 = arith.cmpf ogt, %get3A_1565, %scan3A_1464 : vector<16xf32>
      %select_n3A_1567 = arith.select %gt3A_1566, %get3A_1565, %scan3A_1464 : vector<16xi1>, vector<16xf32>
      %broadcast_in_dim3A_1568 = vector.broadcast %scan3A_1458 : i32 to vector<16xi32>
      %select_n3A_1569 = arith.select %gt3A_1566, %broadcast_in_dim3A_1568, %scan3A_1472 : vector<16xi1>, vector<16xi32>
      %mul3A_1570 = arith.constant 8 : i32
      %mul3A_1571 = arith.muli %scan3A_1458, %mul3A_1570 : i32
      %add3A_1572 = arith.constant 6 : i32
      %add3A_1573 = arith.addi %mul3A_1571, %add3A_1572 : i32
      %mul3A_1574 = arith.constant 16 : i32
      %mul3A_1575 = arith.muli %add3A_1573, %mul3A_1574 : i32
      %get3A_1576 = arith.constant 0 : i32
      %get3A_1577 = tpu.memref_slice %arg5[%scan3A_1167, %get3A_1576] : memref<2x32768xf32, #tpu.memory_space<vmem>> -> memref<1x32768xf32, #tpu.memory_space<vmem>>
      %get3A_1578 = tpu.memref_squeeze %get3A_1577 : memref<1x32768xf32, #tpu.memory_space<vmem>> -> memref<32768xf32, #tpu.memory_space<vmem>>
      %get3A_1579 = arith.index_cast %mul3A_1575 : i32 to index
      %get3A_1580 = tpu.vector_load %get3A_1578[%get3A_1579] {strides = array<i32>} : memref<32768xf32, #tpu.memory_space<vmem>>, vector<16xf32>,
      %get3A_1581 = vector.shape_cast %get3A_1580 : vector<16xf32> to vector<16xf32>
      %gt3A_1582 = arith.cmpf ogt, %get3A_1581, %scan3A_1465 : vector<16xf32>
      %select_n3A_1583 = arith.select %gt3A_1582, %get3A_1581, %scan3A_1465 : vector<16xi1>, vector<16xf32>
      %broadcast_in_dim3A_1584 = vector.broadcast %scan3A_1458 : i32 to vector<16xi32>
      %select_n3A_1585 = arith.select %gt3A_1582, %broadcast_in_dim3A_1584, %scan3A_1473 : vector<16xi1>, vector<16xi32>
      %mul3A_1586 = arith.constant 8 : i32
      %mul3A_1587 = arith.muli %scan3A_1458, %mul3A_1586 : i32
      %add3A_1588 = arith.constant 7 : i32
      %add3A_1589 = arith.addi %mul3A_1587, %add3A_1588 : i32
      %mul3A_1590 = arith.constant 16 : i32
      %mul3A_1591 = arith.muli %add3A_1589, %mul3A_1590 : i32
      %get3A_1592 = arith.constant 0 : i32
      %get3A_1593 = tpu.memref_slice %arg5[%scan3A_1167, %get3A_1592] : memref<2x32768xf32, #tpu.memory_space<vmem>> -> memref<1x32768xf32, #tpu.memory_space<vmem>>
      %get3A_1594 = tpu.memref_squeeze %get3A_1593 : memref<1x32768xf32, #tpu.memory_space<vmem>> -> memref<32768xf32, #tpu.memory_space<vmem>>
      %get3A_1595 = arith.index_cast %mul3A_1591 : i32 to index
      %get3A_1596 = tpu.vector_load %get3A_1594[%get3A_1595] {strides = array<i32>} : memref<32768xf32, #tpu.memory_space<vmem>>, vector<16xf32>,
      %get3A_1597 = vector.shape_cast %get3A_1596 : vector<16xf32> to vector<16xf32>
      %gt3A_1598 = arith.cmpf ogt, %get3A_1597, %scan3A_1466 : vector<16xf32>
      %select_n3A_1599 = arith.select %gt3A_1598, %get3A_1597, %scan3A_1466 : vector<16xi1>, vector<16xf32>
      %broadcast_in_dim3A_1600 = vector.broadcast %scan3A_1458 : i32 to vector<16xi32>
      %select_n3A_1601 = arith.select %gt3A_1598, %broadcast_in_dim3A_1600, %scan3A_1474 : vector<16xi1>, vector<16xi32>
      scf.yield %select_n3A_1487, %select_n3A_1503, %select_n3A_1519, %select_n3A_1535, %select_n3A_1551, %select_n3A_1567, %select_n3A_1583, %select_n3A_1599, %select_n3A_1489, %select_n3A_1505, %select_n3A_1521, %select_n3A_1537, %select_n3A_1553, %select_n3A_1569, %select_n3A_1585, %select_n3A_1601 : vector<16xf32>, vector<16xf32>, vector<16xf32>, vector<16xf32>, vector<16xf32>, vector<16xf32>, vector<16xf32>, vector<16xf32>, vector<16xi32>, vector<16xi32>, vector<16xi32>, vector<16xi32>, vector<16xi32>, vector<16xi32>, vector<16xi32>, vector<16xi32>
    }
    %scan3A_1173 = arith.constant 256 : i32
    %mul3A_1174 = arith.constant 128 : i32
    %mul3A_1175 = vector.broadcast %mul3A_1174 : i32 to vector<16xi32>
    %mul3A_1176 = arith.muli %scan3A_1172#8, %mul3A_1175 : vector<16xi32>
    %add3A_1177 = arith.addi %mul3A_1176, %iota3A : vector<16xi32>
    %mul3A_1178 = arith.constant 128 : i32
    %mul3A_1179 = vector.broadcast %mul3A_1178 : i32 to vector<16xi32>
    %mul3A_1180 = arith.muli %scan3A_1172#9, %mul3A_1179 : vector<16xi32>
    %add3A_1181 = arith.constant 16 : i32
    %add3A_1182 = vector.broadcast %add3A_1181 : i32 to vector<16xi32>
    %add3A_1183 = arith.addi %mul3A_1180, %add3A_1182 : vector<16xi32>
    %add3A_1184 = arith.addi %add3A_1183, %iota3A : vector<16xi32>
    %gt3A_1185 = arith.cmpf ogt, %scan3A_1172#1, %scan3A_1172#0 : vector<16xf32>
    %eq3A_1186 = arith.cmpf oeq, %scan3A_1172#1, %scan3A_1172#0 : vector<16xf32>
    %lt3A_1187 = arith.cmpi slt, %add3A_1184, %add3A_1177 : vector<16xi32>
    %and3A_1188 = arith.andi %eq3A_1186, %lt3A_1187 : vector<16xi1>
    %or3A_1189 = arith.ori %gt3A_1185, %and3A_1188 : vector<16xi1>
    %select_n3A_1190 = arith.select %or3A_1189, %scan3A_1172#1, %scan3A_1172#0 : vector<16xi1>, vector<16xf32>
    %select_n3A_1191 = arith.select %or3A_1189, %add3A_1184, %add3A_1177 : vector<16xi1>, vector<16xi32>
    %mul3A_1192 = arith.constant 128 : i32
    %mul3A_1193 = vector.broadcast %mul3A_1192 : i32 to vector<16xi32>
    %mul3A_1194 = arith.muli %scan3A_1172#10, %mul3A_1193 : vector<16xi32>
    %add3A_1195 = arith.constant 32 : i32
    %add3A_1196 = vector.broadcast %add3A_1195 : i32 to vector<16xi32>
    %add3A_1197 = arith.addi %mul3A_1194, %add3A_1196 : vector<16xi32>
    %add3A_1198 = arith.addi %add3A_1197, %iota3A : vector<16xi32>
    %gt3A_1199 = arith.cmpf ogt, %scan3A_1172#2, %select_n3A_1190 : vector<16xf32>
    %eq3A_1200 = arith.cmpf oeq, %scan3A_1172#2, %select_n3A_1190 : vector<16xf32>
    %lt3A_1201 = arith.cmpi slt, %add3A_1198, %select_n3A_1191 : vector<16xi32>
    %and3A_1202 = arith.andi %eq3A_1200, %lt3A_1201 : vector<16xi1>
    %or3A_1203 = arith.ori %gt3A_1199, %and3A_1202 : vector<16xi1>
    %select_n3A_1204 = arith.select %or3A_1203, %scan3A_1172#2, %select_n3A_1190 : vector<16xi1>, vector<16xf32>
    %select_n3A_1205 = arith.select %or3A_1203, %add3A_1198, %select_n3A_1191 : vector<16xi1>, vector<16xi32>
    %mul3A_1206 = arith.constant 128 : i32
    %mul3A_1207 = vector.broadcast %mul3A_1206 : i32 to vector<16xi32>
    %mul3A_1208 = arith.muli %scan3A_1172#11, %mul3A_1207 : vector<16xi32>
    %add3A_1209 = arith.constant 48 : i32
    %add3A_1210 = vector.broadcast %add3A_1209 : i32 to vector<16xi32>
    %add3A_1211 = arith.addi %mul3A_1208, %add3A_1210 : vector<16xi32>
    %add3A_1212 = arith.addi %add3A_1211, %iota3A : vector<16xi32>
    %gt3A_1213 = arith.cmpf ogt, %scan3A_1172#3, %select_n3A_1204 : vector<16xf32>
    %eq3A_1214 = arith.cmpf oeq, %scan3A_1172#3, %select_n3A_1204 : vector<16xf32>
    %lt3A_1215 = arith.cmpi slt, %add3A_1212, %select_n3A_1205 : vector<16xi32>
    %and3A_1216 = arith.andi %eq3A_1214, %lt3A_1215 : vector<16xi1>
    %or3A_1217 = arith.ori %gt3A_1213, %and3A_1216 : vector<16xi1>
    %select_n3A_1218 = arith.select %or3A_1217, %scan3A_1172#3, %select_n3A_1204 : vector<16xi1>, vector<16xf32>
    %select_n3A_1219 = arith.select %or3A_1217, %add3A_1212, %select_n3A_1205 : vector<16xi1>, vector<16xi32>
    %mul3A_1220 = arith.constant 128 : i32
    %mul3A_1221 = vector.broadcast %mul3A_1220 : i32 to vector<16xi32>
    %mul3A_1222 = arith.muli %scan3A_1172#12, %mul3A_1221 : vector<16xi32>
    %add3A_1223 = arith.constant 64 : i32
    %add3A_1224 = vector.broadcast %add3A_1223 : i32 to vector<16xi32>
    %add3A_1225 = arith.addi %mul3A_1222, %add3A_1224 : vector<16xi32>
    %add3A_1226 = arith.addi %add3A_1225, %iota3A : vector<16xi32>
    %gt3A_1227 = arith.cmpf ogt, %scan3A_1172#4, %select_n3A_1218 : vector<16xf32>
    %eq3A_1228 = arith.cmpf oeq, %scan3A_1172#4, %select_n3A_1218 : vector<16xf32>
    %lt3A_1229 = arith.cmpi slt, %add3A_1226, %select_n3A_1219 : vector<16xi32>
    %and3A_1230 = arith.andi %eq3A_1228, %lt3A_1229 : vector<16xi1>
    %or3A_1231 = arith.ori %gt3A_1227, %and3A_1230 : vector<16xi1>
    %select_n3A_1232 = arith.select %or3A_1231, %scan3A_1172#4, %select_n3A_1218 : vector<16xi1>, vector<16xf32>
    %select_n3A_1233 = arith.select %or3A_1231, %add3A_1226, %select_n3A_1219 : vector<16xi1>, vector<16xi32>
    %mul3A_1234 = arith.constant 128 : i32
    %mul3A_1235 = vector.broadcast %mul3A_1234 : i32 to vector<16xi32>
    %mul3A_1236 = arith.muli %scan3A_1172#13, %mul3A_1235 : vector<16xi32>
    %add3A_1237 = arith.constant 80 : i32
    %add3A_1238 = vector.broadcast %add3A_1237 : i32 to vector<16xi32>
    %add3A_1239 = arith.addi %mul3A_1236, %add3A_1238 : vector<16xi32>
    %add3A_1240 = arith.addi %add3A_1239, %iota3A : vector<16xi32>
    %gt3A_1241 = arith.cmpf ogt, %scan3A_1172#5, %select_n3A_1232 : vector<16xf32>
    %eq3A_1242 = arith.cmpf oeq, %scan3A_1172#5, %select_n3A_1232 : vector<16xf32>
    %lt3A_1243 = arith.cmpi slt, %add3A_1240, %select_n3A_1233 : vector<16xi32>
    %and3A_1244 = arith.andi %eq3A_1242, %lt3A_1243 : vector<16xi1>
    %or3A_1245 = arith.ori %gt3A_1241, %and3A_1244 : vector<16xi1>
    %select_n3A_1246 = arith.select %or3A_1245, %scan3A_1172#5, %select_n3A_1232 : vector<16xi1>, vector<16xf32>
    %select_n3A_1247 = arith.select %or3A_1245, %add3A_1240, %select_n3A_1233 : vector<16xi1>, vector<16xi32>
    %mul3A_1248 = arith.constant 128 : i32
    %mul3A_1249 = vector.broadcast %mul3A_1248 : i32 to vector<16xi32>
    %mul3A_1250 = arith.muli %scan3A_1172#14, %mul3A_1249 : vector<16xi32>
    %add3A_1251 = arith.constant 96 : i32
    %add3A_1252 = vector.broadcast %add3A_1251 : i32 to vector<16xi32>
    %add3A_1253 = arith.addi %mul3A_1250, %add3A_1252 : vector<16xi32>
    %add3A_1254 = arith.addi %add3A_1253, %iota3A : vector<16xi32>
    %gt3A_1255 = arith.cmpf ogt, %scan3A_1172#6, %select_n3A_1246 : vector<16xf32>
    %eq3A_1256 = arith.cmpf oeq, %scan3A_1172#6, %select_n3A_1246 : vector<16xf32>
    %lt3A_1257 = arith.cmpi slt, %add3A_1254, %select_n3A_1247 : vector<16xi32>
    %and3A_1258 = arith.andi %eq3A_1256, %lt3A_1257 : vector<16xi1>
    %or3A_1259 = arith.ori %gt3A_1255, %and3A_1258 : vector<16xi1>
    %select_n3A_1260 = arith.select %or3A_1259, %scan3A_1172#6, %select_n3A_1246 : vector<16xi1>, vector<16xf32>
    %select_n3A_1261 = arith.select %or3A_1259, %add3A_1254, %select_n3A_1247 : vector<16xi1>, vector<16xi32>
    %mul3A_1262 = arith.constant 128 : i32
    %mul3A_1263 = vector.broadcast %mul3A_1262 : i32 to vector<16xi32>
    %mul3A_1264 = arith.muli %scan3A_1172#15, %mul3A_1263 : vector<16xi32>
    %add3A_1265 = arith.constant 112 : i32
    %add3A_1266 = vector.broadcast %add3A_1265 : i32 to vector<16xi32>
    %add3A_1267 = arith.addi %mul3A_1264, %add3A_1266 : vector<16xi32>
    %add3A_1268 = arith.addi %add3A_1267, %iota3A : vector<16xi32>
    %gt3A_1269 = arith.cmpf ogt, %scan3A_1172#7, %select_n3A_1260 : vector<16xf32>
    %eq3A_1270 = arith.cmpf oeq, %scan3A_1172#7, %select_n3A_1260 : vector<16xf32>
    %lt3A_1271 = arith.cmpi slt, %add3A_1268, %select_n3A_1261 : vector<16xi32>
    %and3A_1272 = arith.andi %eq3A_1270, %lt3A_1271 : vector<16xi1>
    %or3A_1273 = arith.ori %gt3A_1269, %and3A_1272 : vector<16xi1>
    %select_n3A_1274 = arith.select %or3A_1273, %scan3A_1172#7, %select_n3A_1260 : vector<16xi1>, vector<16xf32>
    %select_n3A_1275 = arith.select %or3A_1273, %add3A_1268, %select_n3A_1261 : vector<16xi1>, vector<16xi32>
    %swap3A_1276 = arith.constant 6 : i32
    %swap3A_1277 = arith.index_cast %swap3A_1276 : i32 to index
    %swap3A_1278 = arith.constant 0 : index
    %swap3A_1279 = tpu.vector_load %arg6[%swap3A_1277, %swap3A_1278] {strides = array<i32>} : memref<8x16xf32, #tpu.memory_space<vmem>>, vector<1x16xf32>,
    %swap3A_1280 = vector.shape_cast %swap3A_1279 : vector<1x16xf32> to vector<16xf32>
    %swap3A_1281 = vector.shape_cast %select_n3A_1274 : vector<16xf32> to vector<1x16xf32>
    tpu.vector_store %arg6[%swap3A_1277, %swap3A_1278], %swap3A_1281 {strides = array<i32>} : memref<8x16xf32, #tpu.memory_space<vmem>>, vector<1x16xf32>,
    %swap3A_1282 = arith.constant 6 : i32
    %swap3A_1283 = arith.index_cast %swap3A_1282 : i32 to index
    %swap3A_1284 = arith.constant 0 : index
    %swap3A_1285 = tpu.vector_load %arg7[%swap3A_1283, %swap3A_1284] {strides = array<i32>} : memref<8x16xi32, #tpu.memory_space<vmem>>, vector<1x16xi32>,
    %swap3A_1286 = vector.shape_cast %swap3A_1285 : vector<1x16xi32> to vector<16xi32>
    %swap3A_1287 = vector.shape_cast %select_n3A_1275 : vector<16xi32> to vector<1x16xi32>
    tpu.vector_store %arg7[%swap3A_1283, %swap3A_1284], %swap3A_1287 {strides = array<i32>} : memref<8x16xi32, #tpu.memory_space<vmem>>, vector<1x16xi32>,
    %dma_wait3A_1288 = arith.constant 1 : i32
    %dma_wait3A_1289 = arith.constant 0 : i32
    %dma_wait3A_1290 = tpu.memref_slice %arg5[%dma_wait3A_1288, %dma_wait3A_1289] : memref<2x32768xf32, #tpu.memory_space<vmem>> -> memref<1x32768xf32, #tpu.memory_space<vmem>>
    %dma_wait3A_1291 = tpu.memref_squeeze %dma_wait3A_1290 : memref<1x32768xf32, #tpu.memory_space<vmem>> -> memref<32768xf32, #tpu.memory_space<vmem>>
    %dma_wait3A_1292 = arith.constant 0 : i32
    %dma_wait3A_1293 = tpu.memref_slice %arg2[%add3A_1108, %dma_wait3A_1292] : memref<576x32768xf32, #tpu.memory_space<hbm>> -> memref<1x32768xf32, #tpu.memory_space<hbm>>
    %dma_wait3A_1294 = tpu.memref_squeeze %dma_wait3A_1293 : memref<1x32768xf32, #tpu.memory_space<hbm>> -> memref<32768xf32, #tpu.memory_space<hbm>>
    %dma_wait3A_1295 = arith.constant 0 : i32
    %dma_wait3A_1296 = tpu.memref_slice %arg5[%dma_wait3A_1288, %dma_wait3A_1295] : memref<2x32768xf32, #tpu.memory_space<vmem>> -> memref<1x32768xf32, #tpu.memory_space<vmem>>
    %dma_wait3A_1297 = tpu.memref_squeeze %dma_wait3A_1296 : memref<1x32768xf32, #tpu.memory_space<vmem>> -> memref<32768xf32, #tpu.memory_space<vmem>>
    %dma_wait3A_1298 = arith.constant 0 : i32
    %dma_wait3A_1299 = tpu.memref_slice %arg2[%add3A_1108, %dma_wait3A_1298] : memref<576x32768xf32, #tpu.memory_space<hbm>> -> memref<1x32768xf32, #tpu.memory_space<hbm>>
    %dma_wait3A_1300 = tpu.memref_squeeze %dma_wait3A_1299 : memref<1x32768xf32, #tpu.memory_space<hbm>> -> memref<32768xf32, #tpu.memory_space<hbm>>
    tpu.wait_dma2 semaphore(%arg9 : memref<!tpu.dma_semaphore, #tpu.memory_space<semaphore_mem>>) src(%dma_wait3A_1300 : memref<32768xf32, #tpu.memory_space<hbm>>) dst(%dma_wait3A_1297 : memref<32768xf32, #tpu.memory_space<vmem>>)
    %broadcast_in_dim3A_1301 = arith.constant 0xFF800000 : f32
    %broadcast_in_dim3A_1302 = vector.broadcast %broadcast_in_dim3A_1301 : f32 to vector<16xf32>
    %broadcast_in_dim3A_1303 = arith.constant 0xFF800000 : f32
    %broadcast_in_dim3A_1304 = vector.broadcast %broadcast_in_dim3A_1303 : f32 to vector<16xf32>
    %broadcast_in_dim3A_1305 = arith.constant 0xFF800000 : f32
    %broadcast_in_dim3A_1306 = vector.broadcast %broadcast_in_dim3A_1305 : f32 to vector<16xf32>
    %broadcast_in_dim3A_1307 = arith.constant 0xFF800000 : f32
    %broadcast_in_dim3A_1308 = vector.broadcast %broadcast_in_dim3A_1307 : f32 to vector<16xf32>
    %broadcast_in_dim3A_1309 = arith.constant 0xFF800000 : f32
    %broadcast_in_dim3A_1310 = vector.broadcast %broadcast_in_dim3A_1309 : f32 to vector<16xf32>
    %broadcast_in_dim3A_1311 = arith.constant 0xFF800000 : f32
    %broadcast_in_dim3A_1312 = vector.broadcast %broadcast_in_dim3A_1311 : f32 to vector<16xf32>
    %broadcast_in_dim3A_1313 = arith.constant 0xFF800000 : f32
    %broadcast_in_dim3A_1314 = vector.broadcast %broadcast_in_dim3A_1313 : f32 to vector<16xf32>
    %broadcast_in_dim3A_1315 = arith.constant 0xFF800000 : f32
    %broadcast_in_dim3A_1316 = vector.broadcast %broadcast_in_dim3A_1315 : f32 to vector<16xf32>
    %broadcast_in_dim3A_1317 = arith.constant 0 : i32
    %broadcast_in_dim3A_1318 = vector.broadcast %broadcast_in_dim3A_1317 : i32 to vector<16xi32>
    %broadcast_in_dim3A_1319 = arith.constant 0 : i32
    %broadcast_in_dim3A_1320 = vector.broadcast %broadcast_in_dim3A_1319 : i32 to vector<16xi32>
    %broadcast_in_dim3A_1321 = arith.constant 0 : i32
    %broadcast_in_dim3A_1322 = vector.broadcast %broadcast_in_dim3A_1321 : i32 to vector<16xi32>
    %broadcast_in_dim3A_1323 = arith.constant 0 : i32
    %broadcast_in_dim3A_1324 = vector.broadcast %broadcast_in_dim3A_1323 : i32 to vector<16xi32>
    %broadcast_in_dim3A_1325 = arith.constant 0 : i32
    %broadcast_in_dim3A_1326 = vector.broadcast %broadcast_in_dim3A_1325 : i32 to vector<16xi32>
    %broadcast_in_dim3A_1327 = arith.constant 0 : i32
    %broadcast_in_dim3A_1328 = vector.broadcast %broadcast_in_dim3A_1327 : i32 to vector<16xi32>
    %broadcast_in_dim3A_1329 = arith.constant 0 : i32
    %broadcast_in_dim3A_1330 = vector.broadcast %broadcast_in_dim3A_1329 : i32 to vector<16xi32>
    %broadcast_in_dim3A_1331 = arith.constant 0 : i32
    %broadcast_in_dim3A_1332 = vector.broadcast %broadcast_in_dim3A_1331 : i32 to vector<16xi32>
    %scan3A_1333 = arith.constant 1 : i32
    %scan3A_1334 = arith.constant 0 : i32
    %scan3A_1335 = arith.constant 256 : i32
    %scan3A_1336 = arith.addi %scan3A_1334, %scan3A_1335 : i32
    %scan3A_1337 = arith.constant 1 : i32
    %scan3A_1338:16 = scf.for %scan3A_1458 = %scan3A_1334 to %scan3A_1336 step %scan3A_1337 iter_args(%scan3A_1459 = %broadcast_in_dim3A_1302, %scan3A_1460 = %broadcast_in_dim3A_1304, %scan3A_1461 = %broadcast_in_dim3A_1306, %scan3A_1462 = %broadcast_in_dim3A_1308, %scan3A_1463 = %broadcast_in_dim3A_1310, %scan3A_1464 = %broadcast_in_dim3A_1312, %scan3A_1465 = %broadcast_in_dim3A_1314, %scan3A_1466 = %broadcast_in_dim3A_1316, %scan3A_1467 = %broadcast_in_dim3A_1318, %scan3A_1468 = %broadcast_in_dim3A_1320, %scan3A_1469 = %broadcast_in_dim3A_1322, %scan3A_1470 = %broadcast_in_dim3A_1324, %scan3A_1471 = %broadcast_in_dim3A_1326, %scan3A_1472 = %broadcast_in_dim3A_1328, %scan3A_1473 = %broadcast_in_dim3A_1330, %scan3A_1474 = %broadcast_in_dim3A_1332) -> (vector<16xf32>, vector<16xf32>, vector<16xf32>, vector<16xf32>, vector<16xf32>, vector<16xf32>, vector<16xf32>, vector<16xf32>, vector<16xi32>, vector<16xi32>, vector<16xi32>, vector<16xi32>, vector<16xi32>, vector<16xi32>, vector<16xi32>, vector<16xi32>)  : i32 {
      %mul3A_1475 = arith.constant 8 : i32
      %mul3A_1476 = arith.muli %scan3A_1458, %mul3A_1475 : i32
      %add3A_1477 = arith.constant 0 : i32
      %add3A_1478 = arith.addi %mul3A_1476, %add3A_1477 : i32
      %mul3A_1479 = arith.constant 16 : i32
      %mul3A_1480 = arith.muli %add3A_1478, %mul3A_1479 : i32
      %get3A = arith.constant 0 : i32
      %get3A_1481 = tpu.memref_slice %arg5[%scan3A_1333, %get3A] : memref<2x32768xf32, #tpu.memory_space<vmem>> -> memref<1x32768xf32, #tpu.memory_space<vmem>>
      %get3A_1482 = tpu.memref_squeeze %get3A_1481 : memref<1x32768xf32, #tpu.memory_space<vmem>> -> memref<32768xf32, #tpu.memory_space<vmem>>
      %get3A_1483 = arith.index_cast %mul3A_1480 : i32 to index
      %get3A_1484 = tpu.vector_load %get3A_1482[%get3A_1483] {strides = array<i32>} : memref<32768xf32, #tpu.memory_space<vmem>>, vector<16xf32>,
      %get3A_1485 = vector.shape_cast %get3A_1484 : vector<16xf32> to vector<16xf32>
      %gt3A_1486 = arith.cmpf ogt, %get3A_1485, %scan3A_1459 : vector<16xf32>
      %select_n3A_1487 = arith.select %gt3A_1486, %get3A_1485, %scan3A_1459 : vector<16xi1>, vector<16xf32>
      %broadcast_in_dim3A_1488 = vector.broadcast %scan3A_1458 : i32 to vector<16xi32>
      %select_n3A_1489 = arith.select %gt3A_1486, %broadcast_in_dim3A_1488, %scan3A_1467 : vector<16xi1>, vector<16xi32>
      %mul3A_1490 = arith.constant 8 : i32
      %mul3A_1491 = arith.muli %scan3A_1458, %mul3A_1490 : i32
      %add3A_1492 = arith.constant 1 : i32
      %add3A_1493 = arith.addi %mul3A_1491, %add3A_1492 : i32
      %mul3A_1494 = arith.constant 16 : i32
      %mul3A_1495 = arith.muli %add3A_1493, %mul3A_1494 : i32
      %get3A_1496 = arith.constant 0 : i32
      %get3A_1497 = tpu.memref_slice %arg5[%scan3A_1333, %get3A_1496] : memref<2x32768xf32, #tpu.memory_space<vmem>> -> memref<1x32768xf32, #tpu.memory_space<vmem>>
      %get3A_1498 = tpu.memref_squeeze %get3A_1497 : memref<1x32768xf32, #tpu.memory_space<vmem>> -> memref<32768xf32, #tpu.memory_space<vmem>>
      %get3A_1499 = arith.index_cast %mul3A_1495 : i32 to index
      %get3A_1500 = tpu.vector_load %get3A_1498[%get3A_1499] {strides = array<i32>} : memref<32768xf32, #tpu.memory_space<vmem>>, vector<16xf32>,
      %get3A_1501 = vector.shape_cast %get3A_1500 : vector<16xf32> to vector<16xf32>
      %gt3A_1502 = arith.cmpf ogt, %get3A_1501, %scan3A_1460 : vector<16xf32>
      %select_n3A_1503 = arith.select %gt3A_1502, %get3A_1501, %scan3A_1460 : vector<16xi1>, vector<16xf32>
      %broadcast_in_dim3A_1504 = vector.broadcast %scan3A_1458 : i32 to vector<16xi32>
      %select_n3A_1505 = arith.select %gt3A_1502, %broadcast_in_dim3A_1504, %scan3A_1468 : vector<16xi1>, vector<16xi32>
      %mul3A_1506 = arith.constant 8 : i32
      %mul3A_1507 = arith.muli %scan3A_1458, %mul3A_1506 : i32
      %add3A_1508 = arith.constant 2 : i32
      %add3A_1509 = arith.addi %mul3A_1507, %add3A_1508 : i32
      %mul3A_1510 = arith.constant 16 : i32
      %mul3A_1511 = arith.muli %add3A_1509, %mul3A_1510 : i32
      %get3A_1512 = arith.constant 0 : i32
      %get3A_1513 = tpu.memref_slice %arg5[%scan3A_1333, %get3A_1512] : memref<2x32768xf32, #tpu.memory_space<vmem>> -> memref<1x32768xf32, #tpu.memory_space<vmem>>
      %get3A_1514 = tpu.memref_squeeze %get3A_1513 : memref<1x32768xf32, #tpu.memory_space<vmem>> -> memref<32768xf32, #tpu.memory_space<vmem>>
      %get3A_1515 = arith.index_cast %mul3A_1511 : i32 to index
      %get3A_1516 = tpu.vector_load %get3A_1514[%get3A_1515] {strides = array<i32>} : memref<32768xf32, #tpu.memory_space<vmem>>, vector<16xf32>,
      %get3A_1517 = vector.shape_cast %get3A_1516 : vector<16xf32> to vector<16xf32>
      %gt3A_1518 = arith.cmpf ogt, %get3A_1517, %scan3A_1461 : vector<16xf32>
      %select_n3A_1519 = arith.select %gt3A_1518, %get3A_1517, %scan3A_1461 : vector<16xi1>, vector<16xf32>
      %broadcast_in_dim3A_1520 = vector.broadcast %scan3A_1458 : i32 to vector<16xi32>
      %select_n3A_1521 = arith.select %gt3A_1518, %broadcast_in_dim3A_1520, %scan3A_1469 : vector<16xi1>, vector<16xi32>
      %mul3A_1522 = arith.constant 8 : i32
      %mul3A_1523 = arith.muli %scan3A_1458, %mul3A_1522 : i32
      %add3A_1524 = arith.constant 3 : i32
      %add3A_1525 = arith.addi %mul3A_1523, %add3A_1524 : i32
      %mul3A_1526 = arith.constant 16 : i32
      %mul3A_1527 = arith.muli %add3A_1525, %mul3A_1526 : i32
      %get3A_1528 = arith.constant 0 : i32
      %get3A_1529 = tpu.memref_slice %arg5[%scan3A_1333, %get3A_1528] : memref<2x32768xf32, #tpu.memory_space<vmem>> -> memref<1x32768xf32, #tpu.memory_space<vmem>>
      %get3A_1530 = tpu.memref_squeeze %get3A_1529 : memref<1x32768xf32, #tpu.memory_space<vmem>> -> memref<32768xf32, #tpu.memory_space<vmem>>
      %get3A_1531 = arith.index_cast %mul3A_1527 : i32 to index
      %get3A_1532 = tpu.vector_load %get3A_1530[%get3A_1531] {strides = array<i32>} : memref<32768xf32, #tpu.memory_space<vmem>>, vector<16xf32>,
      %get3A_1533 = vector.shape_cast %get3A_1532 : vector<16xf32> to vector<16xf32>
      %gt3A_1534 = arith.cmpf ogt, %get3A_1533, %scan3A_1462 : vector<16xf32>
      %select_n3A_1535 = arith.select %gt3A_1534, %get3A_1533, %scan3A_1462 : vector<16xi1>, vector<16xf32>
      %broadcast_in_dim3A_1536 = vector.broadcast %scan3A_1458 : i32 to vector<16xi32>
      %select_n3A_1537 = arith.select %gt3A_1534, %broadcast_in_dim3A_1536, %scan3A_1470 : vector<16xi1>, vector<16xi32>
      %mul3A_1538 = arith.constant 8 : i32
      %mul3A_1539 = arith.muli %scan3A_1458, %mul3A_1538 : i32
      %add3A_1540 = arith.constant 4 : i32
      %add3A_1541 = arith.addi %mul3A_1539, %add3A_1540 : i32
      %mul3A_1542 = arith.constant 16 : i32
      %mul3A_1543 = arith.muli %add3A_1541, %mul3A_1542 : i32
      %get3A_1544 = arith.constant 0 : i32
      %get3A_1545 = tpu.memref_slice %arg5[%scan3A_1333, %get3A_1544] : memref<2x32768xf32, #tpu.memory_space<vmem>> -> memref<1x32768xf32, #tpu.memory_space<vmem>>
      %get3A_1546 = tpu.memref_squeeze %get3A_1545 : memref<1x32768xf32, #tpu.memory_space<vmem>> -> memref<32768xf32, #tpu.memory_space<vmem>>
      %get3A_1547 = arith.index_cast %mul3A_1543 : i32 to index
      %get3A_1548 = tpu.vector_load %get3A_1546[%get3A_1547] {strides = array<i32>} : memref<32768xf32, #tpu.memory_space<vmem>>, vector<16xf32>,
      %get3A_1549 = vector.shape_cast %get3A_1548 : vector<16xf32> to vector<16xf32>
      %gt3A_1550 = arith.cmpf ogt, %get3A_1549, %scan3A_1463 : vector<16xf32>
      %select_n3A_1551 = arith.select %gt3A_1550, %get3A_1549, %scan3A_1463 : vector<16xi1>, vector<16xf32>
      %broadcast_in_dim3A_1552 = vector.broadcast %scan3A_1458 : i32 to vector<16xi32>
      %select_n3A_1553 = arith.select %gt3A_1550, %broadcast_in_dim3A_1552, %scan3A_1471 : vector<16xi1>, vector<16xi32>
      %mul3A_1554 = arith.constant 8 : i32
      %mul3A_1555 = arith.muli %scan3A_1458, %mul3A_1554 : i32
      %add3A_1556 = arith.constant 5 : i32
      %add3A_1557 = arith.addi %mul3A_1555, %add3A_1556 : i32
      %mul3A_1558 = arith.constant 16 : i32
      %mul3A_1559 = arith.muli %add3A_1557, %mul3A_1558 : i32
      %get3A_1560 = arith.constant 0 : i32
      %get3A_1561 = tpu.memref_slice %arg5[%scan3A_1333, %get3A_1560] : memref<2x32768xf32, #tpu.memory_space<vmem>> -> memref<1x32768xf32, #tpu.memory_space<vmem>>
      %get3A_1562 = tpu.memref_squeeze %get3A_1561 : memref<1x32768xf32, #tpu.memory_space<vmem>> -> memref<32768xf32, #tpu.memory_space<vmem>>
      %get3A_1563 = arith.index_cast %mul3A_1559 : i32 to index
      %get3A_1564 = tpu.vector_load %get3A_1562[%get3A_1563] {strides = array<i32>} : memref<32768xf32, #tpu.memory_space<vmem>>, vector<16xf32>,
      %get3A_1565 = vector.shape_cast %get3A_1564 : vector<16xf32> to vector<16xf32>
      %gt3A_1566 = arith.cmpf ogt, %get3A_1565, %scan3A_1464 : vector<16xf32>
      %select_n3A_1567 = arith.select %gt3A_1566, %get3A_1565, %scan3A_1464 : vector<16xi1>, vector<16xf32>
      %broadcast_in_dim3A_1568 = vector.broadcast %scan3A_1458 : i32 to vector<16xi32>
      %select_n3A_1569 = arith.select %gt3A_1566, %broadcast_in_dim3A_1568, %scan3A_1472 : vector<16xi1>, vector<16xi32>
      %mul3A_1570 = arith.constant 8 : i32
      %mul3A_1571 = arith.muli %scan3A_1458, %mul3A_1570 : i32
      %add3A_1572 = arith.constant 6 : i32
      %add3A_1573 = arith.addi %mul3A_1571, %add3A_1572 : i32
      %mul3A_1574 = arith.constant 16 : i32
      %mul3A_1575 = arith.muli %add3A_1573, %mul3A_1574 : i32
      %get3A_1576 = arith.constant 0 : i32
      %get3A_1577 = tpu.memref_slice %arg5[%scan3A_1333, %get3A_1576] : memref<2x32768xf32, #tpu.memory_space<vmem>> -> memref<1x32768xf32, #tpu.memory_space<vmem>>
      %get3A_1578 = tpu.memref_squeeze %get3A_1577 : memref<1x32768xf32, #tpu.memory_space<vmem>> -> memref<32768xf32, #tpu.memory_space<vmem>>
      %get3A_1579 = arith.index_cast %mul3A_1575 : i32 to index
      %get3A_1580 = tpu.vector_load %get3A_1578[%get3A_1579] {strides = array<i32>} : memref<32768xf32, #tpu.memory_space<vmem>>, vector<16xf32>,
      %get3A_1581 = vector.shape_cast %get3A_1580 : vector<16xf32> to vector<16xf32>
      %gt3A_1582 = arith.cmpf ogt, %get3A_1581, %scan3A_1465 : vector<16xf32>
      %select_n3A_1583 = arith.select %gt3A_1582, %get3A_1581, %scan3A_1465 : vector<16xi1>, vector<16xf32>
      %broadcast_in_dim3A_1584 = vector.broadcast %scan3A_1458 : i32 to vector<16xi32>
      %select_n3A_1585 = arith.select %gt3A_1582, %broadcast_in_dim3A_1584, %scan3A_1473 : vector<16xi1>, vector<16xi32>
      %mul3A_1586 = arith.constant 8 : i32
      %mul3A_1587 = arith.muli %scan3A_1458, %mul3A_1586 : i32
      %add3A_1588 = arith.constant 7 : i32
      %add3A_1589 = arith.addi %mul3A_1587, %add3A_1588 : i32
      %mul3A_1590 = arith.constant 16 : i32
      %mul3A_1591 = arith.muli %add3A_1589, %mul3A_1590 : i32
      %get3A_1592 = arith.constant 0 : i32
      %get3A_1593 = tpu.memref_slice %arg5[%scan3A_1333, %get3A_1592] : memref<2x32768xf32, #tpu.memory_space<vmem>> -> memref<1x32768xf32, #tpu.memory_space<vmem>>
      %get3A_1594 = tpu.memref_squeeze %get3A_1593 : memref<1x32768xf32, #tpu.memory_space<vmem>> -> memref<32768xf32, #tpu.memory_space<vmem>>
      %get3A_1595 = arith.index_cast %mul3A_1591 : i32 to index
      %get3A_1596 = tpu.vector_load %get3A_1594[%get3A_1595] {strides = array<i32>} : memref<32768xf32, #tpu.memory_space<vmem>>, vector<16xf32>,
      %get3A_1597 = vector.shape_cast %get3A_1596 : vector<16xf32> to vector<16xf32>
      %gt3A_1598 = arith.cmpf ogt, %get3A_1597, %scan3A_1466 : vector<16xf32>
      %select_n3A_1599 = arith.select %gt3A_1598, %get3A_1597, %scan3A_1466 : vector<16xi1>, vector<16xf32>
      %broadcast_in_dim3A_1600 = vector.broadcast %scan3A_1458 : i32 to vector<16xi32>
      %select_n3A_1601 = arith.select %gt3A_1598, %broadcast_in_dim3A_1600, %scan3A_1474 : vector<16xi1>, vector<16xi32>
      scf.yield %select_n3A_1487, %select_n3A_1503, %select_n3A_1519, %select_n3A_1535, %select_n3A_1551, %select_n3A_1567, %select_n3A_1583, %select_n3A_1599, %select_n3A_1489, %select_n3A_1505, %select_n3A_1521, %select_n3A_1537, %select_n3A_1553, %select_n3A_1569, %select_n3A_1585, %select_n3A_1601 : vector<16xf32>, vector<16xf32>, vector<16xf32>, vector<16xf32>, vector<16xf32>, vector<16xf32>, vector<16xf32>, vector<16xf32>, vector<16xi32>, vector<16xi32>, vector<16xi32>, vector<16xi32>, vector<16xi32>, vector<16xi32>, vector<16xi32>, vector<16xi32>
    }
    %scan3A_1339 = arith.constant 256 : i32
    %mul3A_1340 = arith.constant 128 : i32
    %mul3A_1341 = vector.broadcast %mul3A_1340 : i32 to vector<16xi32>
    %mul3A_1342 = arith.muli %scan3A_1338#8, %mul3A_1341 : vector<16xi32>
    %add3A_1343 = arith.addi %mul3A_1342, %iota3A : vector<16xi32>
    %mul3A_1344 = arith.constant 128 : i32
    %mul3A_1345 = vector.broadcast %mul3A_1344 : i32 to vector<16xi32>
    %mul3A_1346 = arith.muli %scan3A_1338#9, %mul3A_1345 : vector<16xi32>
    %add3A_1347 = arith.constant 16 : i32
    %add3A_1348 = vector.broadcast %add3A_1347 : i32 to vector<16xi32>
    %add3A_1349 = arith.addi %mul3A_1346, %add3A_1348 : vector<16xi32>
    %add3A_1350 = arith.addi %add3A_1349, %iota3A : vector<16xi32>
    %gt3A_1351 = arith.cmpf ogt, %scan3A_1338#1, %scan3A_1338#0 : vector<16xf32>
    %eq3A_1352 = arith.cmpf oeq, %scan3A_1338#1, %scan3A_1338#0 : vector<16xf32>
    %lt3A_1353 = arith.cmpi slt, %add3A_1350, %add3A_1343 : vector<16xi32>
    %and3A_1354 = arith.andi %eq3A_1352, %lt3A_1353 : vector<16xi1>
    %or3A_1355 = arith.ori %gt3A_1351, %and3A_1354 : vector<16xi1>
    %select_n3A_1356 = arith.select %or3A_1355, %scan3A_1338#1, %scan3A_1338#0 : vector<16xi1>, vector<16xf32>
    %select_n3A_1357 = arith.select %or3A_1355, %add3A_1350, %add3A_1343 : vector<16xi1>, vector<16xi32>
    %mul3A_1358 = arith.constant 128 : i32
    %mul3A_1359 = vector.broadcast %mul3A_1358 : i32 to vector<16xi32>
    %mul3A_1360 = arith.muli %scan3A_1338#10, %mul3A_1359 : vector<16xi32>
    %add3A_1361 = arith.constant 32 : i32
    %add3A_1362 = vector.broadcast %add3A_1361 : i32 to vector<16xi32>
    %add3A_1363 = arith.addi %mul3A_1360, %add3A_1362 : vector<16xi32>
    %add3A_1364 = arith.addi %add3A_1363, %iota3A : vector<16xi32>
    %gt3A_1365 = arith.cmpf ogt, %scan3A_1338#2, %select_n3A_1356 : vector<16xf32>
    %eq3A_1366 = arith.cmpf oeq, %scan3A_1338#2, %select_n3A_1356 : vector<16xf32>
    %lt3A_1367 = arith.cmpi slt, %add3A_1364, %select_n3A_1357 : vector<16xi32>
    %and3A_1368 = arith.andi %eq3A_1366, %lt3A_1367 : vector<16xi1>
    %or3A_1369 = arith.ori %gt3A_1365, %and3A_1368 : vector<16xi1>
    %select_n3A_1370 = arith.select %or3A_1369, %scan3A_1338#2, %select_n3A_1356 : vector<16xi1>, vector<16xf32>
    %select_n3A_1371 = arith.select %or3A_1369, %add3A_1364, %select_n3A_1357 : vector<16xi1>, vector<16xi32>
    %mul3A_1372 = arith.constant 128 : i32
    %mul3A_1373 = vector.broadcast %mul3A_1372 : i32 to vector<16xi32>
    %mul3A_1374 = arith.muli %scan3A_1338#11, %mul3A_1373 : vector<16xi32>
    %add3A_1375 = arith.constant 48 : i32
    %add3A_1376 = vector.broadcast %add3A_1375 : i32 to vector<16xi32>
    %add3A_1377 = arith.addi %mul3A_1374, %add3A_1376 : vector<16xi32>
    %add3A_1378 = arith.addi %add3A_1377, %iota3A : vector<16xi32>
    %gt3A_1379 = arith.cmpf ogt, %scan3A_1338#3, %select_n3A_1370 : vector<16xf32>
    %eq3A_1380 = arith.cmpf oeq, %scan3A_1338#3, %select_n3A_1370 : vector<16xf32>
    %lt3A_1381 = arith.cmpi slt, %add3A_1378, %select_n3A_1371 : vector<16xi32>
    %and3A_1382 = arith.andi %eq3A_1380, %lt3A_1381 : vector<16xi1>
    %or3A_1383 = arith.ori %gt3A_1379, %and3A_1382 : vector<16xi1>
    %select_n3A_1384 = arith.select %or3A_1383, %scan3A_1338#3, %select_n3A_1370 : vector<16xi1>, vector<16xf32>
    %select_n3A_1385 = arith.select %or3A_1383, %add3A_1378, %select_n3A_1371 : vector<16xi1>, vector<16xi32>
    %mul3A_1386 = arith.constant 128 : i32
    %mul3A_1387 = vector.broadcast %mul3A_1386 : i32 to vector<16xi32>
    %mul3A_1388 = arith.muli %scan3A_1338#12, %mul3A_1387 : vector<16xi32>
    %add3A_1389 = arith.constant 64 : i32
    %add3A_1390 = vector.broadcast %add3A_1389 : i32 to vector<16xi32>
    %add3A_1391 = arith.addi %mul3A_1388, %add3A_1390 : vector<16xi32>
    %add3A_1392 = arith.addi %add3A_1391, %iota3A : vector<16xi32>
    %gt3A_1393 = arith.cmpf ogt, %scan3A_1338#4, %select_n3A_1384 : vector<16xf32>
    %eq3A_1394 = arith.cmpf oeq, %scan3A_1338#4, %select_n3A_1384 : vector<16xf32>
    %lt3A_1395 = arith.cmpi slt, %add3A_1392, %select_n3A_1385 : vector<16xi32>
    %and3A_1396 = arith.andi %eq3A_1394, %lt3A_1395 : vector<16xi1>
    %or3A_1397 = arith.ori %gt3A_1393, %and3A_1396 : vector<16xi1>
    %select_n3A_1398 = arith.select %or3A_1397, %scan3A_1338#4, %select_n3A_1384 : vector<16xi1>, vector<16xf32>
    %select_n3A_1399 = arith.select %or3A_1397, %add3A_1392, %select_n3A_1385 : vector<16xi1>, vector<16xi32>
    %mul3A_1400 = arith.constant 128 : i32
    %mul3A_1401 = vector.broadcast %mul3A_1400 : i32 to vector<16xi32>
    %mul3A_1402 = arith.muli %scan3A_1338#13, %mul3A_1401 : vector<16xi32>
    %add3A_1403 = arith.constant 80 : i32
    %add3A_1404 = vector.broadcast %add3A_1403 : i32 to vector<16xi32>
    %add3A_1405 = arith.addi %mul3A_1402, %add3A_1404 : vector<16xi32>
    %add3A_1406 = arith.addi %add3A_1405, %iota3A : vector<16xi32>
    %gt3A_1407 = arith.cmpf ogt, %scan3A_1338#5, %select_n3A_1398 : vector<16xf32>
    %eq3A_1408 = arith.cmpf oeq, %scan3A_1338#5, %select_n3A_1398 : vector<16xf32>
    %lt3A_1409 = arith.cmpi slt, %add3A_1406, %select_n3A_1399 : vector<16xi32>
    %and3A_1410 = arith.andi %eq3A_1408, %lt3A_1409 : vector<16xi1>
    %or3A_1411 = arith.ori %gt3A_1407, %and3A_1410 : vector<16xi1>
    %select_n3A_1412 = arith.select %or3A_1411, %scan3A_1338#5, %select_n3A_1398 : vector<16xi1>, vector<16xf32>
    %select_n3A_1413 = arith.select %or3A_1411, %add3A_1406, %select_n3A_1399 : vector<16xi1>, vector<16xi32>
    %mul3A_1414 = arith.constant 128 : i32
    %mul3A_1415 = vector.broadcast %mul3A_1414 : i32 to vector<16xi32>
    %mul3A_1416 = arith.muli %scan3A_1338#14, %mul3A_1415 : vector<16xi32>
    %add3A_1417 = arith.constant 96 : i32
    %add3A_1418 = vector.broadcast %add3A_1417 : i32 to vector<16xi32>
    %add3A_1419 = arith.addi %mul3A_1416, %add3A_1418 : vector<16xi32>
    %add3A_1420 = arith.addi %add3A_1419, %iota3A : vector<16xi32>
    %gt3A_1421 = arith.cmpf ogt, %scan3A_1338#6, %select_n3A_1412 : vector<16xf32>
    %eq3A_1422 = arith.cmpf oeq, %scan3A_1338#6, %select_n3A_1412 : vector<16xf32>
    %lt3A_1423 = arith.cmpi slt, %add3A_1420, %select_n3A_1413 : vector<16xi32>
    %and3A_1424 = arith.andi %eq3A_1422, %lt3A_1423 : vector<16xi1>
    %or3A_1425 = arith.ori %gt3A_1421, %and3A_1424 : vector<16xi1>
    %select_n3A_1426 = arith.select %or3A_1425, %scan3A_1338#6, %select_n3A_1412 : vector<16xi1>, vector<16xf32>
    %select_n3A_1427 = arith.select %or3A_1425, %add3A_1420, %select_n3A_1413 : vector<16xi1>, vector<16xi32>
    %mul3A_1428 = arith.constant 128 : i32
    %mul3A_1429 = vector.broadcast %mul3A_1428 : i32 to vector<16xi32>
    %mul3A_1430 = arith.muli %scan3A_1338#15, %mul3A_1429 : vector<16xi32>
    %add3A_1431 = arith.constant 112 : i32
    %add3A_1432 = vector.broadcast %add3A_1431 : i32 to vector<16xi32>
    %add3A_1433 = arith.addi %mul3A_1430, %add3A_1432 : vector<16xi32>
    %add3A_1434 = arith.addi %add3A_1433, %iota3A : vector<16xi32>
    %gt3A_1435 = arith.cmpf ogt, %scan3A_1338#7, %select_n3A_1426 : vector<16xf32>
    %eq3A_1436 = arith.cmpf oeq, %scan3A_1338#7, %select_n3A_1426 : vector<16xf32>
    %lt3A_1437 = arith.cmpi slt, %add3A_1434, %select_n3A_1427 : vector<16xi32>
    %and3A_1438 = arith.andi %eq3A_1436, %lt3A_1437 : vector<16xi1>
    %or3A_1439 = arith.ori %gt3A_1435, %and3A_1438 : vector<16xi1>
    %select_n3A_1440 = arith.select %or3A_1439, %scan3A_1338#7, %select_n3A_1426 : vector<16xi1>, vector<16xf32>
    %select_n3A_1441 = arith.select %or3A_1439, %add3A_1434, %select_n3A_1427 : vector<16xi1>, vector<16xi32>
    %swap3A_1442 = arith.constant 7 : i32
    %swap3A_1443 = arith.index_cast %swap3A_1442 : i32 to index
    %swap3A_1444 = arith.constant 0 : index
    %swap3A_1445 = tpu.vector_load %arg6[%swap3A_1443, %swap3A_1444] {strides = array<i32>} : memref<8x16xf32, #tpu.memory_space<vmem>>, vector<1x16xf32>,
    %swap3A_1446 = vector.shape_cast %swap3A_1445 : vector<1x16xf32> to vector<16xf32>
    %swap3A_1447 = vector.shape_cast %select_n3A_1440 : vector<16xf32> to vector<1x16xf32>
    tpu.vector_store %arg6[%swap3A_1443, %swap3A_1444], %swap3A_1447 {strides = array<i32>} : memref<8x16xf32, #tpu.memory_space<vmem>>, vector<1x16xf32>,
    %swap3A_1448 = arith.constant 7 : i32
    %swap3A_1449 = arith.index_cast %swap3A_1448 : i32 to index
    %swap3A_1450 = arith.constant 0 : index
    %swap3A_1451 = tpu.vector_load %arg7[%swap3A_1449, %swap3A_1450] {strides = array<i32>} : memref<8x16xi32, #tpu.memory_space<vmem>>, vector<1x16xi32>,
    %swap3A_1452 = vector.shape_cast %swap3A_1451 : vector<1x16xi32> to vector<16xi32>
    %swap3A_1453 = vector.shape_cast %select_n3A_1441 : vector<16xi32> to vector<1x16xi32>
    tpu.vector_store %arg7[%swap3A_1449, %swap3A_1450], %swap3A_1453 {strides = array<i32>} : memref<8x16xi32, #tpu.memory_space<vmem>>, vector<1x16xi32>,
    %mul3A_1454 = arith.constant 8 : i32
    %mul3A_1455 = arith.muli %add3A, %mul3A_1454 : i32
    "tpu.region"() ({
      %run_scoped3A = tpu.sem_alloc : memref<!tpu.dma_semaphore, #tpu.memory_space<semaphore_mem>>
      %dma_start3A_1458 = arith.constant 0 : i32
      %dma_start3A_1459 = tpu.memref_slice %arg3[%mul3A_1455, %dma_start3A_1458] : memref<256x16xf32, #tpu.memory_space<hbm>> -> memref<8x16xf32, #tpu.memory_space<hbm>>
      %dma_start3A_1460 = arith.constant 0 : i32
      %dma_start3A_1461 = tpu.memref_slice %arg3[%mul3A_1455, %dma_start3A_1460] : memref<256x16xf32, #tpu.memory_space<hbm>> -> memref<8x16xf32, #tpu.memory_space<hbm>>
      tpu.enqueue_dma source(%arg6 : memref<8x16xf32, #tpu.memory_space<vmem>>) target(%dma_start3A_1461 : memref<8x16xf32, #tpu.memory_space<hbm>>) target_semaphore(%run_scoped3A : memref<!tpu.dma_semaphore, #tpu.memory_space<semaphore_mem>>)
      %dma_wait3A_1462 = arith.constant 0 : i32
      %dma_wait3A_1463 = tpu.memref_slice %arg3[%mul3A_1455, %dma_wait3A_1462] : memref<256x16xf32, #tpu.memory_space<hbm>> -> memref<8x16xf32, #tpu.memory_space<hbm>>
      %dma_wait3A_1464 = arith.constant 0 : i32
      %dma_wait3A_1465 = tpu.memref_slice %arg3[%mul3A_1455, %dma_wait3A_1464] : memref<256x16xf32, #tpu.memory_space<hbm>> -> memref<8x16xf32, #tpu.memory_space<hbm>>
      tpu.wait_dma2 semaphore(%run_scoped3A : memref<!tpu.dma_semaphore, #tpu.memory_space<semaphore_mem>>) src(%arg6 : memref<8x16xf32, #tpu.memory_space<vmem>>) dst(%dma_wait3A_1465 : memref<8x16xf32, #tpu.memory_space<hbm>>)
      tpu.yield
    }) : () -> ()
    %mul3A_1456 = arith.constant 8 : i32
    %mul3A_1457 = arith.muli %add3A, %mul3A_1456 : i32
    "tpu.region"() ({
      %run_scoped3A = tpu.sem_alloc : memref<!tpu.dma_semaphore, #tpu.memory_space<semaphore_mem>>
      %dma_start3A_1458 = arith.constant 0 : i32
      %dma_start3A_1459 = tpu.memref_slice %arg4[%mul3A_1457, %dma_start3A_1458] : memref<256x16xi32, #tpu.memory_space<hbm>> -> memref<8x16xi32, #tpu.memory_space<hbm>>
      %dma_start3A_1460 = arith.constant 0 : i32
      %dma_start3A_1461 = tpu.memref_slice %arg4[%mul3A_1457, %dma_start3A_1460] : memref<256x16xi32, #tpu.memory_space<hbm>> -> memref<8x16xi32, #tpu.memory_space<hbm>>
      tpu.enqueue_dma source(%arg7 : memref<8x16xi32, #tpu.memory_space<vmem>>) target(%dma_start3A_1461 : memref<8x16xi32, #tpu.memory_space<hbm>>) target_semaphore(%run_scoped3A : memref<!tpu.dma_semaphore, #tpu.memory_space<semaphore_mem>>)
      %dma_wait3A_1462 = arith.constant 0 : i32
      %dma_wait3A_1463 = tpu.memref_slice %arg4[%mul3A_1457, %dma_wait3A_1462] : memref<256x16xi32, #tpu.memory_space<hbm>> -> memref<8x16xi32, #tpu.memory_space<hbm>>
      %dma_wait3A_1464 = arith.constant 0 : i32
      %dma_wait3A_1465 = tpu.memref_slice %arg4[%mul3A_1457, %dma_wait3A_1464] : memref<256x16xi32, #tpu.memory_space<hbm>> -> memref<8x16xi32, #tpu.memory_space<hbm>>
      tpu.wait_dma2 semaphore(%run_scoped3A : memref<!tpu.dma_semaphore, #tpu.memory_space<semaphore_mem>>) src(%arg7 : memref<8x16xi32, #tpu.memory_space<vmem>>) dst(%dma_wait3A_1465 : memref<8x16xi32, #tpu.memory_space<hbm>>)
      tpu.yield
    }) : () -> ()
    return
  }
}

module attributes {stable_mosaic.version = 14 : i64} {
  func.func @_stage2_body(%arg0: memref<320x1xf32, #tpu.memory_space<vmem>>, %arg1: memref<320x1xi32, #tpu.memory_space<vmem>>, %arg2: memref<256x16xf32, #tpu.memory_space<vmem>>, %arg3: memref<256x16xi32, #tpu.memory_space<vmem>>, %arg4: memref<1x1xi32, #tpu.memory_space<vmem>>, %arg5: memref<1x1xi32, #tpu.memory_space<vmem>>, %arg6: memref<1x640xi32, #tpu.memory_space<vmem>>, %arg7: memref<576x1xf32, #tpu.memory_space<vmem>>) attributes {dimension_semantics = [], scalar_prefetch = 0 : i64, scratch_operands = 0 : i64, tpu.core_type = #tpu.core_type<tc>} {
    %get3A = arith.constant 0 : index
    %get3A_0 = arith.constant 0 : index
    %get3A_1 = vector.load %arg2[%get3A, %get3A_0] : memref<256x16xf32, #tpu.memory_space<vmem>>, vector<256x16xf32>
    %get3A_2 = arith.constant 0 : index
    %get3A_3 = arith.constant 0 : index
    %get3A_4 = vector.load %arg3[%get3A_2, %get3A_3] : memref<256x16xi32, #tpu.memory_space<vmem>>, vector<256x16xi32>
    %reduce_max3A = arith.constant dense<0xFF800000> : vector<256xf32>
    %reduce_max3A_5 = vector.multi_reduction <maximumf>, %get3A_1, %reduce_max3A [1] : vector<256x16xf32> to vector<256xf32>
    %broadcast_in_dim3A = vector.shape_cast %reduce_max3A_5 : vector<256xf32> to vector<256x1xf32>
    %eq3A = vector.broadcast %broadcast_in_dim3A : vector<256x1xf32> to vector<256x16xf32>
    %eq3A_6 = arith.cmpf oeq, %get3A_1, %eq3A : vector<256x16xf32>
    %jit3A = arith.constant 32768 : i32
    %broadcast_in_dim3A_7 = vector.broadcast %jit3A : i32 to vector<256x16xi32>
    %select_n3A = arith.select %eq3A_6, %get3A_4, %broadcast_in_dim3A_7 : vector<256x16xi1>, vector<256x16xi32>
    %reduce_min3A = arith.constant dense<2147483647> : vector<256xi32>
    %reduce_min3A_8 = vector.multi_reduction <minsi>, %select_n3A, %reduce_min3A [1] : vector<256x16xi32> to vector<256xi32>
    %broadcast_in_dim3A_9 = vector.shape_cast %reduce_min3A_8 : vector<256xi32> to vector<256x1xi32>
    %get3A_10 = arith.constant 0 : index
    %get3A_11 = arith.constant 0 : index
    %get3A_12 = vector.load %arg0[%get3A_10, %get3A_11] : memref<320x1xf32, #tpu.memory_space<vmem>>, vector<320x1xf32>
    %concatenate3A = tpu.concatenate %get3A_12, %broadcast_in_dim3A in 0 : vector<320x1xf32>, vector<256x1xf32> -> vector<576x1xf32>
    %swap3A = arith.constant 0 : index
    %swap3A_13 = arith.constant 0 : index
    %swap3A_14 = vector.load %arg7[%swap3A, %swap3A_13] : memref<576x1xf32, #tpu.memory_space<vmem>>, vector<576x1xf32>
    tpu.vector_store %arg7[%swap3A, %swap3A_13], %concatenate3A {strides = array<i32>} : memref<576x1xf32, #tpu.memory_space<vmem>>, vector<576x1xf32>,
    %get3A_15 = arith.constant 0 : index
    %get3A_16 = arith.constant 0 : index
    %get3A_17 = vector.load %arg4[%get3A_15, %get3A_16] : memref<1x1xi32, #tpu.memory_space<vmem>>, vector<1x1xi32>
    %get3A_18 = vector.extract %get3A_17[0, 0] : i32 from vector<1x1xi32>
    %sub3A = arith.constant 1 : i32
    %sub3A_19 = arith.subi %get3A_18, %sub3A : i32
    %add3A = arith.constant 1 : i32
    %add3A_20 = arith.addi %add3A, %sub3A_19 : i32
    %iota3A = tpu.iota {dimensions = array<i32: 0>} : vector<64x1xi32>
    %eq3A_21 = arith.constant 0 : i32
    %eq3A_22 = vector.broadcast %eq3A_21 : i32 to vector<64x1xi32>
    %eq3A_23 = arith.cmpi eq, %iota3A, %eq3A_22 : vector<64x1xi32>
    %jit3A_24 = arith.constant 0 : i32
    %jit3A_25 = arith.constant 2000000 : i32
    %broadcast_in_dim3A_26 = vector.broadcast %jit3A_24 : i32 to vector<64x1xi32>
    %broadcast_in_dim3A_27 = vector.broadcast %jit3A_25 : i32 to vector<64x1xi32>
    %select_n3A_28 = arith.select %eq3A_23, %broadcast_in_dim3A_26, %broadcast_in_dim3A_27 : vector<64x1xi1>, vector<64x1xi32>
    %get3A_29 = arith.constant 0 : index
    %get3A_30 = arith.constant 0 : index
    %get3A_31 = vector.load %arg1[%get3A_29, %get3A_30] : memref<320x1xi32, #tpu.memory_space<vmem>>, vector<320x1xi32>
    %add3A_32 = vector.broadcast %add3A_20 : i32 to vector<320x1xi32>
    %add3A_33 = arith.addi %get3A_31, %add3A_32 : vector<320x1xi32>
    %add3A_34 = vector.broadcast %add3A_20 : i32 to vector<256x1xi32>
    %add3A_35 = arith.addi %broadcast_in_dim3A_9, %add3A_34 : vector<256x1xi32>
    %concatenate3A_36 = tpu.concatenate %add3A_33, %add3A_35, %select_n3A_28 in 0 : vector<320x1xi32>, vector<256x1xi32>, vector<64x1xi32> -> vector<640x1xi32>
    %iota3A_37 = tpu.iota {dimensions = array<i32: 0>} : vector<640x1xi32>
    %iota3A_38 = tpu.iota {dimensions = array<i32: 1>} : vector<1x640xi32>
    %eq3A_39 = vector.broadcast %iota3A_37 : vector<640x1xi32> to vector<640x640xi32>
    %eq3A_40 = vector.broadcast %iota3A_38 : vector<1x640xi32> to vector<640x640xi32>
    %eq3A_41 = arith.cmpi eq, %eq3A_39, %eq3A_40 : vector<640x640xi32>
    %convert_element_type3A = arith.extui %eq3A_41 : vector<640x640xi1> to vector<640x640xi32>
    %convert_element_type3A_42 = arith.sitofp %convert_element_type3A : vector<640x640xi32> to vector<640x640xf32>
    %convert_element_type3A_43 = arith.sitofp %concatenate3A_36 : vector<640x1xi32> to vector<640x1xf32>
    %dot_general3A = arith.constant dense<0.000000e+00> : vector<1x640xf32>
    %dot_general3A_44 = tpu.matmul %convert_element_type3A_43, %convert_element_type3A_42, %dot_general3A {dimension_numbers = #tpu.dot_dimension_numbers<[0], [0], [1], [1], [0, 1, 1, 1], [], []>, precision = #tpu.contract_precision<fp32>, transpose_lhs_hint = false} : vector<640x1xf32>, vector<640x640xf32>, vector<1x640xf32> -> vector<1x640xf32>
    %convert_element_type3A_45 = arith.fptosi %dot_general3A_44 : vector<1x640xf32> to vector<1x640xi32>
    %lt3A = arith.constant 577 : i32
    %lt3A_46 = vector.broadcast %lt3A : i32 to vector<640x1xi32>
    %lt3A_47 = arith.cmpi slt, %iota3A_37, %lt3A_46 : vector<640x1xi32>
    %lt3A_48 = arith.constant 577 : i32
    %lt3A_49 = vector.broadcast %lt3A_48 : i32 to vector<1x640xi32>
    %lt3A_50 = arith.cmpi slt, %iota3A_38, %lt3A_49 : vector<1x640xi32>
    %eq3A_51 = vector.broadcast %concatenate3A_36 : vector<640x1xi32> to vector<640x640xi32>
    %eq3A_52 = vector.broadcast %convert_element_type3A_45 : vector<1x640xi32> to vector<640x640xi32>
    %eq3A_53 = arith.cmpi eq, %eq3A_51, %eq3A_52 : vector<640x640xi32>
    %convert_element_type3A_54 = arith.extui %eq3A_53 : vector<640x640xi1> to vector<640x640xi32>
    %lt3A_55 = vector.broadcast %iota3A_37 : vector<640x1xi32> to vector<640x640xi32>
    %lt3A_56 = vector.broadcast %iota3A_38 : vector<1x640xi32> to vector<640x640xi32>
    %lt3A_57 = arith.cmpi slt, %lt3A_55, %lt3A_56 : vector<640x640xi32>
    %convert_element_type3A_58 = arith.extui %lt3A_57 : vector<640x640xi1> to vector<640x640xi32>
    %lt3A_59 = vector.broadcast %iota3A_38 : vector<1x640xi32> to vector<640x640xi32>
    %lt3A_60 = vector.broadcast %iota3A_37 : vector<640x1xi32> to vector<640x640xi32>
    %lt3A_61 = arith.cmpi slt, %lt3A_59, %lt3A_60 : vector<640x640xi32>
    %convert_element_type3A_62 = arith.extui %lt3A_61 : vector<640x640xi1> to vector<640x640xi32>
    %mul3A = arith.muli %convert_element_type3A_54, %convert_element_type3A_58 : vector<640x640xi32>
    %reduce_sum3A = arith.constant dense<0> : vector<640xi32>
    %reduce_sum3A_63 = vector.multi_reduction <add>, %mul3A, %reduce_sum3A [0] : vector<640x640xi32> to vector<640xi32>
    %broadcast_in_dim3A_64 = vector.shape_cast %reduce_sum3A_63 : vector<640xi32> to vector<1x640xi32>
    %eq3A_65 = arith.constant 0 : i32
    %eq3A_66 = vector.broadcast %eq3A_65 : i32 to vector<1x640xi32>
    %eq3A_67 = arith.cmpi eq, %broadcast_in_dim3A_64, %eq3A_66 : vector<1x640xi32>
    %and3A = arith.andi %eq3A_67, %lt3A_50 : vector<1x640xi1>
    %convert_element_type3A_68 = arith.extui %and3A : vector<1x640xi1> to vector<1x640xi32>
    %mul3A_69 = arith.muli %convert_element_type3A_54, %convert_element_type3A_62 : vector<640x640xi32>
    %reduce_sum3A_70 = arith.constant dense<0> : vector<640xi32>
    %reduce_sum3A_71 = vector.multi_reduction <add>, %mul3A_69, %reduce_sum3A_70 [1] : vector<640x640xi32> to vector<640xi32>
    %broadcast_in_dim3A_72 = vector.shape_cast %reduce_sum3A_71 : vector<640xi32> to vector<640x1xi32>
    %eq3A_73 = arith.constant 0 : i32
    %eq3A_74 = vector.broadcast %eq3A_73 : i32 to vector<640x1xi32>
    %eq3A_75 = arith.cmpi eq, %broadcast_in_dim3A_72, %eq3A_74 : vector<640x1xi32>
    %and3A_76 = arith.andi %eq3A_75, %lt3A_47 : vector<640x1xi1>
    %convert_element_type3A_77 = arith.extui %and3A_76 : vector<640x1xi1> to vector<640x1xi32>
    %reduce_sum3A_78 = vector.shape_cast %convert_element_type3A_68 : vector<1x640xi32> to vector<1x1x640xi32>
    %reduce_sum3A_79 = arith.constant dense<0> : vector<1xi32>
    %reduce_sum3A_80 = vector.multi_reduction <add>, %reduce_sum3A_78, %reduce_sum3A_79 [1, 2] : vector<1x1x640xi32> to vector<1xi32>
    %reduce_sum3A_81 = vector.shape_cast %reduce_sum3A_80 : vector<1xi32> to vector<1x1x1xi32>
    %reduce_sum3A_82 = vector.extract %reduce_sum3A_81[0, 0, 0] : i32 from vector<1x1x1xi32>
    %sub3A_83 = arith.constant 577 : i32
    %sub3A_84 = arith.subi %sub3A_83, %reduce_sum3A_82 : i32
    %iota3A_85 = tpu.iota {dimensions = array<i32: 0>} : vector<1280x1xi32>
    %le3A = vector.broadcast %convert_element_type3A_45 : vector<1x640xi32> to vector<1280x640xi32>
    %le3A_86 = vector.broadcast %iota3A_85 : vector<1280x1xi32> to vector<1280x640xi32>
    %le3A_87 = arith.cmpi sle, %le3A, %le3A_86 : vector<1280x640xi32>
    %convert_element_type3A_88 = arith.extui %le3A_87 : vector<1280x640xi1> to vector<1280x640xi32>
    %mul3A_89 = vector.broadcast %convert_element_type3A_68 : vector<1x640xi32> to vector<1280x640xi32>
    %mul3A_90 = arith.muli %convert_element_type3A_88, %mul3A_89 : vector<1280x640xi32>
    %reduce_sum3A_91 = arith.constant dense<0> : vector<1280xi32>
    %reduce_sum3A_92 = vector.multi_reduction <add>, %mul3A_90, %reduce_sum3A_91 [1] : vector<1280x640xi32> to vector<1280xi32>
    %broadcast_in_dim3A_93 = vector.shape_cast %reduce_sum3A_92 : vector<1280xi32> to vector<1280x1xi32>
    %add3A_94 = arith.constant 1 : i32
    %add3A_95 = vector.broadcast %add3A_94 : i32 to vector<1280x1xi32>
    %add3A_96 = arith.addi %iota3A_85, %add3A_95 : vector<1280x1xi32>
    %sub3A_97 = arith.subi %add3A_96, %broadcast_in_dim3A_93 : vector<1280x1xi32>
    %min3A = vector.broadcast %sub3A_84 : i32 to vector<1280x1xi32>
    %min3A_98 = arith.minsi %min3A, %sub3A_97 : vector<1280x1xi32>
    %add3A_99 = arith.addi %broadcast_in_dim3A_93, %min3A_98 : vector<1280x1xi32>
    %lt3A_100 = arith.constant 1280 : i32
    %lt3A_101 = vector.broadcast %lt3A_100 : i32 to vector<1x640xi32>
    %lt3A_102 = arith.cmpi slt, %convert_element_type3A_45, %lt3A_101 : vector<1x640xi32>
    %convert_element_type3A_103 = arith.extui %lt3A_102 : vector<1x640xi1> to vector<1x640xi32>
    %mul3A_104 = arith.muli %convert_element_type3A_68, %convert_element_type3A_103 : vector<1x640xi32>
    %reduce_sum3A_105 = vector.shape_cast %mul3A_104 : vector<1x640xi32> to vector<1x1x640xi32>
    %reduce_sum3A_106 = arith.constant dense<0> : vector<1xi32>
    %reduce_sum3A_107 = vector.multi_reduction <add>, %reduce_sum3A_105, %reduce_sum3A_106 [1, 2] : vector<1x1x640xi32> to vector<1xi32>
    %reduce_sum3A_108 = vector.shape_cast %reduce_sum3A_107 : vector<1xi32> to vector<1x1x1xi32>
    %reduce_sum3A_109 = vector.extract %reduce_sum3A_108[0, 0, 0] : i32 from vector<1x1x1xi32>
    %add3A_110 = arith.addi %reduce_sum3A_109, %sub3A_84 : i32
    %le3A_111 = vector.broadcast %add3A_99 : vector<1280x1xi32> to vector<1280x640xi32>
    %le3A_112 = vector.broadcast %iota3A_38 : vector<1x640xi32> to vector<1280x640xi32>
    %le3A_113 = arith.cmpi sle, %le3A_111, %le3A_112 : vector<1280x640xi32>
    %convert_element_type3A_114 = arith.extui %le3A_113 : vector<1280x640xi1> to vector<1280x640xi32>
    %reduce_sum3A_115 = arith.constant dense<0> : vector<640xi32>
    %reduce_sum3A_116 = vector.multi_reduction <add>, %convert_element_type3A_114, %reduce_sum3A_115 [0] : vector<1280x640xi32> to vector<640xi32>
    %broadcast_in_dim3A_117 = vector.shape_cast %reduce_sum3A_116 : vector<640xi32> to vector<1x640xi32>
    %ge3A = arith.constant 1280 : i32
    %ge3A_118 = vector.broadcast %ge3A : i32 to vector<1x640xi32>
    %ge3A_119 = arith.cmpi sge, %convert_element_type3A_45, %ge3A_118 : vector<1x640xi32>
    %convert_element_type3A_120 = arith.extui %ge3A_119 : vector<1x640xi1> to vector<1x640xi32>
    %mul3A_121 = arith.muli %convert_element_type3A_68, %convert_element_type3A_120 : vector<1x640xi32>
    %ge3A_122 = arith.constant 1280 : i32
    %ge3A_123 = vector.broadcast %ge3A_122 : i32 to vector<640x1xi32>
    %ge3A_124 = arith.cmpi sge, %concatenate3A_36, %ge3A_123 : vector<640x1xi32>
    %convert_element_type3A_125 = arith.extui %ge3A_124 : vector<640x1xi1> to vector<640x1xi32>
    %mul3A_126 = arith.muli %convert_element_type3A_77, %convert_element_type3A_125 : vector<640x1xi32>
    %lt3A_127 = vector.broadcast %convert_element_type3A_45 : vector<1x640xi32> to vector<640x640xi32>
    %lt3A_128 = vector.broadcast %concatenate3A_36 : vector<640x1xi32> to vector<640x640xi32>
    %lt3A_129 = arith.cmpi slt, %lt3A_127, %lt3A_128 : vector<640x640xi32>
    %convert_element_type3A_130 = arith.extui %lt3A_129 : vector<640x640xi1> to vector<640x640xi32>
    %mul3A_131 = vector.broadcast %mul3A_121 : vector<1x640xi32> to vector<640x640xi32>
    %mul3A_132 = arith.muli %convert_element_type3A_130, %mul3A_131 : vector<640x640xi32>
    %reduce_sum3A_133 = arith.constant dense<0> : vector<640xi32>
    %reduce_sum3A_134 = vector.multi_reduction <add>, %mul3A_132, %reduce_sum3A_133 [1] : vector<640x640xi32> to vector<640xi32>
    %broadcast_in_dim3A_135 = vector.shape_cast %reduce_sum3A_134 : vector<640xi32> to vector<640x1xi32>
    %add3A_136 = vector.broadcast %add3A_110 : i32 to vector<640x1xi32>
    %add3A_137 = arith.addi %add3A_136, %broadcast_in_dim3A_135 : vector<640x1xi32>
    %eq3A_138 = vector.broadcast %add3A_137 : vector<640x1xi32> to vector<640x640xi32>
    %eq3A_139 = vector.broadcast %iota3A_38 : vector<1x640xi32> to vector<640x640xi32>
    %eq3A_140 = arith.cmpi eq, %eq3A_138, %eq3A_139 : vector<640x640xi32>
    %convert_element_type3A_141 = arith.extui %eq3A_140 : vector<640x640xi1> to vector<640x640xi32>
    %mul3A_142 = vector.broadcast %mul3A_126 : vector<640x1xi32> to vector<640x640xi32>
    %mul3A_143 = arith.muli %convert_element_type3A_141, %mul3A_142 : vector<640x640xi32>
    %mul3A_144 = vector.broadcast %concatenate3A_36 : vector<640x1xi32> to vector<640x640xi32>
    %mul3A_145 = arith.muli %mul3A_143, %mul3A_144 : vector<640x640xi32>
    %reduce_sum3A_146 = arith.constant dense<0> : vector<640xi32>
    %reduce_sum3A_147 = vector.multi_reduction <add>, %mul3A_145, %reduce_sum3A_146 [0] : vector<640x640xi32> to vector<640xi32>
    %broadcast_in_dim3A_148 = vector.shape_cast %reduce_sum3A_147 : vector<640xi32> to vector<1x640xi32>
    %lt3A_149 = vector.broadcast %add3A_110 : i32 to vector<1x640xi32>
    %lt3A_150 = arith.cmpi slt, %iota3A_38, %lt3A_149 : vector<1x640xi32>
    %select_n3A_151 = arith.select %lt3A_150, %broadcast_in_dim3A_117, %broadcast_in_dim3A_148 : vector<1x640xi1>, vector<1x640xi32>
    %swap3A_152 = arith.constant 0 : index
    %swap3A_153 = arith.constant 0 : index
    %swap3A_154 = vector.load %arg6[%swap3A_152, %swap3A_153] : memref<1x640xi32, #tpu.memory_space<vmem>>, vector<1x640xi32>
    tpu.vector_store %arg6[%swap3A_152, %swap3A_153], %select_n3A_151 {strides = array<i32>} : memref<1x640xi32, #tpu.memory_space<vmem>>, vector<1x640xi32>,
    return
  }
}

module attributes {stable_mosaic.version = 14 : i64} {
  func.func @_tc_stage1_body(%arg0: i32, %arg1: memref<64x32768xf32, #tpu.memory_space<vmem>>, %arg2: memref<64x1xf32, #tpu.memory_space<vmem>>, %arg3: memref<64x1xi32, #tpu.memory_space<vmem>>) attributes {dimension_semantics = [#tpu.dimension_semantics<arbitrary>], iteration_bounds = array<i64: 5>, scalar_prefetch = 0 : i64, scratch_operands = 0 : i64, tpu.core_type = #tpu.core_type<tc>, window_params = [{transform_indices = @transform_0, window_bounds = array<i64: 64, 32768>}, {transform_indices = @transform_1, window_bounds = array<i64: 64, 1>}, {transform_indices = @transform_2, window_bounds = array<i64: 64, 1>}]} {
    %get3A = arith.constant 0 : index
    %get3A_0 = arith.constant 0 : index
    %get3A_1 = vector.load %arg1[%get3A, %get3A_0] : memref<64x32768xf32, #tpu.memory_space<vmem>>, vector<64x32768xf32>
    %reduce_max3A = arith.constant dense<0xFF800000> : vector<64xf32>
    %reduce_max3A_2 = vector.multi_reduction <maximumf>, %get3A_1, %reduce_max3A [1] : vector<64x32768xf32> to vector<64xf32>
    %broadcast_in_dim3A = vector.shape_cast %reduce_max3A_2 : vector<64xf32> to vector<64x1xf32>
    %iota3A = tpu.iota {dimensions = array<i32: 1>} : vector<64x32768xi32>
    %eq3A = vector.broadcast %broadcast_in_dim3A : vector<64x1xf32> to vector<64x32768xf32>
    %eq3A_3 = arith.cmpf oeq, %get3A_1, %eq3A : vector<64x32768xf32>
    %jit3A = arith.constant 32768 : i32
    %broadcast_in_dim3A_4 = vector.broadcast %jit3A : i32 to vector<64x32768xi32>
    %select_n3A = arith.select %eq3A_3, %iota3A, %broadcast_in_dim3A_4 : vector<64x32768xi1>, vector<64x32768xi32>
    %reduce_min3A = arith.constant dense<2147483647> : vector<64xi32>
    %reduce_min3A_5 = vector.multi_reduction <minsi>, %select_n3A, %reduce_min3A [1] : vector<64x32768xi32> to vector<64xi32>
    %broadcast_in_dim3A_6 = vector.shape_cast %reduce_min3A_5 : vector<64xi32> to vector<64x1xi32>
    %swap3A = arith.constant 0 : index
    %swap3A_7 = arith.constant 0 : index
    %swap3A_8 = vector.load %arg2[%swap3A, %swap3A_7] : memref<64x1xf32, #tpu.memory_space<vmem>>, vector<64x1xf32>
    tpu.vector_store %arg2[%swap3A, %swap3A_7], %broadcast_in_dim3A {strides = array<i32>} : memref<64x1xf32, #tpu.memory_space<vmem>>, vector<64x1xf32>,
    %swap3A_9 = arith.constant 0 : index
    %swap3A_10 = arith.constant 0 : index
    %swap3A_11 = vector.load %arg3[%swap3A_9, %swap3A_10] : memref<64x1xi32, #tpu.memory_space<vmem>>, vector<64x1xi32>
    tpu.vector_store %arg3[%swap3A_9, %swap3A_10], %broadcast_in_dim3A_6 {strides = array<i32>} : memref<64x1xi32, #tpu.memory_space<vmem>>, vector<64x1xi32>,
    return
  }
  func.func @transform_0(%arg0: i32) -> (i32, i32) {
    %c0_i32 = arith.constant 0 : i32
    %c0_i32_0 = arith.constant 0 : i32
    return %arg0, %c0_i32 : i32, i32
  }
  func.func @transform_1(%arg0: i32) -> (i32, i32) {
    %c0_i32 = arith.constant 0 : i32
    %c0_i32_0 = arith.constant 0 : i32
    return %arg0, %c0_i32 : i32, i32
  }
  func.func @transform_2(%arg0: i32) -> (i32, i32) {
    %c0_i32 = arith.constant 0 : i32
    %c0_i32_0 = arith.constant 0 : i32
    return %arg0, %c0_i32 : i32, i32
  }
}

</mosaic_0001>

<sc_bundles>
// kernel: kernel.5.cloned.1.call-start
scs
__scs_entry_jumppad:
0x0: {  	(pc) =	sbr.rel $0x88, $3  }
0x1: {  	(tag) =	ssettag $0x0;
	lr =	simm.s32 $0x1  }
0x2: {  	[smem:$0x3F9E] =	sst lr;
	_ =	strace $0xD0000000  }
0x3: {  	_ = 	snop  }
0x4: {  	_ = 	snop  }
0x5: {  	_ = 	snop  }
0x6: {  	_ = 	snop  }
0x7: {  	_ = 	snop  }
__scs_overlays_trampoline_lowered:
0x8: {  	[smem:$0x3FAD] =	sst s0  }
0x9: {  	[smem:$0x3FAE] =	sst s1  }
0xa: {  	[smem:$0x3FAF] =	sst s2  }
0xb: {  	[smem:$0x3FB0] =	sst s3  }
0xc: {  	[smem:$0x3FB1] =	sst s4  }
0xd: {  	[smem:$0x3FB2] =	sst s5  }
0xe: {  	[smem:$0x3FB3] =	sst s6  }
0xf: {  	[smem:$0x3FB4] =	sst s7  }
0x10: {  	[smem:$0x3FB5] =	sst s8  }
0x11: {  	[smem:$0x3FB6] =	sst s9;
	s0 =	simm.s32 @!p0 $0x0  }
0x12: {  	s1 =	sld [smem:$0x3F9C];
	s0 =	simm.s32 @p0 $0x1  }
0x13: {  	[smem:$0x3FB7] =	sst s0;
	s0 =	simm.s32 @!p1 $0x0  }
0x14: {  	s2 =	sld [smem:$0x3F9B];
	s0 =	simm.s32 @p1 $0x1  }
0x15: {  	[smem:$0x3FB8] =	sst s0;
	s0 =	simm.s32 @!p2 $0x0  }
0x16: {  	s3 =	sld [smem:$0x3FDB];
	s0 =	simm.s32 @p2 $0x1  }
0x17: {  	s4 =	simm.s32 $0x1BF5;
	[smem:$0x3FBA] =	sst s0  }
0x18: {  	s0 =	sld [smem:$0x3F9D];
	_ =	swait.ge [sflag:s4], $0x0  }
0x19: {  	s7 =	sld [smem:$0x3F9E]  }
0x1a: {  	s8 =	sadd.s32 $0xFFFFE003, lr  }
0x1b: {  	s9 =	sadd.s32 $0xFFFFFEF7, lr;
	s5 =	simm.s32 $0xFFFFFFFF;
	p2 =	slt.u32 s8, $0xFFFFF086  }
0x1c: {  	p1 =	slt.u32 s9, $0xF7A;
	s5 =	simm.s32 @!p2 $0x0  }
0x1d: {  	s5 =	simm.s32 @p1 $0x1;
	p0 =	seq.s32 s7, s2  }
0x1e: {  	s7 =	smul.u32 @!p0 $0xF7A, s2;
	p2 =	seq.s32 @!p0 s5, $0x0  }
0x1f: {  	s9 =	smul.u32 $0xF7A, s1;
	s8 =	simm.s32 @!p0 $0x1BF5;
	p2 =	por !p2, p0  }
0x20: {  	[sflag:s8] =	ssyncset.s32 @!p0 $0xFFFFF086;
	s6 =	sadd.s32 @!p0 s3, s7;
	s7 =	simm.s32 @!p0 $0x108  }
0x21: {  	s3 =	sadd.s32 s3, s9;
	s6 =	sadd.s32 @!p0 $0x88, s6;
	s7 =	simm.s32 @p2 $0x1082  }
0x22: {  	[simem:s7], [sflag:s8] =	dma.local @!p0 [hbm:s6], $0xF7A  }
0x23: {  	s9 =	sor.u32 $0xD0000000, s2;
	s6 =	simm.s32 $0x108;
	_ =	swait.ge @!p0 [sflag:s8], $0x0  }
0x24: {  	s3 =	sadd.s32 $0x88, s3;
	s6 =	simm.s32 @!p1 $0x1082;
	[sflag:s4] =	ssyncset.s32 $0xFFFFF086  }
0x25: {  	[simem:s6], [sflag:s4] =	dma.local [hbm:s3], $0xF7A  }
0x26: {  	[smem:$0x3F9E] =	sst s1;
	(tag) =	ssettag s2;
	_ =	strace s9  }
0x27: {  	s1 =	sld [smem:$0x3FAE]  }
0x28: {  	s2 =	sld [smem:$0x3FAF]  }
0x29: {  	s4 =	sld [smem:$0x3FB1]  }
0x2a: {  	p0 =	seq.s32 s5, $0x0;
	s5 =	sld [smem:$0x3FB2]  }
0x2b: {  	s6 =	sld [smem:$0x3FB3]  }
0x2c: {  	s7 =	sld [smem:$0x3FB4]  }
0x2d: {  	s3 =	simm.s32 $0x108;
	s8 =	sld [smem:$0x3FB5]  }
0x2e: {  	s3 =	simm.s32 @!p0 $0x1082;
	s9 =	sld [smem:$0x3FB6]  }
0x2f: {  	lr =	sadd.s32 s0, s3;
	s0 =	sld [smem:$0x3FAD]  }
0x30: {  	s3 =	sld [smem:$0x3FB0]  }
0x31: {  	[smem:$0x3FB9] =	sst s10  }
0x32: {  	s10 =	sld [smem:$0x3FB7];
	_ =	sdelay $0x3  }
0x33: {  	p0 =	seq.s32 s10, $0x1;
	s10 =	sld [smem:$0x3FB9];
	_ =	sdelay $0x3  }
0x34: {  	[smem:$0x3FB9] =	sst s10  }
0x35: {  	s10 =	sld [smem:$0x3FB8];
	_ =	sdelay $0x3  }
0x36: {  	p1 =	seq.s32 s10, $0x1;
	s10 =	sld [smem:$0x3FB9];
	_ =	sdelay $0x3  }
0x37: {  	[smem:$0x3FB9] =	sst s10  }
0x38: {  	s10 =	sld [smem:$0x3FBA]  }
0x39: {  	_ = 	snop;
	(pc) =	sbr.ind lr, $3  }
0x3a: {  	_ = 	snop  }
0x3b: {  	_ = 	snop  }
0x3c: {  	p2 =	seq.s32 s10, $0x1;
	s10 =	sld [smem:$0x3FB9]  }
0x3d: {  	_ =	shalt  }
0x3e: {  	_ =	shalt  }
0x3f: {  	_ =	shalt  }
0x40: {  	_ =	shalt  }
0x41: {  	_ =	shalt  }
0x42: {  	_ =	shalt  }
0x43: {  	_ =	shalt  }
0x44: {  	_ =	shalt  }
0x45: {  	_ =	shalt  }
0x46: {  	_ =	shalt  }
0x47: {  	_ =	shalt  }
0x48: {  	_ =	shalt  }
0x49: {  	_ =	shalt  }
0x4a: {  	_ =	shalt  }
0x4b: {  	_ =	shalt  }
0x4c: {  	_ =	shalt  }
0x4d: {  	_ =	shalt  }
0x4e: {  	_ =	shalt  }
0x4f: {  	_ =	shalt  }
0x50: {  	_ =	shalt  }
0x51: {  	_ =	shalt  }
0x52: {  	_ =	shalt  }
0x53: {  	_ =	shalt  }
0x54: {  	_ =	shalt  }
0x55: {  	_ =	shalt  }
0x56: {  	_ =	shalt  }
0x57: {  	_ =	shalt  }
0x58: {  	_ =	shalt  }
0x59: {  	_ =	shalt  }
0x5a: {  	_ =	shalt  }
0x5b: {  	_ =	shalt  }
0x5c: {  	_ =	shalt  }
0x5d: {  	_ =	shalt  }
0x5e: {  	_ =	shalt  }
0x5f: {  	_ =	shalt  }
0x60: {  	_ =	shalt  }
0x61: {  	_ =	shalt  }
0x62: {  	_ =	shalt  }
0x63: {  	_ =	shalt  }
0x64: {  	_ =	shalt  }
0x65: {  	_ =	shalt  }
0x66: {  	_ =	shalt  }
0x67: {  	_ =	shalt  }
0x68: {  	_ =	shalt  }
0x69: {  	_ =	shalt  }
0x6a: {  	_ =	shalt  }
0x6b: {  	_ =	shalt  }
0x6c: {  	_ =	shalt  }
0x6d: {  	_ =	shalt  }
0x6e: {  	_ =	shalt  }
0x6f: {  	_ =	shalt  }
0x70: {  	_ =	shalt  }
0x71: {  	_ =	shalt  }
0x72: {  	_ =	shalt  }
0x73: {  	_ =	shalt  }
0x74: {  	_ =	shalt  }
0x75: {  	_ =	shalt  }
0x76: {  	_ =	shalt  }
0x77: {  	_ =	shalt  }
0x78: {  	_ =	shalt  }
0x79: {  	_ =	shalt  }
0x7a: {  	_ =	shalt  }
0x7b: {  	_ =	shalt  }
0x7c: {  	_ =	shalt  }
0x7d: {  	_ =	shalt  }
0x7e: {  	_ =	shalt  }
0x7f: {  	_ =	shalt  }
0x80: {  	_ =	shalt  }
0x81: {  	_ =	shalt  }
0x82: {  	_ =	shalt  }
0x83: {  	_ =	shalt  }
0x84: {  	_ =	shalt  }
0x85: {  	_ =	shalt  }
0x86: {  	_ =	shalt  }
0x87: {  	_ =	shalt  }
.Lfunc_end0:
.L_simem_size_0:
called_computation_lowered:
.L_overlay_start_0:
0x88: {  	s2 =	sld [smem:$0x3FD9]  }
0x89: {  	s3 =	sld [smem:$0x3FFE];
	_ =	sdelay $0x1  }
0x8a: {  	s1 =	srdreg.scid  }
0x8b: {  	s0 =	sand.u32 $0x1, s1  }
0x8c: {  	s17 =	sshll.u32 s0, $0xA;
	s2 =	sadd.s32 s3, s2  }
0x8d: {  	s2 =	sadd.s32 s2, s17  }
0x8e: {  	[smem:$0x3FC5] =	sst s2  }
0x8f: {  	_ = 	snop  }
0x90: {  	s2 =	sld [smem:$0x3FC9];
	(tm) =	ssettm $0x1  }
0x91: {  	s18 =	sld [smem:$0x3FFB];
	_ =	sdelay $0x3  }
0x92: {  	_ =	strace s18  }
0x93: {  	s3 =	sld [smem:$0x3FFC];
	_ =	sdelay $0x3  }
0x94: {  	_ =	strace s3  }
0x95: {  	s3 =	sld [smem:$0x3FFD];
	_ =	sdelay $0x3  }
0x96: {  	_ =	strace s3  }
0x97: {  	_ =	strace $0x8FFFFFFF  }
0x98: {  	s19 =	sld [smem:$0x3FDB];
	_ =	sdelay $0x1  }
0x99: {  	s4 =	simm.s32 $_scs_section_size  }
0x9a: {  	s5 =	simm.s32 $_size__tile_overlayer_lowered;
	s6 =	simm.s32 $_tile_overlayer_lowered  }
0x9b: {  	s22 =	simm.s32 $0x1BFF;
	s21 =	sshll.u32 s6, $0x1;
	s3 =	sadd.s32 s4, s19  }
0x9c: {  	s7 =	simm.s32 $0x0;
	s20 =	sshll.u32 s5, $0x1;
	s5 =	sadd.s32 s21, s3  }
0x9d: {  	[timem:s7], [sflag:s22] =	dma.local [hbm:s5], s20  }
0x9e: {  	_ =	swait.ge [sflag:s22], s20  }
0x9f: {  	s4 =	ssub.s32 $0x0, s20;
	[sflag:s22] =	ssyncset.done $0x0  }
0xa0: {  	[sflag:s22] =	ssyncadd.s32 s4;
	_ =	sdelay $0x1  }
0xa1: {  	s23 =	simm.s32 $0x1B8B  }
0xa2: {  	_ =	swait.ge [sflag:s23], $0x1  }
0xa3: {  	[sflag:s23] =	ssyncset.done $0x0  }
0xa4: {  	s25 =	simm.s32 $0x1B8E;
	s24 =	sld [smem:$0x3FFE];
	[sflag:s23] =	ssyncadd.s32 $0xFFFFFFFF  }
0xa5: {  	s26 =	simm.s32 $execute0_lowered;
	[smem:$0x3FD2] =	sst s25  }
0xa6: {  	s5 =	sshll.u32 s26, $0x1;
	_ =	strace $0x80000046;
	[dreg:$0x1] =	wrdreg $0xFFFFFFFF  }
0xa7: {  	s28 =	simm.s32 $_size_execute0_lowered;
	s3 =	sadd.s32 s3, s5;
	[dreg:$0x0] =	wrdreg $0x0  }
0xa8: {  	s5 =	sshll.u32 s28, $0x1;
	[dreg:$0x2] =	wrdreg s3  }
0xa9: {  	[dreg:$0x3] =	wrdreg s5  }
0xaa: {  	[dreg:$0x4] =	wrdreg $0xC0  }
0xab: {  	_ =	task [dreg:s7], $0x5FFFF  }
0xac: {  	[dreg:$0x1] =	wrdreg $0xFFFFFFFF  }
0xad: {  	[dreg:$0x0] =	wrdreg $0x60  }
0xae: {  	[dreg:$0x2] =	wrdreg s2  }
0xaf: {  	[dreg:$0x3] =	wrdreg s24  }
0xb0: {  	[dreg:$0x4] =	wrdreg $0x9  }
0xb1: {  	_ =	task.clear_ibuf [dreg:s7], $0x5FFFF;
	_ =	strace $0x90000046  }
0xb2: {  	s29 =	simm.s32 $0x9;
	_ =	strace $0x80000048  }
0xb3: {  	_ =	swait.ge [sflag:s29], $0x1  }
0xb4: {  	[sflag:s29] =	ssyncadd.s32 $0xFFFFFFFF  }
0xb5: {  	_ =	strace $0x90000048  }
0xb6: {  	_ =	sfence  }
0xb7: {  	s30 =	sld [smem:$0x0];
	_ =	sdelay $0x2  }
0xb8: {  	s31 =	sshll.u32 s1, $0xD;
	s1 =	sshrl.u32 s1, $0x2  }
0xb9: {  	s3 =	sand.u32 $0x4000, s31;
	s1 =	sadd.s32 s1, s30  }
0xba: {  	s0 =	sor.u32 s3, s0;
	s1 =	sshll.u32 s1, $0x11  }
0xbb: {  	s0 =	sor.u32 s1, s0  }
0xbc: {  	s0 =	sadd.s32 $0x8F2B, s0  }
0xbd: {  	[sflag:s0] =	ssyncadd.remote.s32 $0x1  }
0xbe: {  	_ =	sfence.sel $0xFFFF  }
0xbf: {  	[dreg:$0x0] =	wrdreg $0xFFFFFFFF;
	(pc) =	sbr.abs _section_cstart, $3  }
0xc0: {  	[dreg:$0x1] =	wrdreg $0xFFFFFFFF  }
0xc1: {  	_ =	task.clear_ibuf [dreg:s7], $0x2FFFF;
	_ =	strace $0x9FFFFFFF  }
0xc2: {  	(tm) =	ssettm $0x7FFFFFFF  }
0xc3: {  	_ =	shalt  }
tec
execute0_lowered:
.L_overlay_start_1:
0x0: {  	(tag) =	ssettag $0x1  }
0x1: {  	s1 =	srdreg.scid  }
0x2: {  	s3 =	rddreg [dreg:$0x0];
	s0 =	stileid.u32  }
0x3: {  	s4 =	rddreg [dreg:$0x1];
	s2 =	simm.s32 $0x0;
	s14 =	simm.s32 $0x1  }
0x4: {  	s15 =	simm.s32 $0x2;
	s16 =	simm.s32 $0x10000;
	s5 =	sand.u32 $0x1, s1  }
0x5: {  	s17 =	simm.s32 $0x3;
	s6 =	sshll.u32 s0, $0x4;
	s7 =	sshll.u32 s5, $0x3  }
0x6: {  	s18 =	simm.s32 $0x10400;
	s1 =	rddreg [dreg:$0x2];
	s6 =	sor.u32 s7, s6  }
0x7: {  	s19 =	simm.s32 $0x0;
	[smem:$0x7FF] =	sst s2;
	s7 =	sshll.u32 s6, $0xC  }
0x8: {  	_ =	strace $0x80000047;
	s9 =	ssub.s32 $0x2, s5;
	s10 =	sadd.s32 s3, s7  }
0x9: {  	s11 =	sshrl.u32 s9, $0x1;
	s6 =	sshll.u32 s6, $0x4;
	s3 =	sadd.s32 $0x140000, s10  }
0xa: {  	v0 =	vlaneseq.u32;
	s12 =	sadd.s32 s6, s4;
	s4 =	sadd.s32 $0x140010, s10;
	s5 =	sadd.s32 $0x140020, s10  }
0xb: {  	v1 =	vor.u32 $0x10, v0;
	v2 =	vor.u32 $0x20, v0;
	s13 =	ssub.s32 s9, s11;
	s6 =	sadd.s32 $0x140030, s10;
	s7 =	sadd.s32 $0x140040, s10  }
0xc: {  	v3 =	vor.u32 $0x30, v0;
	v4 =	vor.u32 $0x40, v0;
	s13 =	smax.u32 s13, $0x1;
	s8 =	sadd.s32 $0x140050, s10;
	s9 =	sadd.s32 $0x140060, s10  }
0xd: {  	v5 =	vor.u32 $0x50, v0;
	v6 =	vor.u32 $0x60, v0;
	v7 =	vor.u32 $0x70, v0;
	s10 =	sadd.s32 $0x140070, s10;
	s11 =	sadd.s32 $0x600, s12;
	s12 =	sadd.s32 $0x1600, s12  }
.LBB2_1:
0xe: {  	s20 =	simm.s32 $0x80  }
0xf: {  	s23 =	sadd.s32 $0x0, s3;
	s21 =	simm.s32 $0x100;
	s22 =	simm.s32 $0x0  }
.LBB2_2:
0x10: {  	[tilespmem:s22], [sflag:$0x1] =	stream.linear.gather [hbm4b:s23+s2], $0x80, $0x38;
	[tilespmem:$0x10800] =	vst v63  }
0x11: {  	s23 =	smov.u32 s20;
	s22 =	smov.u32 s21;
	p0 =	sne.s32 s20, $0x7F80  }
.Ltmp0:
0x12: {  	s20 =	sadd.s32 $0x80, s20;
	(pc) =	sbr.rel @p0 .LBB2_2-.Ltmp0, $2  }
0x13: {  	_ =	sdelay $0x2  }
0x14: {  	s21 =	sadd.s32 $0x100, s21;
	s23 =	sadd.s32 s23, s3  }
0x15: {  	[tilespmem:s22], [sflag:$0x1] =	stream.linear.gather [hbm4b:s23+s2], $0x80, $0x38;
	[tilespmem:$0x10800] =	vst v63  }
0x16: {  	s20 =	simm.s32 $0x80  }
0x17: {  	s21 =	simm.s32 $0x80;
	s23 =	sadd.s32 $0x0, s4;
	s22 =	simm.s32 $0x180  }
.LBB2_4:
0x18: {  	[tilespmem:s20], [sflag:$0x2] =	stream.linear.gather [hbm4b:s23+s2], $0x80, $0x38;
	[tilespmem:$0x10800] =	vst v63  }
0x19: {  	s23 =	smov.u32 s21;
	s20 =	smov.u32 s22;
	p0 =	sne.s32 s21, $0x7F80  }
.Ltmp1:
0x1a: {  	s21 =	sadd.s32 $0x80, s21;
	(pc) =	sbr.rel @p0 .LBB2_4-.Ltmp1, $2  }
0x1b: {  	_ =	sdelay $0x2  }
0x1c: {  	s22 =	sadd.s32 $0x100, s22;
	s23 =	sadd.s32 s23, s4  }
0x1d: {  	[tilespmem:s20], [sflag:$0x2] =	stream.linear.gather [hbm4b:s23+s2], $0x80, $0x38;
	[tilespmem:$0x10800] =	vst v63  }
0x1e: {  	_ =	swait.ge [sflag:s14], $0x8000  }
0x1f: {  	[sflag:s14] =	ssyncset.done $0x0  }
0x20: {  	s31 =	simm.s32 $0x40;
	[sflag:s14] =	ssyncadd.s32 $0xFFFF8000  }
0x21: {  	v8 =	vld [tilespmem:s31+$0xFFFFFFC0]  }
0x22: {  	v9 =	vld [tilespmem:s31+$0xFFFFFFD0]  }
0x23: {  	v10 =	vld [tilespmem:s31+$0xFFFFFFE0]  }
0x24: {  	v11 =	vld [tilespmem:s31+$0xFFFFFFF0]  }
0x25: {  	v12 =	vld [tilespmem:s31+$0x0]  }
0x26: {  	v13 =	vld [tilespmem:s31+$0x10]  }
0x27: {  	v14 =	vld [tilespmem:s31+$0x20];
	_ =	sdelay $0x1  }
0x28: {  	v17 =	vimm.f32 $-Inf;
	s22 =	simm.s32 $0x140;
	v20 =	vld [tilespmem:s31+$0x30]  }
0x29: {  	v23 =	vimm.s32 $0x0;
	v30 =	vld [tilespmem:s22+$0xFFFFFFC0];
	vm0 =	vgt.f32 v8, v17;
	vm1 =	vgt.f32 v9, v17  }
0x2a: {  	v22 =	vld [tilespmem:s22+$0xFFFFFFD0];
	vm2 =	vgt.f32 v10, v17;
	vm3 =	vgt.f32 v11, v17;
	vm4 =	vgt.f32 v12, v17  }
0x2b: {  	s21 =	simm.s32 $0x0;
	v29 =	vld [tilespmem:s22+$0xFFFFFFE0];
	vm5 =	vgt.f32 v13, v17;
	vm6 =	vgt.f32 v14, v17;
	v25 =	vsel vm0, v8, v17  }
0x2c: {  	v18 =	vld [tilespmem:s22+$0xFFFFFFF0];
	v27 =	vsel vm0, s21, v23;
	v24 =	vsel vm1, v9, v17;
	v21 =	vsel vm2, v10, v17  }
0x2d: {  	v16 =	vld [tilespmem:s22+$0x0];
	v19 =	vsel vm3, v11, v17;
	v15 =	vsel vm4, v12, v17;
	vm0 =	vgt.f32 v20, v17  }
0x2e: {  	v12 =	vld [tilespmem:s22+$0x10];
	v13 =	vsel vm5, v13, v17;
	v9 =	vsel vm6, v14, v17;
	v31 =	vsel vm1, s21, v23  }
0x2f: {  	v11 =	vld [tilespmem:s22+$0x20];
	v28 =	vsel vm2, s21, v23;
	v26 =	vsel vm3, s21, v23;
	v14 =	vsel vm6, s21, v23  }
0x30: {  	s20 =	simm.s32 $0x1;
	s23 =	simm.s32 $0x2;
	v10 =	vld [tilespmem:s22+$0x30];
	s22 =	simm.s32 $0x240;
	v8 =	vsel vm0, v20, v17;
	v20 =	vsel vm4, s21, v23;
	v17 =	vsel vm5, s21, v23  }
.LBB2_6:
0x31: {  	v32 =	vld [tilespmem:s22+$0xFFFFFFC0];
	p0 =	sne.s32 s23, $0xFF;
	vm1 =	vgt.f32 v30, v25;
	vm2 =	vgt.f32 v22, v24;
	v23 =	vsel vm0, s21, v23;
	s21 =	smov.u32 s20;
	s20 =	smov.u32 s23  }
0x32: {  	v25 =	vsel vm1, v30, v25;
	v27 =	vsel vm1, s21, v27;
	v24 =	vsel vm2, v22, v24;
	v22 =	vld [tilespmem:s22+$0xFFFFFFD0]  }
0x33: {  	vm3 =	vgt.f32 v18, v19;
	vm1 =	vgt.f32 v29, v21;
	vm4 =	vgt.f32 v16, v15;
	v33 =	vld [tilespmem:s22+$0xFFFFFFE0]  }
.Ltmp2:
0x34: {  	v19 =	vsel vm3, v18, v19;
	v21 =	vsel vm1, v29, v21;
	v15 =	vsel vm4, v16, v15;
	v18 =	vld [tilespmem:s22+$0xFFFFFFF0];
	(pc) =	sbr.rel @p0 .LBB2_6-.Ltmp2, $4  }
0x35: {  	vm5 =	vgt.f32 v12, v13;
	vm6 =	vgt.f32 v11, v9;
	v16 =	vld [tilespmem:s22+$0x0];
	vm0 =	vgt.f32 v10, v8  }
0x36: {  	v13 =	vsel vm5, v12, v13;
	v9 =	vsel vm6, v11, v9;
	v12 =	vld [tilespmem:s22+$0x10];
	v8 =	vsel vm0, v10, v8;
	v30 =	vmovc v32  }
0x37: {  	v31 =	vsel vm2, s21, v31;
	v26 =	vsel vm3, s21, v26;
	v28 =	vsel vm1, s21, v28;
	v11 =	vld [tilespmem:s22+$0x20]  }
0x38: {  	s23 =	sadd.s32 $0x1, s23;
	v20 =	vsel vm4, s21, v20;
	v17 =	vsel vm5, s21, v17;
	v14 =	vsel vm6, s21, v14;
	v10 =	vld [tilespmem:s22+$0x30];
	s22 =	sadd.s32 $0x100, s22;
	v29 =	vmovc v33  }
0x39: {  	vm1 =	vgt.f32 v30, v25;
	vm2 =	vgt.f32 v22, v24  }
0x3a: {  	v23 =	vsel vm0, s21, v23;
	v27 =	vsel vm1, s20, v27;
	v31 =	vsel vm2, s20, v31  }
0x3b: {  	v25 =	vsel vm1, v30, v25;
	v27 =	vshll.u32 v27, $0x7;
	v52 =	vshll.u32 v31, $0x7  }
0x3c: {  	v22 =	vsel vm2, v22, v24;
	v53 =	vor.u32 v0, v27;
	v54 =	vor.u32 v1, v52  }
0x3d: {  	vm15 =	vgt.f32 v29, v21;
	vm1 =	veq.f32 v22, v25;
	vm6 =	vlt.s32 v54, v53  }
0x3e: {  	v28 =	vsel vm15, s20, v28;
	vm3 =	vgt.f32 v22, v25;
	vm1 =	vmand vm1, vm6  }
0x3f: {  	v21 =	vsel vm15, v29, v21;
	v28 =	vshll.u32 v28, $0x7;
	vm7 =	vmor vm3, vm1  }
0x40: {  	v55 =	vor.u32 v2, v28;
	v22 =	vsel vm7, v22, v25;
	v24 =	vsel vm7, v54, v53  }
0x41: {  	vm8 =	vgt.f32 v18, v19;
	vm9 =	veq.f32 v21, v22;
	vm10 =	vlt.s32 v55, v24  }
0x42: {  	v26 =	vsel vm8, s20, v26;
	vm11 =	vgt.f32 v21, v22;
	vm1 =	vmand vm9, vm10  }
0x43: {  	v18 =	vsel vm8, v18, v19;
	v56 =	vshll.u32 v26, $0x7;
	vm12 =	vmor vm11, vm1  }
0x44: {  	v19 =	vor.u32 v3, v56;
	v21 =	vsel vm12, v21, v22;
	v57 =	vsel vm12, v55, v24  }
0x45: {  	vm13 =	vgt.f32 v16, v15;
	vm14 =	veq.f32 v18, v21;
	vm15 =	vlt.s32 v19, v57  }
0x46: {  	v20 =	vsel vm13, s20, v20;
	vm6 =	vgt.f32 v18, v21;
	vm1 =	vmand vm14, vm15  }
0x47: {  	v15 =	vsel vm13, v16, v15;
	v58 =	vshll.u32 v20, $0x7;
	vm7 =	vmor vm6, vm1  }
0x48: {  	v16 =	vor.u32 v4, v58;
	v18 =	vsel vm7, v18, v21;
	v19 =	vsel vm7, v19, v57  }
0x49: {  	vm8 =	vgt.f32 v12, v13;
	vm9 =	veq.f32 v15, v18;
	vm10 =	vlt.s32 v16, v19  }
0x4a: {  	v17 =	vsel vm8, s20, v17;
	vm11 =	vgt.f32 v15, v18;
	vm1 =	vmand vm9, vm10  }
0x4b: {  	v12 =	vsel vm8, v12, v13;
	v59 =	vshll.u32 v17, $0x7;
	vm12 =	vmor vm11, vm1  }
0x4c: {  	v13 =	vor.u32 v5, v59;
	v15 =	vsel vm12, v15, v18;
	v16 =	vsel vm12, v16, v19  }
0x4d: {  	vm13 =	vgt.f32 v11, v9;
	vm14 =	veq.f32 v12, v15;
	vm15 =	vlt.s32 v13, v16  }
0x4e: {  	v14 =	vsel vm13, s20, v14;
	vm6 =	vgt.f32 v12, v15;
	vm1 =	vmand vm14, vm15  }
0x4f: {  	v9 =	vsel vm13, v11, v9;
	v60 =	vshll.u32 v14, $0x7;
	vm7 =	vmor vm6, vm1  }
0x50: {  	v11 =	vor.u32 v6, v60;
	v12 =	vsel vm7, v12, v15;
	v13 =	vsel vm7, v13, v16  }
0x51: {  	vm8 =	vgt.f32 v10, v8;
	vm9 =	veq.f32 v9, v12;
	vm10 =	vlt.s32 v11, v13  }
0x52: {  	v61 =	vsel vm8, s20, v23;
	vm11 =	vgt.f32 v9, v12;
	vm1 =	vmand vm9, vm10  }
0x53: {  	v8 =	vsel vm8, v10, v8;
	v62 =	vshll.u32 v61, $0x7;
	vm12 =	vmor vm11, vm1  }
0x54: {  	v10 =	vor.u32 v7, v62;
	v9 =	vsel vm12, v9, v12;
	v11 =	vsel vm12, v11, v13  }
0x55: {  	vm13 =	veq.f32 v8, v9;
	vm14 =	vlt.s32 v10, v11  }
0x56: {  	vm15 =	vgt.f32 v8, v9;
	vm0 =	vmand vm13, vm14  }
0x57: {  	vm0 =	vmor vm15, vm0  }
0x58: {  	v8 =	vsel vm0, v8, v9  }
0x59: {  	s21 =	simm.s32 $0x80;
	v63 =	vsel vm0, v10, v11;
	[tilespmem:$0x10000] =	vst v8  }
0x5a: {  	s23 =	sadd.s32 $0x0, s5;
	s22 =	simm.s32 $0x100;
	s20 =	simm.s32 $0x0;
	[tilespmem:$0x10400] =	vst v63  }
.LBB2_8:
0x5b: {  	[tilespmem:s20], [sflag:$0x1] =	stream.linear.gather [hbm4b:s23+s2], $0x80, $0x38;
	[tilespmem:$0x10800] =	vst v63  }
0x5c: {  	s23 =	smov.u32 s21;
	s20 =	smov.u32 s22;
	p0 =	sne.s32 s21, $0x7F80  }
.Ltmp3:
0x5d: {  	s21 =	sadd.s32 $0x80, s21;
	(pc) =	sbr.rel @p0 .LBB2_8-.Ltmp3, $2  }
0x5e: {  	_ =	sdelay $0x2  }
0x5f: {  	s22 =	sadd.s32 $0x100, s22;
	s23 =	sadd.s32 s23, s5  }
0x60: {  	[tilespmem:s20], [sflag:$0x1] =	stream.linear.gather [hbm4b:s23+s2], $0x80, $0x38;
	[tilespmem:$0x10800] =	vst v63  }
0x61: {  	_ =	swait.ge [sflag:s15], $0x8000  }
0x62: {  	[sflag:s15] =	ssyncset.done $0x0  }
0x63: {  	s31 =	simm.s32 $0xF0;
	[sflag:s15] =	ssyncadd.s32 $0xFFFF8000  }
0x64: {  	v8 =	vld [tilespmem:s31+$0xFFFFFF90]  }
0x65: {  	v9 =	vld [tilespmem:s31+$0xFFFFFFA0]  }
0x66: {  	v10 =	vld [tilespmem:s31+$0xFFFFFFB0]  }
0x67: {  	v11 =	vld [tilespmem:s31+$0xFFFFFFC0]  }
0x68: {  	v12 =	vld [tilespmem:s31+$0xFFFFFFD0]  }
0x69: {  	v13 =	vld [tilespmem:s31+$0xFFFFFFE0]  }
0x6a: {  	v14 =	vld [tilespmem:s31+$0xFFFFFFF0];
	_ =	sdelay $0x1  }
0x6b: {  	v17 =	vimm.f32 $-Inf;
	s22 =	simm.s32 $0x1F0;
	v20 =	vld [tilespmem:s31+$0x0]  }
0x6c: {  	v23 =	vimm.s32 $0x0;
	v30 =	vld [tilespmem:s22+$0xFFFFFF90];
	vm0 =	vgt.f32 v8, v17;
	vm1 =	vgt.f32 v9, v17  }
0x6d: {  	v22 =	vld [tilespmem:s22+$0xFFFFFFA0];
	vm2 =	vgt.f32 v10, v17;
	vm3 =	vgt.f32 v11, v17;
	vm4 =	vgt.f32 v12, v17  }
0x6e: {  	s21 =	simm.s32 $0x0;
	v29 =	vld [tilespmem:s22+$0xFFFFFFB0];
	vm5 =	vgt.f32 v13, v17;
	vm6 =	vgt.f32 v14, v17;
	v25 =	vsel vm0, v8, v17  }
0x6f: {  	v18 =	vld [tilespmem:s22+$0xFFFFFFC0];
	v27 =	vsel vm0, s21, v23;
	v24 =	vsel vm1, v9, v17;
	v21 =	vsel vm2, v10, v17  }
0x70: {  	v16 =	vld [tilespmem:s22+$0xFFFFFFD0];
	v19 =	vsel vm3, v11, v17;
	v15 =	vsel vm4, v12, v17;
	vm0 =	vgt.f32 v20, v17  }
0x71: {  	v12 =	vld [tilespmem:s22+$0xFFFFFFE0];
	v13 =	vsel vm5, v13, v17;
	v9 =	vsel vm6, v14, v17;
	v31 =	vsel vm1, s21, v23  }
0x72: {  	v11 =	vld [tilespmem:s22+$0xFFFFFFF0];
	v28 =	vsel vm2, s21, v23;
	v26 =	vsel vm3, s21, v23;
	v14 =	vsel vm6, s21, v23  }
0x73: {  	s20 =	simm.s32 $0x1;
	s23 =	simm.s32 $0x2;
	v10 =	vld [tilespmem:s22+$0x0];
	s22 =	simm.s32 $0x2F0;
	v8 =	vsel vm0, v20, v17;
	v20 =	vsel vm4, s21, v23;
	v17 =	vsel vm5, s21, v23  }
.LBB2_10:
0x74: {  	v32 =	vld [tilespmem:s22+$0xFFFFFF90];
	p0 =	sne.s32 s23, $0xFF;
	vm1 =	vgt.f32 v30, v25;
	vm2 =	vgt.f32 v22, v24;
	v23 =	vsel vm0, s21, v23;
	s21 =	smov.u32 s20;
	s20 =	smov.u32 s23  }
0x75: {  	v25 =	vsel vm1, v30, v25;
	v27 =	vsel vm1, s21, v27;
	v24 =	vsel vm2, v22, v24;
	v22 =	vld [tilespmem:s22+$0xFFFFFFA0]  }
0x76: {  	vm3 =	vgt.f32 v18, v19;
	vm1 =	vgt.f32 v29, v21;
	vm4 =	vgt.f32 v16, v15;
	v33 =	vld [tilespmem:s22+$0xFFFFFFB0]  }
.Ltmp4:
0x77: {  	v19 =	vsel vm3, v18, v19;
	v21 =	vsel vm1, v29, v21;
	v15 =	vsel vm4, v16, v15;
	v18 =	vld [tilespmem:s22+$0xFFFFFFC0];
	(pc) =	sbr.rel @p0 .LBB2_10-.Ltmp4, $4  }
0x78: {  	vm5 =	vgt.f32 v12, v13;
	vm6 =	vgt.f32 v11, v9;
	v16 =	vld [tilespmem:s22+$0xFFFFFFD0];
	vm0 =	vgt.f32 v10, v8  }
0x79: {  	v13 =	vsel vm5, v12, v13;
	v9 =	vsel vm6, v11, v9;
	v12 =	vld [tilespmem:s22+$0xFFFFFFE0];
	v8 =	vsel vm0, v10, v8;
	v30 =	vmovc v32  }
0x7a: {  	v31 =	vsel vm2, s21, v31;
	v26 =	vsel vm3, s21, v26;
	v28 =	vsel vm1, s21, v28;
	v11 =	vld [tilespmem:s22+$0xFFFFFFF0]  }
0x7b: {  	s23 =	sadd.s32 $0x1, s23;
	v20 =	vsel vm4, s21, v20;
	v17 =	vsel vm5, s21, v17;
	v14 =	vsel vm6, s21, v14;
	v10 =	vld [tilespmem:s22+$0x0];
	s22 =	sadd.s32 $0x100, s22;
	v29 =	vmovc v33  }
0x7c: {  	vm1 =	vgt.f32 v30, v25;
	vm2 =	vgt.f32 v22, v24  }
0x7d: {  	v23 =	vsel vm0, s21, v23;
	v27 =	vsel vm1, s20, v27;
	v31 =	vsel vm2, s20, v31  }
0x7e: {  	v25 =	vsel vm1, v30, v25;
	v27 =	vshll.u32 v27, $0x7;
	v52 =	vshll.u32 v31, $0x7  }
0x7f: {  	v22 =	vsel vm2, v22, v24;
	v53 =	vor.u32 v0, v27;
	v54 =	vor.u32 v1, v52  }
0x80: {  	vm15 =	vgt.f32 v29, v21;
	vm1 =	veq.f32 v22, v25;
	vm6 =	vlt.s32 v54, v53  }
0x81: {  	v28 =	vsel vm15, s20, v28;
	vm3 =	vgt.f32 v22, v25;
	vm1 =	vmand vm1, vm6  }
0x82: {  	v21 =	vsel vm15, v29, v21;
	v28 =	vshll.u32 v28, $0x7;
	vm7 =	vmor vm3, vm1  }
0x83: {  	v55 =	vor.u32 v2, v28;
	v22 =	vsel vm7, v22, v25;
	v24 =	vsel vm7, v54, v53  }
0x84: {  	vm8 =	vgt.f32 v18, v19;
	vm9 =	veq.f32 v21, v22;
	vm10 =	vlt.s32 v55, v24  }
0x85: {  	v26 =	vsel vm8, s20, v26;
	vm11 =	vgt.f32 v21, v22;
	vm1 =	vmand vm9, vm10  }
0x86: {  	v18 =	vsel vm8, v18, v19;
	v56 =	vshll.u32 v26, $0x7;
	vm12 =	vmor vm11, vm1  }
0x87: {  	v19 =	vor.u32 v3, v56;
	v21 =	vsel vm12, v21, v22;
	v57 =	vsel vm12, v55, v24  }
0x88: {  	vm13 =	vgt.f32 v16, v15;
	vm14 =	veq.f32 v18, v21;
	vm15 =	vlt.s32 v19, v57  }
0x89: {  	v20 =	vsel vm13, s20, v20;
	vm6 =	vgt.f32 v18, v21;
	vm1 =	vmand vm14, vm15  }
0x8a: {  	v15 =	vsel vm13, v16, v15;
	v58 =	vshll.u32 v20, $0x7;
	vm7 =	vmor vm6, vm1  }
0x8b: {  	v16 =	vor.u32 v4, v58;
	v18 =	vsel vm7, v18, v21;
	v19 =	vsel vm7, v19, v57  }
0x8c: {  	vm8 =	vgt.f32 v12, v13;
	vm9 =	veq.f32 v15, v18;
	vm10 =	vlt.s32 v16, v19  }
0x8d: {  	v17 =	vsel vm8, s20, v17;
	vm11 =	vgt.f32 v15, v18;
	vm1 =	vmand vm9, vm10  }
0x8e: {  	v12 =	vsel vm8, v12, v13;
	v59 =	vshll.u32 v17, $0x7;
	vm12 =	vmor vm11, vm1  }
0x8f: {  	v13 =	vor.u32 v5, v59;
	v15 =	vsel vm12, v15, v18;
	v16 =	vsel vm12, v16, v19  }
0x90: {  	vm13 =	vgt.f32 v11, v9;
	vm14 =	veq.f32 v12, v15;
	vm15 =	vlt.s32 v13, v16  }
0x91: {  	v14 =	vsel vm13, s20, v14;
	vm6 =	vgt.f32 v12, v15;
	vm1 =	vmand vm14, vm15  }
0x92: {  	v9 =	vsel vm13, v11, v9;
	v60 =	vshll.u32 v14, $0x7;
	vm7 =	vmor vm6, vm1  }
0x93: {  	v11 =	vor.u32 v6, v60;
	v12 =	vsel vm7, v12, v15;
	v13 =	vsel vm7, v13, v16  }
0x94: {  	vm8 =	vgt.f32 v10, v8;
	vm9 =	veq.f32 v9, v12;
	vm10 =	vlt.s32 v11, v13  }
0x95: {  	v61 =	vsel vm8, s20, v23;
	vm11 =	vgt.f32 v9, v12;
	vm1 =	vmand vm9, vm10  }
0x96: {  	v8 =	vsel vm8, v10, v8;
	v62 =	vshll.u32 v61, $0x7;
	vm12 =	vmor vm11, vm1  }
0x97: {  	v10 =	vor.u32 v7, v62;
	v9 =	vsel vm12, v9, v12;
	v11 =	vsel vm12, v11, v13  }
0x98: {  	vm13 =	veq.f32 v8, v9;
	vm14 =	vlt.s32 v10, v11  }
0x99: {  	vm15 =	vgt.f32 v8, v9;
	vm0 =	vmand vm13, vm14  }
0x9a: {  	vm0 =	vmor vm15, vm0  }
0x9b: {  	v8 =	vsel vm0, v8, v9  }
0x9c: {  	s21 =	simm.s32 $0x80;
	v63 =	vsel vm0, v10, v11;
	[tilespmem:$0x10080] =	vst v8  }
0x9d: {  	s23 =	sadd.s32 $0x0, s6;
	s22 =	simm.s32 $0x180;
	s20 =	simm.s32 $0x80;
	[tilespmem:$0x10480] =	vst v63  }
.LBB2_12:
0x9e: {  	[tilespmem:s20], [sflag:$0x2] =	stream.linear.gather [hbm4b:s23+s2], $0x80, $0x38;
	[tilespmem:$0x10800] =	vst v63  }
0x9f: {  	s23 =	smov.u32 s21;
	s20 =	smov.u32 s22;
	p0 =	sne.s32 s21, $0x7F80  }
.Ltmp5:
0xa0: {  	s21 =	sadd.s32 $0x80, s21;
	(pc) =	sbr.rel @p0 .LBB2_12-.Ltmp5, $2  }
0xa1: {  	_ =	sdelay $0x2  }
0xa2: {  	s22 =	sadd.s32 $0x100, s22;
	s23 =	sadd.s32 s23, s6  }
0xa3: {  	[tilespmem:s20], [sflag:$0x2] =	stream.linear.gather [hbm4b:s23+s2], $0x80, $0x38;
	[tilespmem:$0x10800] =	vst v63  }
0xa4: {  	_ =	swait.ge [sflag:s14], $0x8000  }
0xa5: {  	[sflag:s14] =	ssyncset.done $0x0  }
0xa6: {  	s31 =	simm.s32 $0x40;
	[sflag:s14] =	ssyncadd.s32 $0xFFFF8000  }
0xa7: {  	v8 =	vld [tilespmem:s31+$0xFFFFFFC0]  }
0xa8: {  	v9 =	vld [tilespmem:s31+$0xFFFFFFD0]  }
0xa9: {  	v10 =	vld [tilespmem:s31+$0xFFFFFFE0]  }
0xaa: {  	v11 =	vld [tilespmem:s31+$0xFFFFFFF0]  }
0xab: {  	v12 =	vld [tilespmem:s31+$0x0]  }
0xac: {  	v13 =	vld [tilespmem:s31+$0x10]  }
0xad: {  	v14 =	vld [tilespmem:s31+$0x20];
	_ =	sdelay $0x1  }
0xae: {  	v17 =	vimm.f32 $-Inf;
	s22 =	simm.s32 $0x140;
	v20 =	vld [tilespmem:s31+$0x30]  }
0xaf: {  	v23 =	vimm.s32 $0x0;
	v30 =	vld [tilespmem:s22+$0xFFFFFFC0];
	vm0 =	vgt.f32 v8, v17;
	vm1 =	vgt.f32 v9, v17  }
0xb0: {  	v22 =	vld [tilespmem:s22+$0xFFFFFFD0];
	vm2 =	vgt.f32 v10, v17;
	vm3 =	vgt.f32 v11, v17;
	vm4 =	vgt.f32 v12, v17  }
0xb1: {  	s21 =	simm.s32 $0x0;
	v29 =	vld [tilespmem:s22+$0xFFFFFFE0];
	vm5 =	vgt.f32 v13, v17;
	vm6 =	vgt.f32 v14, v17;
	v25 =	vsel vm0, v8, v17  }
0xb2: {  	v18 =	vld [tilespmem:s22+$0xFFFFFFF0];
	v27 =	vsel vm0, s21, v23;
	v24 =	vsel vm1, v9, v17;
	v21 =	vsel vm2, v10, v17  }
0xb3: {  	v16 =	vld [tilespmem:s22+$0x0];
	v19 =	vsel vm3, v11, v17;
	v15 =	vsel vm4, v12, v17;
	vm0 =	vgt.f32 v20, v17  }
0xb4: {  	v12 =	vld [tilespmem:s22+$0x10];
	v13 =	vsel vm5, v13, v17;
	v9 =	vsel vm6, v14, v17;
	v31 =	vsel vm1, s21, v23  }
0xb5: {  	v11 =	vld [tilespmem:s22+$0x20];
	v28 =	vsel vm2, s21, v23;
	v26 =	vsel vm3, s21, v23;
	v14 =	vsel vm6, s21, v23  }
0xb6: {  	s20 =	simm.s32 $0x1;
	s23 =	simm.s32 $0x2;
	v10 =	vld [tilespmem:s22+$0x30];
	s22 =	simm.s32 $0x240;
	v8 =	vsel vm0, v20, v17;
	v20 =	vsel vm4, s21, v23;
	v17 =	vsel vm5, s21, v23  }
.LBB2_14:
0xb7: {  	v32 =	vld [tilespmem:s22+$0xFFFFFFC0];
	p0 =	sne.s32 s23, $0xFF;
	vm1 =	vgt.f32 v30, v25;
	vm2 =	vgt.f32 v22, v24;
	v23 =	vsel vm0, s21, v23;
	s21 =	smov.u32 s20;
	s20 =	smov.u32 s23  }
0xb8: {  	v25 =	vsel vm1, v30, v25;
	v27 =	vsel vm1, s21, v27;
	v24 =	vsel vm2, v22, v24;
	v22 =	vld [tilespmem:s22+$0xFFFFFFD0]  }
0xb9: {  	vm3 =	vgt.f32 v18, v19;
	vm1 =	vgt.f32 v29, v21;
	vm4 =	vgt.f32 v16, v15;
	v33 =	vld [tilespmem:s22+$0xFFFFFFE0]  }
.Ltmp6:
0xba: {  	v19 =	vsel vm3, v18, v19;
	v21 =	vsel vm1, v29, v21;
	v15 =	vsel vm4, v16, v15;
	v18 =	vld [tilespmem:s22+$0xFFFFFFF0];
	(pc) =	sbr.rel @p0 .LBB2_14-.Ltmp6, $4  }
0xbb: {  	vm5 =	vgt.f32 v12, v13;
	vm6 =	vgt.f32 v11, v9;
	v16 =	vld [tilespmem:s22+$0x0];
	vm0 =	vgt.f32 v10, v8  }
0xbc: {  	v13 =	vsel vm5, v12, v13;
	v9 =	vsel vm6, v11, v9;
	v12 =	vld [tilespmem:s22+$0x10];
	v8 =	vsel vm0, v10, v8;
	v30 =	vmovc v32  }
0xbd: {  	v31 =	vsel vm2, s21, v31;
	v26 =	vsel vm3, s21, v26;
	v28 =	vsel vm1, s21, v28;
	v11 =	vld [tilespmem:s22+$0x20]  }
0xbe: {  	s23 =	sadd.s32 $0x1, s23;
	v20 =	vsel vm4, s21, v20;
	v17 =	vsel vm5, s21, v17;
	v14 =	vsel vm6, s21, v14;
	v10 =	vld [tilespmem:s22+$0x30];
	s22 =	sadd.s32 $0x100, s22;
	v29 =	vmovc v33  }
0xbf: {  	vm1 =	vgt.f32 v30, v25;
	vm2 =	vgt.f32 v22, v24  }
0xc0: {  	v23 =	vsel vm0, s21, v23;
	v27 =	vsel vm1, s20, v27;
	v31 =	vsel vm2, s20, v31  }
0xc1: {  	v25 =	vsel vm1, v30, v25;
	v27 =	vshll.u32 v27, $0x7;
	v52 =	vshll.u32 v31, $0x7  }
0xc2: {  	v22 =	vsel vm2, v22, v24;
	v53 =	vor.u32 v0, v27;
	v54 =	vor.u32 v1, v52  }
0xc3: {  	vm15 =	vgt.f32 v29, v21;
	vm1 =	veq.f32 v22, v25;
	vm6 =	vlt.s32 v54, v53  }
0xc4: {  	v28 =	vsel vm15, s20, v28;
	vm3 =	vgt.f32 v22, v25;
	vm1 =	vmand vm1, vm6  }
0xc5: {  	v21 =	vsel vm15, v29, v21;
	v28 =	vshll.u32 v28, $0x7;
	vm7 =	vmor vm3, vm1  }
0xc6: {  	v55 =	vor.u32 v2, v28;
	v22 =	vsel vm7, v22, v25;
	v24 =	vsel vm7, v54, v53  }
0xc7: {  	vm8 =	vgt.f32 v18, v19;
	vm9 =	veq.f32 v21, v22;
	vm10 =	vlt.s32 v55, v24  }
0xc8: {  	v26 =	vsel vm8, s20, v26;
	vm11 =	vgt.f32 v21, v22;
	vm1 =	vmand vm9, vm10  }
0xc9: {  	v18 =	vsel vm8, v18, v19;
	v56 =	vshll.u32 v26, $0x7;
	vm12 =	vmor vm11, vm1  }
0xca: {  	v19 =	vor.u32 v3, v56;
	v21 =	vsel vm12, v21, v22;
	v57 =	vsel vm12, v55, v24  }
0xcb: {  	vm13 =	vgt.f32 v16, v15;
	vm14 =	veq.f32 v18, v21;
	vm15 =	vlt.s32 v19, v57  }
0xcc: {  	v20 =	vsel vm13, s20, v20;
	vm6 =	vgt.f32 v18, v21;
	vm1 =	vmand vm14, vm15  }
0xcd: {  	v15 =	vsel vm13, v16, v15;
	v58 =	vshll.u32 v20, $0x7;
	vm7 =	vmor vm6, vm1  }
0xce: {  	v16 =	vor.u32 v4, v58;
	v18 =	vsel vm7, v18, v21;
	v19 =	vsel vm7, v19, v57  }
0xcf: {  	vm8 =	vgt.f32 v12, v13;
	vm9 =	veq.f32 v15, v18;
	vm10 =	vlt.s32 v16, v19  }
0xd0: {  	v17 =	vsel vm8, s20, v17;
	vm11 =	vgt.f32 v15, v18;
	vm1 =	vmand vm9, vm10  }
0xd1: {  	v12 =	vsel vm8, v12, v13;
	v59 =	vshll.u32 v17, $0x7;
	vm12 =	vmor vm11, vm1  }
0xd2: {  	v13 =	vor.u32 v5, v59;
	v15 =	vsel vm12, v15, v18;
	v16 =	vsel vm12, v16, v19  }
0xd3: {  	vm13 =	vgt.f32 v11, v9;
	vm14 =	veq.f32 v12, v15;
	vm15 =	vlt.s32 v13, v16  }
0xd4: {  	v14 =	vsel vm13, s20, v14;
	vm6 =	vgt.f32 v12, v15;
	vm1 =	vmand vm14, vm15  }
0xd5: {  	v9 =	vsel vm13, v11, v9;
	v60 =	vshll.u32 v14, $0x7;
	vm7 =	vmor vm6, vm1  }
0xd6: {  	v11 =	vor.u32 v6, v60;
	v12 =	vsel vm7, v12, v15;
	v13 =	vsel vm7, v13, v16  }
0xd7: {  	vm8 =	vgt.f32 v10, v8;
	vm9 =	veq.f32 v9, v12;
	vm10 =	vlt.s32 v11, v13  }
0xd8: {  	v61 =	vsel vm8, s20, v23;
	vm11 =	vgt.f32 v9, v12;
	vm1 =	vmand vm9, vm10  }
0xd9: {  	v8 =	vsel vm8, v10, v8;
	v62 =	vshll.u32 v61, $0x7;
	vm12 =	vmor vm11, vm1  }
0xda: {  	v10 =	vor.u32 v7, v62;
	v9 =	vsel vm12, v9, v12;
	v11 =	vsel vm12, v11, v13  }
0xdb: {  	vm13 =	veq.f32 v8, v9;
	vm14 =	vlt.s32 v10, v11  }
0xdc: {  	vm15 =	vgt.f32 v8, v9;
	vm0 =	vmand vm13, vm14  }
0xdd: {  	vm0 =	vmor vm15, vm0  }
0xde: {  	v8 =	vsel vm0, v8, v9  }
0xdf: {  	s21 =	simm.s32 $0x80;
	v63 =	vsel vm0, v10, v11;
	[tilespmem:$0x10100] =	vst v8  }
0xe0: {  	s23 =	sadd.s32 $0x0, s7;
	s22 =	simm.s32 $0x100;
	s20 =	simm.s32 $0x0;
	[tilespmem:$0x10500] =	vst v63  }
.LBB2_16:
0xe1: {  	[tilespmem:s20], [sflag:$0x1] =	stream.linear.gather [hbm4b:s23+s2], $0x80, $0x38;
	[tilespmem:$0x10800] =	vst v63  }
0xe2: {  	s23 =	smov.u32 s21;
	s20 =	smov.u32 s22;
	p0 =	sne.s32 s21, $0x7F80  }
.Ltmp7:
0xe3: {  	s21 =	sadd.s32 $0x80, s21;
	(pc) =	sbr.rel @p0 .LBB2_16-.Ltmp7, $2  }
0xe4: {  	_ =	sdelay $0x2  }
0xe5: {  	s22 =	sadd.s32 $0x100, s22;
	s23 =	sadd.s32 s23, s7  }
0xe6: {  	[tilespmem:s20], [sflag:$0x1] =	stream.linear.gather [hbm4b:s23+s2], $0x80, $0x38;
	[tilespmem:$0x10800] =	vst v63  }
0xe7: {  	_ =	swait.ge [sflag:s15], $0x8000  }
0xe8: {  	[sflag:s15] =	ssyncset.done $0x0  }
0xe9: {  	s31 =	simm.s32 $0xF0;
	[sflag:s15] =	ssyncadd.s32 $0xFFFF8000  }
0xea: {  	v8 =	vld [tilespmem:s31+$0xFFFFFF90]  }
0xeb: {  	v9 =	vld [tilespmem:s31+$0xFFFFFFA0]  }
0xec: {  	v10 =	vld [tilespmem:s31+$0xFFFFFFB0]  }
0xed: {  	v11 =	vld [tilespmem:s31+$0xFFFFFFC0]  }
0xee: {  	v12 =	vld [tilespmem:s31+$0xFFFFFFD0]  }
0xef: {  	v13 =	vld [tilespmem:s31+$0xFFFFFFE0]  }
0xf0: {  	v14 =	vld [tilespmem:s31+$0xFFFFFFF0];
	_ =	sdelay $0x1  }
0xf1: {  	v17 =	vimm.f32 $-Inf;
	s22 =	simm.s32 $0x1F0;
	v20 =	vld [tilespmem:s31+$0x0]  }
0xf2: {  	v23 =	vimm.s32 $0x0;
	v30 =	vld [tilespmem:s22+$0xFFFFFF90];
	vm0 =	vgt.f32 v8, v17;
	vm1 =	vgt.f32 v9, v17  }
0xf3: {  	v22 =	vld [tilespmem:s22+$0xFFFFFFA0];
	vm2 =	vgt.f32 v10, v17;
	vm3 =	vgt.f32 v11, v17;
	vm4 =	vgt.f32 v12, v17  }
0xf4: {  	s21 =	simm.s32 $0x0;
	v29 =	vld [tilespmem:s22+$0xFFFFFFB0];
	vm5 =	vgt.f32 v13, v17;
	vm6 =	vgt.f32 v14, v17;
	v25 =	vsel vm0, v8, v17  }
0xf5: {  	v18 =	vld [tilespmem:s22+$0xFFFFFFC0];
	v27 =	vsel vm0, s21, v23;
	v24 =	vsel vm1, v9, v17;
	v21 =	vsel vm2, v10, v17  }
0xf6: {  	v16 =	vld [tilespmem:s22+$0xFFFFFFD0];
	v19 =	vsel vm3, v11, v17;
	v15 =	vsel vm4, v12, v17;
	vm0 =	vgt.f32 v20, v17  }
0xf7: {  	v12 =	vld [tilespmem:s22+$0xFFFFFFE0];
	v13 =	vsel vm5, v13, v17;
	v9 =	vsel vm6, v14, v17;
	v31 =	vsel vm1, s21, v23  }
0xf8: {  	v11 =	vld [tilespmem:s22+$0xFFFFFFF0];
	v28 =	vsel vm2, s21, v23;
	v26 =	vsel vm3, s21, v23;
	v14 =	vsel vm6, s21, v23  }
0xf9: {  	s20 =	simm.s32 $0x1;
	s23 =	simm.s32 $0x2;
	v10 =	vld [tilespmem:s22+$0x0];
	s22 =	simm.s32 $0x2F0;
	v8 =	vsel vm0, v20, v17;
	v20 =	vsel vm4, s21, v23;
	v17 =	vsel vm5, s21, v23  }
.LBB2_18:
0xfa: {  	v32 =	vld [tilespmem:s22+$0xFFFFFF90];
	p0 =	sne.s32 s23, $0xFF;
	vm1 =	vgt.f32 v30, v25;
	vm2 =	vgt.f32 v22, v24;
	v23 =	vsel vm0, s21, v23;
	s21 =	smov.u32 s20;
	s20 =	smov.u32 s23  }
0xfb: {  	v25 =	vsel vm1, v30, v25;
	v27 =	vsel vm1, s21, v27;
	v24 =	vsel vm2, v22, v24;
	v22 =	vld [tilespmem:s22+$0xFFFFFFA0]  }
0xfc: {  	vm3 =	vgt.f32 v18, v19;
	vm1 =	vgt.f32 v29, v21;
	vm4 =	vgt.f32 v16, v15;
	v33 =	vld [tilespmem:s22+$0xFFFFFFB0]  }
.Ltmp8:
0xfd: {  	v19 =	vsel vm3, v18, v19;
	v21 =	vsel vm1, v29, v21;
	v15 =	vsel vm4, v16, v15;
	v18 =	vld [tilespmem:s22+$0xFFFFFFC0];
	(pc) =	sbr.rel @p0 .LBB2_18-.Ltmp8, $4  }
0xfe: {  	vm5 =	vgt.f32 v12, v13;
	vm6 =	vgt.f32 v11, v9;
	v16 =	vld [tilespmem:s22+$0xFFFFFFD0];
	vm0 =	vgt.f32 v10, v8  }
0xff: {  	v13 =	vsel vm5, v12, v13;
	v9 =	vsel vm6, v11, v9;
	v12 =	vld [tilespmem:s22+$0xFFFFFFE0];
	v8 =	vsel vm0, v10, v8;
	v30 =	vmovc v32  }
0x100: {  	v31 =	vsel vm2, s21, v31;
	v26 =	vsel vm3, s21, v26;
	v28 =	vsel vm1, s21, v28;
	v11 =	vld [tilespmem:s22+$0xFFFFFFF0]  }
0x101: {  	s23 =	sadd.s32 $0x1, s23;
	v20 =	vsel vm4, s21, v20;
	v17 =	vsel vm5, s21, v17;
	v14 =	vsel vm6, s21, v14;
	v10 =	vld [tilespmem:s22+$0x0];
	s22 =	sadd.s32 $0x100, s22;
	v29 =	vmovc v33  }
0x102: {  	vm1 =	vgt.f32 v30, v25;
	vm2 =	vgt.f32 v22, v24  }
0x103: {  	v23 =	vsel vm0, s21, v23;
	v27 =	vsel vm1, s20, v27;
	v31 =	vsel vm2, s20, v31  }
0x104: {  	v25 =	vsel vm1, v30, v25;
	v27 =	vshll.u32 v27, $0x7;
	v52 =	vshll.u32 v31, $0x7  }
0x105: {  	v22 =	vsel vm2, v22, v24;
	v53 =	vor.u32 v0, v27;
	v54 =	vor.u32 v1, v52  }
0x106: {  	vm15 =	vgt.f32 v29, v21;
	vm1 =	veq.f32 v22, v25;
	vm6 =	vlt.s32 v54, v53  }
0x107: {  	v28 =	vsel vm15, s20, v28;
	vm3 =	vgt.f32 v22, v25;
	vm1 =	vmand vm1, vm6  }
0x108: {  	v21 =	vsel vm15, v29, v21;
	v28 =	vshll.u32 v28, $0x7;
	vm7 =	vmor vm3, vm1  }
0x109: {  	v55 =	vor.u32 v2, v28;
	v22 =	vsel vm7, v22, v25;
	v24 =	vsel vm7, v54, v53  }
0x10a: {  	vm8 =	vgt.f32 v18, v19;
	vm9 =	veq.f32 v21, v22;
	vm10 =	vlt.s32 v55, v24  }
0x10b: {  	v26 =	vsel vm8, s20, v26;
	vm11 =	vgt.f32 v21, v22;
	vm1 =	vmand vm9, vm10  }
0x10c: {  	v18 =	vsel vm8, v18, v19;
	v56 =	vshll.u32 v26, $0x7;
	vm12 =	vmor vm11, vm1  }
0x10d: {  	v19 =	vor.u32 v3, v56;
	v21 =	vsel vm12, v21, v22;
	v57 =	vsel vm12, v55, v24  }
0x10e: {  	vm13 =	vgt.f32 v16, v15;
	vm14 =	veq.f32 v18, v21;
	vm15 =	vlt.s32 v19, v57  }
0x10f: {  	v20 =	vsel vm13, s20, v20;
	vm6 =	vgt.f32 v18, v21;
	vm1 =	vmand vm14, vm15  }
0x110: {  	v15 =	vsel vm13, v16, v15;
	v58 =	vshll.u32 v20, $0x7;
	vm7 =	vmor vm6, vm1  }
0x111: {  	v16 =	vor.u32 v4, v58;
	v18 =	vsel vm7, v18, v21;
	v19 =	vsel vm7, v19, v57  }
0x112: {  	vm8 =	vgt.f32 v12, v13;
	vm9 =	veq.f32 v15, v18;
	vm10 =	vlt.s32 v16, v19  }
0x113: {  	v17 =	vsel vm8, s20, v17;
	vm11 =	vgt.f32 v15, v18;
	vm1 =	vmand vm9, vm10  }
0x114: {  	v12 =	vsel vm8, v12, v13;
	v59 =	vshll.u32 v17, $0x7;
	vm12 =	vmor vm11, vm1  }
0x115: {  	v13 =	vor.u32 v5, v59;
	v15 =	vsel vm12, v15, v18;
	v16 =	vsel vm12, v16, v19  }
0x116: {  	vm13 =	vgt.f32 v11, v9;
	vm14 =	veq.f32 v12, v15;
	vm15 =	vlt.s32 v13, v16  }
0x117: {  	v14 =	vsel vm13, s20, v14;
	vm6 =	vgt.f32 v12, v15;
	vm1 =	vmand vm14, vm15  }
0x118: {  	v9 =	vsel vm13, v11, v9;
	v60 =	vshll.u32 v14, $0x7;
	vm7 =	vmor vm6, vm1  }
0x119: {  	v11 =	vor.u32 v6, v60;
	v12 =	vsel vm7, v12, v15;
	v13 =	vsel vm7, v13, v16  }
0x11a: {  	vm8 =	vgt.f32 v10, v8;
	vm9 =	veq.f32 v9, v12;
	vm10 =	vlt.s32 v11, v13  }
0x11b: {  	v61 =	vsel vm8, s20, v23;
	vm11 =	vgt.f32 v9, v12;
	vm1 =	vmand vm9, vm10  }
0x11c: {  	v8 =	vsel vm8, v10, v8;
	v62 =	vshll.u32 v61, $0x7;
	vm12 =	vmor vm11, vm1  }
0x11d: {  	v10 =	vor.u32 v7, v62;
	v9 =	vsel vm12, v9, v12;
	v11 =	vsel vm12, v11, v13  }
0x11e: {  	vm13 =	veq.f32 v8, v9;
	vm14 =	vlt.s32 v10, v11  }
0x11f: {  	vm15 =	vgt.f32 v8, v9;
	vm0 =	vmand vm13, vm14  }
0x120: {  	vm0 =	vmor vm15, vm0  }
0x121: {  	v8 =	vsel vm0, v8, v9  }
0x122: {  	s21 =	simm.s32 $0x80;
	v63 =	vsel vm0, v10, v11;
	[tilespmem:$0x10180] =	vst v8  }
0x123: {  	s23 =	sadd.s32 $0x0, s8;
	s22 =	simm.s32 $0x180;
	s20 =	simm.s32 $0x80;
	[tilespmem:$0x10580] =	vst v63  }
.LBB2_20:
0x124: {  	[tilespmem:s20], [sflag:$0x2] =	stream.linear.gather [hbm4b:s23+s2], $0x80, $0x38;
	[tilespmem:$0x10800] =	vst v63  }
0x125: {  	s23 =	smov.u32 s21;
	s20 =	smov.u32 s22;
	p0 =	sne.s32 s21, $0x7F80  }
.Ltmp9:
0x126: {  	s21 =	sadd.s32 $0x80, s21;
	(pc) =	sbr.rel @p0 .LBB2_20-.Ltmp9, $2  }
0x127: {  	_ =	sdelay $0x2  }
0x128: {  	s22 =	sadd.s32 $0x100, s22;
	s23 =	sadd.s32 s23, s8  }
0x129: {  	[tilespmem:s20], [sflag:$0x2] =	stream.linear.gather [hbm4b:s23+s2], $0x80, $0x38;
	[tilespmem:$0x10800] =	vst v63  }
0x12a: {  	_ =	swait.ge [sflag:s14], $0x8000  }
0x12b: {  	[sflag:s14] =	ssyncset.done $0x0  }
0x12c: {  	s31 =	simm.s32 $0x40;
	[sflag:s14] =	ssyncadd.s32 $0xFFFF8000  }
0x12d: {  	v8 =	vld [tilespmem:s31+$0xFFFFFFC0]  }
0x12e: {  	v9 =	vld [tilespmem:s31+$0xFFFFFFD0]  }
0x12f: {  	v10 =	vld [tilespmem:s31+$0xFFFFFFE0]  }
0x130: {  	v11 =	vld [tilespmem:s31+$0xFFFFFFF0]  }
0x131: {  	v12 =	vld [tilespmem:s31+$0x0]  }
0x132: {  	v13 =	vld [tilespmem:s31+$0x10]  }
0x133: {  	v14 =	vld [tilespmem:s31+$0x20];
	_ =	sdelay $0x1  }
0x134: {  	v17 =	vimm.f32 $-Inf;
	s22 =	simm.s32 $0x140;
	v20 =	vld [tilespmem:s31+$0x30]  }
0x135: {  	v23 =	vimm.s32 $0x0;
	v30 =	vld [tilespmem:s22+$0xFFFFFFC0];
	vm0 =	vgt.f32 v8, v17;
	vm1 =	vgt.f32 v9, v17  }
0x136: {  	v22 =	vld [tilespmem:s22+$0xFFFFFFD0];
	vm2 =	vgt.f32 v10, v17;
	vm3 =	vgt.f32 v11, v17;
	vm4 =	vgt.f32 v12, v17  }
0x137: {  	s21 =	simm.s32 $0x0;
	v29 =	vld [tilespmem:s22+$0xFFFFFFE0];
	vm5 =	vgt.f32 v13, v17;
	vm6 =	vgt.f32 v14, v17;
	v25 =	vsel vm0, v8, v17  }
0x138: {  	v18 =	vld [tilespmem:s22+$0xFFFFFFF0];
	v27 =	vsel vm0, s21, v23;
	v24 =	vsel vm1, v9, v17;
	v21 =	vsel vm2, v10, v17  }
0x139: {  	v16 =	vld [tilespmem:s22+$0x0];
	v19 =	vsel vm3, v11, v17;
	v15 =	vsel vm4, v12, v17;
	vm0 =	vgt.f32 v20, v17  }
0x13a: {  	v12 =	vld [tilespmem:s22+$0x10];
	v13 =	vsel vm5, v13, v17;
	v9 =	vsel vm6, v14, v17;
	v31 =	vsel vm1, s21, v23  }
0x13b: {  	v11 =	vld [tilespmem:s22+$0x20];
	v28 =	vsel vm2, s21, v23;
	v26 =	vsel vm3, s21, v23;
	v14 =	vsel vm6, s21, v23  }
0x13c: {  	s20 =	simm.s32 $0x1;
	s23 =	simm.s32 $0x2;
	v10 =	vld [tilespmem:s22+$0x30];
	s22 =	simm.s32 $0x240;
	v8 =	vsel vm0, v20, v17;
	v20 =	vsel vm4, s21, v23;
	v17 =	vsel vm5, s21, v23  }
.LBB2_22:
0x13d: {  	v32 =	vld [tilespmem:s22+$0xFFFFFFC0];
	p0 =	sne.s32 s23, $0xFF;
	vm1 =	vgt.f32 v30, v25;
	vm2 =	vgt.f32 v22, v24;
	v23 =	vsel vm0, s21, v23;
	s21 =	smov.u32 s20;
	s20 =	smov.u32 s23  }
0x13e: {  	v25 =	vsel vm1, v30, v25;
	v27 =	vsel vm1, s21, v27;
	v24 =	vsel vm2, v22, v24;
	v22 =	vld [tilespmem:s22+$0xFFFFFFD0]  }
0x13f: {  	vm3 =	vgt.f32 v18, v19;
	vm1 =	vgt.f32 v29, v21;
	vm4 =	vgt.f32 v16, v15;
	v33 =	vld [tilespmem:s22+$0xFFFFFFE0]  }
.Ltmp10:
0x140: {  	v19 =	vsel vm3, v18, v19;
	v21 =	vsel vm1, v29, v21;
	v15 =	vsel vm4, v16, v15;
	v18 =	vld [tilespmem:s22+$0xFFFFFFF0];
	(pc) =	sbr.rel @p0 .LBB2_22-.Ltmp10, $4  }
0x141: {  	vm5 =	vgt.f32 v12, v13;
	vm6 =	vgt.f32 v11, v9;
	v16 =	vld [tilespmem:s22+$0x0];
	vm0 =	vgt.f32 v10, v8  }
0x142: {  	v13 =	vsel vm5, v12, v13;
	v9 =	vsel vm6, v11, v9;
	v12 =	vld [tilespmem:s22+$0x10];
	v8 =	vsel vm0, v10, v8;
	v30 =	vmovc v32  }
0x143: {  	v31 =	vsel vm2, s21, v31;
	v26 =	vsel vm3, s21, v26;
	v28 =	vsel vm1, s21, v28;
	v11 =	vld [tilespmem:s22+$0x20]  }
0x144: {  	s23 =	sadd.s32 $0x1, s23;
	v20 =	vsel vm4, s21, v20;
	v17 =	vsel vm5, s21, v17;
	v14 =	vsel vm6, s21, v14;
	v10 =	vld [tilespmem:s22+$0x30];
	s22 =	sadd.s32 $0x100, s22;
	v29 =	vmovc v33  }
0x145: {  	vm1 =	vgt.f32 v30, v25;
	vm2 =	vgt.f32 v22, v24  }
0x146: {  	v23 =	vsel vm0, s21, v23;
	v27 =	vsel vm1, s20, v27;
	v31 =	vsel vm2, s20, v31  }
0x147: {  	v25 =	vsel vm1, v30, v25;
	v27 =	vshll.u32 v27, $0x7;
	v52 =	vshll.u32 v31, $0x7  }
0x148: {  	v22 =	vsel vm2, v22, v24;
	v53 =	vor.u32 v0, v27;
	v54 =	vor.u32 v1, v52  }
0x149: {  	vm15 =	vgt.f32 v29, v21;
	vm1 =	veq.f32 v22, v25;
	vm6 =	vlt.s32 v54, v53  }
0x14a: {  	v28 =	vsel vm15, s20, v28;
	vm3 =	vgt.f32 v22, v25;
	vm1 =	vmand vm1, vm6  }
0x14b: {  	v21 =	vsel vm15, v29, v21;
	v28 =	vshll.u32 v28, $0x7;
	vm7 =	vmor vm3, vm1  }
0x14c: {  	v55 =	vor.u32 v2, v28;
	v22 =	vsel vm7, v22, v25;
	v24 =	vsel vm7, v54, v53  }
0x14d: {  	vm8 =	vgt.f32 v18, v19;
	vm9 =	veq.f32 v21, v22;
	vm10 =	vlt.s32 v55, v24  }
0x14e: {  	v26 =	vsel vm8, s20, v26;
	vm11 =	vgt.f32 v21, v22;
	vm1 =	vmand vm9, vm10  }
0x14f: {  	v18 =	vsel vm8, v18, v19;
	v56 =	vshll.u32 v26, $0x7;
	vm12 =	vmor vm11, vm1  }
0x150: {  	v19 =	vor.u32 v3, v56;
	v21 =	vsel vm12, v21, v22;
	v57 =	vsel vm12, v55, v24  }
0x151: {  	vm13 =	vgt.f32 v16, v15;
	vm14 =	veq.f32 v18, v21;
	vm15 =	vlt.s32 v19, v57  }
0x152: {  	v20 =	vsel vm13, s20, v20;
	vm6 =	vgt.f32 v18, v21;
	vm1 =	vmand vm14, vm15  }
0x153: {  	v15 =	vsel vm13, v16, v15;
	v58 =	vshll.u32 v20, $0x7;
	vm7 =	vmor vm6, vm1  }
0x154: {  	v16 =	vor.u32 v4, v58;
	v18 =	vsel vm7, v18, v21;
	v19 =	vsel vm7, v19, v57  }
0x155: {  	vm8 =	vgt.f32 v12, v13;
	vm9 =	veq.f32 v15, v18;
	vm10 =	vlt.s32 v16, v19  }
0x156: {  	v17 =	vsel vm8, s20, v17;
	vm11 =	vgt.f32 v15, v18;
	vm1 =	vmand vm9, vm10  }
0x157: {  	v12 =	vsel vm8, v12, v13;
	v59 =	vshll.u32 v17, $0x7;
	vm12 =	vmor vm11, vm1  }
0x158: {  	v13 =	vor.u32 v5, v59;
	v15 =	vsel vm12, v15, v18;
	v16 =	vsel vm12, v16, v19  }
0x159: {  	vm13 =	vgt.f32 v11, v9;
	vm14 =	veq.f32 v12, v15;
	vm15 =	vlt.s32 v13, v16  }
0x15a: {  	v14 =	vsel vm13, s20, v14;
	vm6 =	vgt.f32 v12, v15;
	vm1 =	vmand vm14, vm15  }
0x15b: {  	v9 =	vsel vm13, v11, v9;
	v60 =	vshll.u32 v14, $0x7;
	vm7 =	vmor vm6, vm1  }
0x15c: {  	v11 =	vor.u32 v6, v60;
	v12 =	vsel vm7, v12, v15;
	v13 =	vsel vm7, v13, v16  }
0x15d: {  	vm8 =	vgt.f32 v10, v8;
	vm9 =	veq.f32 v9, v12;
	vm10 =	vlt.s32 v11, v13  }
0x15e: {  	v61 =	vsel vm8, s20, v23;
	vm11 =	vgt.f32 v9, v12;
	vm1 =	vmand vm9, vm10  }
0x15f: {  	v8 =	vsel vm8, v10, v8;
	v62 =	vshll.u32 v61, $0x7;
	vm12 =	vmor vm11, vm1  }
0x160: {  	v10 =	vor.u32 v7, v62;
	v9 =	vsel vm12, v9, v12;
	v11 =	vsel vm12, v11, v13  }
0x161: {  	vm13 =	veq.f32 v8, v9;
	vm14 =	vlt.s32 v10, v11  }
0x162: {  	vm15 =	vgt.f32 v8, v9;
	vm0 =	vmand vm13, vm14  }
0x163: {  	vm0 =	vmor vm15, vm0  }
0x164: {  	v8 =	vsel vm0, v8, v9  }
0x165: {  	s21 =	simm.s32 $0x80;
	v63 =	vsel vm0, v10, v11;
	[tilespmem:$0x10200] =	vst v8  }
0x166: {  	s23 =	sadd.s32 $0x0, s9;
	s22 =	simm.s32 $0x100;
	s20 =	simm.s32 $0x0;
	[tilespmem:$0x10600] =	vst v63  }
.LBB2_24:
0x167: {  	[tilespmem:s20], [sflag:$0x1] =	stream.linear.gather [hbm4b:s23+s2], $0x80, $0x38;
	[tilespmem:$0x10800] =	vst v63  }
0x168: {  	s23 =	smov.u32 s21;
	s20 =	smov.u32 s22;
	p0 =	sne.s32 s21, $0x7F80  }
.Ltmp11:
0x169: {  	s21 =	sadd.s32 $0x80, s21;
	(pc) =	sbr.rel @p0 .LBB2_24-.Ltmp11, $2  }
0x16a: {  	_ =	sdelay $0x2  }
0x16b: {  	s22 =	sadd.s32 $0x100, s22;
	s23 =	sadd.s32 s23, s9  }
0x16c: {  	[tilespmem:s20], [sflag:$0x1] =	stream.linear.gather [hbm4b:s23+s2], $0x80, $0x38;
	[tilespmem:$0x10800] =	vst v63  }
0x16d: {  	_ =	swait.ge [sflag:s15], $0x8000  }
0x16e: {  	[sflag:s15] =	ssyncset.done $0x0  }
0x16f: {  	s31 =	simm.s32 $0xF0;
	[sflag:s15] =	ssyncadd.s32 $0xFFFF8000  }
0x170: {  	v8 =	vld [tilespmem:s31+$0xFFFFFF90]  }
0x171: {  	v9 =	vld [tilespmem:s31+$0xFFFFFFA0]  }
0x172: {  	v10 =	vld [tilespmem:s31+$0xFFFFFFB0]  }
0x173: {  	v11 =	vld [tilespmem:s31+$0xFFFFFFC0]  }
0x174: {  	v12 =	vld [tilespmem:s31+$0xFFFFFFD0]  }
0x175: {  	v13 =	vld [tilespmem:s31+$0xFFFFFFE0]  }
0x176: {  	v14 =	vld [tilespmem:s31+$0xFFFFFFF0];
	_ =	sdelay $0x1  }
0x177: {  	v17 =	vimm.f32 $-Inf;
	s22 =	simm.s32 $0x1F0;
	v20 =	vld [tilespmem:s31+$0x0]  }
0x178: {  	v23 =	vimm.s32 $0x0;
	v30 =	vld [tilespmem:s22+$0xFFFFFF90];
	vm0 =	vgt.f32 v8, v17;
	vm1 =	vgt.f32 v9, v17  }
0x179: {  	v22 =	vld [tilespmem:s22+$0xFFFFFFA0];
	vm2 =	vgt.f32 v10, v17;
	vm3 =	vgt.f32 v11, v17;
	vm4 =	vgt.f32 v12, v17  }
0x17a: {  	s21 =	simm.s32 $0x0;
	v29 =	vld [tilespmem:s22+$0xFFFFFFB0];
	vm5 =	vgt.f32 v13, v17;
	vm6 =	vgt.f32 v14, v17;
	v25 =	vsel vm0, v8, v17  }
0x17b: {  	v18 =	vld [tilespmem:s22+$0xFFFFFFC0];
	v27 =	vsel vm0, s21, v23;
	v24 =	vsel vm1, v9, v17;
	v21 =	vsel vm2, v10, v17  }
0x17c: {  	v16 =	vld [tilespmem:s22+$0xFFFFFFD0];
	v19 =	vsel vm3, v11, v17;
	v15 =	vsel vm4, v12, v17;
	vm0 =	vgt.f32 v20, v17  }
0x17d: {  	v12 =	vld [tilespmem:s22+$0xFFFFFFE0];
	v13 =	vsel vm5, v13, v17;
	v9 =	vsel vm6, v14, v17;
	v31 =	vsel vm1, s21, v23  }
0x17e: {  	v11 =	vld [tilespmem:s22+$0xFFFFFFF0];
	v28 =	vsel vm2, s21, v23;
	v26 =	vsel vm3, s21, v23;
	v14 =	vsel vm6, s21, v23  }
0x17f: {  	s20 =	simm.s32 $0x1;
	s23 =	simm.s32 $0x2;
	v10 =	vld [tilespmem:s22+$0x0];
	s22 =	simm.s32 $0x2F0;
	v8 =	vsel vm0, v20, v17;
	v20 =	vsel vm4, s21, v23;
	v17 =	vsel vm5, s21, v23  }
.LBB2_26:
0x180: {  	v32 =	vld [tilespmem:s22+$0xFFFFFF90];
	p0 =	sne.s32 s23, $0xFF;
	vm1 =	vgt.f32 v30, v25;
	vm2 =	vgt.f32 v22, v24;
	v23 =	vsel vm0, s21, v23;
	s21 =	smov.u32 s20;
	s20 =	smov.u32 s23  }
0x181: {  	v25 =	vsel vm1, v30, v25;
	v27 =	vsel vm1, s21, v27;
	v24 =	vsel vm2, v22, v24;
	v22 =	vld [tilespmem:s22+$0xFFFFFFA0]  }
0x182: {  	vm3 =	vgt.f32 v18, v19;
	vm1 =	vgt.f32 v29, v21;
	vm4 =	vgt.f32 v16, v15;
	v33 =	vld [tilespmem:s22+$0xFFFFFFB0]  }
.Ltmp12:
0x183: {  	v19 =	vsel vm3, v18, v19;
	v21 =	vsel vm1, v29, v21;
	v15 =	vsel vm4, v16, v15;
	v18 =	vld [tilespmem:s22+$0xFFFFFFC0];
	(pc) =	sbr.rel @p0 .LBB2_26-.Ltmp12, $4  }
0x184: {  	vm5 =	vgt.f32 v12, v13;
	vm6 =	vgt.f32 v11, v9;
	v16 =	vld [tilespmem:s22+$0xFFFFFFD0];
	vm0 =	vgt.f32 v10, v8  }
0x185: {  	v13 =	vsel vm5, v12, v13;
	v9 =	vsel vm6, v11, v9;
	v12 =	vld [tilespmem:s22+$0xFFFFFFE0];
	v8 =	vsel vm0, v10, v8;
	v30 =	vmovc v32  }
0x186: {  	v31 =	vsel vm2, s21, v31;
	v26 =	vsel vm3, s21, v26;
	v28 =	vsel vm1, s21, v28;
	v11 =	vld [tilespmem:s22+$0xFFFFFFF0]  }
0x187: {  	s23 =	sadd.s32 $0x1, s23;
	v20 =	vsel vm4, s21, v20;
	v17 =	vsel vm5, s21, v17;
	v14 =	vsel vm6, s21, v14;
	v10 =	vld [tilespmem:s22+$0x0];
	s22 =	sadd.s32 $0x100, s22;
	v29 =	vmovc v33  }
0x188: {  	vm1 =	vgt.f32 v30, v25;
	vm2 =	vgt.f32 v22, v24  }
0x189: {  	v23 =	vsel vm0, s21, v23;
	v27 =	vsel vm1, s20, v27;
	v31 =	vsel vm2, s20, v31  }
0x18a: {  	v25 =	vsel vm1, v30, v25;
	v27 =	vshll.u32 v27, $0x7;
	v52 =	vshll.u32 v31, $0x7  }
0x18b: {  	v22 =	vsel vm2, v22, v24;
	v53 =	vor.u32 v0, v27;
	v54 =	vor.u32 v1, v52  }
0x18c: {  	vm15 =	vgt.f32 v29, v21;
	vm1 =	veq.f32 v22, v25;
	vm6 =	vlt.s32 v54, v53  }
0x18d: {  	v28 =	vsel vm15, s20, v28;
	vm3 =	vgt.f32 v22, v25;
	vm1 =	vmand vm1, vm6  }
0x18e: {  	v21 =	vsel vm15, v29, v21;
	v28 =	vshll.u32 v28, $0x7;
	vm7 =	vmor vm3, vm1  }
0x18f: {  	v55 =	vor.u32 v2, v28;
	v22 =	vsel vm7, v22, v25;
	v24 =	vsel vm7, v54, v53  }
0x190: {  	vm8 =	vgt.f32 v18, v19;
	vm9 =	veq.f32 v21, v22;
	vm10 =	vlt.s32 v55, v24  }
0x191: {  	v26 =	vsel vm8, s20, v26;
	vm11 =	vgt.f32 v21, v22;
	vm1 =	vmand vm9, vm10  }
0x192: {  	v18 =	vsel vm8, v18, v19;
	v56 =	vshll.u32 v26, $0x7;
	vm12 =	vmor vm11, vm1  }
0x193: {  	v19 =	vor.u32 v3, v56;
	v21 =	vsel vm12, v21, v22;
	v57 =	vsel vm12, v55, v24  }
0x194: {  	vm13 =	vgt.f32 v16, v15;
	vm14 =	veq.f32 v18, v21;
	vm15 =	vlt.s32 v19, v57  }
0x195: {  	v20 =	vsel vm13, s20, v20;
	vm6 =	vgt.f32 v18, v21;
	vm1 =	vmand vm14, vm15  }
0x196: {  	v15 =	vsel vm13, v16, v15;
	v58 =	vshll.u32 v20, $0x7;
	vm7 =	vmor vm6, vm1  }
0x197: {  	v16 =	vor.u32 v4, v58;
	v18 =	vsel vm7, v18, v21;
	v19 =	vsel vm7, v19, v57  }
0x198: {  	vm8 =	vgt.f32 v12, v13;
	vm9 =	veq.f32 v15, v18;
	vm10 =	vlt.s32 v16, v19  }
0x199: {  	v17 =	vsel vm8, s20, v17;
	vm11 =	vgt.f32 v15, v18;
	vm1 =	vmand vm9, vm10  }
0x19a: {  	v12 =	vsel vm8, v12, v13;
	v59 =	vshll.u32 v17, $0x7;
	vm12 =	vmor vm11, vm1  }
0x19b: {  	v13 =	vor.u32 v5, v59;
	v15 =	vsel vm12, v15, v18;
	v16 =	vsel vm12, v16, v19  }
0x19c: {  	vm13 =	vgt.f32 v11, v9;
	vm14 =	veq.f32 v12, v15;
	vm15 =	vlt.s32 v13, v16  }
0x19d: {  	v14 =	vsel vm13, s20, v14;
	vm6 =	vgt.f32 v12, v15;
	vm1 =	vmand vm14, vm15  }
0x19e: {  	v9 =	vsel vm13, v11, v9;
	v60 =	vshll.u32 v14, $0x7;
	vm7 =	vmor vm6, vm1  }
0x19f: {  	v11 =	vor.u32 v6, v60;
	v12 =	vsel vm7, v12, v15;
	v13 =	vsel vm7, v13, v16  }
0x1a0: {  	vm8 =	vgt.f32 v10, v8;
	vm9 =	veq.f32 v9, v12;
	vm10 =	vlt.s32 v11, v13  }
0x1a1: {  	v61 =	vsel vm8, s20, v23;
	vm11 =	vgt.f32 v9, v12;
	vm1 =	vmand vm9, vm10  }
0x1a2: {  	v8 =	vsel vm8, v10, v8;
	v62 =	vshll.u32 v61, $0x7;
	vm12 =	vmor vm11, vm1  }
0x1a3: {  	v10 =	vor.u32 v7, v62;
	v9 =	vsel vm12, v9, v12;
	v11 =	vsel vm12, v11, v13  }
0x1a4: {  	vm13 =	veq.f32 v8, v9;
	vm14 =	vlt.s32 v10, v11  }
0x1a5: {  	vm15 =	vgt.f32 v8, v9;
	vm0 =	vmand vm13, vm14  }
0x1a6: {  	vm0 =	vmor vm15, vm0  }
0x1a7: {  	v8 =	vsel vm0, v8, v9  }
0x1a8: {  	s21 =	simm.s32 $0x80;
	v63 =	vsel vm0, v10, v11;
	[tilespmem:$0x10280] =	vst v8  }
0x1a9: {  	s23 =	sadd.s32 $0x0, s10;
	s22 =	simm.s32 $0x180;
	s20 =	simm.s32 $0x80;
	[tilespmem:$0x10680] =	vst v63  }
.LBB2_28:
0x1aa: {  	[tilespmem:s20], [sflag:$0x2] =	stream.linear.gather [hbm4b:s23+s2], $0x80, $0x38;
	[tilespmem:$0x10800] =	vst v63  }
0x1ab: {  	s23 =	smov.u32 s21;
	s20 =	smov.u32 s22;
	p0 =	sne.s32 s21, $0x7F80  }
.Ltmp13:
0x1ac: {  	s21 =	sadd.s32 $0x80, s21;
	(pc) =	sbr.rel @p0 .LBB2_28-.Ltmp13, $2  }
0x1ad: {  	_ =	sdelay $0x2  }
0x1ae: {  	s22 =	sadd.s32 $0x100, s22;
	s23 =	sadd.s32 s23, s10  }
0x1af: {  	[tilespmem:s20], [sflag:$0x2] =	stream.linear.gather [hbm4b:s23+s2], $0x80, $0x38;
	[tilespmem:$0x10800] =	vst v63  }
0x1b0: {  	_ =	swait.ge [sflag:s14], $0x8000  }
0x1b1: {  	[sflag:s14] =	ssyncset.done $0x0  }
0x1b2: {  	s31 =	simm.s32 $0x40;
	[sflag:s14] =	ssyncadd.s32 $0xFFFF8000  }
0x1b3: {  	v8 =	vld [tilespmem:s31+$0xFFFFFFC0]  }
0x1b4: {  	v9 =	vld [tilespmem:s31+$0xFFFFFFD0]  }
0x1b5: {  	v10 =	vld [tilespmem:s31+$0xFFFFFFE0]  }
0x1b6: {  	v11 =	vld [tilespmem:s31+$0xFFFFFFF0]  }
0x1b7: {  	v12 =	vld [tilespmem:s31+$0x0]  }
0x1b8: {  	v13 =	vld [tilespmem:s31+$0x10]  }
0x1b9: {  	v14 =	vld [tilespmem:s31+$0x20];
	_ =	sdelay $0x1  }
0x1ba: {  	v17 =	vimm.f32 $-Inf;
	s22 =	simm.s32 $0x140;
	v20 =	vld [tilespmem:s31+$0x30]  }
0x1bb: {  	v23 =	vimm.s32 $0x0;
	v30 =	vld [tilespmem:s22+$0xFFFFFFC0];
	vm0 =	vgt.f32 v8, v17;
	vm1 =	vgt.f32 v9, v17  }
0x1bc: {  	v22 =	vld [tilespmem:s22+$0xFFFFFFD0];
	vm2 =	vgt.f32 v10, v17;
	vm3 =	vgt.f32 v11, v17;
	vm4 =	vgt.f32 v12, v17  }
0x1bd: {  	s21 =	simm.s32 $0x0;
	v29 =	vld [tilespmem:s22+$0xFFFFFFE0];
	vm5 =	vgt.f32 v13, v17;
	vm6 =	vgt.f32 v14, v17;
	v25 =	vsel vm0, v8, v17  }
0x1be: {  	v18 =	vld [tilespmem:s22+$0xFFFFFFF0];
	v27 =	vsel vm0, s21, v23;
	v24 =	vsel vm1, v9, v17;
	v21 =	vsel vm2, v10, v17  }
0x1bf: {  	v16 =	vld [tilespmem:s22+$0x0];
	v19 =	vsel vm3, v11, v17;
	v15 =	vsel vm4, v12, v17;
	vm0 =	vgt.f32 v20, v17  }
0x1c0: {  	v12 =	vld [tilespmem:s22+$0x10];
	v13 =	vsel vm5, v13, v17;
	v9 =	vsel vm6, v14, v17;
	v31 =	vsel vm1, s21, v23  }
0x1c1: {  	v11 =	vld [tilespmem:s22+$0x20];
	v28 =	vsel vm2, s21, v23;
	v26 =	vsel vm3, s21, v23;
	v14 =	vsel vm6, s21, v23  }
0x1c2: {  	s20 =	simm.s32 $0x1;
	s23 =	simm.s32 $0x2;
	v10 =	vld [tilespmem:s22+$0x30];
	s22 =	simm.s32 $0x240;
	v8 =	vsel vm0, v20, v17;
	v20 =	vsel vm4, s21, v23;
	v17 =	vsel vm5, s21, v23  }
.LBB2_30:
0x1c3: {  	v32 =	vld [tilespmem:s22+$0xFFFFFFC0];
	p0 =	sne.s32 s23, $0xFF;
	vm1 =	vgt.f32 v30, v25;
	vm2 =	vgt.f32 v22, v24;
	v23 =	vsel vm0, s21, v23;
	s21 =	smov.u32 s20;
	s20 =	smov.u32 s23  }
0x1c4: {  	v25 =	vsel vm1, v30, v25;
	v27 =	vsel vm1, s21, v27;
	v24 =	vsel vm2, v22, v24;
	v22 =	vld [tilespmem:s22+$0xFFFFFFD0]  }
0x1c5: {  	vm3 =	vgt.f32 v18, v19;
	vm1 =	vgt.f32 v29, v21;
	vm4 =	vgt.f32 v16, v15;
	v33 =	vld [tilespmem:s22+$0xFFFFFFE0]  }
.Ltmp14:
0x1c6: {  	v19 =	vsel vm3, v18, v19;
	v21 =	vsel vm1, v29, v21;
	v15 =	vsel vm4, v16, v15;
	v18 =	vld [tilespmem:s22+$0xFFFFFFF0];
	(pc) =	sbr.rel @p0 .LBB2_30-.Ltmp14, $4  }
0x1c7: {  	vm5 =	vgt.f32 v12, v13;
	vm6 =	vgt.f32 v11, v9;
	v16 =	vld [tilespmem:s22+$0x0];
	vm0 =	vgt.f32 v10, v8  }
0x1c8: {  	v13 =	vsel vm5, v12, v13;
	v9 =	vsel vm6, v11, v9;
	v12 =	vld [tilespmem:s22+$0x10];
	v8 =	vsel vm0, v10, v8;
	v30 =	vmovc v32  }
0x1c9: {  	v31 =	vsel vm2, s21, v31;
	v26 =	vsel vm3, s21, v26;
	v28 =	vsel vm1, s21, v28;
	v11 =	vld [tilespmem:s22+$0x20]  }
0x1ca: {  	s23 =	sadd.s32 $0x1, s23;
	v20 =	vsel vm4, s21, v20;
	v17 =	vsel vm5, s21, v17;
	v14 =	vsel vm6, s21, v14;
	v10 =	vld [tilespmem:s22+$0x30];
	s22 =	sadd.s32 $0x100, s22;
	v29 =	vmovc v33  }
0x1cb: {  	vm1 =	vgt.f32 v30, v25;
	vm2 =	vgt.f32 v22, v24  }
0x1cc: {  	v23 =	vsel vm0, s21, v23;
	v27 =	vsel vm1, s20, v27;
	v31 =	vsel vm2, s20, v31  }
0x1cd: {  	v25 =	vsel vm1, v30, v25;
	v27 =	vshll.u32 v27, $0x7;
	v30 =	vshll.u32 v31, $0x7  }
0x1ce: {  	v22 =	vsel vm2, v22, v24;
	v24 =	vor.u32 v0, v27;
	v27 =	vor.u32 v1, v30  }
0x1cf: {  	vm0 =	vgt.f32 v29, v21;
	vm1 =	veq.f32 v22, v25;
	vm2 =	vlt.s32 v27, v24  }
0x1d0: {  	v28 =	vsel vm0, s20, v28;
	vm3 =	vgt.f32 v22, v25;
	vm1 =	vmand vm1, vm2  }
0x1d1: {  	v21 =	vsel vm0, v29, v21;
	v28 =	vshll.u32 v28, $0x7;
	vm0 =	vmor vm3, vm1  }
0x1d2: {  	v22 =	vsel vm0, v22, v25;
	v24 =	vsel vm0, v27, v24;
	v25 =	vor.u32 v2, v28  }
0x1d3: {  	vm0 =	vgt.f32 v18, v19;
	vm1 =	veq.f32 v21, v22;
	vm2 =	vlt.s32 v25, v24  }
0x1d4: {  	v26 =	vsel vm0, s20, v26;
	vm3 =	vgt.f32 v21, v22;
	vm1 =	vmand vm1, vm2  }
0x1d5: {  	v18 =	vsel vm0, v18, v19;
	v19 =	vshll.u32 v26, $0x7;
	vm0 =	vmor vm3, vm1  }
0x1d6: {  	v19 =	vor.u32 v3, v19;
	v21 =	vsel vm0, v21, v22;
	v22 =	vsel vm0, v25, v24  }
0x1d7: {  	vm0 =	vgt.f32 v16, v15;
	vm1 =	veq.f32 v18, v21;
	vm2 =	vlt.s32 v19, v22  }
0x1d8: {  	v20 =	vsel vm0, s20, v20;
	vm3 =	vgt.f32 v18, v21;
	vm1 =	vmand vm1, vm2  }
0x1d9: {  	v15 =	vsel vm0, v16, v15;
	v16 =	vshll.u32 v20, $0x7;
	vm0 =	vmor vm3, vm1  }
0x1da: {  	v16 =	vor.u32 v4, v16;
	v18 =	vsel vm0, v18, v21;
	v19 =	vsel vm0, v19, v22  }
0x1db: {  	vm0 =	vgt.f32 v12, v13;
	vm1 =	veq.f32 v15, v18;
	vm2 =	vlt.s32 v16, v19  }
0x1dc: {  	v17 =	vsel vm0, s20, v17;
	vm3 =	vgt.f32 v15, v18;
	vm1 =	vmand vm1, vm2  }
0x1dd: {  	v12 =	vsel vm0, v12, v13;
	v13 =	vshll.u32 v17, $0x7;
	vm0 =	vmor vm3, vm1  }
0x1de: {  	v13 =	vor.u32 v5, v13;
	v15 =	vsel vm0, v15, v18;
	v16 =	vsel vm0, v16, v19  }
0x1df: {  	vm0 =	vgt.f32 v11, v9;
	vm1 =	veq.f32 v12, v15;
	vm2 =	vlt.s32 v13, v16  }
0x1e0: {  	v14 =	vsel vm0, s20, v14;
	vm3 =	vgt.f32 v12, v15;
	vm1 =	vmand vm1, vm2  }
0x1e1: {  	v9 =	vsel vm0, v11, v9;
	v11 =	vshll.u32 v14, $0x7;
	vm0 =	vmor vm3, vm1  }
0x1e2: {  	v11 =	vor.u32 v6, v11;
	v12 =	vsel vm0, v12, v15;
	v13 =	vsel vm0, v13, v16  }
0x1e3: {  	vm0 =	vgt.f32 v10, v8;
	vm1 =	veq.f32 v9, v12;
	vm2 =	vlt.s32 v11, v13  }
0x1e4: {  	v14 =	vsel vm0, s20, v23;
	vm3 =	vgt.f32 v9, v12;
	vm1 =	vmand vm1, vm2  }
0x1e5: {  	v8 =	vsel vm0, v10, v8;
	v10 =	vshll.u32 v14, $0x7;
	vm0 =	vmor vm3, vm1  }
0x1e6: {  	v10 =	vor.u32 v7, v10;
	v9 =	vsel vm0, v9, v12;
	v11 =	vsel vm0, v11, v13  }
0x1e7: {  	vm0 =	veq.f32 v8, v9;
	vm1 =	vlt.s32 v10, v11  }
0x1e8: {  	vm2 =	vgt.f32 v8, v9;
	vm0 =	vmand vm0, vm1  }
0x1e9: {  	vm0 =	vmor vm2, vm0  }
0x1ea: {  	v8 =	vsel vm0, v8, v9  }
0x1eb: {  	v9 =	vsel vm0, v10, v11;
	[tilespmem:$0x10300] =	vst v8  }
0x1ec: {  	[tilespmem:$0x10700] =	vst v9  }
0x1ed: {  	_ =	swait.ge [sflag:s15], $0x8000  }
0x1ee: {  	[sflag:s15] =	ssyncset.done $0x0  }
0x1ef: {  	s31 =	simm.s32 $0xF0;
	[sflag:s15] =	ssyncadd.s32 $0xFFFF8000  }
0x1f0: {  	v8 =	vld [tilespmem:s31+$0xFFFFFF90]  }
0x1f1: {  	v9 =	vld [tilespmem:s31+$0xFFFFFFA0]  }
0x1f2: {  	v10 =	vld [tilespmem:s31+$0xFFFFFFB0]  }
0x1f3: {  	v11 =	vld [tilespmem:s31+$0xFFFFFFC0]  }
0x1f4: {  	v12 =	vld [tilespmem:s31+$0xFFFFFFD0]  }
0x1f5: {  	v13 =	vld [tilespmem:s31+$0xFFFFFFE0]  }
0x1f6: {  	v14 =	vld [tilespmem:s31+$0xFFFFFFF0];
	_ =	sdelay $0x1  }
0x1f7: {  	s22 =	simm.s32 $0x1F0;
	v17 =	vimm.f32 $-Inf;
	v20 =	vld [tilespmem:s31+$0x0]  }
0x1f8: {  	v23 =	vimm.s32 $0x0;
	v30 =	vld [tilespmem:s22+$0xFFFFFF90];
	vm0 =	vgt.f32 v8, v17;
	vm1 =	vgt.f32 v9, v17  }
0x1f9: {  	v22 =	vld [tilespmem:s22+$0xFFFFFFA0];
	vm2 =	vgt.f32 v10, v17;
	vm3 =	vgt.f32 v11, v17;
	vm4 =	vgt.f32 v12, v17  }
0x1fa: {  	s21 =	simm.s32 $0x0;
	v29 =	vld [tilespmem:s22+$0xFFFFFFB0];
	vm5 =	vgt.f32 v13, v17;
	vm6 =	vgt.f32 v14, v17;
	v25 =	vsel vm0, v8, v17  }
0x1fb: {  	v18 =	vld [tilespmem:s22+$0xFFFFFFC0];
	v27 =	vsel vm0, s21, v23;
	v24 =	vsel vm1, v9, v17;
	v21 =	vsel vm2, v10, v17  }
0x1fc: {  	v16 =	vld [tilespmem:s22+$0xFFFFFFD0];
	v19 =	vsel vm3, v11, v17;
	v15 =	vsel vm4, v12, v17;
	vm0 =	vgt.f32 v20, v17  }
0x1fd: {  	v12 =	vld [tilespmem:s22+$0xFFFFFFE0];
	v13 =	vsel vm5, v13, v17;
	v9 =	vsel vm6, v14, v17;
	v31 =	vsel vm1, s21, v23  }
0x1fe: {  	v11 =	vld [tilespmem:s22+$0xFFFFFFF0];
	v28 =	vsel vm2, s21, v23;
	v26 =	vsel vm3, s21, v23;
	v14 =	vsel vm6, s21, v23  }
0x1ff: {  	s23 =	simm.s32 $0x2;
	s20 =	simm.s32 $0x1;
	v10 =	vld [tilespmem:s22+$0x0];
	s22 =	simm.s32 $0x2F0;
	v8 =	vsel vm0, v20, v17;
	v20 =	vsel vm4, s21, v23;
	v17 =	vsel vm5, s21, v23  }
.LBB2_32:
0x200: {  	v32 =	vld [tilespmem:s22+$0xFFFFFF90];
	p0 =	sne.s32 s23, $0xFF;
	vm1 =	vgt.f32 v30, v25;
	vm2 =	vgt.f32 v22, v24;
	v23 =	vsel vm0, s21, v23;
	s21 =	smov.u32 s20;
	s20 =	smov.u32 s23  }
0x201: {  	v25 =	vsel vm1, v30, v25;
	v27 =	vsel vm1, s21, v27;
	v24 =	vsel vm2, v22, v24;
	v22 =	vld [tilespmem:s22+$0xFFFFFFA0]  }
0x202: {  	vm3 =	vgt.f32 v18, v19;
	vm1 =	vgt.f32 v29, v21;
	vm4 =	vgt.f32 v16, v15;
	v33 =	vld [tilespmem:s22+$0xFFFFFFB0]  }
.Ltmp15:
0x203: {  	v19 =	vsel vm3, v18, v19;
	v21 =	vsel vm1, v29, v21;
	v15 =	vsel vm4, v16, v15;
	v18 =	vld [tilespmem:s22+$0xFFFFFFC0];
	(pc) =	sbr.rel @p0 .LBB2_32-.Ltmp15, $4  }
0x204: {  	vm5 =	vgt.f32 v12, v13;
	vm6 =	vgt.f32 v11, v9;
	v16 =	vld [tilespmem:s22+$0xFFFFFFD0];
	vm0 =	vgt.f32 v10, v8  }
0x205: {  	v13 =	vsel vm5, v12, v13;
	v9 =	vsel vm6, v11, v9;
	v12 =	vld [tilespmem:s22+$0xFFFFFFE0];
	v8 =	vsel vm0, v10, v8;
	v30 =	vmovc v32  }
0x206: {  	v31 =	vsel vm2, s21, v31;
	v26 =	vsel vm3, s21, v26;
	v28 =	vsel vm1, s21, v28;
	v11 =	vld [tilespmem:s22+$0xFFFFFFF0]  }
0x207: {  	s23 =	sadd.s32 $0x1, s23;
	v20 =	vsel vm4, s21, v20;
	v17 =	vsel vm5, s21, v17;
	v14 =	vsel vm6, s21, v14;
	v10 =	vld [tilespmem:s22+$0x0];
	s22 =	sadd.s32 $0x100, s22;
	v29 =	vmovc v33  }
0x208: {  	vm1 =	vgt.f32 v30, v25;
	vm2 =	vgt.f32 v22, v24  }
0x209: {  	v23 =	vsel vm0, s21, v23;
	v27 =	vsel vm1, s20, v27;
	v31 =	vsel vm2, s20, v31  }
0x20a: {  	v25 =	vsel vm1, v30, v25;
	v27 =	vshll.u32 v27, $0x7;
	v52 =	vshll.u32 v31, $0x7  }
0x20b: {  	v22 =	vsel vm2, v22, v24;
	v53 =	vor.u32 v0, v27;
	v54 =	vor.u32 v1, v52  }
0x20c: {  	vm15 =	vgt.f32 v29, v21;
	vm1 =	veq.f32 v22, v25;
	vm6 =	vlt.s32 v54, v53  }
0x20d: {  	v28 =	vsel vm15, s20, v28;
	vm3 =	vgt.f32 v22, v25;
	vm1 =	vmand vm1, vm6  }
0x20e: {  	v21 =	vsel vm15, v29, v21;
	v28 =	vshll.u32 v28, $0x7;
	vm7 =	vmor vm3, vm1  }
0x20f: {  	v55 =	vor.u32 v2, v28;
	v22 =	vsel vm7, v22, v25;
	v24 =	vsel vm7, v54, v53  }
0x210: {  	vm8 =	vgt.f32 v18, v19;
	vm9 =	veq.f32 v21, v22;
	vm10 =	vlt.s32 v55, v24  }
0x211: {  	v26 =	vsel vm8, s20, v26;
	vm11 =	vgt.f32 v21, v22;
	vm1 =	vmand vm9, vm10  }
0x212: {  	v18 =	vsel vm8, v18, v19;
	v56 =	vshll.u32 v26, $0x7;
	vm12 =	vmor vm11, vm1  }
0x213: {  	v19 =	vor.u32 v3, v56;
	v21 =	vsel vm12, v21, v22;
	v57 =	vsel vm12, v55, v24  }
0x214: {  	vm13 =	vgt.f32 v16, v15;
	vm14 =	veq.f32 v18, v21;
	vm15 =	vlt.s32 v19, v57  }
0x215: {  	v20 =	vsel vm13, s20, v20;
	vm6 =	vgt.f32 v18, v21;
	vm1 =	vmand vm14, vm15  }
0x216: {  	v15 =	vsel vm13, v16, v15;
	v58 =	vshll.u32 v20, $0x7;
	vm7 =	vmor vm6, vm1  }
0x217: {  	v16 =	vor.u32 v4, v58;
	v18 =	vsel vm7, v18, v21;
	v19 =	vsel vm7, v19, v57  }
0x218: {  	vm8 =	vgt.f32 v12, v13;
	vm9 =	veq.f32 v15, v18;
	vm10 =	vlt.s32 v16, v19  }
0x219: {  	v17 =	vsel vm8, s20, v17;
	vm11 =	vgt.f32 v15, v18;
	vm1 =	vmand vm9, vm10  }
0x21a: {  	v12 =	vsel vm8, v12, v13;
	v59 =	vshll.u32 v17, $0x7;
	vm12 =	vmor vm11, vm1  }
0x21b: {  	v13 =	vor.u32 v5, v59;
	v15 =	vsel vm12, v15, v18;
	v16 =	vsel vm12, v16, v19  }
0x21c: {  	vm13 =	vgt.f32 v11, v9;
	vm14 =	veq.f32 v12, v15;
	vm15 =	vlt.s32 v13, v16  }
0x21d: {  	v14 =	vsel vm13, s20, v14;
	vm6 =	vgt.f32 v12, v15;
	vm1 =	vmand vm14, vm15  }
0x21e: {  	v9 =	vsel vm13, v11, v9;
	v60 =	vshll.u32 v14, $0x7;
	vm7 =	vmor vm6, vm1  }
0x21f: {  	v11 =	vor.u32 v6, v60;
	v12 =	vsel vm7, v12, v15;
	v13 =	vsel vm7, v13, v16  }
0x220: {  	vm8 =	vgt.f32 v10, v8;
	vm9 =	veq.f32 v9, v12;
	vm10 =	vlt.s32 v11, v13  }
0x221: {  	v61 =	vsel vm8, s20, v23;
	vm11 =	vgt.f32 v9, v12;
	vm1 =	vmand vm9, vm10  }
0x222: {  	v8 =	vsel vm8, v10, v8;
	v62 =	vshll.u32 v61, $0x7;
	vm12 =	vmor vm11, vm1  }
0x223: {  	v10 =	vor.u32 v7, v62;
	v9 =	vsel vm12, v9, v12;
	v11 =	vsel vm12, v11, v13  }
0x224: {  	vm13 =	veq.f32 v8, v9;
	vm14 =	vlt.s32 v10, v11  }
0x225: {  	vm15 =	vgt.f32 v8, v9;
	vm0 =	vmand vm13, vm14  }
0x226: {  	vm0 =	vmor vm15, vm0  }
0x227: {  	v8 =	vsel vm0, v8, v9  }
0x228: {  	v63 =	vsel vm0, v10, v11;
	[tilespmem:$0x10380] =	vst v8  }
0x229: {  	[tilespmem:$0x10780] =	vst v63  }
0x22a: {  	[hbm4b:s11+s2] =	stream.linear.scatter [tilespmem:s16], [sflag:$0x3], $0x400, $0x38;
	[tilespmem:$0x10800] =	vst v63  }
0x22b: {  	s19 =	sadd.s32 $0x1, s19;
	_ =	swait.ge [sflag:s17], $0x400  }
0x22c: {  	p0 =	sne.s32 s19, s13;
	[sflag:s17] =	ssyncset.done $0x0  }
.Ltmp16:
0x22d: {  	[sflag:s17] =	ssyncadd.s32 $0xFFFFFC00;
	(pc) =	sbr.rel @p0 .LBB2_1-.Ltmp16, $4  }
0x22e: {  	[hbm4b:s12+s2] =	stream.linear.scatter [tilespmem:s18], [sflag:$0x3], $0x400, $0x38;
	[tilespmem:$0x10800] =	vst v63  }
0x22f: {  	_ =	swait.ge [sflag:s17], $0x400  }
0x230: {  	[sflag:s17] =	ssyncset.done $0x0  }
0x231: {  	[sflag:s17] =	ssyncadd.s32 $0xFFFFFC00  }
0x232: {  	_ =	sfence.sel $0x180000  }
0x233: {  	[bflag:$0x0] =	sbarrier.arrive $0xFFFF  }
0x234: {  	p0 =	sne.s32 s0, $0x0;
	_ =	strace $0x90000047  }
0x235: {  	s0 =	sadd.s32 @!p0 $0x100000, s1;
	[bflag:$0x2] =	sbarrier.arrive $0xFFFF  }
0x236: {  	[sflag:s0] =	ssyncadd.tile.s32 @!p0 $0x1;
	_ =	shalt  }
.Lfunc_end2:
_tile_overlayer_lowered:
.L_overlay_start_2:
0x237: {  	(tag) =	ssettag $0x2  }
0x238: {  	s0 =	rddreg [dreg:$0x0];
	s2 =	stileid.u32  }
0x239: {  	s1 =	rddreg [dreg:$0x1];
	p0 =	sne.s32 s2, $0x0  }
0x23a: {  	s3 =	rddreg [dreg:$0x2];
	[bflag:$0x3] =	sbarrier.arrive $0xFFFF;
	s2 =	simm.s32 @!p0 $0x1C03  }
0x23b: {  	[timem:s3], [sflag:s2] =	dma.local @!p0 [hbm:s0], s1  }
0x23c: {  	s0 =	simm.s32 @!p0 $0x3  }
0x23d: {  	_ =	swait.ge @!p0 [sflag:s0], s1  }
0x23e: {  	s1 =	ssub.s32 @!p0 $0x0, s1;
	[sflag:s0] =	ssyncset.done @!p0 $0x0  }
0x23f: {  	[sflag:s0] =	ssyncadd.s32 @!p0 s1  }
0x240: {  	[bflag:$0x3] =	sbarrier.arrive $0xFFFF  }
0x241: {  	_ =	shalt  }

</sc_bundles>
